<compile_context>
chip_gen: v7x
topology: tpu7x:2x2x1
jax: 0.10.2.dev20260603
libtpu: 0.0.44.dev20260713+nightly
codegen_flags: <defaults>
</compile_context>

<pallas_src>
import jax
import jax.numpy as jnp
from jax import lax
from jax.experimental import pallas as pl
from jax.experimental.pallas import tpu as pltpu
from jax.experimental.pallas import tpu_sc as plsc

VOCAB = 100000
DIM = 64
BATCH = 4096
SEQ = 200

_INFO = plsc.get_sparse_core_info()
_NC, _NS = _INFO.num_cores, _INFO.num_subcores
_NW = _NC * _NS
_BT = BATCH // _NW
_L = 16

_NB = 4
_GD = 3
_OUTER = SEQ // _NB


def _body(idx_hbm, table_hbm, out_hbm, idx_v, idxt_v, rows_v, tp_v, *sems):
    gsem = sems[:_NB]
    ssem = sems[_NB:]
    wid = lax.axis_index("s") * _NC + lax.axis_index("c")
    bt = wid

    def gather(s, rb):
        pltpu.async_copy(table_hbm.at[idx_v.at[s]], rows_v.at[rb], gsem[rb])

    def wait_gather(rb):
        pltpu.make_async_copy(
            table_hbm.at[idx_v.at[0]], rows_v.at[rb], gsem[rb]
        ).wait()

    def store(s, tb):
        pltpu.async_copy(
            tp_v.at[tb], out_hbm.at[s, pl.ds(0, DIM // 8), bt], ssem[tb]
        )

    def wait_store(tb):
        pltpu.make_async_copy(
            tp_v.at[tb], out_hbm.at[0, pl.ds(0, DIM // 8), bt], ssem[tb]
        ).wait()

    iota = lax.broadcasted_iota(jnp.int32, (_L,), 0)
    diag = [(iota + k) & (_L - 1) for k in range(_L)]
    iota64 = iota * DIM
    dk128 = [d * _BT for d in diag]
    zv = iota & 0

    pltpu.sync_copy(idx_hbm.at[pl.ds(bt * _BT, _BT)], idxt_v)
    iota200 = iota * SEQ

    @plsc.parallel_loop(0, 96, unroll=4)
    def _idx_tile(t):
        t0 = (t % 8) * _L
        s0 = (t // 8) * _L
        bv = iota200 + (t0 * SEQ + s0)
        wb = iota + (s0 * _BT + t0)
        for k in range(_L):
            v = plsc.load_gather(idxt_v, [zv, bv + diag[k]])
            plsc.store_scatter(idx_v, [zv, wb + dk128[k]], v)

    @plsc.parallel_loop(0, 8, unroll=4)
    def _idx_tail(t):
        t0 = t * _L
        bv = iota200 + (t0 * SEQ + SEQ - 8)
        wb = iota + ((SEQ - 8) * _BT + t0)
        for k in range(8):
            d8 = (iota + k) & 7
            v = plsc.load_gather(idxt_v, [zv, bv + d8])
            plsc.store_scatter(idx_v, [zv, wb + d8 * _BT], v)

    def transpose(rb, tb):
        @plsc.parallel_loop(0, 32, unroll=4)
        def tile(t):
            d0 = (t // 8) * _L
            c0 = (t % 8) * _L
            bv = iota64 + (c0 * DIM + d0)
            wb = iota + (d0 * _BT + c0)
            for k in range(_L):
                v = plsc.load_gather(rows_v.at[rb], [zv, bv + diag[k]])
                plsc.store_scatter(tp_v.at[tb], [zv, zv, wb + dk128[k]], v)

    for s in range(_GD):
        gather(s, s % _NB)

    def step(k, carry):
        for u in range(_NB):
            b = u
            bn = (u + _GD) % _NB
            s = k * _NB + u

            if u + _GD < _NB:
                gather(s + _GD, bn)
            else:
                @pl.when(k < _OUTER - 1)
                def _():
                    gather(s + _GD, bn)

            wait_gather(b)

            @pl.when(k > 0)
            def _():
                wait_store(b)

            transpose(b, b)
            store(s, b)
        return carry

    lax.fori_loop(0, _OUTER, step, 0)

    for tb in range(_NB):
        wait_store(tb)


def kernel(inputs, table):
    run = pl.kernel(
        _body,
        mesh=plsc.VectorSubcoreMesh(core_axis_name="c", subcore_axis_name="s"),
        out_type=jax.ShapeDtypeStruct(
            (SEQ, DIM // 8, _NW, 8, _BT), jnp.float32
        ),
        scratch_types=[
            pltpu.VMEM((SEQ, _BT), jnp.int32),
            pltpu.VMEM((_BT, SEQ), jnp.int32),
            pltpu.VMEM((_NB, _BT, DIM), jnp.float32),
            pltpu.VMEM((_NB, DIM // 8, 8, _BT), jnp.float32),
        ]
        + [pltpu.SemaphoreType.DMA] * (2 * _NB),
        compiler_params=pltpu.CompilerParams(
            use_tc_tiling_on_sc=False,
            needs_layout_passes=False,
            disable_bounds_checks=True,
        ),
    )
    out5 = run(inputs, table)
    return out5.transpose(2, 4, 0, 1, 3).reshape(BATCH, SEQ, DIM)

# --- scband reference (transcript-rebuilt; emitter-appended) ---
"""Pipeline reference for scband-token-embedder-4956392260128 (READ-ONLY COPY).

The authoritative reference and input builder live on the scoring server;
editing this copy changes nothing except your own understanding.
"""

import jax, jax.numpy as jnp
import numpy as np

VOCAB = 100000
DIM = 64
PAD_IX = 0
BATCH = 4096
SEQ = 200


def setup_inputs(seed: int = 0) -> dict:
    key = jax.random.key(seed)
    k1, k2 = jax.random.split(key)
    inputs = jax.random.randint(k1, (BATCH, SEQ), 0, VOCAB, dtype=jnp.int32)
    table = jax.random.normal(k2, (VOCAB, DIM), dtype=jnp.float32)
    # nn.Embedding with padding_idx: that row is zeroed
    table = table.at[PAD_IX].set(0.0)
    return {"inputs": inputs, "table": table}


def reference(inputs, table):
    # forward(inputs, noise=False): embeded = self.embedding(inputs)
    embeded = jnp.take(table, inputs, axis=0)
    return embeded

if __name__ == "__main__":
    import jax
    _d = setup_inputs()
    print(jax.jit(kernel)(*tuple(_d.values())))

</pallas_src>

<mosaic_0001>
#map = affine_map<(d0, d1) -> (0, 0)>
#map1 = affine_map<(d0, d1) -> (0, 0, 0, 0, 0)>
module attributes {stable_mosaic.version = 14 : i64} {
  func.func @_body(%arg0: i32, %arg1: i32, %arg2: memref<4096x200xi32, #tpu.memory_space<hbm>>, %arg3: memref<100000x64xf32, #tpu.memory_space<hbm>>, %arg4: memref<200x8x32x8x128xf32, #tpu.memory_space<hbm>>, %arg5: memref<200x128xi32, #tpu.memory_space<vmem>>, %arg6: memref<128x200xi32, #tpu.memory_space<vmem>>, %arg7: memref<4x128x64xf32, #tpu.memory_space<vmem>>, %arg8: memref<4x8x8x128xf32, #tpu.memory_space<vmem>>, %arg9: memref<!tpu.dma_semaphore, #tpu.memory_space<semaphore_mem>>, %arg10: memref<!tpu.dma_semaphore, #tpu.memory_space<semaphore_mem>>, %arg11: memref<!tpu.dma_semaphore, #tpu.memory_space<semaphore_mem>>, %arg12: memref<!tpu.dma_semaphore, #tpu.memory_space<semaphore_mem>>, %arg13: memref<!tpu.dma_semaphore, #tpu.memory_space<semaphore_mem>>, %arg14: memref<!tpu.dma_semaphore, #tpu.memory_space<semaphore_mem>>, %arg15: memref<!tpu.dma_semaphore, #tpu.memory_space<semaphore_mem>>, %arg16: memref<!tpu.dma_semaphore, #tpu.memory_space<semaphore_mem>>) attributes {dimension_semantics = [#tpu.dimension_semantics<core_parallel>, #tpu.dimension_semantics<subcore_parallel>], iteration_bounds = array<i64: 2, 16>, scalar_prefetch = 0 : i64, scratch_operands = 12 : i64, tpu.core_type = #tpu.core_type<sc_vector_subcore>, window_params = [{transform_indices = #map}, {transform_indices = #map}, {transform_indices = #map1}]} {
    %mul3A = arith.constant 2 : i32
    %mul3A_0 = arith.muli %arg1, %mul3A : i32
    %add3A = arith.addi %mul3A_0, %arg0 : i32
    %iota3A = tpu.iota {dimensions = array<i32: 0>} : vector<16xi32>
    %add3A_1 = arith.constant 0 : i32
    %add3A_2 = vector.broadcast %add3A_1 : i32 to vector<16xi32>
    %add3A_3 = arith.addi %iota3A, %add3A_2 : vector<16xi32>
    %and3A = arith.constant 15 : i32
    %and3A_4 = vector.broadcast %and3A : i32 to vector<16xi32>
    %and3A_5 = arith.andi %add3A_3, %and3A_4 : vector<16xi32>
    %add3A_6 = arith.constant 1 : i32
    %add3A_7 = vector.broadcast %add3A_6 : i32 to vector<16xi32>
    %add3A_8 = arith.addi %iota3A, %add3A_7 : vector<16xi32>
    %and3A_9 = arith.constant 15 : i32
    %and3A_10 = vector.broadcast %and3A_9 : i32 to vector<16xi32>
    %and3A_11 = arith.andi %add3A_8, %and3A_10 : vector<16xi32>
    %add3A_12 = arith.constant 2 : i32
    %add3A_13 = vector.broadcast %add3A_12 : i32 to vector<16xi32>
    %add3A_14 = arith.addi %iota3A, %add3A_13 : vector<16xi32>
    %and3A_15 = arith.constant 15 : i32
    %and3A_16 = vector.broadcast %and3A_15 : i32 to vector<16xi32>
    %and3A_17 = arith.andi %add3A_14, %and3A_16 : vector<16xi32>
    %add3A_18 = arith.constant 3 : i32
    %add3A_19 = vector.broadcast %add3A_18 : i32 to vector<16xi32>
    %add3A_20 = arith.addi %iota3A, %add3A_19 : vector<16xi32>
    %and3A_21 = arith.constant 15 : i32
    %and3A_22 = vector.broadcast %and3A_21 : i32 to vector<16xi32>
    %and3A_23 = arith.andi %add3A_20, %and3A_22 : vector<16xi32>
    %add3A_24 = arith.constant 4 : i32
    %add3A_25 = vector.broadcast %add3A_24 : i32 to vector<16xi32>
    %add3A_26 = arith.addi %iota3A, %add3A_25 : vector<16xi32>
    %and3A_27 = arith.constant 15 : i32
    %and3A_28 = vector.broadcast %and3A_27 : i32 to vector<16xi32>
    %and3A_29 = arith.andi %add3A_26, %and3A_28 : vector<16xi32>
    %add3A_30 = arith.constant 5 : i32
    %add3A_31 = vector.broadcast %add3A_30 : i32 to vector<16xi32>
    %add3A_32 = arith.addi %iota3A, %add3A_31 : vector<16xi32>
    %and3A_33 = arith.constant 15 : i32
    %and3A_34 = vector.broadcast %and3A_33 : i32 to vector<16xi32>
    %and3A_35 = arith.andi %add3A_32, %and3A_34 : vector<16xi32>
    %add3A_36 = arith.constant 6 : i32
    %add3A_37 = vector.broadcast %add3A_36 : i32 to vector<16xi32>
    %add3A_38 = arith.addi %iota3A, %add3A_37 : vector<16xi32>
    %and3A_39 = arith.constant 15 : i32
    %and3A_40 = vector.broadcast %and3A_39 : i32 to vector<16xi32>
    %and3A_41 = arith.andi %add3A_38, %and3A_40 : vector<16xi32>
    %add3A_42 = arith.constant 7 : i32
    %add3A_43 = vector.broadcast %add3A_42 : i32 to vector<16xi32>
    %add3A_44 = arith.addi %iota3A, %add3A_43 : vector<16xi32>
    %and3A_45 = arith.constant 15 : i32
    %and3A_46 = vector.broadcast %and3A_45 : i32 to vector<16xi32>
    %and3A_47 = arith.andi %add3A_44, %and3A_46 : vector<16xi32>
    %add3A_48 = arith.constant 8 : i32
    %add3A_49 = vector.broadcast %add3A_48 : i32 to vector<16xi32>
    %add3A_50 = arith.addi %iota3A, %add3A_49 : vector<16xi32>
    %and3A_51 = arith.constant 15 : i32
    %and3A_52 = vector.broadcast %and3A_51 : i32 to vector<16xi32>
    %and3A_53 = arith.andi %add3A_50, %and3A_52 : vector<16xi32>
    %add3A_54 = arith.constant 9 : i32
    %add3A_55 = vector.broadcast %add3A_54 : i32 to vector<16xi32>
    %add3A_56 = arith.addi %iota3A, %add3A_55 : vector<16xi32>
    %and3A_57 = arith.constant 15 : i32
    %and3A_58 = vector.broadcast %and3A_57 : i32 to vector<16xi32>
    %and3A_59 = arith.andi %add3A_56, %and3A_58 : vector<16xi32>
    %add3A_60 = arith.constant 10 : i32
    %add3A_61 = vector.broadcast %add3A_60 : i32 to vector<16xi32>
    %add3A_62 = arith.addi %iota3A, %add3A_61 : vector<16xi32>
    %and3A_63 = arith.constant 15 : i32
    %and3A_64 = vector.broadcast %and3A_63 : i32 to vector<16xi32>
    %and3A_65 = arith.andi %add3A_62, %and3A_64 : vector<16xi32>
    %add3A_66 = arith.constant 11 : i32
    %add3A_67 = vector.broadcast %add3A_66 : i32 to vector<16xi32>
    %add3A_68 = arith.addi %iota3A, %add3A_67 : vector<16xi32>
    %and3A_69 = arith.constant 15 : i32
    %and3A_70 = vector.broadcast %and3A_69 : i32 to vector<16xi32>
    %and3A_71 = arith.andi %add3A_68, %and3A_70 : vector<16xi32>
    %add3A_72 = arith.constant 12 : i32
    %add3A_73 = vector.broadcast %add3A_72 : i32 to vector<16xi32>
    %add3A_74 = arith.addi %iota3A, %add3A_73 : vector<16xi32>
    %and3A_75 = arith.constant 15 : i32
    %and3A_76 = vector.broadcast %and3A_75 : i32 to vector<16xi32>
    %and3A_77 = arith.andi %add3A_74, %and3A_76 : vector<16xi32>
    %add3A_78 = arith.constant 13 : i32
    %add3A_79 = vector.broadcast %add3A_78 : i32 to vector<16xi32>
    %add3A_80 = arith.addi %iota3A, %add3A_79 : vector<16xi32>
    %and3A_81 = arith.constant 15 : i32
    %and3A_82 = vector.broadcast %and3A_81 : i32 to vector<16xi32>
    %and3A_83 = arith.andi %add3A_80, %and3A_82 : vector<16xi32>
    %add3A_84 = arith.constant 14 : i32
    %add3A_85 = vector.broadcast %add3A_84 : i32 to vector<16xi32>
    %add3A_86 = arith.addi %iota3A, %add3A_85 : vector<16xi32>
    %and3A_87 = arith.constant 15 : i32
    %and3A_88 = vector.broadcast %and3A_87 : i32 to vector<16xi32>
    %and3A_89 = arith.andi %add3A_86, %and3A_88 : vector<16xi32>
    %add3A_90 = arith.constant 15 : i32
    %add3A_91 = vector.broadcast %add3A_90 : i32 to vector<16xi32>
    %add3A_92 = arith.addi %iota3A, %add3A_91 : vector<16xi32>
    %and3A_93 = arith.constant 15 : i32
    %and3A_94 = vector.broadcast %and3A_93 : i32 to vector<16xi32>
    %and3A_95 = arith.andi %add3A_92, %and3A_94 : vector<16xi32>
    %mul3A_96 = arith.constant 64 : i32
    %mul3A_97 = vector.broadcast %mul3A_96 : i32 to vector<16xi32>
    %mul3A_98 = arith.muli %iota3A, %mul3A_97 : vector<16xi32>
    %mul3A_99 = arith.constant 128 : i32
    %mul3A_100 = vector.broadcast %mul3A_99 : i32 to vector<16xi32>
    %mul3A_101 = arith.muli %and3A_5, %mul3A_100 : vector<16xi32>
    %mul3A_102 = arith.constant 128 : i32
    %mul3A_103 = vector.broadcast %mul3A_102 : i32 to vector<16xi32>
    %mul3A_104 = arith.muli %and3A_11, %mul3A_103 : vector<16xi32>
    %mul3A_105 = arith.constant 128 : i32
    %mul3A_106 = vector.broadcast %mul3A_105 : i32 to vector<16xi32>
    %mul3A_107 = arith.muli %and3A_17, %mul3A_106 : vector<16xi32>
    %mul3A_108 = arith.constant 128 : i32
    %mul3A_109 = vector.broadcast %mul3A_108 : i32 to vector<16xi32>
    %mul3A_110 = arith.muli %and3A_23, %mul3A_109 : vector<16xi32>
    %mul3A_111 = arith.constant 128 : i32
    %mul3A_112 = vector.broadcast %mul3A_111 : i32 to vector<16xi32>
    %mul3A_113 = arith.muli %and3A_29, %mul3A_112 : vector<16xi32>
    %mul3A_114 = arith.constant 128 : i32
    %mul3A_115 = vector.broadcast %mul3A_114 : i32 to vector<16xi32>
    %mul3A_116 = arith.muli %and3A_35, %mul3A_115 : vector<16xi32>
    %mul3A_117 = arith.constant 128 : i32
    %mul3A_118 = vector.broadcast %mul3A_117 : i32 to vector<16xi32>
    %mul3A_119 = arith.muli %and3A_41, %mul3A_118 : vector<16xi32>
    %mul3A_120 = arith.constant 128 : i32
    %mul3A_121 = vector.broadcast %mul3A_120 : i32 to vector<16xi32>
    %mul3A_122 = arith.muli %and3A_47, %mul3A_121 : vector<16xi32>
    %mul3A_123 = arith.constant 128 : i32
    %mul3A_124 = vector.broadcast %mul3A_123 : i32 to vector<16xi32>
    %mul3A_125 = arith.muli %and3A_53, %mul3A_124 : vector<16xi32>
    %mul3A_126 = arith.constant 128 : i32
    %mul3A_127 = vector.broadcast %mul3A_126 : i32 to vector<16xi32>
    %mul3A_128 = arith.muli %and3A_59, %mul3A_127 : vector<16xi32>
    %mul3A_129 = arith.constant 128 : i32
    %mul3A_130 = vector.broadcast %mul3A_129 : i32 to vector<16xi32>
    %mul3A_131 = arith.muli %and3A_65, %mul3A_130 : vector<16xi32>
    %mul3A_132 = arith.constant 128 : i32
    %mul3A_133 = vector.broadcast %mul3A_132 : i32 to vector<16xi32>
    %mul3A_134 = arith.muli %and3A_71, %mul3A_133 : vector<16xi32>
    %mul3A_135 = arith.constant 128 : i32
    %mul3A_136 = vector.broadcast %mul3A_135 : i32 to vector<16xi32>
    %mul3A_137 = arith.muli %and3A_77, %mul3A_136 : vector<16xi32>
    %mul3A_138 = arith.constant 128 : i32
    %mul3A_139 = vector.broadcast %mul3A_138 : i32 to vector<16xi32>
    %mul3A_140 = arith.muli %and3A_83, %mul3A_139 : vector<16xi32>
    %mul3A_141 = arith.constant 128 : i32
    %mul3A_142 = vector.broadcast %mul3A_141 : i32 to vector<16xi32>
    %mul3A_143 = arith.muli %and3A_89, %mul3A_142 : vector<16xi32>
    %mul3A_144 = arith.constant 128 : i32
    %mul3A_145 = vector.broadcast %mul3A_144 : i32 to vector<16xi32>
    %mul3A_146 = arith.muli %and3A_95, %mul3A_145 : vector<16xi32>
    %and3A_147 = arith.constant 0 : i32
    %and3A_148 = vector.broadcast %and3A_147 : i32 to vector<16xi32>
    %and3A_149 = arith.andi %iota3A, %and3A_148 : vector<16xi32>
    %mul3A_150 = arith.constant 128 : i32
    %mul3A_151 = arith.muli %add3A, %mul3A_150 : i32
    "tpu.region"() ({
      %run_scoped3A = tpu.sem_alloc : memref<!tpu.dma_semaphore, #tpu.memory_space<semaphore_mem>>
      %dma_start3A_287 = arith.constant 0 : i32
      %dma_start3A_288 = tpu.memref_slice %arg2[%mul3A_151, %dma_start3A_287] : memref<4096x200xi32, #tpu.memory_space<hbm>> -> memref<128x200xi32, #tpu.memory_space<hbm>>
      %dma_start3A_289 = arith.constant 0 : i32
      %dma_start3A_290 = tpu.memref_slice %arg2[%mul3A_151, %dma_start3A_289] : memref<4096x200xi32, #tpu.memory_space<hbm>> -> memref<128x200xi32, #tpu.memory_space<hbm>>
      tpu.enqueue_dma source(%dma_start3A_290 : memref<128x200xi32, #tpu.memory_space<hbm>>) target(%arg6 : memref<128x200xi32, #tpu.memory_space<vmem>>) target_semaphore(%run_scoped3A : memref<!tpu.dma_semaphore, #tpu.memory_space<semaphore_mem>>)
      %dma_wait3A_291 = arith.constant 0 : i32
      %dma_wait3A_292 = tpu.memref_slice %arg2[%mul3A_151, %dma_wait3A_291] : memref<4096x200xi32, #tpu.memory_space<hbm>> -> memref<128x200xi32, #tpu.memory_space<hbm>>
      %dma_wait3A_293 = arith.constant 0 : i32
      %dma_wait3A_294 = tpu.memref_slice %arg2[%mul3A_151, %dma_wait3A_293] : memref<4096x200xi32, #tpu.memory_space<hbm>> -> memref<128x200xi32, #tpu.memory_space<hbm>>
      tpu.wait_dma2 semaphore(%run_scoped3A : memref<!tpu.dma_semaphore, #tpu.memory_space<semaphore_mem>>) src(%dma_wait3A_294 : memref<128x200xi32, #tpu.memory_space<hbm>>) dst(%arg6 : memref<128x200xi32, #tpu.memory_space<vmem>>)
      tpu.yield
    }) : () -> ()
    %mul3A_152 = arith.constant 200 : i32
    %mul3A_153 = vector.broadcast %mul3A_152 : i32 to vector<16xi32>
    %mul3A_154 = arith.muli %iota3A, %mul3A_153 : vector<16xi32>
    %parallel_loop3A = arith.constant 0 : i32
    %parallel_loop3A_155 = arith.constant 96 : i32
    %parallel_loop3A_156 = arith.constant 1 : i32
    scf.for %parallel_loop3A_287 = %parallel_loop3A to %parallel_loop3A_155 step %parallel_loop3A_156  : i32 {
      %parallel_loop3A_288 = arith.constant 8 : i32
      %parallel_loop3A_289 = arith.constant 0 : i32
      %parallel_loop3A_290 = arith.cmpi eq, %parallel_loop3A_288, %parallel_loop3A_289 : i32
      %parallel_loop3A_291 = arith.constant 1 : i32
      %parallel_loop3A_292 = arith.select %parallel_loop3A_290, %parallel_loop3A_291, %parallel_loop3A_288 : i32
      %parallel_loop3A_293 = arith.remsi %parallel_loop3A_287, %parallel_loop3A_292 : i32
      %parallel_loop3A_294 = arith.constant 0 : i32
      %parallel_loop3A_295 = arith.cmpi ne, %parallel_loop3A_293, %parallel_loop3A_294 : i32
      %parallel_loop3A_296 = arith.constant 0 : i32
      %parallel_loop3A_297 = arith.cmpi slt, %parallel_loop3A_293, %parallel_loop3A_296 : i32
      %parallel_loop3A_298 = arith.constant 0 : i32
      %parallel_loop3A_299 = arith.cmpi slt, %parallel_loop3A_292, %parallel_loop3A_298 : i32
      %parallel_loop3A_300 = arith.xori %parallel_loop3A_297, %parallel_loop3A_299 : i1
      %parallel_loop3A_301 = arith.andi %parallel_loop3A_300, %parallel_loop3A_295 : i1
      %parallel_loop3A_302 = arith.addi %parallel_loop3A_293, %parallel_loop3A_292 : i32
      %parallel_loop3A_303 = arith.select %parallel_loop3A_301, %parallel_loop3A_302, %parallel_loop3A_293 : i32
      %parallel_loop3A_304 = arith.constant 16 : i32
      %parallel_loop3A_305 = arith.muli %parallel_loop3A_303, %parallel_loop3A_304 : i32
      %parallel_loop3A_306 = arith.constant 8 : i32
      %parallel_loop3A_307 = arith.divsi %parallel_loop3A_287, %parallel_loop3A_306 : i32
      %parallel_loop3A_308 = arith.constant 0 : i32
      %parallel_loop3A_309 = arith.cmpi sgt, %parallel_loop3A_287, %parallel_loop3A_308 : i32
      %parallel_loop3A_310 = arith.extui %parallel_loop3A_309 : i1 to i32
      %parallel_loop3A_311 = arith.constant 0 : i32
      %parallel_loop3A_312 = arith.cmpi slt, %parallel_loop3A_287, %parallel_loop3A_311 : i32
      %parallel_loop3A_313 = arith.extui %parallel_loop3A_312 : i1 to i32
      %parallel_loop3A_314 = arith.subi %parallel_loop3A_310, %parallel_loop3A_313 : i32
      %parallel_loop3A_315 = arith.constant 0 : i32
      %parallel_loop3A_316 = arith.cmpi sgt, %parallel_loop3A_306, %parallel_loop3A_315 : i32
      %parallel_loop3A_317 = arith.extui %parallel_loop3A_316 : i1 to i32
      %parallel_loop3A_318 = arith.constant 0 : i32
      %parallel_loop3A_319 = arith.cmpi slt, %parallel_loop3A_306, %parallel_loop3A_318 : i32
      %parallel_loop3A_320 = arith.extui %parallel_loop3A_319 : i1 to i32
      %parallel_loop3A_321 = arith.subi %parallel_loop3A_317, %parallel_loop3A_320 : i32
      %parallel_loop3A_322 = arith.cmpi ne, %parallel_loop3A_314, %parallel_loop3A_321 : i32
      %parallel_loop3A_323 = arith.remsi %parallel_loop3A_287, %parallel_loop3A_306 : i32
      %parallel_loop3A_324 = arith.constant 0 : i32
      %parallel_loop3A_325 = arith.cmpi ne, %parallel_loop3A_323, %parallel_loop3A_324 : i32
      %parallel_loop3A_326 = arith.andi %parallel_loop3A_322, %parallel_loop3A_325 : i1
      %parallel_loop3A_327 = arith.constant 1 : i32
      %parallel_loop3A_328 = arith.subi %parallel_loop3A_307, %parallel_loop3A_327 : i32
      %parallel_loop3A_329 = arith.select %parallel_loop3A_326, %parallel_loop3A_328, %parallel_loop3A_307 : i32
      %parallel_loop3A_330 = arith.constant 16 : i32
      %parallel_loop3A_331 = arith.muli %parallel_loop3A_329, %parallel_loop3A_330 : i32
      %parallel_loop3A_332 = arith.constant 200 : i32
      %parallel_loop3A_333 = arith.muli %parallel_loop3A_305, %parallel_loop3A_332 : i32
      %parallel_loop3A_334 = arith.addi %parallel_loop3A_333, %parallel_loop3A_331 : i32
      %parallel_loop3A_335 = vector.broadcast %parallel_loop3A_334 : i32 to vector<16xi32>
      %parallel_loop3A_336 = arith.addi %mul3A_154, %parallel_loop3A_335 : vector<16xi32>
      %parallel_loop3A_337 = arith.constant 128 : i32
      %parallel_loop3A_338 = arith.muli %parallel_loop3A_331, %parallel_loop3A_337 : i32
      %parallel_loop3A_339 = arith.addi %parallel_loop3A_338, %parallel_loop3A_305 : i32
      %parallel_loop3A_340 = vector.broadcast %parallel_loop3A_339 : i32 to vector<16xi32>
      %parallel_loop3A_341 = arith.addi %iota3A, %parallel_loop3A_340 : vector<16xi32>
      %parallel_loop3A_342 = arith.addi %parallel_loop3A_336, %and3A_5 : vector<16xi32>
      %parallel_loop3A_343 = tpu.vector_load_idx %arg6[%and3A_149, %parallel_loop3A_342] : memref<128x200xi32, #tpu.memory_space<vmem>>[vector<16xi32>, vector<16xi32>], vector<16xi32>,
      %parallel_loop3A_344 = arith.addi %parallel_loop3A_341, %mul3A_101 : vector<16xi32>
      tpu.vector_store_idx %arg5[%and3A_149, %parallel_loop3A_344], %parallel_loop3A_343 : memref<200x128xi32, #tpu.memory_space<vmem>>[vector<16xi32>, vector<16xi32>], vector<16xi32>,
      %parallel_loop3A_345 = arith.addi %parallel_loop3A_336, %and3A_11 : vector<16xi32>
      %parallel_loop3A_346 = tpu.vector_load_idx %arg6[%and3A_149, %parallel_loop3A_345] : memref<128x200xi32, #tpu.memory_space<vmem>>[vector<16xi32>, vector<16xi32>], vector<16xi32>,
      %parallel_loop3A_347 = arith.addi %parallel_loop3A_341, %mul3A_104 : vector<16xi32>
      tpu.vector_store_idx %arg5[%and3A_149, %parallel_loop3A_347], %parallel_loop3A_346 : memref<200x128xi32, #tpu.memory_space<vmem>>[vector<16xi32>, vector<16xi32>], vector<16xi32>,
      %parallel_loop3A_348 = arith.addi %parallel_loop3A_336, %and3A_17 : vector<16xi32>
      %parallel_loop3A_349 = tpu.vector_load_idx %arg6[%and3A_149, %parallel_loop3A_348] : memref<128x200xi32, #tpu.memory_space<vmem>>[vector<16xi32>, vector<16xi32>], vector<16xi32>,
      %parallel_loop3A_350 = arith.addi %parallel_loop3A_341, %mul3A_107 : vector<16xi32>
      tpu.vector_store_idx %arg5[%and3A_149, %parallel_loop3A_350], %parallel_loop3A_349 : memref<200x128xi32, #tpu.memory_space<vmem>>[vector<16xi32>, vector<16xi32>], vector<16xi32>,
      %parallel_loop3A_351 = arith.addi %parallel_loop3A_336, %and3A_23 : vector<16xi32>
      %parallel_loop3A_352 = tpu.vector_load_idx %arg6[%and3A_149, %parallel_loop3A_351] : memref<128x200xi32, #tpu.memory_space<vmem>>[vector<16xi32>, vector<16xi32>], vector<16xi32>,
      %parallel_loop3A_353 = arith.addi %parallel_loop3A_341, %mul3A_110 : vector<16xi32>
      tpu.vector_store_idx %arg5[%and3A_149, %parallel_loop3A_353], %parallel_loop3A_352 : memref<200x128xi32, #tpu.memory_space<vmem>>[vector<16xi32>, vector<16xi32>], vector<16xi32>,
      %parallel_loop3A_354 = arith.addi %parallel_loop3A_336, %and3A_29 : vector<16xi32>
      %parallel_loop3A_355 = tpu.vector_load_idx %arg6[%and3A_149, %parallel_loop3A_354] : memref<128x200xi32, #tpu.memory_space<vmem>>[vector<16xi32>, vector<16xi32>], vector<16xi32>,
      %parallel_loop3A_356 = arith.addi %parallel_loop3A_341, %mul3A_113 : vector<16xi32>
      tpu.vector_store_idx %arg5[%and3A_149, %parallel_loop3A_356], %parallel_loop3A_355 : memref<200x128xi32, #tpu.memory_space<vmem>>[vector<16xi32>, vector<16xi32>], vector<16xi32>,
      %parallel_loop3A_357 = arith.addi %parallel_loop3A_336, %and3A_35 : vector<16xi32>
      %parallel_loop3A_358 = tpu.vector_load_idx %arg6[%and3A_149, %parallel_loop3A_357] : memref<128x200xi32, #tpu.memory_space<vmem>>[vector<16xi32>, vector<16xi32>], vector<16xi32>,
      %parallel_loop3A_359 = arith.addi %parallel_loop3A_341, %mul3A_116 : vector<16xi32>
      tpu.vector_store_idx %arg5[%and3A_149, %parallel_loop3A_359], %parallel_loop3A_358 : memref<200x128xi32, #tpu.memory_space<vmem>>[vector<16xi32>, vector<16xi32>], vector<16xi32>,
      %parallel_loop3A_360 = arith.addi %parallel_loop3A_336, %and3A_41 : vector<16xi32>
      %parallel_loop3A_361 = tpu.vector_load_idx %arg6[%and3A_149, %parallel_loop3A_360] : memref<128x200xi32, #tpu.memory_space<vmem>>[vector<16xi32>, vector<16xi32>], vector<16xi32>,
      %parallel_loop3A_362 = arith.addi %parallel_loop3A_341, %mul3A_119 : vector<16xi32>
      tpu.vector_store_idx %arg5[%and3A_149, %parallel_loop3A_362], %parallel_loop3A_361 : memref<200x128xi32, #tpu.memory_space<vmem>>[vector<16xi32>, vector<16xi32>], vector<16xi32>,
      %parallel_loop3A_363 = arith.addi %parallel_loop3A_336, %and3A_47 : vector<16xi32>
      %parallel_loop3A_364 = tpu.vector_load_idx %arg6[%and3A_149, %parallel_loop3A_363] : memref<128x200xi32, #tpu.memory_space<vmem>>[vector<16xi32>, vector<16xi32>], vector<16xi32>,
      %parallel_loop3A_365 = arith.addi %parallel_loop3A_341, %mul3A_122 : vector<16xi32>
      tpu.vector_store_idx %arg5[%and3A_149, %parallel_loop3A_365], %parallel_loop3A_364 : memref<200x128xi32, #tpu.memory_space<vmem>>[vector<16xi32>, vector<16xi32>], vector<16xi32>,
      %parallel_loop3A_366 = arith.addi %parallel_loop3A_336, %and3A_53 : vector<16xi32>
      %parallel_loop3A_367 = tpu.vector_load_idx %arg6[%and3A_149, %parallel_loop3A_366] : memref<128x200xi32, #tpu.memory_space<vmem>>[vector<16xi32>, vector<16xi32>], vector<16xi32>,
      %parallel_loop3A_368 = arith.addi %parallel_loop3A_341, %mul3A_125 : vector<16xi32>
      tpu.vector_store_idx %arg5[%and3A_149, %parallel_loop3A_368], %parallel_loop3A_367 : memref<200x128xi32, #tpu.memory_space<vmem>>[vector<16xi32>, vector<16xi32>], vector<16xi32>,
      %parallel_loop3A_369 = arith.addi %parallel_loop3A_336, %and3A_59 : vector<16xi32>
      %parallel_loop3A_370 = tpu.vector_load_idx %arg6[%and3A_149, %parallel_loop3A_369] : memref<128x200xi32, #tpu.memory_space<vmem>>[vector<16xi32>, vector<16xi32>], vector<16xi32>,
      %parallel_loop3A_371 = arith.addi %parallel_loop3A_341, %mul3A_128 : vector<16xi32>
      tpu.vector_store_idx %arg5[%and3A_149, %parallel_loop3A_371], %parallel_loop3A_370 : memref<200x128xi32, #tpu.memory_space<vmem>>[vector<16xi32>, vector<16xi32>], vector<16xi32>,
      %parallel_loop3A_372 = arith.addi %parallel_loop3A_336, %and3A_65 : vector<16xi32>
      %parallel_loop3A_373 = tpu.vector_load_idx %arg6[%and3A_149, %parallel_loop3A_372] : memref<128x200xi32, #tpu.memory_space<vmem>>[vector<16xi32>, vector<16xi32>], vector<16xi32>,
      %parallel_loop3A_374 = arith.addi %parallel_loop3A_341, %mul3A_131 : vector<16xi32>
      tpu.vector_store_idx %arg5[%and3A_149, %parallel_loop3A_374], %parallel_loop3A_373 : memref<200x128xi32, #tpu.memory_space<vmem>>[vector<16xi32>, vector<16xi32>], vector<16xi32>,
      %parallel_loop3A_375 = arith.addi %parallel_loop3A_336, %and3A_71 : vector<16xi32>
      %parallel_loop3A_376 = tpu.vector_load_idx %arg6[%and3A_149, %parallel_loop3A_375] : memref<128x200xi32, #tpu.memory_space<vmem>>[vector<16xi32>, vector<16xi32>], vector<16xi32>,
      %parallel_loop3A_377 = arith.addi %parallel_loop3A_341, %mul3A_134 : vector<16xi32>
      tpu.vector_store_idx %arg5[%and3A_149, %parallel_loop3A_377], %parallel_loop3A_376 : memref<200x128xi32, #tpu.memory_space<vmem>>[vector<16xi32>, vector<16xi32>], vector<16xi32>,
      %parallel_loop3A_378 = arith.addi %parallel_loop3A_336, %and3A_77 : vector<16xi32>
      %parallel_loop3A_379 = tpu.vector_load_idx %arg6[%and3A_149, %parallel_loop3A_378] : memref<128x200xi32, #tpu.memory_space<vmem>>[vector<16xi32>, vector<16xi32>], vector<16xi32>,
      %parallel_loop3A_380 = arith.addi %parallel_loop3A_341, %mul3A_137 : vector<16xi32>
      tpu.vector_store_idx %arg5[%and3A_149, %parallel_loop3A_380], %parallel_loop3A_379 : memref<200x128xi32, #tpu.memory_space<vmem>>[vector<16xi32>, vector<16xi32>], vector<16xi32>,
      %parallel_loop3A_381 = arith.addi %parallel_loop3A_336, %and3A_83 : vector<16xi32>
      %parallel_loop3A_382 = tpu.vector_load_idx %arg6[%and3A_149, %parallel_loop3A_381] : memref<128x200xi32, #tpu.memory_space<vmem>>[vector<16xi32>, vector<16xi32>], vector<16xi32>,
      %parallel_loop3A_383 = arith.addi %parallel_loop3A_341, %mul3A_140 : vector<16xi32>
      tpu.vector_store_idx %arg5[%and3A_149, %parallel_loop3A_383], %parallel_loop3A_382 : memref<200x128xi32, #tpu.memory_space<vmem>>[vector<16xi32>, vector<16xi32>], vector<16xi32>,
      %parallel_loop3A_384 = arith.addi %parallel_loop3A_336, %and3A_89 : vector<16xi32>
      %parallel_loop3A_385 = tpu.vector_load_idx %arg6[%and3A_149, %parallel_loop3A_384] : memref<128x200xi32, #tpu.memory_space<vmem>>[vector<16xi32>, vector<16xi32>], vector<16xi32>,
      %parallel_loop3A_386 = arith.addi %parallel_loop3A_341, %mul3A_143 : vector<16xi32>
      tpu.vector_store_idx %arg5[%and3A_149, %parallel_loop3A_386], %parallel_loop3A_385 : memref<200x128xi32, #tpu.memory_space<vmem>>[vector<16xi32>, vector<16xi32>], vector<16xi32>,
      %parallel_loop3A_387 = arith.addi %parallel_loop3A_336, %and3A_95 : vector<16xi32>
      %parallel_loop3A_388 = tpu.vector_load_idx %arg6[%and3A_149, %parallel_loop3A_387] : memref<128x200xi32, #tpu.memory_space<vmem>>[vector<16xi32>, vector<16xi32>], vector<16xi32>,
      %parallel_loop3A_389 = arith.addi %parallel_loop3A_341, %mul3A_146 : vector<16xi32>
      tpu.vector_store_idx %arg5[%and3A_149, %parallel_loop3A_389], %parallel_loop3A_388 : memref<200x128xi32, #tpu.memory_space<vmem>>[vector<16xi32>, vector<16xi32>], vector<16xi32>,
    } {sc.loop_unroll_factor = 4 : i64, sc.parallel_access}
    %parallel_loop3A_157 = arith.constant 0 : i32
    %parallel_loop3A_158 = arith.constant 8 : i32
    %parallel_loop3A_159 = arith.constant 1 : i32
    scf.for %parallel_loop3A_287 = %parallel_loop3A_157 to %parallel_loop3A_158 step %parallel_loop3A_159  : i32 {
      %parallel_loop3A_288 = arith.constant 16 : i32
      %parallel_loop3A_289 = arith.muli %parallel_loop3A_287, %parallel_loop3A_288 : i32
      %parallel_loop3A_290 = arith.constant 200 : i32
      %parallel_loop3A_291 = arith.muli %parallel_loop3A_289, %parallel_loop3A_290 : i32
      %parallel_loop3A_292 = arith.constant 200 : i32
      %parallel_loop3A_293 = arith.addi %parallel_loop3A_291, %parallel_loop3A_292 : i32
      %parallel_loop3A_294 = arith.constant 8 : i32
      %parallel_loop3A_295 = arith.subi %parallel_loop3A_293, %parallel_loop3A_294 : i32
      %parallel_loop3A_296 = vector.broadcast %parallel_loop3A_295 : i32 to vector<16xi32>
      %parallel_loop3A_297 = arith.addi %mul3A_154, %parallel_loop3A_296 : vector<16xi32>
      %parallel_loop3A_298 = arith.constant 24576 : i32
      %parallel_loop3A_299 = arith.addi %parallel_loop3A_298, %parallel_loop3A_289 : i32
      %parallel_loop3A_300 = vector.broadcast %parallel_loop3A_299 : i32 to vector<16xi32>
      %parallel_loop3A_301 = arith.addi %iota3A, %parallel_loop3A_300 : vector<16xi32>
      %parallel_loop3A_302 = arith.constant 0 : i32
      %parallel_loop3A_303 = vector.broadcast %parallel_loop3A_302 : i32 to vector<16xi32>
      %parallel_loop3A_304 = arith.addi %iota3A, %parallel_loop3A_303 : vector<16xi32>
      %parallel_loop3A_305 = arith.constant 7 : i32
      %parallel_loop3A_306 = vector.broadcast %parallel_loop3A_305 : i32 to vector<16xi32>
      %parallel_loop3A_307 = arith.andi %parallel_loop3A_304, %parallel_loop3A_306 : vector<16xi32>
      %parallel_loop3A_308 = arith.addi %parallel_loop3A_297, %parallel_loop3A_307 : vector<16xi32>
      %parallel_loop3A_309 = tpu.vector_load_idx %arg6[%and3A_149, %parallel_loop3A_308] : memref<128x200xi32, #tpu.memory_space<vmem>>[vector<16xi32>, vector<16xi32>], vector<16xi32>,
      %parallel_loop3A_310 = arith.constant 128 : i32
      %parallel_loop3A_311 = vector.broadcast %parallel_loop3A_310 : i32 to vector<16xi32>
      %parallel_loop3A_312 = arith.muli %parallel_loop3A_307, %parallel_loop3A_311 : vector<16xi32>
      %parallel_loop3A_313 = arith.addi %parallel_loop3A_301, %parallel_loop3A_312 : vector<16xi32>
      tpu.vector_store_idx %arg5[%and3A_149, %parallel_loop3A_313], %parallel_loop3A_309 : memref<200x128xi32, #tpu.memory_space<vmem>>[vector<16xi32>, vector<16xi32>], vector<16xi32>,
      %parallel_loop3A_314 = arith.constant 1 : i32
      %parallel_loop3A_315 = vector.broadcast %parallel_loop3A_314 : i32 to vector<16xi32>
      %parallel_loop3A_316 = arith.addi %iota3A, %parallel_loop3A_315 : vector<16xi32>
      %parallel_loop3A_317 = arith.constant 7 : i32
      %parallel_loop3A_318 = vector.broadcast %parallel_loop3A_317 : i32 to vector<16xi32>
      %parallel_loop3A_319 = arith.andi %parallel_loop3A_316, %parallel_loop3A_318 : vector<16xi32>
      %parallel_loop3A_320 = arith.addi %parallel_loop3A_297, %parallel_loop3A_319 : vector<16xi32>
      %parallel_loop3A_321 = tpu.vector_load_idx %arg6[%and3A_149, %parallel_loop3A_320] : memref<128x200xi32, #tpu.memory_space<vmem>>[vector<16xi32>, vector<16xi32>], vector<16xi32>,
      %parallel_loop3A_322 = arith.constant 128 : i32
      %parallel_loop3A_323 = vector.broadcast %parallel_loop3A_322 : i32 to vector<16xi32>
      %parallel_loop3A_324 = arith.muli %parallel_loop3A_319, %parallel_loop3A_323 : vector<16xi32>
      %parallel_loop3A_325 = arith.addi %parallel_loop3A_301, %parallel_loop3A_324 : vector<16xi32>
      tpu.vector_store_idx %arg5[%and3A_149, %parallel_loop3A_325], %parallel_loop3A_321 : memref<200x128xi32, #tpu.memory_space<vmem>>[vector<16xi32>, vector<16xi32>], vector<16xi32>,
      %parallel_loop3A_326 = arith.constant 2 : i32
      %parallel_loop3A_327 = vector.broadcast %parallel_loop3A_326 : i32 to vector<16xi32>
      %parallel_loop3A_328 = arith.addi %iota3A, %parallel_loop3A_327 : vector<16xi32>
      %parallel_loop3A_329 = arith.constant 7 : i32
      %parallel_loop3A_330 = vector.broadcast %parallel_loop3A_329 : i32 to vector<16xi32>
      %parallel_loop3A_331 = arith.andi %parallel_loop3A_328, %parallel_loop3A_330 : vector<16xi32>
      %parallel_loop3A_332 = arith.addi %parallel_loop3A_297, %parallel_loop3A_331 : vector<16xi32>
      %parallel_loop3A_333 = tpu.vector_load_idx %arg6[%and3A_149, %parallel_loop3A_332] : memref<128x200xi32, #tpu.memory_space<vmem>>[vector<16xi32>, vector<16xi32>], vector<16xi32>,
      %parallel_loop3A_334 = arith.constant 128 : i32
      %parallel_loop3A_335 = vector.broadcast %parallel_loop3A_334 : i32 to vector<16xi32>
      %parallel_loop3A_336 = arith.muli %parallel_loop3A_331, %parallel_loop3A_335 : vector<16xi32>
      %parallel_loop3A_337 = arith.addi %parallel_loop3A_301, %parallel_loop3A_336 : vector<16xi32>
      tpu.vector_store_idx %arg5[%and3A_149, %parallel_loop3A_337], %parallel_loop3A_333 : memref<200x128xi32, #tpu.memory_space<vmem>>[vector<16xi32>, vector<16xi32>], vector<16xi32>,
      %parallel_loop3A_338 = arith.constant 3 : i32
      %parallel_loop3A_339 = vector.broadcast %parallel_loop3A_338 : i32 to vector<16xi32>
      %parallel_loop3A_340 = arith.addi %iota3A, %parallel_loop3A_339 : vector<16xi32>
      %parallel_loop3A_341 = arith.constant 7 : i32
      %parallel_loop3A_342 = vector.broadcast %parallel_loop3A_341 : i32 to vector<16xi32>
      %parallel_loop3A_343 = arith.andi %parallel_loop3A_340, %parallel_loop3A_342 : vector<16xi32>
      %parallel_loop3A_344 = arith.addi %parallel_loop3A_297, %parallel_loop3A_343 : vector<16xi32>
      %parallel_loop3A_345 = tpu.vector_load_idx %arg6[%and3A_149, %parallel_loop3A_344] : memref<128x200xi32, #tpu.memory_space<vmem>>[vector<16xi32>, vector<16xi32>], vector<16xi32>,
      %parallel_loop3A_346 = arith.constant 128 : i32
      %parallel_loop3A_347 = vector.broadcast %parallel_loop3A_346 : i32 to vector<16xi32>
      %parallel_loop3A_348 = arith.muli %parallel_loop3A_343, %parallel_loop3A_347 : vector<16xi32>
      %parallel_loop3A_349 = arith.addi %parallel_loop3A_301, %parallel_loop3A_348 : vector<16xi32>
      tpu.vector_store_idx %arg5[%and3A_149, %parallel_loop3A_349], %parallel_loop3A_345 : memref<200x128xi32, #tpu.memory_space<vmem>>[vector<16xi32>, vector<16xi32>], vector<16xi32>,
      %parallel_loop3A_350 = arith.constant 4 : i32
      %parallel_loop3A_351 = vector.broadcast %parallel_loop3A_350 : i32 to vector<16xi32>
      %parallel_loop3A_352 = arith.addi %iota3A, %parallel_loop3A_351 : vector<16xi32>
      %parallel_loop3A_353 = arith.constant 7 : i32
      %parallel_loop3A_354 = vector.broadcast %parallel_loop3A_353 : i32 to vector<16xi32>
      %parallel_loop3A_355 = arith.andi %parallel_loop3A_352, %parallel_loop3A_354 : vector<16xi32>
      %parallel_loop3A_356 = arith.addi %parallel_loop3A_297, %parallel_loop3A_355 : vector<16xi32>
      %parallel_loop3A_357 = tpu.vector_load_idx %arg6[%and3A_149, %parallel_loop3A_356] : memref<128x200xi32, #tpu.memory_space<vmem>>[vector<16xi32>, vector<16xi32>], vector<16xi32>,
      %parallel_loop3A_358 = arith.constant 128 : i32
      %parallel_loop3A_359 = vector.broadcast %parallel_loop3A_358 : i32 to vector<16xi32>
      %parallel_loop3A_360 = arith.muli %parallel_loop3A_355, %parallel_loop3A_359 : vector<16xi32>
      %parallel_loop3A_361 = arith.addi %parallel_loop3A_301, %parallel_loop3A_360 : vector<16xi32>
      tpu.vector_store_idx %arg5[%and3A_149, %parallel_loop3A_361], %parallel_loop3A_357 : memref<200x128xi32, #tpu.memory_space<vmem>>[vector<16xi32>, vector<16xi32>], vector<16xi32>,
      %parallel_loop3A_362 = arith.constant 5 : i32
      %parallel_loop3A_363 = vector.broadcast %parallel_loop3A_362 : i32 to vector<16xi32>
      %parallel_loop3A_364 = arith.addi %iota3A, %parallel_loop3A_363 : vector<16xi32>
      %parallel_loop3A_365 = arith.constant 7 : i32
      %parallel_loop3A_366 = vector.broadcast %parallel_loop3A_365 : i32 to vector<16xi32>
      %parallel_loop3A_367 = arith.andi %parallel_loop3A_364, %parallel_loop3A_366 : vector<16xi32>
      %parallel_loop3A_368 = arith.addi %parallel_loop3A_297, %parallel_loop3A_367 : vector<16xi32>
      %parallel_loop3A_369 = tpu.vector_load_idx %arg6[%and3A_149, %parallel_loop3A_368] : memref<128x200xi32, #tpu.memory_space<vmem>>[vector<16xi32>, vector<16xi32>], vector<16xi32>,
      %parallel_loop3A_370 = arith.constant 128 : i32
      %parallel_loop3A_371 = vector.broadcast %parallel_loop3A_370 : i32 to vector<16xi32>
      %parallel_loop3A_372 = arith.muli %parallel_loop3A_367, %parallel_loop3A_371 : vector<16xi32>
      %parallel_loop3A_373 = arith.addi %parallel_loop3A_301, %parallel_loop3A_372 : vector<16xi32>
      tpu.vector_store_idx %arg5[%and3A_149, %parallel_loop3A_373], %parallel_loop3A_369 : memref<200x128xi32, #tpu.memory_space<vmem>>[vector<16xi32>, vector<16xi32>], vector<16xi32>,
      %parallel_loop3A_374 = arith.constant 6 : i32
      %parallel_loop3A_375 = vector.broadcast %parallel_loop3A_374 : i32 to vector<16xi32>
      %parallel_loop3A_376 = arith.addi %iota3A, %parallel_loop3A_375 : vector<16xi32>
      %parallel_loop3A_377 = arith.constant 7 : i32
      %parallel_loop3A_378 = vector.broadcast %parallel_loop3A_377 : i32 to vector<16xi32>
      %parallel_loop3A_379 = arith.andi %parallel_loop3A_376, %parallel_loop3A_378 : vector<16xi32>
      %parallel_loop3A_380 = arith.addi %parallel_loop3A_297, %parallel_loop3A_379 : vector<16xi32>
      %parallel_loop3A_381 = tpu.vector_load_idx %arg6[%and3A_149, %parallel_loop3A_380] : memref<128x200xi32, #tpu.memory_space<vmem>>[vector<16xi32>, vector<16xi32>], vector<16xi32>,
      %parallel_loop3A_382 = arith.constant 128 : i32
      %parallel_loop3A_383 = vector.broadcast %parallel_loop3A_382 : i32 to vector<16xi32>
      %parallel_loop3A_384 = arith.muli %parallel_loop3A_379, %parallel_loop3A_383 : vector<16xi32>
      %parallel_loop3A_385 = arith.addi %parallel_loop3A_301, %parallel_loop3A_384 : vector<16xi32>
      tpu.vector_store_idx %arg5[%and3A_149, %parallel_loop3A_385], %parallel_loop3A_381 : memref<200x128xi32, #tpu.memory_space<vmem>>[vector<16xi32>, vector<16xi32>], vector<16xi32>,
      %parallel_loop3A_386 = arith.constant 7 : i32
      %parallel_loop3A_387 = vector.broadcast %parallel_loop3A_386 : i32 to vector<16xi32>
      %parallel_loop3A_388 = arith.addi %iota3A, %parallel_loop3A_387 : vector<16xi32>
      %parallel_loop3A_389 = arith.constant 7 : i32
      %parallel_loop3A_390 = vector.broadcast %parallel_loop3A_389 : i32 to vector<16xi32>
      %parallel_loop3A_391 = arith.andi %parallel_loop3A_388, %parallel_loop3A_390 : vector<16xi32>
      %parallel_loop3A_392 = arith.addi %parallel_loop3A_297, %parallel_loop3A_391 : vector<16xi32>
      %parallel_loop3A_393 = tpu.vector_load_idx %arg6[%and3A_149, %parallel_loop3A_392] : memref<128x200xi32, #tpu.memory_space<vmem>>[vector<16xi32>, vector<16xi32>], vector<16xi32>,
      %parallel_loop3A_394 = arith.constant 128 : i32
      %parallel_loop3A_395 = vector.broadcast %parallel_loop3A_394 : i32 to vector<16xi32>
      %parallel_loop3A_396 = arith.muli %parallel_loop3A_391, %parallel_loop3A_395 : vector<16xi32>
      %parallel_loop3A_397 = arith.addi %parallel_loop3A_301, %parallel_loop3A_396 : vector<16xi32>
      tpu.vector_store_idx %arg5[%and3A_149, %parallel_loop3A_397], %parallel_loop3A_393 : memref<200x128xi32, #tpu.memory_space<vmem>>[vector<16xi32>, vector<16xi32>], vector<16xi32>,
    } {sc.loop_unroll_factor = 4 : i64, sc.parallel_access}
    %dma_start3A = arith.constant 0 : i32
    %dma_start3A_160 = arith.constant 0 : i32
    %dma_start3A_161 = arith.constant 0 : i32
    %dma_start3A_162 = arith.constant 0 : i32
    %dma_start3A_163 = tpu.memref_slice %arg7[%dma_start3A_160, %dma_start3A_161, %dma_start3A_162] : memref<4x128x64xf32, #tpu.memory_space<vmem>> -> memref<1x128x64xf32, #tpu.memory_space<vmem>>
    %dma_start3A_164 = tpu.memref_squeeze %dma_start3A_163 : memref<1x128x64xf32, #tpu.memory_space<vmem>> -> memref<128x64xf32, #tpu.memory_space<vmem>>
    %dma_start3A_165 = arith.constant 0 : i32
    %dma_start3A_166 = tpu.memref_slice %arg5[%dma_start3A, %dma_start3A_165] : memref<200x128xi32, #tpu.memory_space<vmem>> -> memref<1x128xi32, #tpu.memory_space<vmem>>
    %dma_start3A_167 = tpu.memref_squeeze %dma_start3A_166 : memref<1x128xi32, #tpu.memory_space<vmem>> -> memref<128xi32, #tpu.memory_space<vmem>>
    %dma_start3A_168 = arith.constant 0 : i32
    %dma_start3A_169 = arith.constant 0 : i32
    %dma_start3A_170 = tpu.memref_slice %arg3[%dma_start3A_168, %dma_start3A_169] : memref<100000x64xf32, #tpu.memory_space<hbm>> -> memref<100000x64xf32, #tpu.memory_space<hbm>>
    tpu.enqueue_indirect_dma source(%dma_start3A_170 : memref<100000x64xf32, #tpu.memory_space<hbm>>) target(%dma_start3A_164 : memref<128x64xf32, #tpu.memory_space<vmem>>) offsets(%dma_start3A_167 : memref<128xi32, #tpu.memory_space<vmem>>) semaphore(%arg9 : memref<!tpu.dma_semaphore, #tpu.memory_space<semaphore_mem>>)
    %dma_start3A_171 = arith.constant 1 : i32
    %dma_start3A_172 = arith.constant 1 : i32
    %dma_start3A_173 = arith.constant 0 : i32
    %dma_start3A_174 = arith.constant 0 : i32
    %dma_start3A_175 = tpu.memref_slice %arg7[%dma_start3A_172, %dma_start3A_173, %dma_start3A_174] : memref<4x128x64xf32, #tpu.memory_space<vmem>> -> memref<1x128x64xf32, #tpu.memory_space<vmem>>
    %dma_start3A_176 = tpu.memref_squeeze %dma_start3A_175 : memref<1x128x64xf32, #tpu.memory_space<vmem>> -> memref<128x64xf32, #tpu.memory_space<vmem>>
    %dma_start3A_177 = arith.constant 0 : i32
    %dma_start3A_178 = tpu.memref_slice %arg5[%dma_start3A_171, %dma_start3A_177] : memref<200x128xi32, #tpu.memory_space<vmem>> -> memref<1x128xi32, #tpu.memory_space<vmem>>
    %dma_start3A_179 = tpu.memref_squeeze %dma_start3A_178 : memref<1x128xi32, #tpu.memory_space<vmem>> -> memref<128xi32, #tpu.memory_space<vmem>>
    %dma_start3A_180 = arith.constant 0 : i32
    %dma_start3A_181 = arith.constant 0 : i32
    %dma_start3A_182 = tpu.memref_slice %arg3[%dma_start3A_180, %dma_start3A_181] : memref<100000x64xf32, #tpu.memory_space<hbm>> -> memref<100000x64xf32, #tpu.memory_space<hbm>>
    tpu.enqueue_indirect_dma source(%dma_start3A_182 : memref<100000x64xf32, #tpu.memory_space<hbm>>) target(%dma_start3A_176 : memref<128x64xf32, #tpu.memory_space<vmem>>) offsets(%dma_start3A_179 : memref<128xi32, #tpu.memory_space<vmem>>) semaphore(%arg10 : memref<!tpu.dma_semaphore, #tpu.memory_space<semaphore_mem>>)
    %dma_start3A_183 = arith.constant 2 : i32
    %dma_start3A_184 = arith.constant 2 : i32
    %dma_start3A_185 = arith.constant 0 : i32
    %dma_start3A_186 = arith.constant 0 : i32
    %dma_start3A_187 = tpu.memref_slice %arg7[%dma_start3A_184, %dma_start3A_185, %dma_start3A_186] : memref<4x128x64xf32, #tpu.memory_space<vmem>> -> memref<1x128x64xf32, #tpu.memory_space<vmem>>
    %dma_start3A_188 = tpu.memref_squeeze %dma_start3A_187 : memref<1x128x64xf32, #tpu.memory_space<vmem>> -> memref<128x64xf32, #tpu.memory_space<vmem>>
    %dma_start3A_189 = arith.constant 0 : i32
    %dma_start3A_190 = tpu.memref_slice %arg5[%dma_start3A_183, %dma_start3A_189] : memref<200x128xi32, #tpu.memory_space<vmem>> -> memref<1x128xi32, #tpu.memory_space<vmem>>
    %dma_start3A_191 = tpu.memref_squeeze %dma_start3A_190 : memref<1x128xi32, #tpu.memory_space<vmem>> -> memref<128xi32, #tpu.memory_space<vmem>>
    %dma_start3A_192 = arith.constant 0 : i32
    %dma_start3A_193 = arith.constant 0 : i32
    %dma_start3A_194 = tpu.memref_slice %arg3[%dma_start3A_192, %dma_start3A_193] : memref<100000x64xf32, #tpu.memory_space<hbm>> -> memref<100000x64xf32, #tpu.memory_space<hbm>>
    tpu.enqueue_indirect_dma source(%dma_start3A_194 : memref<100000x64xf32, #tpu.memory_space<hbm>>) target(%dma_start3A_188 : memref<128x64xf32, #tpu.memory_space<vmem>>) offsets(%dma_start3A_191 : memref<128xi32, #tpu.memory_space<vmem>>) semaphore(%arg11 : memref<!tpu.dma_semaphore, #tpu.memory_space<semaphore_mem>>)
    %scan3A = arith.constant 0 : i32
    %scan3A_195 = arith.constant 0 : i32
    %scan3A_196 = arith.constant 50 : i32
    %scan3A_197 = arith.addi %scan3A_195, %scan3A_196 : i32
    %scan3A_198 = arith.constant 1 : i32
    scf.for %scan3A_287 = %scan3A_195 to %scan3A_197 step %scan3A_198  : i32 {
      %mul3A_288 = arith.constant 4 : i32
      %mul3A_289 = arith.muli %scan3A_287, %mul3A_288 : i32
      %add3A_290 = arith.constant 0 : i32
      %add3A_291 = arith.addi %mul3A_289, %add3A_290 : i32
      %add3A_292 = arith.constant 3 : i32
      %add3A_293 = arith.addi %add3A_291, %add3A_292 : i32
      %dma_start3A_294 = arith.constant 3 : i32
      %dma_start3A_295 = arith.constant 0 : i32
      %dma_start3A_296 = arith.constant 0 : i32
      %dma_start3A_297 = tpu.memref_slice %arg7[%dma_start3A_294, %dma_start3A_295, %dma_start3A_296] : memref<4x128x64xf32, #tpu.memory_space<vmem>> -> memref<1x128x64xf32, #tpu.memory_space<vmem>>
      %dma_start3A_298 = tpu.memref_squeeze %dma_start3A_297 : memref<1x128x64xf32, #tpu.memory_space<vmem>> -> memref<128x64xf32, #tpu.memory_space<vmem>>
      %dma_start3A_299 = arith.constant 0 : i32
      %dma_start3A_300 = tpu.memref_slice %arg5[%add3A_293, %dma_start3A_299] : memref<200x128xi32, #tpu.memory_space<vmem>> -> memref<1x128xi32, #tpu.memory_space<vmem>>
      %dma_start3A_301 = tpu.memref_squeeze %dma_start3A_300 : memref<1x128xi32, #tpu.memory_space<vmem>> -> memref<128xi32, #tpu.memory_space<vmem>>
      %dma_start3A_302 = arith.constant 0 : i32
      %dma_start3A_303 = arith.constant 0 : i32
      %dma_start3A_304 = tpu.memref_slice %arg3[%dma_start3A_302, %dma_start3A_303] : memref<100000x64xf32, #tpu.memory_space<hbm>> -> memref<100000x64xf32, #tpu.memory_space<hbm>>
      tpu.enqueue_indirect_dma source(%dma_start3A_304 : memref<100000x64xf32, #tpu.memory_space<hbm>>) target(%dma_start3A_298 : memref<128x64xf32, #tpu.memory_space<vmem>>) offsets(%dma_start3A_301 : memref<128xi32, #tpu.memory_space<vmem>>) semaphore(%arg12 : memref<!tpu.dma_semaphore, #tpu.memory_space<semaphore_mem>>)
      %dma_wait3A_305 = arith.constant 0 : i32
      %dma_wait3A_306 = arith.constant 0 : i32
      %dma_wait3A_307 = arith.constant 0 : i32
      %dma_wait3A_308 = arith.constant 0 : i32
      %dma_wait3A_309 = tpu.memref_slice %arg7[%dma_wait3A_306, %dma_wait3A_307, %dma_wait3A_308] : memref<4x128x64xf32, #tpu.memory_space<vmem>> -> memref<1x128x64xf32, #tpu.memory_space<vmem>>
      %dma_wait3A_310 = tpu.memref_squeeze %dma_wait3A_309 : memref<1x128x64xf32, #tpu.memory_space<vmem>> -> memref<128x64xf32, #tpu.memory_space<vmem>>
      %dma_wait3A_311 = arith.constant 0 : i32
      %dma_wait3A_312 = tpu.memref_slice %arg5[%dma_wait3A_305, %dma_wait3A_311] : memref<200x128xi32, #tpu.memory_space<vmem>> -> memref<1x128xi32, #tpu.memory_space<vmem>>
      %dma_wait3A_313 = tpu.memref_squeeze %dma_wait3A_312 : memref<1x128xi32, #tpu.memory_space<vmem>> -> memref<128xi32, #tpu.memory_space<vmem>>
      %dma_wait3A_314 = arith.constant 0 : i32
      %dma_wait3A_315 = arith.constant 0 : i32
      %dma_wait3A_316 = tpu.memref_slice %arg3[%dma_wait3A_314, %dma_wait3A_315] : memref<100000x64xf32, #tpu.memory_space<hbm>> -> memref<100000x64xf32, #tpu.memory_space<hbm>>
      tpu.wait_indirect_dma semaphore(%arg9 : memref<!tpu.dma_semaphore, #tpu.memory_space<semaphore_mem>>) src(%dma_wait3A_316 : memref<100000x64xf32, #tpu.memory_space<hbm>>) dst(%dma_wait3A_310 : memref<128x64xf32, #tpu.memory_space<vmem>>)
      %gt3A = arith.constant 0 : i32
      %gt3A_317 = arith.cmpi sgt, %scan3A_287, %gt3A : i32
      %convert_element_type3A = arith.extui %gt3A_317 : i1 to i32
      %cond3A = arith.constant 0 : i32
      %cond3A_318 = arith.cmpi ne, %convert_element_type3A, %cond3A : i32
      scf.if %cond3A_318 {
        %dma_wait3A_492 = arith.constant 0 : i32
        %dma_wait3A_493 = arith.constant 0 : i32
        %dma_wait3A_494 = arith.constant 0 : i32
        %dma_wait3A_495 = arith.constant 0 : i32
        %dma_wait3A_496 = arith.constant 0 : i32
        %dma_wait3A_497 = tpu.memref_slice %arg8[%dma_wait3A_492, %dma_wait3A_494, %dma_wait3A_495, %dma_wait3A_496] : memref<4x8x8x128xf32, #tpu.memory_space<vmem>> -> memref<1x8x8x128xf32, #tpu.memory_space<vmem>>
        %dma_wait3A_498 = tpu.memref_squeeze %dma_wait3A_497 : memref<1x8x8x128xf32, #tpu.memory_space<vmem>> -> memref<8x8x128xf32, #tpu.memory_space<vmem>>
        %dma_wait3A_499 = arith.constant 0 : i32
        %dma_wait3A_500 = arith.constant 0 : i32
        %dma_wait3A_501 = arith.constant 0 : i32
        %dma_wait3A_502 = tpu.memref_slice %arg4[%dma_wait3A_493, %dma_wait3A_499, %add3A, %dma_wait3A_500, %dma_wait3A_501] : memref<200x8x32x8x128xf32, #tpu.memory_space<hbm>> -> memref<1x8x1x8x128xf32, #tpu.memory_space<hbm>>
        %dma_wait3A_503 = tpu.memref_squeeze %dma_wait3A_502 : memref<1x8x1x8x128xf32, #tpu.memory_space<hbm>> -> memref<8x8x128xf32, #tpu.memory_space<hbm>>
        %dma_wait3A_504 = arith.constant 0 : i32
        %dma_wait3A_505 = arith.constant 0 : i32
        %dma_wait3A_506 = arith.constant 0 : i32
        %dma_wait3A_507 = tpu.memref_slice %arg4[%dma_wait3A_493, %dma_wait3A_504, %add3A, %dma_wait3A_505, %dma_wait3A_506] : memref<200x8x32x8x128xf32, #tpu.memory_space<hbm>> -> memref<1x8x1x8x128xf32, #tpu.memory_space<hbm>>
        %dma_wait3A_508 = tpu.memref_squeeze %dma_wait3A_507 : memref<1x8x1x8x128xf32, #tpu.memory_space<hbm>> -> memref<8x8x128xf32, #tpu.memory_space<hbm>>
        %dma_wait3A_509 = arith.constant 0 : i32
        %dma_wait3A_510 = arith.constant 0 : i32
        %dma_wait3A_511 = arith.constant 0 : i32
        %dma_wait3A_512 = tpu.memref_slice %arg8[%dma_wait3A_492, %dma_wait3A_509, %dma_wait3A_510, %dma_wait3A_511] : memref<4x8x8x128xf32, #tpu.memory_space<vmem>> -> memref<1x8x8x128xf32, #tpu.memory_space<vmem>>
        %dma_wait3A_513 = tpu.memref_squeeze %dma_wait3A_512 : memref<1x8x8x128xf32, #tpu.memory_space<vmem>> -> memref<8x8x128xf32, #tpu.memory_space<vmem>>
        tpu.wait_dma2 semaphore(%arg13 : memref<!tpu.dma_semaphore, #tpu.memory_space<semaphore_mem>>) src(%dma_wait3A_513 : memref<8x8x128xf32, #tpu.memory_space<vmem>>) dst(%dma_wait3A_508 : memref<8x8x128xf32, #tpu.memory_space<hbm>>)
      } else {
      }
      %parallel_loop3A_319 = arith.constant 0 : i32
      %parallel_loop3A_320 = arith.constant 32 : i32
      %parallel_loop3A_321 = arith.constant 1 : i32
      scf.for %parallel_loop3A_492 = %parallel_loop3A_319 to %parallel_loop3A_320 step %parallel_loop3A_321  : i32 {
        %parallel_loop3A_493 = arith.constant 8 : i32
        %parallel_loop3A_494 = arith.divsi %parallel_loop3A_492, %parallel_loop3A_493 : i32
        %parallel_loop3A_495 = arith.constant 0 : i32
        %parallel_loop3A_496 = arith.cmpi sgt, %parallel_loop3A_492, %parallel_loop3A_495 : i32
        %parallel_loop3A_497 = arith.extui %parallel_loop3A_496 : i1 to i32
        %parallel_loop3A_498 = arith.constant 0 : i32
        %parallel_loop3A_499 = arith.cmpi slt, %parallel_loop3A_492, %parallel_loop3A_498 : i32
        %parallel_loop3A_500 = arith.extui %parallel_loop3A_499 : i1 to i32
        %parallel_loop3A_501 = arith.subi %parallel_loop3A_497, %parallel_loop3A_500 : i32
        %parallel_loop3A_502 = arith.constant 0 : i32
        %parallel_loop3A_503 = arith.cmpi sgt, %parallel_loop3A_493, %parallel_loop3A_502 : i32
        %parallel_loop3A_504 = arith.extui %parallel_loop3A_503 : i1 to i32
        %parallel_loop3A_505 = arith.constant 0 : i32
        %parallel_loop3A_506 = arith.cmpi slt, %parallel_loop3A_493, %parallel_loop3A_505 : i32
        %parallel_loop3A_507 = arith.extui %parallel_loop3A_506 : i1 to i32
        %parallel_loop3A_508 = arith.subi %parallel_loop3A_504, %parallel_loop3A_507 : i32
        %parallel_loop3A_509 = arith.cmpi ne, %parallel_loop3A_501, %parallel_loop3A_508 : i32
        %parallel_loop3A_510 = arith.remsi %parallel_loop3A_492, %parallel_loop3A_493 : i32
        %parallel_loop3A_511 = arith.constant 0 : i32
        %parallel_loop3A_512 = arith.cmpi ne, %parallel_loop3A_510, %parallel_loop3A_511 : i32
        %parallel_loop3A_513 = arith.andi %parallel_loop3A_509, %parallel_loop3A_512 : i1
        %parallel_loop3A_514 = arith.constant 1 : i32
        %parallel_loop3A_515 = arith.subi %parallel_loop3A_494, %parallel_loop3A_514 : i32
        %parallel_loop3A_516 = arith.select %parallel_loop3A_513, %parallel_loop3A_515, %parallel_loop3A_494 : i32
        %parallel_loop3A_517 = arith.constant 16 : i32
        %parallel_loop3A_518 = arith.muli %parallel_loop3A_516, %parallel_loop3A_517 : i32
        %parallel_loop3A_519 = arith.constant 8 : i32
        %parallel_loop3A_520 = arith.constant 0 : i32
        %parallel_loop3A_521 = arith.cmpi eq, %parallel_loop3A_519, %parallel_loop3A_520 : i32
        %parallel_loop3A_522 = arith.constant 1 : i32
        %parallel_loop3A_523 = arith.select %parallel_loop3A_521, %parallel_loop3A_522, %parallel_loop3A_519 : i32
        %parallel_loop3A_524 = arith.remsi %parallel_loop3A_492, %parallel_loop3A_523 : i32
        %parallel_loop3A_525 = arith.constant 0 : i32
        %parallel_loop3A_526 = arith.cmpi ne, %parallel_loop3A_524, %parallel_loop3A_525 : i32
        %parallel_loop3A_527 = arith.constant 0 : i32
        %parallel_loop3A_528 = arith.cmpi slt, %parallel_loop3A_524, %parallel_loop3A_527 : i32
        %parallel_loop3A_529 = arith.constant 0 : i32
        %parallel_loop3A_530 = arith.cmpi slt, %parallel_loop3A_523, %parallel_loop3A_529 : i32
        %parallel_loop3A_531 = arith.xori %parallel_loop3A_528, %parallel_loop3A_530 : i1
        %parallel_loop3A_532 = arith.andi %parallel_loop3A_531, %parallel_loop3A_526 : i1
        %parallel_loop3A_533 = arith.addi %parallel_loop3A_524, %parallel_loop3A_523 : i32
        %parallel_loop3A_534 = arith.select %parallel_loop3A_532, %parallel_loop3A_533, %parallel_loop3A_524 : i32
        %parallel_loop3A_535 = arith.constant 16 : i32
        %parallel_loop3A_536 = arith.muli %parallel_loop3A_534, %parallel_loop3A_535 : i32
        %parallel_loop3A_537 = arith.constant 64 : i32
        %parallel_loop3A_538 = arith.muli %parallel_loop3A_536, %parallel_loop3A_537 : i32
        %parallel_loop3A_539 = arith.addi %parallel_loop3A_538, %parallel_loop3A_518 : i32
        %parallel_loop3A_540 = vector.broadcast %parallel_loop3A_539 : i32 to vector<16xi32>
        %parallel_loop3A_541 = arith.addi %mul3A_98, %parallel_loop3A_540 : vector<16xi32>
        %parallel_loop3A_542 = arith.constant 128 : i32
        %parallel_loop3A_543 = arith.muli %parallel_loop3A_518, %parallel_loop3A_542 : i32
        %parallel_loop3A_544 = arith.addi %parallel_loop3A_543, %parallel_loop3A_536 : i32
        %parallel_loop3A_545 = vector.broadcast %parallel_loop3A_544 : i32 to vector<16xi32>
        %parallel_loop3A_546 = arith.addi %iota3A, %parallel_loop3A_545 : vector<16xi32>
        %parallel_loop3A_547 = arith.addi %parallel_loop3A_541, %and3A_5 : vector<16xi32>
        %parallel_loop3A_548 = arith.constant 0 : i32
        %parallel_loop3A_549 = arith.constant 0 : i32
        %parallel_loop3A_550 = arith.constant 0 : i32
        %parallel_loop3A_551 = tpu.memref_slice %arg7[%parallel_loop3A_548, %parallel_loop3A_549, %parallel_loop3A_550] : memref<4x128x64xf32, #tpu.memory_space<vmem>> -> memref<1x128x64xf32, #tpu.memory_space<vmem>>
        %parallel_loop3A_552 = tpu.memref_squeeze %parallel_loop3A_551 : memref<1x128x64xf32, #tpu.memory_space<vmem>> -> memref<128x64xf32, #tpu.memory_space<vmem>>
        %parallel_loop3A_553 = tpu.vector_load_idx %parallel_loop3A_552[%and3A_149, %parallel_loop3A_547] : memref<128x64xf32, #tpu.memory_space<vmem>>[vector<16xi32>, vector<16xi32>], vector<16xf32>,
        %parallel_loop3A_554 = arith.addi %parallel_loop3A_546, %mul3A_101 : vector<16xi32>
        %parallel_loop3A_555 = arith.constant 0 : i32
        %parallel_loop3A_556 = arith.constant 0 : i32
        %parallel_loop3A_557 = arith.constant 0 : i32
        %parallel_loop3A_558 = arith.constant 0 : i32
        %parallel_loop3A_559 = tpu.memref_slice %arg8[%parallel_loop3A_555, %parallel_loop3A_556, %parallel_loop3A_557, %parallel_loop3A_558] : memref<4x8x8x128xf32, #tpu.memory_space<vmem>> -> memref<1x8x8x128xf32, #tpu.memory_space<vmem>>
        %parallel_loop3A_560 = tpu.memref_squeeze %parallel_loop3A_559 : memref<1x8x8x128xf32, #tpu.memory_space<vmem>> -> memref<8x8x128xf32, #tpu.memory_space<vmem>>
        tpu.vector_store_idx %parallel_loop3A_560[%and3A_149, %and3A_149, %parallel_loop3A_554], %parallel_loop3A_553 : memref<8x8x128xf32, #tpu.memory_space<vmem>>[vector<16xi32>, vector<16xi32>, vector<16xi32>], vector<16xf32>,
        %parallel_loop3A_561 = arith.addi %parallel_loop3A_541, %and3A_11 : vector<16xi32>
        %parallel_loop3A_562 = arith.constant 0 : i32
        %parallel_loop3A_563 = arith.constant 0 : i32
        %parallel_loop3A_564 = arith.constant 0 : i32
        %parallel_loop3A_565 = tpu.memref_slice %arg7[%parallel_loop3A_562, %parallel_loop3A_563, %parallel_loop3A_564] : memref<4x128x64xf32, #tpu.memory_space<vmem>> -> memref<1x128x64xf32, #tpu.memory_space<vmem>>
        %parallel_loop3A_566 = tpu.memref_squeeze %parallel_loop3A_565 : memref<1x128x64xf32, #tpu.memory_space<vmem>> -> memref<128x64xf32, #tpu.memory_space<vmem>>
        %parallel_loop3A_567 = tpu.vector_load_idx %parallel_loop3A_566[%and3A_149, %parallel_loop3A_561] : memref<128x64xf32, #tpu.memory_space<vmem>>[vector<16xi32>, vector<16xi32>], vector<16xf32>,
        %parallel_loop3A_568 = arith.addi %parallel_loop3A_546, %mul3A_104 : vector<16xi32>
        %parallel_loop3A_569 = arith.constant 0 : i32
        %parallel_loop3A_570 = arith.constant 0 : i32
        %parallel_loop3A_571 = arith.constant 0 : i32
        %parallel_loop3A_572 = arith.constant 0 : i32
        %parallel_loop3A_573 = tpu.memref_slice %arg8[%parallel_loop3A_569, %parallel_loop3A_570, %parallel_loop3A_571, %parallel_loop3A_572] : memref<4x8x8x128xf32, #tpu.memory_space<vmem>> -> memref<1x8x8x128xf32, #tpu.memory_space<vmem>>
        %parallel_loop3A_574 = tpu.memref_squeeze %parallel_loop3A_573 : memref<1x8x8x128xf32, #tpu.memory_space<vmem>> -> memref<8x8x128xf32, #tpu.memory_space<vmem>>
        tpu.vector_store_idx %parallel_loop3A_574[%and3A_149, %and3A_149, %parallel_loop3A_568], %parallel_loop3A_567 : memref<8x8x128xf32, #tpu.memory_space<vmem>>[vector<16xi32>, vector<16xi32>, vector<16xi32>], vector<16xf32>,
        %parallel_loop3A_575 = arith.addi %parallel_loop3A_541, %and3A_17 : vector<16xi32>
        %parallel_loop3A_576 = arith.constant 0 : i32
        %parallel_loop3A_577 = arith.constant 0 : i32
        %parallel_loop3A_578 = arith.constant 0 : i32
        %parallel_loop3A_579 = tpu.memref_slice %arg7[%parallel_loop3A_576, %parallel_loop3A_577, %parallel_loop3A_578] : memref<4x128x64xf32, #tpu.memory_space<vmem>> -> memref<1x128x64xf32, #tpu.memory_space<vmem>>
        %parallel_loop3A_580 = tpu.memref_squeeze %parallel_loop3A_579 : memref<1x128x64xf32, #tpu.memory_space<vmem>> -> memref<128x64xf32, #tpu.memory_space<vmem>>
        %parallel_loop3A_581 = tpu.vector_load_idx %parallel_loop3A_580[%and3A_149, %parallel_loop3A_575] : memref<128x64xf32, #tpu.memory_space<vmem>>[vector<16xi32>, vector<16xi32>], vector<16xf32>,
        %parallel_loop3A_582 = arith.addi %parallel_loop3A_546, %mul3A_107 : vector<16xi32>
        %parallel_loop3A_583 = arith.constant 0 : i32
        %parallel_loop3A_584 = arith.constant 0 : i32
        %parallel_loop3A_585 = arith.constant 0 : i32
        %parallel_loop3A_586 = arith.constant 0 : i32
        %parallel_loop3A_587 = tpu.memref_slice %arg8[%parallel_loop3A_583, %parallel_loop3A_584, %parallel_loop3A_585, %parallel_loop3A_586] : memref<4x8x8x128xf32, #tpu.memory_space<vmem>> -> memref<1x8x8x128xf32, #tpu.memory_space<vmem>>
        %parallel_loop3A_588 = tpu.memref_squeeze %parallel_loop3A_587 : memref<1x8x8x128xf32, #tpu.memory_space<vmem>> -> memref<8x8x128xf32, #tpu.memory_space<vmem>>
        tpu.vector_store_idx %parallel_loop3A_588[%and3A_149, %and3A_149, %parallel_loop3A_582], %parallel_loop3A_581 : memref<8x8x128xf32, #tpu.memory_space<vmem>>[vector<16xi32>, vector<16xi32>, vector<16xi32>], vector<16xf32>,
        %parallel_loop3A_589 = arith.addi %parallel_loop3A_541, %and3A_23 : vector<16xi32>
        %parallel_loop3A_590 = arith.constant 0 : i32
        %parallel_loop3A_591 = arith.constant 0 : i32
        %parallel_loop3A_592 = arith.constant 0 : i32
        %parallel_loop3A_593 = tpu.memref_slice %arg7[%parallel_loop3A_590, %parallel_loop3A_591, %parallel_loop3A_592] : memref<4x128x64xf32, #tpu.memory_space<vmem>> -> memref<1x128x64xf32, #tpu.memory_space<vmem>>
        %parallel_loop3A_594 = tpu.memref_squeeze %parallel_loop3A_593 : memref<1x128x64xf32, #tpu.memory_space<vmem>> -> memref<128x64xf32, #tpu.memory_space<vmem>>
        %parallel_loop3A_595 = tpu.vector_load_idx %parallel_loop3A_594[%and3A_149, %parallel_loop3A_589] : memref<128x64xf32, #tpu.memory_space<vmem>>[vector<16xi32>, vector<16xi32>], vector<16xf32>,
        %parallel_loop3A_596 = arith.addi %parallel_loop3A_546, %mul3A_110 : vector<16xi32>
        %parallel_loop3A_597 = arith.constant 0 : i32
        %parallel_loop3A_598 = arith.constant 0 : i32
        %parallel_loop3A_599 = arith.constant 0 : i32
        %parallel_loop3A_600 = arith.constant 0 : i32
        %parallel_loop3A_601 = tpu.memref_slice %arg8[%parallel_loop3A_597, %parallel_loop3A_598, %parallel_loop3A_599, %parallel_loop3A_600] : memref<4x8x8x128xf32, #tpu.memory_space<vmem>> -> memref<1x8x8x128xf32, #tpu.memory_space<vmem>>
        %parallel_loop3A_602 = tpu.memref_squeeze %parallel_loop3A_601 : memref<1x8x8x128xf32, #tpu.memory_space<vmem>> -> memref<8x8x128xf32, #tpu.memory_space<vmem>>
        tpu.vector_store_idx %parallel_loop3A_602[%and3A_149, %and3A_149, %parallel_loop3A_596], %parallel_loop3A_595 : memref<8x8x128xf32, #tpu.memory_space<vmem>>[vector<16xi32>, vector<16xi32>, vector<16xi32>], vector<16xf32>,
        %parallel_loop3A_603 = arith.addi %parallel_loop3A_541, %and3A_29 : vector<16xi32>
        %parallel_loop3A_604 = arith.constant 0 : i32
        %parallel_loop3A_605 = arith.constant 0 : i32
        %parallel_loop3A_606 = arith.constant 0 : i32
        %parallel_loop3A_607 = tpu.memref_slice %arg7[%parallel_loop3A_604, %parallel_loop3A_605, %parallel_loop3A_606] : memref<4x128x64xf32, #tpu.memory_space<vmem>> -> memref<1x128x64xf32, #tpu.memory_space<vmem>>
        %parallel_loop3A_608 = tpu.memref_squeeze %parallel_loop3A_607 : memref<1x128x64xf32, #tpu.memory_space<vmem>> -> memref<128x64xf32, #tpu.memory_space<vmem>>
        %parallel_loop3A_609 = tpu.vector_load_idx %parallel_loop3A_608[%and3A_149, %parallel_loop3A_603] : memref<128x64xf32, #tpu.memory_space<vmem>>[vector<16xi32>, vector<16xi32>], vector<16xf32>,
        %parallel_loop3A_610 = arith.addi %parallel_loop3A_546, %mul3A_113 : vector<16xi32>
        %parallel_loop3A_611 = arith.constant 0 : i32
        %parallel_loop3A_612 = arith.constant 0 : i32
        %parallel_loop3A_613 = arith.constant 0 : i32
        %parallel_loop3A_614 = arith.constant 0 : i32
        %parallel_loop3A_615 = tpu.memref_slice %arg8[%parallel_loop3A_611, %parallel_loop3A_612, %parallel_loop3A_613, %parallel_loop3A_614] : memref<4x8x8x128xf32, #tpu.memory_space<vmem>> -> memref<1x8x8x128xf32, #tpu.memory_space<vmem>>
        %parallel_loop3A_616 = tpu.memref_squeeze %parallel_loop3A_615 : memref<1x8x8x128xf32, #tpu.memory_space<vmem>> -> memref<8x8x128xf32, #tpu.memory_space<vmem>>
        tpu.vector_store_idx %parallel_loop3A_616[%and3A_149, %and3A_149, %parallel_loop3A_610], %parallel_loop3A_609 : memref<8x8x128xf32, #tpu.memory_space<vmem>>[vector<16xi32>, vector<16xi32>, vector<16xi32>], vector<16xf32>,
        %parallel_loop3A_617 = arith.addi %parallel_loop3A_541, %and3A_35 : vector<16xi32>
        %parallel_loop3A_618 = arith.constant 0 : i32
        %parallel_loop3A_619 = arith.constant 0 : i32
        %parallel_loop3A_620 = arith.constant 0 : i32
        %parallel_loop3A_621 = tpu.memref_slice %arg7[%parallel_loop3A_618, %parallel_loop3A_619, %parallel_loop3A_620] : memref<4x128x64xf32, #tpu.memory_space<vmem>> -> memref<1x128x64xf32, #tpu.memory_space<vmem>>
        %parallel_loop3A_622 = tpu.memref_squeeze %parallel_loop3A_621 : memref<1x128x64xf32, #tpu.memory_space<vmem>> -> memref<128x64xf32, #tpu.memory_space<vmem>>
        %parallel_loop3A_623 = tpu.vector_load_idx %parallel_loop3A_622[%and3A_149, %parallel_loop3A_617] : memref<128x64xf32, #tpu.memory_space<vmem>>[vector<16xi32>, vector<16xi32>], vector<16xf32>,
        %parallel_loop3A_624 = arith.addi %parallel_loop3A_546, %mul3A_116 : vector<16xi32>
        %parallel_loop3A_625 = arith.constant 0 : i32
        %parallel_loop3A_626 = arith.constant 0 : i32
        %parallel_loop3A_627 = arith.constant 0 : i32
        %parallel_loop3A_628 = arith.constant 0 : i32
        %parallel_loop3A_629 = tpu.memref_slice %arg8[%parallel_loop3A_625, %parallel_loop3A_626, %parallel_loop3A_627, %parallel_loop3A_628] : memref<4x8x8x128xf32, #tpu.memory_space<vmem>> -> memref<1x8x8x128xf32, #tpu.memory_space<vmem>>
        %parallel_loop3A_630 = tpu.memref_squeeze %parallel_loop3A_629 : memref<1x8x8x128xf32, #tpu.memory_space<vmem>> -> memref<8x8x128xf32, #tpu.memory_space<vmem>>
        tpu.vector_store_idx %parallel_loop3A_630[%and3A_149, %and3A_149, %parallel_loop3A_624], %parallel_loop3A_623 : memref<8x8x128xf32, #tpu.memory_space<vmem>>[vector<16xi32>, vector<16xi32>, vector<16xi32>], vector<16xf32>,
        %parallel_loop3A_631 = arith.addi %parallel_loop3A_541, %and3A_41 : vector<16xi32>
        %parallel_loop3A_632 = arith.constant 0 : i32
        %parallel_loop3A_633 = arith.constant 0 : i32
        %parallel_loop3A_634 = arith.constant 0 : i32
        %parallel_loop3A_635 = tpu.memref_slice %arg7[%parallel_loop3A_632, %parallel_loop3A_633, %parallel_loop3A_634] : memref<4x128x64xf32, #tpu.memory_space<vmem>> -> memref<1x128x64xf32, #tpu.memory_space<vmem>>
        %parallel_loop3A_636 = tpu.memref_squeeze %parallel_loop3A_635 : memref<1x128x64xf32, #tpu.memory_space<vmem>> -> memref<128x64xf32, #tpu.memory_space<vmem>>
        %parallel_loop3A_637 = tpu.vector_load_idx %parallel_loop3A_636[%and3A_149, %parallel_loop3A_631] : memref<128x64xf32, #tpu.memory_space<vmem>>[vector<16xi32>, vector<16xi32>], vector<16xf32>,
        %parallel_loop3A_638 = arith.addi %parallel_loop3A_546, %mul3A_119 : vector<16xi32>
        %parallel_loop3A_639 = arith.constant 0 : i32
        %parallel_loop3A_640 = arith.constant 0 : i32
        %parallel_loop3A_641 = arith.constant 0 : i32
        %parallel_loop3A_642 = arith.constant 0 : i32
        %parallel_loop3A_643 = tpu.memref_slice %arg8[%parallel_loop3A_639, %parallel_loop3A_640, %parallel_loop3A_641, %parallel_loop3A_642] : memref<4x8x8x128xf32, #tpu.memory_space<vmem>> -> memref<1x8x8x128xf32, #tpu.memory_space<vmem>>
        %parallel_loop3A_644 = tpu.memref_squeeze %parallel_loop3A_643 : memref<1x8x8x128xf32, #tpu.memory_space<vmem>> -> memref<8x8x128xf32, #tpu.memory_space<vmem>>
        tpu.vector_store_idx %parallel_loop3A_644[%and3A_149, %and3A_149, %parallel_loop3A_638], %parallel_loop3A_637 : memref<8x8x128xf32, #tpu.memory_space<vmem>>[vector<16xi32>, vector<16xi32>, vector<16xi32>], vector<16xf32>,
        %parallel_loop3A_645 = arith.addi %parallel_loop3A_541, %and3A_47 : vector<16xi32>
        %parallel_loop3A_646 = arith.constant 0 : i32
        %parallel_loop3A_647 = arith.constant 0 : i32
        %parallel_loop3A_648 = arith.constant 0 : i32
        %parallel_loop3A_649 = tpu.memref_slice %arg7[%parallel_loop3A_646, %parallel_loop3A_647, %parallel_loop3A_648] : memref<4x128x64xf32, #tpu.memory_space<vmem>> -> memref<1x128x64xf32, #tpu.memory_space<vmem>>
        %parallel_loop3A_650 = tpu.memref_squeeze %parallel_loop3A_649 : memref<1x128x64xf32, #tpu.memory_space<vmem>> -> memref<128x64xf32, #tpu.memory_space<vmem>>
        %parallel_loop3A_651 = tpu.vector_load_idx %parallel_loop3A_650[%and3A_149, %parallel_loop3A_645] : memref<128x64xf32, #tpu.memory_space<vmem>>[vector<16xi32>, vector<16xi32>], vector<16xf32>,
        %parallel_loop3A_652 = arith.addi %parallel_loop3A_546, %mul3A_122 : vector<16xi32>
        %parallel_loop3A_653 = arith.constant 0 : i32
        %parallel_loop3A_654 = arith.constant 0 : i32
        %parallel_loop3A_655 = arith.constant 0 : i32
        %parallel_loop3A_656 = arith.constant 0 : i32
        %parallel_loop3A_657 = tpu.memref_slice %arg8[%parallel_loop3A_653, %parallel_loop3A_654, %parallel_loop3A_655, %parallel_loop3A_656] : memref<4x8x8x128xf32, #tpu.memory_space<vmem>> -> memref<1x8x8x128xf32, #tpu.memory_space<vmem>>
        %parallel_loop3A_658 = tpu.memref_squeeze %parallel_loop3A_657 : memref<1x8x8x128xf32, #tpu.memory_space<vmem>> -> memref<8x8x128xf32, #tpu.memory_space<vmem>>
        tpu.vector_store_idx %parallel_loop3A_658[%and3A_149, %and3A_149, %parallel_loop3A_652], %parallel_loop3A_651 : memref<8x8x128xf32, #tpu.memory_space<vmem>>[vector<16xi32>, vector<16xi32>, vector<16xi32>], vector<16xf32>,
        %parallel_loop3A_659 = arith.addi %parallel_loop3A_541, %and3A_53 : vector<16xi32>
        %parallel_loop3A_660 = arith.constant 0 : i32
        %parallel_loop3A_661 = arith.constant 0 : i32
        %parallel_loop3A_662 = arith.constant 0 : i32
        %parallel_loop3A_663 = tpu.memref_slice %arg7[%parallel_loop3A_660, %parallel_loop3A_661, %parallel_loop3A_662] : memref<4x128x64xf32, #tpu.memory_space<vmem>> -> memref<1x128x64xf32, #tpu.memory_space<vmem>>
        %parallel_loop3A_664 = tpu.memref_squeeze %parallel_loop3A_663 : memref<1x128x64xf32, #tpu.memory_space<vmem>> -> memref<128x64xf32, #tpu.memory_space<vmem>>
        %parallel_loop3A_665 = tpu.vector_load_idx %parallel_loop3A_664[%and3A_149, %parallel_loop3A_659] : memref<128x64xf32, #tpu.memory_space<vmem>>[vector<16xi32>, vector<16xi32>], vector<16xf32>,
        %parallel_loop3A_666 = arith.addi %parallel_loop3A_546, %mul3A_125 : vector<16xi32>
        %parallel_loop3A_667 = arith.constant 0 : i32
        %parallel_loop3A_668 = arith.constant 0 : i32
        %parallel_loop3A_669 = arith.constant 0 : i32
        %parallel_loop3A_670 = arith.constant 0 : i32
        %parallel_loop3A_671 = tpu.memref_slice %arg8[%parallel_loop3A_667, %parallel_loop3A_668, %parallel_loop3A_669, %parallel_loop3A_670] : memref<4x8x8x128xf32, #tpu.memory_space<vmem>> -> memref<1x8x8x128xf32, #tpu.memory_space<vmem>>
        %parallel_loop3A_672 = tpu.memref_squeeze %parallel_loop3A_671 : memref<1x8x8x128xf32, #tpu.memory_space<vmem>> -> memref<8x8x128xf32, #tpu.memory_space<vmem>>
        tpu.vector_store_idx %parallel_loop3A_672[%and3A_149, %and3A_149, %parallel_loop3A_666], %parallel_loop3A_665 : memref<8x8x128xf32, #tpu.memory_space<vmem>>[vector<16xi32>, vector<16xi32>, vector<16xi32>], vector<16xf32>,
        %parallel_loop3A_673 = arith.addi %parallel_loop3A_541, %and3A_59 : vector<16xi32>
        %parallel_loop3A_674 = arith.constant 0 : i32
        %parallel_loop3A_675 = arith.constant 0 : i32
        %parallel_loop3A_676 = arith.constant 0 : i32
        %parallel_loop3A_677 = tpu.memref_slice %arg7[%parallel_loop3A_674, %parallel_loop3A_675, %parallel_loop3A_676] : memref<4x128x64xf32, #tpu.memory_space<vmem>> -> memref<1x128x64xf32, #tpu.memory_space<vmem>>
        %parallel_loop3A_678 = tpu.memref_squeeze %parallel_loop3A_677 : memref<1x128x64xf32, #tpu.memory_space<vmem>> -> memref<128x64xf32, #tpu.memory_space<vmem>>
        %parallel_loop3A_679 = tpu.vector_load_idx %parallel_loop3A_678[%and3A_149, %parallel_loop3A_673] : memref<128x64xf32, #tpu.memory_space<vmem>>[vector<16xi32>, vector<16xi32>], vector<16xf32>,
        %parallel_loop3A_680 = arith.addi %parallel_loop3A_546, %mul3A_128 : vector<16xi32>
        %parallel_loop3A_681 = arith.constant 0 : i32
        %parallel_loop3A_682 = arith.constant 0 : i32
        %parallel_loop3A_683 = arith.constant 0 : i32
        %parallel_loop3A_684 = arith.constant 0 : i32
        %parallel_loop3A_685 = tpu.memref_slice %arg8[%parallel_loop3A_681, %parallel_loop3A_682, %parallel_loop3A_683, %parallel_loop3A_684] : memref<4x8x8x128xf32, #tpu.memory_space<vmem>> -> memref<1x8x8x128xf32, #tpu.memory_space<vmem>>
        %parallel_loop3A_686 = tpu.memref_squeeze %parallel_loop3A_685 : memref<1x8x8x128xf32, #tpu.memory_space<vmem>> -> memref<8x8x128xf32, #tpu.memory_space<vmem>>
        tpu.vector_store_idx %parallel_loop3A_686[%and3A_149, %and3A_149, %parallel_loop3A_680], %parallel_loop3A_679 : memref<8x8x128xf32, #tpu.memory_space<vmem>>[vector<16xi32>, vector<16xi32>, vector<16xi32>], vector<16xf32>,
        %parallel_loop3A_687 = arith.addi %parallel_loop3A_541, %and3A_65 : vector<16xi32>
        %parallel_loop3A_688 = arith.constant 0 : i32
        %parallel_loop3A_689 = arith.constant 0 : i32
        %parallel_loop3A_690 = arith.constant 0 : i32
        %parallel_loop3A_691 = tpu.memref_slice %arg7[%parallel_loop3A_688, %parallel_loop3A_689, %parallel_loop3A_690] : memref<4x128x64xf32, #tpu.memory_space<vmem>> -> memref<1x128x64xf32, #tpu.memory_space<vmem>>
        %parallel_loop3A_692 = tpu.memref_squeeze %parallel_loop3A_691 : memref<1x128x64xf32, #tpu.memory_space<vmem>> -> memref<128x64xf32, #tpu.memory_space<vmem>>
        %parallel_loop3A_693 = tpu.vector_load_idx %parallel_loop3A_692[%and3A_149, %parallel_loop3A_687] : memref<128x64xf32, #tpu.memory_space<vmem>>[vector<16xi32>, vector<16xi32>], vector<16xf32>,
        %parallel_loop3A_694 = arith.addi %parallel_loop3A_546, %mul3A_131 : vector<16xi32>
        %parallel_loop3A_695 = arith.constant 0 : i32
        %parallel_loop3A_696 = arith.constant 0 : i32
        %parallel_loop3A_697 = arith.constant 0 : i32
        %parallel_loop3A_698 = arith.constant 0 : i32
        %parallel_loop3A_699 = tpu.memref_slice %arg8[%parallel_loop3A_695, %parallel_loop3A_696, %parallel_loop3A_697, %parallel_loop3A_698] : memref<4x8x8x128xf32, #tpu.memory_space<vmem>> -> memref<1x8x8x128xf32, #tpu.memory_space<vmem>>
        %parallel_loop3A_700 = tpu.memref_squeeze %parallel_loop3A_699 : memref<1x8x8x128xf32, #tpu.memory_space<vmem>> -> memref<8x8x128xf32, #tpu.memory_space<vmem>>
        tpu.vector_store_idx %parallel_loop3A_700[%and3A_149, %and3A_149, %parallel_loop3A_694], %parallel_loop3A_693 : memref<8x8x128xf32, #tpu.memory_space<vmem>>[vector<16xi32>, vector<16xi32>, vector<16xi32>], vector<16xf32>,
        %parallel_loop3A_701 = arith.addi %parallel_loop3A_541, %and3A_71 : vector<16xi32>
        %parallel_loop3A_702 = arith.constant 0 : i32
        %parallel_loop3A_703 = arith.constant 0 : i32
        %parallel_loop3A_704 = arith.constant 0 : i32
        %parallel_loop3A_705 = tpu.memref_slice %arg7[%parallel_loop3A_702, %parallel_loop3A_703, %parallel_loop3A_704] : memref<4x128x64xf32, #tpu.memory_space<vmem>> -> memref<1x128x64xf32, #tpu.memory_space<vmem>>
        %parallel_loop3A_706 = tpu.memref_squeeze %parallel_loop3A_705 : memref<1x128x64xf32, #tpu.memory_space<vmem>> -> memref<128x64xf32, #tpu.memory_space<vmem>>
        %parallel_loop3A_707 = tpu.vector_load_idx %parallel_loop3A_706[%and3A_149, %parallel_loop3A_701] : memref<128x64xf32, #tpu.memory_space<vmem>>[vector<16xi32>, vector<16xi32>], vector<16xf32>,
        %parallel_loop3A_708 = arith.addi %parallel_loop3A_546, %mul3A_134 : vector<16xi32>
        %parallel_loop3A_709 = arith.constant 0 : i32
        %parallel_loop3A_710 = arith.constant 0 : i32
        %parallel_loop3A_711 = arith.constant 0 : i32
        %parallel_loop3A_712 = arith.constant 0 : i32
        %parallel_loop3A_713 = tpu.memref_slice %arg8[%parallel_loop3A_709, %parallel_loop3A_710, %parallel_loop3A_711, %parallel_loop3A_712] : memref<4x8x8x128xf32, #tpu.memory_space<vmem>> -> memref<1x8x8x128xf32, #tpu.memory_space<vmem>>
        %parallel_loop3A_714 = tpu.memref_squeeze %parallel_loop3A_713 : memref<1x8x8x128xf32, #tpu.memory_space<vmem>> -> memref<8x8x128xf32, #tpu.memory_space<vmem>>
        tpu.vector_store_idx %parallel_loop3A_714[%and3A_149, %and3A_149, %parallel_loop3A_708], %parallel_loop3A_707 : memref<8x8x128xf32, #tpu.memory_space<vmem>>[vector<16xi32>, vector<16xi32>, vector<16xi32>], vector<16xf32>,
        %parallel_loop3A_715 = arith.addi %parallel_loop3A_541, %and3A_77 : vector<16xi32>
        %parallel_loop3A_716 = arith.constant 0 : i32
        %parallel_loop3A_717 = arith.constant 0 : i32
        %parallel_loop3A_718 = arith.constant 0 : i32
        %parallel_loop3A_719 = tpu.memref_slice %arg7[%parallel_loop3A_716, %parallel_loop3A_717, %parallel_loop3A_718] : memref<4x128x64xf32, #tpu.memory_space<vmem>> -> memref<1x128x64xf32, #tpu.memory_space<vmem>>
        %parallel_loop3A_720 = tpu.memref_squeeze %parallel_loop3A_719 : memref<1x128x64xf32, #tpu.memory_space<vmem>> -> memref<128x64xf32, #tpu.memory_space<vmem>>
        %parallel_loop3A_721 = tpu.vector_load_idx %parallel_loop3A_720[%and3A_149, %parallel_loop3A_715] : memref<128x64xf32, #tpu.memory_space<vmem>>[vector<16xi32>, vector<16xi32>], vector<16xf32>,
        %parallel_loop3A_722 = arith.addi %parallel_loop3A_546, %mul3A_137 : vector<16xi32>
        %parallel_loop3A_723 = arith.constant 0 : i32
        %parallel_loop3A_724 = arith.constant 0 : i32
        %parallel_loop3A_725 = arith.constant 0 : i32
        %parallel_loop3A_726 = arith.constant 0 : i32
        %parallel_loop3A_727 = tpu.memref_slice %arg8[%parallel_loop3A_723, %parallel_loop3A_724, %parallel_loop3A_725, %parallel_loop3A_726] : memref<4x8x8x128xf32, #tpu.memory_space<vmem>> -> memref<1x8x8x128xf32, #tpu.memory_space<vmem>>
        %parallel_loop3A_728 = tpu.memref_squeeze %parallel_loop3A_727 : memref<1x8x8x128xf32, #tpu.memory_space<vmem>> -> memref<8x8x128xf32, #tpu.memory_space<vmem>>
        tpu.vector_store_idx %parallel_loop3A_728[%and3A_149, %and3A_149, %parallel_loop3A_722], %parallel_loop3A_721 : memref<8x8x128xf32, #tpu.memory_space<vmem>>[vector<16xi32>, vector<16xi32>, vector<16xi32>], vector<16xf32>,
        %parallel_loop3A_729 = arith.addi %parallel_loop3A_541, %and3A_83 : vector<16xi32>
        %parallel_loop3A_730 = arith.constant 0 : i32
        %parallel_loop3A_731 = arith.constant 0 : i32
        %parallel_loop3A_732 = arith.constant 0 : i32
        %parallel_loop3A_733 = tpu.memref_slice %arg7[%parallel_loop3A_730, %parallel_loop3A_731, %parallel_loop3A_732] : memref<4x128x64xf32, #tpu.memory_space<vmem>> -> memref<1x128x64xf32, #tpu.memory_space<vmem>>
        %parallel_loop3A_734 = tpu.memref_squeeze %parallel_loop3A_733 : memref<1x128x64xf32, #tpu.memory_space<vmem>> -> memref<128x64xf32, #tpu.memory_space<vmem>>
        %parallel_loop3A_735 = tpu.vector_load_idx %parallel_loop3A_734[%and3A_149, %parallel_loop3A_729] : memref<128x64xf32, #tpu.memory_space<vmem>>[vector<16xi32>, vector<16xi32>], vector<16xf32>,
        %parallel_loop3A_736 = arith.addi %parallel_loop3A_546, %mul3A_140 : vector<16xi32>
        %parallel_loop3A_737 = arith.constant 0 : i32
        %parallel_loop3A_738 = arith.constant 0 : i32
        %parallel_loop3A_739 = arith.constant 0 : i32
        %parallel_loop3A_740 = arith.constant 0 : i32
        %parallel_loop3A_741 = tpu.memref_slice %arg8[%parallel_loop3A_737, %parallel_loop3A_738, %parallel_loop3A_739, %parallel_loop3A_740] : memref<4x8x8x128xf32, #tpu.memory_space<vmem>> -> memref<1x8x8x128xf32, #tpu.memory_space<vmem>>
        %parallel_loop3A_742 = tpu.memref_squeeze %parallel_loop3A_741 : memref<1x8x8x128xf32, #tpu.memory_space<vmem>> -> memref<8x8x128xf32, #tpu.memory_space<vmem>>
        tpu.vector_store_idx %parallel_loop3A_742[%and3A_149, %and3A_149, %parallel_loop3A_736], %parallel_loop3A_735 : memref<8x8x128xf32, #tpu.memory_space<vmem>>[vector<16xi32>, vector<16xi32>, vector<16xi32>], vector<16xf32>,
        %parallel_loop3A_743 = arith.addi %parallel_loop3A_541, %and3A_89 : vector<16xi32>
        %parallel_loop3A_744 = arith.constant 0 : i32
        %parallel_loop3A_745 = arith.constant 0 : i32
        %parallel_loop3A_746 = arith.constant 0 : i32
        %parallel_loop3A_747 = tpu.memref_slice %arg7[%parallel_loop3A_744, %parallel_loop3A_745, %parallel_loop3A_746] : memref<4x128x64xf32, #tpu.memory_space<vmem>> -> memref<1x128x64xf32, #tpu.memory_space<vmem>>
        %parallel_loop3A_748 = tpu.memref_squeeze %parallel_loop3A_747 : memref<1x128x64xf32, #tpu.memory_space<vmem>> -> memref<128x64xf32, #tpu.memory_space<vmem>>
        %parallel_loop3A_749 = tpu.vector_load_idx %parallel_loop3A_748[%and3A_149, %parallel_loop3A_743] : memref<128x64xf32, #tpu.memory_space<vmem>>[vector<16xi32>, vector<16xi32>], vector<16xf32>,
        %parallel_loop3A_750 = arith.addi %parallel_loop3A_546, %mul3A_143 : vector<16xi32>
        %parallel_loop3A_751 = arith.constant 0 : i32
        %parallel_loop3A_752 = arith.constant 0 : i32
        %parallel_loop3A_753 = arith.constant 0 : i32
        %parallel_loop3A_754 = arith.constant 0 : i32
        %parallel_loop3A_755 = tpu.memref_slice %arg8[%parallel_loop3A_751, %parallel_loop3A_752, %parallel_loop3A_753, %parallel_loop3A_754] : memref<4x8x8x128xf32, #tpu.memory_space<vmem>> -> memref<1x8x8x128xf32, #tpu.memory_space<vmem>>
        %parallel_loop3A_756 = tpu.memref_squeeze %parallel_loop3A_755 : memref<1x8x8x128xf32, #tpu.memory_space<vmem>> -> memref<8x8x128xf32, #tpu.memory_space<vmem>>
        tpu.vector_store_idx %parallel_loop3A_756[%and3A_149, %and3A_149, %parallel_loop3A_750], %parallel_loop3A_749 : memref<8x8x128xf32, #tpu.memory_space<vmem>>[vector<16xi32>, vector<16xi32>, vector<16xi32>], vector<16xf32>,
        %parallel_loop3A_757 = arith.addi %parallel_loop3A_541, %and3A_95 : vector<16xi32>
        %parallel_loop3A_758 = arith.constant 0 : i32
        %parallel_loop3A_759 = arith.constant 0 : i32
        %parallel_loop3A_760 = arith.constant 0 : i32
        %parallel_loop3A_761 = tpu.memref_slice %arg7[%parallel_loop3A_758, %parallel_loop3A_759, %parallel_loop3A_760] : memref<4x128x64xf32, #tpu.memory_space<vmem>> -> memref<1x128x64xf32, #tpu.memory_space<vmem>>
        %parallel_loop3A_762 = tpu.memref_squeeze %parallel_loop3A_761 : memref<1x128x64xf32, #tpu.memory_space<vmem>> -> memref<128x64xf32, #tpu.memory_space<vmem>>
        %parallel_loop3A_763 = tpu.vector_load_idx %parallel_loop3A_762[%and3A_149, %parallel_loop3A_757] : memref<128x64xf32, #tpu.memory_space<vmem>>[vector<16xi32>, vector<16xi32>], vector<16xf32>,
        %parallel_loop3A_764 = arith.addi %parallel_loop3A_546, %mul3A_146 : vector<16xi32>
        %parallel_loop3A_765 = arith.constant 0 : i32
        %parallel_loop3A_766 = arith.constant 0 : i32
        %parallel_loop3A_767 = arith.constant 0 : i32
        %parallel_loop3A_768 = arith.constant 0 : i32
        %parallel_loop3A_769 = tpu.memref_slice %arg8[%parallel_loop3A_765, %parallel_loop3A_766, %parallel_loop3A_767, %parallel_loop3A_768] : memref<4x8x8x128xf32, #tpu.memory_space<vmem>> -> memref<1x8x8x128xf32, #tpu.memory_space<vmem>>
        %parallel_loop3A_770 = tpu.memref_squeeze %parallel_loop3A_769 : memref<1x8x8x128xf32, #tpu.memory_space<vmem>> -> memref<8x8x128xf32, #tpu.memory_space<vmem>>
        tpu.vector_store_idx %parallel_loop3A_770[%and3A_149, %and3A_149, %parallel_loop3A_764], %parallel_loop3A_763 : memref<8x8x128xf32, #tpu.memory_space<vmem>>[vector<16xi32>, vector<16xi32>, vector<16xi32>], vector<16xf32>,
      } {sc.loop_unroll_factor = 4 : i64, sc.parallel_access}
      %dma_start3A_322 = arith.constant 0 : i32
      %dma_start3A_323 = arith.constant 0 : i32
      %dma_start3A_324 = arith.constant 0 : i32
      %dma_start3A_325 = arith.constant 0 : i32
      %dma_start3A_326 = tpu.memref_slice %arg8[%dma_start3A_322, %dma_start3A_323, %dma_start3A_324, %dma_start3A_325] : memref<4x8x8x128xf32, #tpu.memory_space<vmem>> -> memref<1x8x8x128xf32, #tpu.memory_space<vmem>>
      %dma_start3A_327 = tpu.memref_squeeze %dma_start3A_326 : memref<1x8x8x128xf32, #tpu.memory_space<vmem>> -> memref<8x8x128xf32, #tpu.memory_space<vmem>>
      %dma_start3A_328 = arith.constant 0 : i32
      %dma_start3A_329 = arith.constant 0 : i32
      %dma_start3A_330 = arith.constant 0 : i32
      %dma_start3A_331 = tpu.memref_slice %arg4[%add3A_291, %dma_start3A_328, %add3A, %dma_start3A_329, %dma_start3A_330] : memref<200x8x32x8x128xf32, #tpu.memory_space<hbm>> -> memref<1x8x1x8x128xf32, #tpu.memory_space<hbm>>
      %dma_start3A_332 = tpu.memref_squeeze %dma_start3A_331 : memref<1x8x1x8x128xf32, #tpu.memory_space<hbm>> -> memref<8x8x128xf32, #tpu.memory_space<hbm>>
      %dma_start3A_333 = arith.constant 0 : i32
      %dma_start3A_334 = arith.constant 0 : i32
      %dma_start3A_335 = arith.constant 0 : i32
      %dma_start3A_336 = tpu.memref_slice %arg4[%add3A_291, %dma_start3A_333, %add3A, %dma_start3A_334, %dma_start3A_335] : memref<200x8x32x8x128xf32, #tpu.memory_space<hbm>> -> memref<1x8x1x8x128xf32, #tpu.memory_space<hbm>>
      %dma_start3A_337 = tpu.memref_squeeze %dma_start3A_336 : memref<1x8x1x8x128xf32, #tpu.memory_space<hbm>> -> memref<8x8x128xf32, #tpu.memory_space<hbm>>
      %dma_start3A_338 = arith.constant 0 : i32
      %dma_start3A_339 = arith.constant 0 : i32
      %dma_start3A_340 = arith.constant 0 : i32
      %dma_start3A_341 = tpu.memref_slice %arg8[%dma_start3A_322, %dma_start3A_338, %dma_start3A_339, %dma_start3A_340] : memref<4x8x8x128xf32, #tpu.memory_space<vmem>> -> memref<1x8x8x128xf32, #tpu.memory_space<vmem>>
      %dma_start3A_342 = tpu.memref_squeeze %dma_start3A_341 : memref<1x8x8x128xf32, #tpu.memory_space<vmem>> -> memref<8x8x128xf32, #tpu.memory_space<vmem>>
      tpu.enqueue_dma source(%dma_start3A_342 : memref<8x8x128xf32, #tpu.memory_space<vmem>>) target(%dma_start3A_337 : memref<8x8x128xf32, #tpu.memory_space<hbm>>) target_semaphore(%arg13 : memref<!tpu.dma_semaphore, #tpu.memory_space<semaphore_mem>>)
      %mul3A_343 = arith.constant 4 : i32
      %mul3A_344 = arith.muli %scan3A_287, %mul3A_343 : i32
      %add3A_345 = arith.constant 1 : i32
      %add3A_346 = arith.addi %mul3A_344, %add3A_345 : i32
      %lt3A = arith.constant 49 : i32
      %lt3A_347 = arith.cmpi slt, %scan3A_287, %lt3A : i32
      %convert_element_type3A_348 = arith.extui %lt3A_347 : i1 to i32
      %cond3A_349 = arith.constant 0 : i32
      %cond3A_350 = arith.cmpi ne, %convert_element_type3A_348, %cond3A_349 : i32
      scf.if %cond3A_350 {
        %add3A_492 = arith.constant 3 : i32
        %add3A_493 = arith.addi %add3A_346, %add3A_492 : i32
        %dma_start3A_494 = arith.constant 0 : i32
        %dma_start3A_495 = arith.constant 0 : i32
        %dma_start3A_496 = arith.constant 0 : i32
        %dma_start3A_497 = tpu.memref_slice %arg7[%dma_start3A_494, %dma_start3A_495, %dma_start3A_496] : memref<4x128x64xf32, #tpu.memory_space<vmem>> -> memref<1x128x64xf32, #tpu.memory_space<vmem>>
        %dma_start3A_498 = tpu.memref_squeeze %dma_start3A_497 : memref<1x128x64xf32, #tpu.memory_space<vmem>> -> memref<128x64xf32, #tpu.memory_space<vmem>>
        %dma_start3A_499 = arith.constant 0 : i32
        %dma_start3A_500 = tpu.memref_slice %arg5[%add3A_493, %dma_start3A_499] : memref<200x128xi32, #tpu.memory_space<vmem>> -> memref<1x128xi32, #tpu.memory_space<vmem>>
        %dma_start3A_501 = tpu.memref_squeeze %dma_start3A_500 : memref<1x128xi32, #tpu.memory_space<vmem>> -> memref<128xi32, #tpu.memory_space<vmem>>
        %dma_start3A_502 = arith.constant 0 : i32
        %dma_start3A_503 = arith.constant 0 : i32
        %dma_start3A_504 = tpu.memref_slice %arg3[%dma_start3A_502, %dma_start3A_503] : memref<100000x64xf32, #tpu.memory_space<hbm>> -> memref<100000x64xf32, #tpu.memory_space<hbm>>
        tpu.enqueue_indirect_dma source(%dma_start3A_504 : memref<100000x64xf32, #tpu.memory_space<hbm>>) target(%dma_start3A_498 : memref<128x64xf32, #tpu.memory_space<vmem>>) offsets(%dma_start3A_501 : memref<128xi32, #tpu.memory_space<vmem>>) semaphore(%arg9 : memref<!tpu.dma_semaphore, #tpu.memory_space<semaphore_mem>>)
      } else {
      }
      %dma_wait3A_351 = arith.constant 0 : i32
      %dma_wait3A_352 = arith.constant 1 : i32
      %dma_wait3A_353 = arith.constant 0 : i32
      %dma_wait3A_354 = arith.constant 0 : i32
      %dma_wait3A_355 = tpu.memref_slice %arg7[%dma_wait3A_352, %dma_wait3A_353, %dma_wait3A_354] : memref<4x128x64xf32, #tpu.memory_space<vmem>> -> memref<1x128x64xf32, #tpu.memory_space<vmem>>
      %dma_wait3A_356 = tpu.memref_squeeze %dma_wait3A_355 : memref<1x128x64xf32, #tpu.memory_space<vmem>> -> memref<128x64xf32, #tpu.memory_space<vmem>>
      %dma_wait3A_357 = arith.constant 0 : i32
      %dma_wait3A_358 = tpu.memref_slice %arg5[%dma_wait3A_351, %dma_wait3A_357] : memref<200x128xi32, #tpu.memory_space<vmem>> -> memref<1x128xi32, #tpu.memory_space<vmem>>
      %dma_wait3A_359 = tpu.memref_squeeze %dma_wait3A_358 : memref<1x128xi32, #tpu.memory_space<vmem>> -> memref<128xi32, #tpu.memory_space<vmem>>
      %dma_wait3A_360 = arith.constant 0 : i32
      %dma_wait3A_361 = arith.constant 0 : i32
      %dma_wait3A_362 = tpu.memref_slice %arg3[%dma_wait3A_360, %dma_wait3A_361] : memref<100000x64xf32, #tpu.memory_space<hbm>> -> memref<100000x64xf32, #tpu.memory_space<hbm>>
      tpu.wait_indirect_dma semaphore(%arg10 : memref<!tpu.dma_semaphore, #tpu.memory_space<semaphore_mem>>) src(%dma_wait3A_362 : memref<100000x64xf32, #tpu.memory_space<hbm>>) dst(%dma_wait3A_356 : memref<128x64xf32, #tpu.memory_space<vmem>>)
      %gt3A_363 = arith.constant 0 : i32
      %gt3A_364 = arith.cmpi sgt, %scan3A_287, %gt3A_363 : i32
      %convert_element_type3A_365 = arith.extui %gt3A_364 : i1 to i32
      %cond3A_366 = arith.constant 0 : i32
      %cond3A_367 = arith.cmpi ne, %convert_element_type3A_365, %cond3A_366 : i32
      scf.if %cond3A_367 {
        %dma_wait3A_492 = arith.constant 1 : i32
        %dma_wait3A_493 = arith.constant 0 : i32
        %dma_wait3A_494 = arith.constant 0 : i32
        %dma_wait3A_495 = arith.constant 0 : i32
        %dma_wait3A_496 = arith.constant 0 : i32
        %dma_wait3A_497 = tpu.memref_slice %arg8[%dma_wait3A_492, %dma_wait3A_494, %dma_wait3A_495, %dma_wait3A_496] : memref<4x8x8x128xf32, #tpu.memory_space<vmem>> -> memref<1x8x8x128xf32, #tpu.memory_space<vmem>>
        %dma_wait3A_498 = tpu.memref_squeeze %dma_wait3A_497 : memref<1x8x8x128xf32, #tpu.memory_space<vmem>> -> memref<8x8x128xf32, #tpu.memory_space<vmem>>
        %dma_wait3A_499 = arith.constant 0 : i32
        %dma_wait3A_500 = arith.constant 0 : i32
        %dma_wait3A_501 = arith.constant 0 : i32
        %dma_wait3A_502 = tpu.memref_slice %arg4[%dma_wait3A_493, %dma_wait3A_499, %add3A, %dma_wait3A_500, %dma_wait3A_501] : memref<200x8x32x8x128xf32, #tpu.memory_space<hbm>> -> memref<1x8x1x8x128xf32, #tpu.memory_space<hbm>>
        %dma_wait3A_503 = tpu.memref_squeeze %dma_wait3A_502 : memref<1x8x1x8x128xf32, #tpu.memory_space<hbm>> -> memref<8x8x128xf32, #tpu.memory_space<hbm>>
        %dma_wait3A_504 = arith.constant 0 : i32
        %dma_wait3A_505 = arith.constant 0 : i32
        %dma_wait3A_506 = arith.constant 0 : i32
        %dma_wait3A_507 = tpu.memref_slice %arg4[%dma_wait3A_493, %dma_wait3A_504, %add3A, %dma_wait3A_505, %dma_wait3A_506] : memref<200x8x32x8x128xf32, #tpu.memory_space<hbm>> -> memref<1x8x1x8x128xf32, #tpu.memory_space<hbm>>
        %dma_wait3A_508 = tpu.memref_squeeze %dma_wait3A_507 : memref<1x8x1x8x128xf32, #tpu.memory_space<hbm>> -> memref<8x8x128xf32, #tpu.memory_space<hbm>>
        %dma_wait3A_509 = arith.constant 0 : i32
        %dma_wait3A_510 = arith.constant 0 : i32
        %dma_wait3A_511 = arith.constant 0 : i32
        %dma_wait3A_512 = tpu.memref_slice %arg8[%dma_wait3A_492, %dma_wait3A_509, %dma_wait3A_510, %dma_wait3A_511] : memref<4x8x8x128xf32, #tpu.memory_space<vmem>> -> memref<1x8x8x128xf32, #tpu.memory_space<vmem>>
        %dma_wait3A_513 = tpu.memref_squeeze %dma_wait3A_512 : memref<1x8x8x128xf32, #tpu.memory_space<vmem>> -> memref<8x8x128xf32, #tpu.memory_space<vmem>>
        tpu.wait_dma2 semaphore(%arg14 : memref<!tpu.dma_semaphore, #tpu.memory_space<semaphore_mem>>) src(%dma_wait3A_513 : memref<8x8x128xf32, #tpu.memory_space<vmem>>) dst(%dma_wait3A_508 : memref<8x8x128xf32, #tpu.memory_space<hbm>>)
      } else {
      }
      %parallel_loop3A_368 = arith.constant 0 : i32
      %parallel_loop3A_369 = arith.constant 32 : i32
      %parallel_loop3A_370 = arith.constant 1 : i32
      scf.for %parallel_loop3A_492 = %parallel_loop3A_368 to %parallel_loop3A_369 step %parallel_loop3A_370  : i32 {
        %parallel_loop3A_493 = arith.constant 8 : i32
        %parallel_loop3A_494 = arith.divsi %parallel_loop3A_492, %parallel_loop3A_493 : i32
        %parallel_loop3A_495 = arith.constant 0 : i32
        %parallel_loop3A_496 = arith.cmpi sgt, %parallel_loop3A_492, %parallel_loop3A_495 : i32
        %parallel_loop3A_497 = arith.extui %parallel_loop3A_496 : i1 to i32
        %parallel_loop3A_498 = arith.constant 0 : i32
        %parallel_loop3A_499 = arith.cmpi slt, %parallel_loop3A_492, %parallel_loop3A_498 : i32
        %parallel_loop3A_500 = arith.extui %parallel_loop3A_499 : i1 to i32
        %parallel_loop3A_501 = arith.subi %parallel_loop3A_497, %parallel_loop3A_500 : i32
        %parallel_loop3A_502 = arith.constant 0 : i32
        %parallel_loop3A_503 = arith.cmpi sgt, %parallel_loop3A_493, %parallel_loop3A_502 : i32
        %parallel_loop3A_504 = arith.extui %parallel_loop3A_503 : i1 to i32
        %parallel_loop3A_505 = arith.constant 0 : i32
        %parallel_loop3A_506 = arith.cmpi slt, %parallel_loop3A_493, %parallel_loop3A_505 : i32
        %parallel_loop3A_507 = arith.extui %parallel_loop3A_506 : i1 to i32
        %parallel_loop3A_508 = arith.subi %parallel_loop3A_504, %parallel_loop3A_507 : i32
        %parallel_loop3A_509 = arith.cmpi ne, %parallel_loop3A_501, %parallel_loop3A_508 : i32
        %parallel_loop3A_510 = arith.remsi %parallel_loop3A_492, %parallel_loop3A_493 : i32
        %parallel_loop3A_511 = arith.constant 0 : i32
        %parallel_loop3A_512 = arith.cmpi ne, %parallel_loop3A_510, %parallel_loop3A_511 : i32
        %parallel_loop3A_513 = arith.andi %parallel_loop3A_509, %parallel_loop3A_512 : i1
        %parallel_loop3A_514 = arith.constant 1 : i32
        %parallel_loop3A_515 = arith.subi %parallel_loop3A_494, %parallel_loop3A_514 : i32
        %parallel_loop3A_516 = arith.select %parallel_loop3A_513, %parallel_loop3A_515, %parallel_loop3A_494 : i32
        %parallel_loop3A_517 = arith.constant 16 : i32
        %parallel_loop3A_518 = arith.muli %parallel_loop3A_516, %parallel_loop3A_517 : i32
        %parallel_loop3A_519 = arith.constant 8 : i32
        %parallel_loop3A_520 = arith.constant 0 : i32
        %parallel_loop3A_521 = arith.cmpi eq, %parallel_loop3A_519, %parallel_loop3A_520 : i32
        %parallel_loop3A_522 = arith.constant 1 : i32
        %parallel_loop3A_523 = arith.select %parallel_loop3A_521, %parallel_loop3A_522, %parallel_loop3A_519 : i32
        %parallel_loop3A_524 = arith.remsi %parallel_loop3A_492, %parallel_loop3A_523 : i32
        %parallel_loop3A_525 = arith.constant 0 : i32
        %parallel_loop3A_526 = arith.cmpi ne, %parallel_loop3A_524, %parallel_loop3A_525 : i32
        %parallel_loop3A_527 = arith.constant 0 : i32
        %parallel_loop3A_528 = arith.cmpi slt, %parallel_loop3A_524, %parallel_loop3A_527 : i32
        %parallel_loop3A_529 = arith.constant 0 : i32
        %parallel_loop3A_530 = arith.cmpi slt, %parallel_loop3A_523, %parallel_loop3A_529 : i32
        %parallel_loop3A_531 = arith.xori %parallel_loop3A_528, %parallel_loop3A_530 : i1
        %parallel_loop3A_532 = arith.andi %parallel_loop3A_531, %parallel_loop3A_526 : i1
        %parallel_loop3A_533 = arith.addi %parallel_loop3A_524, %parallel_loop3A_523 : i32
        %parallel_loop3A_534 = arith.select %parallel_loop3A_532, %parallel_loop3A_533, %parallel_loop3A_524 : i32
        %parallel_loop3A_535 = arith.constant 16 : i32
        %parallel_loop3A_536 = arith.muli %parallel_loop3A_534, %parallel_loop3A_535 : i32
        %parallel_loop3A_537 = arith.constant 64 : i32
        %parallel_loop3A_538 = arith.muli %parallel_loop3A_536, %parallel_loop3A_537 : i32
        %parallel_loop3A_539 = arith.addi %parallel_loop3A_538, %parallel_loop3A_518 : i32
        %parallel_loop3A_540 = vector.broadcast %parallel_loop3A_539 : i32 to vector<16xi32>
        %parallel_loop3A_541 = arith.addi %mul3A_98, %parallel_loop3A_540 : vector<16xi32>
        %parallel_loop3A_542 = arith.constant 128 : i32
        %parallel_loop3A_543 = arith.muli %parallel_loop3A_518, %parallel_loop3A_542 : i32
        %parallel_loop3A_544 = arith.addi %parallel_loop3A_543, %parallel_loop3A_536 : i32
        %parallel_loop3A_545 = vector.broadcast %parallel_loop3A_544 : i32 to vector<16xi32>
        %parallel_loop3A_546 = arith.addi %iota3A, %parallel_loop3A_545 : vector<16xi32>
        %parallel_loop3A_547 = arith.addi %parallel_loop3A_541, %and3A_5 : vector<16xi32>
        %parallel_loop3A_548 = arith.constant 1 : i32
        %parallel_loop3A_549 = arith.constant 0 : i32
        %parallel_loop3A_550 = arith.constant 0 : i32
        %parallel_loop3A_551 = tpu.memref_slice %arg7[%parallel_loop3A_548, %parallel_loop3A_549, %parallel_loop3A_550] : memref<4x128x64xf32, #tpu.memory_space<vmem>> -> memref<1x128x64xf32, #tpu.memory_space<vmem>>
        %parallel_loop3A_552 = tpu.memref_squeeze %parallel_loop3A_551 : memref<1x128x64xf32, #tpu.memory_space<vmem>> -> memref<128x64xf32, #tpu.memory_space<vmem>>
        %parallel_loop3A_553 = tpu.vector_load_idx %parallel_loop3A_552[%and3A_149, %parallel_loop3A_547] : memref<128x64xf32, #tpu.memory_space<vmem>>[vector<16xi32>, vector<16xi32>], vector<16xf32>,
        %parallel_loop3A_554 = arith.addi %parallel_loop3A_546, %mul3A_101 : vector<16xi32>
        %parallel_loop3A_555 = arith.constant 1 : i32
        %parallel_loop3A_556 = arith.constant 0 : i32
        %parallel_loop3A_557 = arith.constant 0 : i32
        %parallel_loop3A_558 = arith.constant 0 : i32
        %parallel_loop3A_559 = tpu.memref_slice %arg8[%parallel_loop3A_555, %parallel_loop3A_556, %parallel_loop3A_557, %parallel_loop3A_558] : memref<4x8x8x128xf32, #tpu.memory_space<vmem>> -> memref<1x8x8x128xf32, #tpu.memory_space<vmem>>
        %parallel_loop3A_560 = tpu.memref_squeeze %parallel_loop3A_559 : memref<1x8x8x128xf32, #tpu.memory_space<vmem>> -> memref<8x8x128xf32, #tpu.memory_space<vmem>>
        tpu.vector_store_idx %parallel_loop3A_560[%and3A_149, %and3A_149, %parallel_loop3A_554], %parallel_loop3A_553 : memref<8x8x128xf32, #tpu.memory_space<vmem>>[vector<16xi32>, vector<16xi32>, vector<16xi32>], vector<16xf32>,
        %parallel_loop3A_561 = arith.addi %parallel_loop3A_541, %and3A_11 : vector<16xi32>
        %parallel_loop3A_562 = arith.constant 1 : i32
        %parallel_loop3A_563 = arith.constant 0 : i32
        %parallel_loop3A_564 = arith.constant 0 : i32
        %parallel_loop3A_565 = tpu.memref_slice %arg7[%parallel_loop3A_562, %parallel_loop3A_563, %parallel_loop3A_564] : memref<4x128x64xf32, #tpu.memory_space<vmem>> -> memref<1x128x64xf32, #tpu.memory_space<vmem>>
        %parallel_loop3A_566 = tpu.memref_squeeze %parallel_loop3A_565 : memref<1x128x64xf32, #tpu.memory_space<vmem>> -> memref<128x64xf32, #tpu.memory_space<vmem>>
        %parallel_loop3A_567 = tpu.vector_load_idx %parallel_loop3A_566[%and3A_149, %parallel_loop3A_561] : memref<128x64xf32, #tpu.memory_space<vmem>>[vector<16xi32>, vector<16xi32>], vector<16xf32>,
        %parallel_loop3A_568 = arith.addi %parallel_loop3A_546, %mul3A_104 : vector<16xi32>
        %parallel_loop3A_569 = arith.constant 1 : i32
        %parallel_loop3A_570 = arith.constant 0 : i32
        %parallel_loop3A_571 = arith.constant 0 : i32
        %parallel_loop3A_572 = arith.constant 0 : i32
        %parallel_loop3A_573 = tpu.memref_slice %arg8[%parallel_loop3A_569, %parallel_loop3A_570, %parallel_loop3A_571, %parallel_loop3A_572] : memref<4x8x8x128xf32, #tpu.memory_space<vmem>> -> memref<1x8x8x128xf32, #tpu.memory_space<vmem>>
        %parallel_loop3A_574 = tpu.memref_squeeze %parallel_loop3A_573 : memref<1x8x8x128xf32, #tpu.memory_space<vmem>> -> memref<8x8x128xf32, #tpu.memory_space<vmem>>
        tpu.vector_store_idx %parallel_loop3A_574[%and3A_149, %and3A_149, %parallel_loop3A_568], %parallel_loop3A_567 : memref<8x8x128xf32, #tpu.memory_space<vmem>>[vector<16xi32>, vector<16xi32>, vector<16xi32>], vector<16xf32>,
        %parallel_loop3A_575 = arith.addi %parallel_loop3A_541, %and3A_17 : vector<16xi32>
        %parallel_loop3A_576 = arith.constant 1 : i32
        %parallel_loop3A_577 = arith.constant 0 : i32
        %parallel_loop3A_578 = arith.constant 0 : i32
        %parallel_loop3A_579 = tpu.memref_slice %arg7[%parallel_loop3A_576, %parallel_loop3A_577, %parallel_loop3A_578] : memref<4x128x64xf32, #tpu.memory_space<vmem>> -> memref<1x128x64xf32, #tpu.memory_space<vmem>>
        %parallel_loop3A_580 = tpu.memref_squeeze %parallel_loop3A_579 : memref<1x128x64xf32, #tpu.memory_space<vmem>> -> memref<128x64xf32, #tpu.memory_space<vmem>>
        %parallel_loop3A_581 = tpu.vector_load_idx %parallel_loop3A_580[%and3A_149, %parallel_loop3A_575] : memref<128x64xf32, #tpu.memory_space<vmem>>[vector<16xi32>, vector<16xi32>], vector<16xf32>,
        %parallel_loop3A_582 = arith.addi %parallel_loop3A_546, %mul3A_107 : vector<16xi32>
        %parallel_loop3A_583 = arith.constant 1 : i32
        %parallel_loop3A_584 = arith.constant 0 : i32
        %parallel_loop3A_585 = arith.constant 0 : i32
        %parallel_loop3A_586 = arith.constant 0 : i32
        %parallel_loop3A_587 = tpu.memref_slice %arg8[%parallel_loop3A_583, %parallel_loop3A_584, %parallel_loop3A_585, %parallel_loop3A_586] : memref<4x8x8x128xf32, #tpu.memory_space<vmem>> -> memref<1x8x8x128xf32, #tpu.memory_space<vmem>>
        %parallel_loop3A_588 = tpu.memref_squeeze %parallel_loop3A_587 : memref<1x8x8x128xf32, #tpu.memory_space<vmem>> -> memref<8x8x128xf32, #tpu.memory_space<vmem>>
        tpu.vector_store_idx %parallel_loop3A_588[%and3A_149, %and3A_149, %parallel_loop3A_582], %parallel_loop3A_581 : memref<8x8x128xf32, #tpu.memory_space<vmem>>[vector<16xi32>, vector<16xi32>, vector<16xi32>], vector<16xf32>,
        %parallel_loop3A_589 = arith.addi %parallel_loop3A_541, %and3A_23 : vector<16xi32>
        %parallel_loop3A_590 = arith.constant 1 : i32
        %parallel_loop3A_591 = arith.constant 0 : i32
        %parallel_loop3A_592 = arith.constant 0 : i32
        %parallel_loop3A_593 = tpu.memref_slice %arg7[%parallel_loop3A_590, %parallel_loop3A_591, %parallel_loop3A_592] : memref<4x128x64xf32, #tpu.memory_space<vmem>> -> memref<1x128x64xf32, #tpu.memory_space<vmem>>
        %parallel_loop3A_594 = tpu.memref_squeeze %parallel_loop3A_593 : memref<1x128x64xf32, #tpu.memory_space<vmem>> -> memref<128x64xf32, #tpu.memory_space<vmem>>
        %parallel_loop3A_595 = tpu.vector_load_idx %parallel_loop3A_594[%and3A_149, %parallel_loop3A_589] : memref<128x64xf32, #tpu.memory_space<vmem>>[vector<16xi32>, vector<16xi32>], vector<16xf32>,
        %parallel_loop3A_596 = arith.addi %parallel_loop3A_546, %mul3A_110 : vector<16xi32>
        %parallel_loop3A_597 = arith.constant 1 : i32
        %parallel_loop3A_598 = arith.constant 0 : i32
        %parallel_loop3A_599 = arith.constant 0 : i32
        %parallel_loop3A_600 = arith.constant 0 : i32
        %parallel_loop3A_601 = tpu.memref_slice %arg8[%parallel_loop3A_597, %parallel_loop3A_598, %parallel_loop3A_599, %parallel_loop3A_600] : memref<4x8x8x128xf32, #tpu.memory_space<vmem>> -> memref<1x8x8x128xf32, #tpu.memory_space<vmem>>
        %parallel_loop3A_602 = tpu.memref_squeeze %parallel_loop3A_601 : memref<1x8x8x128xf32, #tpu.memory_space<vmem>> -> memref<8x8x128xf32, #tpu.memory_space<vmem>>
        tpu.vector_store_idx %parallel_loop3A_602[%and3A_149, %and3A_149, %parallel_loop3A_596], %parallel_loop3A_595 : memref<8x8x128xf32, #tpu.memory_space<vmem>>[vector<16xi32>, vector<16xi32>, vector<16xi32>], vector<16xf32>,
        %parallel_loop3A_603 = arith.addi %parallel_loop3A_541, %and3A_29 : vector<16xi32>
        %parallel_loop3A_604 = arith.constant 1 : i32
        %parallel_loop3A_605 = arith.constant 0 : i32
        %parallel_loop3A_606 = arith.constant 0 : i32
        %parallel_loop3A_607 = tpu.memref_slice %arg7[%parallel_loop3A_604, %parallel_loop3A_605, %parallel_loop3A_606] : memref<4x128x64xf32, #tpu.memory_space<vmem>> -> memref<1x128x64xf32, #tpu.memory_space<vmem>>
        %parallel_loop3A_608 = tpu.memref_squeeze %parallel_loop3A_607 : memref<1x128x64xf32, #tpu.memory_space<vmem>> -> memref<128x64xf32, #tpu.memory_space<vmem>>
        %parallel_loop3A_609 = tpu.vector_load_idx %parallel_loop3A_608[%and3A_149, %parallel_loop3A_603] : memref<128x64xf32, #tpu.memory_space<vmem>>[vector<16xi32>, vector<16xi32>], vector<16xf32>,
        %parallel_loop3A_610 = arith.addi %parallel_loop3A_546, %mul3A_113 : vector<16xi32>
        %parallel_loop3A_611 = arith.constant 1 : i32
        %parallel_loop3A_612 = arith.constant 0 : i32
        %parallel_loop3A_613 = arith.constant 0 : i32
        %parallel_loop3A_614 = arith.constant 0 : i32
        %parallel_loop3A_615 = tpu.memref_slice %arg8[%parallel_loop3A_611, %parallel_loop3A_612, %parallel_loop3A_613, %parallel_loop3A_614] : memref<4x8x8x128xf32, #tpu.memory_space<vmem>> -> memref<1x8x8x128xf32, #tpu.memory_space<vmem>>
        %parallel_loop3A_616 = tpu.memref_squeeze %parallel_loop3A_615 : memref<1x8x8x128xf32, #tpu.memory_space<vmem>> -> memref<8x8x128xf32, #tpu.memory_space<vmem>>
        tpu.vector_store_idx %parallel_loop3A_616[%and3A_149, %and3A_149, %parallel_loop3A_610], %parallel_loop3A_609 : memref<8x8x128xf32, #tpu.memory_space<vmem>>[vector<16xi32>, vector<16xi32>, vector<16xi32>], vector<16xf32>,
        %parallel_loop3A_617 = arith.addi %parallel_loop3A_541, %and3A_35 : vector<16xi32>
        %parallel_loop3A_618 = arith.constant 1 : i32
        %parallel_loop3A_619 = arith.constant 0 : i32
        %parallel_loop3A_620 = arith.constant 0 : i32
        %parallel_loop3A_621 = tpu.memref_slice %arg7[%parallel_loop3A_618, %parallel_loop3A_619, %parallel_loop3A_620] : memref<4x128x64xf32, #tpu.memory_space<vmem>> -> memref<1x128x64xf32, #tpu.memory_space<vmem>>
        %parallel_loop3A_622 = tpu.memref_squeeze %parallel_loop3A_621 : memref<1x128x64xf32, #tpu.memory_space<vmem>> -> memref<128x64xf32, #tpu.memory_space<vmem>>
        %parallel_loop3A_623 = tpu.vector_load_idx %parallel_loop3A_622[%and3A_149, %parallel_loop3A_617] : memref<128x64xf32, #tpu.memory_space<vmem>>[vector<16xi32>, vector<16xi32>], vector<16xf32>,
        %parallel_loop3A_624 = arith.addi %parallel_loop3A_546, %mul3A_116 : vector<16xi32>
        %parallel_loop3A_625 = arith.constant 1 : i32
        %parallel_loop3A_626 = arith.constant 0 : i32
        %parallel_loop3A_627 = arith.constant 0 : i32
        %parallel_loop3A_628 = arith.constant 0 : i32
        %parallel_loop3A_629 = tpu.memref_slice %arg8[%parallel_loop3A_625, %parallel_loop3A_626, %parallel_loop3A_627, %parallel_loop3A_628] : memref<4x8x8x128xf32, #tpu.memory_space<vmem>> -> memref<1x8x8x128xf32, #tpu.memory_space<vmem>>
        %parallel_loop3A_630 = tpu.memref_squeeze %parallel_loop3A_629 : memref<1x8x8x128xf32, #tpu.memory_space<vmem>> -> memref<8x8x128xf32, #tpu.memory_space<vmem>>
        tpu.vector_store_idx %parallel_loop3A_630[%and3A_149, %and3A_149, %parallel_loop3A_624], %parallel_loop3A_623 : memref<8x8x128xf32, #tpu.memory_space<vmem>>[vector<16xi32>, vector<16xi32>, vector<16xi32>], vector<16xf32>,
        %parallel_loop3A_631 = arith.addi %parallel_loop3A_541, %and3A_41 : vector<16xi32>
        %parallel_loop3A_632 = arith.constant 1 : i32
        %parallel_loop3A_633 = arith.constant 0 : i32
        %parallel_loop3A_634 = arith.constant 0 : i32
        %parallel_loop3A_635 = tpu.memref_slice %arg7[%parallel_loop3A_632, %parallel_loop3A_633, %parallel_loop3A_634] : memref<4x128x64xf32, #tpu.memory_space<vmem>> -> memref<1x128x64xf32, #tpu.memory_space<vmem>>
        %parallel_loop3A_636 = tpu.memref_squeeze %parallel_loop3A_635 : memref<1x128x64xf32, #tpu.memory_space<vmem>> -> memref<128x64xf32, #tpu.memory_space<vmem>>
        %parallel_loop3A_637 = tpu.vector_load_idx %parallel_loop3A_636[%and3A_149, %parallel_loop3A_631] : memref<128x64xf32, #tpu.memory_space<vmem>>[vector<16xi32>, vector<16xi32>], vector<16xf32>,
        %parallel_loop3A_638 = arith.addi %parallel_loop3A_546, %mul3A_119 : vector<16xi32>
        %parallel_loop3A_639 = arith.constant 1 : i32
        %parallel_loop3A_640 = arith.constant 0 : i32
        %parallel_loop3A_641 = arith.constant 0 : i32
        %parallel_loop3A_642 = arith.constant 0 : i32
        %parallel_loop3A_643 = tpu.memref_slice %arg8[%parallel_loop3A_639, %parallel_loop3A_640, %parallel_loop3A_641, %parallel_loop3A_642] : memref<4x8x8x128xf32, #tpu.memory_space<vmem>> -> memref<1x8x8x128xf32, #tpu.memory_space<vmem>>
        %parallel_loop3A_644 = tpu.memref_squeeze %parallel_loop3A_643 : memref<1x8x8x128xf32, #tpu.memory_space<vmem>> -> memref<8x8x128xf32, #tpu.memory_space<vmem>>
        tpu.vector_store_idx %parallel_loop3A_644[%and3A_149, %and3A_149, %parallel_loop3A_638], %parallel_loop3A_637 : memref<8x8x128xf32, #tpu.memory_space<vmem>>[vector<16xi32>, vector<16xi32>, vector<16xi32>], vector<16xf32>,
        %parallel_loop3A_645 = arith.addi %parallel_loop3A_541, %and3A_47 : vector<16xi32>
        %parallel_loop3A_646 = arith.constant 1 : i32
        %parallel_loop3A_647 = arith.constant 0 : i32
        %parallel_loop3A_648 = arith.constant 0 : i32
        %parallel_loop3A_649 = tpu.memref_slice %arg7[%parallel_loop3A_646, %parallel_loop3A_647, %parallel_loop3A_648] : memref<4x128x64xf32, #tpu.memory_space<vmem>> -> memref<1x128x64xf32, #tpu.memory_space<vmem>>
        %parallel_loop3A_650 = tpu.memref_squeeze %parallel_loop3A_649 : memref<1x128x64xf32, #tpu.memory_space<vmem>> -> memref<128x64xf32, #tpu.memory_space<vmem>>
        %parallel_loop3A_651 = tpu.vector_load_idx %parallel_loop3A_650[%and3A_149, %parallel_loop3A_645] : memref<128x64xf32, #tpu.memory_space<vmem>>[vector<16xi32>, vector<16xi32>], vector<16xf32>,
        %parallel_loop3A_652 = arith.addi %parallel_loop3A_546, %mul3A_122 : vector<16xi32>
        %parallel_loop3A_653 = arith.constant 1 : i32
        %parallel_loop3A_654 = arith.constant 0 : i32
        %parallel_loop3A_655 = arith.constant 0 : i32
        %parallel_loop3A_656 = arith.constant 0 : i32
        %parallel_loop3A_657 = tpu.memref_slice %arg8[%parallel_loop3A_653, %parallel_loop3A_654, %parallel_loop3A_655, %parallel_loop3A_656] : memref<4x8x8x128xf32, #tpu.memory_space<vmem>> -> memref<1x8x8x128xf32, #tpu.memory_space<vmem>>
        %parallel_loop3A_658 = tpu.memref_squeeze %parallel_loop3A_657 : memref<1x8x8x128xf32, #tpu.memory_space<vmem>> -> memref<8x8x128xf32, #tpu.memory_space<vmem>>
        tpu.vector_store_idx %parallel_loop3A_658[%and3A_149, %and3A_149, %parallel_loop3A_652], %parallel_loop3A_651 : memref<8x8x128xf32, #tpu.memory_space<vmem>>[vector<16xi32>, vector<16xi32>, vector<16xi32>], vector<16xf32>,
        %parallel_loop3A_659 = arith.addi %parallel_loop3A_541, %and3A_53 : vector<16xi32>
        %parallel_loop3A_660 = arith.constant 1 : i32
        %parallel_loop3A_661 = arith.constant 0 : i32
        %parallel_loop3A_662 = arith.constant 0 : i32
        %parallel_loop3A_663 = tpu.memref_slice %arg7[%parallel_loop3A_660, %parallel_loop3A_661, %parallel_loop3A_662] : memref<4x128x64xf32, #tpu.memory_space<vmem>> -> memref<1x128x64xf32, #tpu.memory_space<vmem>>
        %parallel_loop3A_664 = tpu.memref_squeeze %parallel_loop3A_663 : memref<1x128x64xf32, #tpu.memory_space<vmem>> -> memref<128x64xf32, #tpu.memory_space<vmem>>
        %parallel_loop3A_665 = tpu.vector_load_idx %parallel_loop3A_664[%and3A_149, %parallel_loop3A_659] : memref<128x64xf32, #tpu.memory_space<vmem>>[vector<16xi32>, vector<16xi32>], vector<16xf32>,
        %parallel_loop3A_666 = arith.addi %parallel_loop3A_546, %mul3A_125 : vector<16xi32>
        %parallel_loop3A_667 = arith.constant 1 : i32
        %parallel_loop3A_668 = arith.constant 0 : i32
        %parallel_loop3A_669 = arith.constant 0 : i32
        %parallel_loop3A_670 = arith.constant 0 : i32
        %parallel_loop3A_671 = tpu.memref_slice %arg8[%parallel_loop3A_667, %parallel_loop3A_668, %parallel_loop3A_669, %parallel_loop3A_670] : memref<4x8x8x128xf32, #tpu.memory_space<vmem>> -> memref<1x8x8x128xf32, #tpu.memory_space<vmem>>
        %parallel_loop3A_672 = tpu.memref_squeeze %parallel_loop3A_671 : memref<1x8x8x128xf32, #tpu.memory_space<vmem>> -> memref<8x8x128xf32, #tpu.memory_space<vmem>>
        tpu.vector_store_idx %parallel_loop3A_672[%and3A_149, %and3A_149, %parallel_loop3A_666], %parallel_loop3A_665 : memref<8x8x128xf32, #tpu.memory_space<vmem>>[vector<16xi32>, vector<16xi32>, vector<16xi32>], vector<16xf32>,
        %parallel_loop3A_673 = arith.addi %parallel_loop3A_541, %and3A_59 : vector<16xi32>
        %parallel_loop3A_674 = arith.constant 1 : i32
        %parallel_loop3A_675 = arith.constant 0 : i32
        %parallel_loop3A_676 = arith.constant 0 : i32
        %parallel_loop3A_677 = tpu.memref_slice %arg7[%parallel_loop3A_674, %parallel_loop3A_675, %parallel_loop3A_676] : memref<4x128x64xf32, #tpu.memory_space<vmem>> -> memref<1x128x64xf32, #tpu.memory_space<vmem>>
        %parallel_loop3A_678 = tpu.memref_squeeze %parallel_loop3A_677 : memref<1x128x64xf32, #tpu.memory_space<vmem>> -> memref<128x64xf32, #tpu.memory_space<vmem>>
        %parallel_loop3A_679 = tpu.vector_load_idx %parallel_loop3A_678[%and3A_149, %parallel_loop3A_673] : memref<128x64xf32, #tpu.memory_space<vmem>>[vector<16xi32>, vector<16xi32>], vector<16xf32>,
        %parallel_loop3A_680 = arith.addi %parallel_loop3A_546, %mul3A_128 : vector<16xi32>
        %parallel_loop3A_681 = arith.constant 1 : i32
        %parallel_loop3A_682 = arith.constant 0 : i32
        %parallel_loop3A_683 = arith.constant 0 : i32
        %parallel_loop3A_684 = arith.constant 0 : i32
        %parallel_loop3A_685 = tpu.memref_slice %arg8[%parallel_loop3A_681, %parallel_loop3A_682, %parallel_loop3A_683, %parallel_loop3A_684] : memref<4x8x8x128xf32, #tpu.memory_space<vmem>> -> memref<1x8x8x128xf32, #tpu.memory_space<vmem>>
        %parallel_loop3A_686 = tpu.memref_squeeze %parallel_loop3A_685 : memref<1x8x8x128xf32, #tpu.memory_space<vmem>> -> memref<8x8x128xf32, #tpu.memory_space<vmem>>
        tpu.vector_store_idx %parallel_loop3A_686[%and3A_149, %and3A_149, %parallel_loop3A_680], %parallel_loop3A_679 : memref<8x8x128xf32, #tpu.memory_space<vmem>>[vector<16xi32>, vector<16xi32>, vector<16xi32>], vector<16xf32>,
        %parallel_loop3A_687 = arith.addi %parallel_loop3A_541, %and3A_65 : vector<16xi32>
        %parallel_loop3A_688 = arith.constant 1 : i32
        %parallel_loop3A_689 = arith.constant 0 : i32
        %parallel_loop3A_690 = arith.constant 0 : i32
        %parallel_loop3A_691 = tpu.memref_slice %arg7[%parallel_loop3A_688, %parallel_loop3A_689, %parallel_loop3A_690] : memref<4x128x64xf32, #tpu.memory_space<vmem>> -> memref<1x128x64xf32, #tpu.memory_space<vmem>>
        %parallel_loop3A_692 = tpu.memref_squeeze %parallel_loop3A_691 : memref<1x128x64xf32, #tpu.memory_space<vmem>> -> memref<128x64xf32, #tpu.memory_space<vmem>>
        %parallel_loop3A_693 = tpu.vector_load_idx %parallel_loop3A_692[%and3A_149, %parallel_loop3A_687] : memref<128x64xf32, #tpu.memory_space<vmem>>[vector<16xi32>, vector<16xi32>], vector<16xf32>,
        %parallel_loop3A_694 = arith.addi %parallel_loop3A_546, %mul3A_131 : vector<16xi32>
        %parallel_loop3A_695 = arith.constant 1 : i32
        %parallel_loop3A_696 = arith.constant 0 : i32
        %parallel_loop3A_697 = arith.constant 0 : i32
        %parallel_loop3A_698 = arith.constant 0 : i32
        %parallel_loop3A_699 = tpu.memref_slice %arg8[%parallel_loop3A_695, %parallel_loop3A_696, %parallel_loop3A_697, %parallel_loop3A_698] : memref<4x8x8x128xf32, #tpu.memory_space<vmem>> -> memref<1x8x8x128xf32, #tpu.memory_space<vmem>>
        %parallel_loop3A_700 = tpu.memref_squeeze %parallel_loop3A_699 : memref<1x8x8x128xf32, #tpu.memory_space<vmem>> -> memref<8x8x128xf32, #tpu.memory_space<vmem>>
        tpu.vector_store_idx %parallel_loop3A_700[%and3A_149, %and3A_149, %parallel_loop3A_694], %parallel_loop3A_693 : memref<8x8x128xf32, #tpu.memory_space<vmem>>[vector<16xi32>, vector<16xi32>, vector<16xi32>], vector<16xf32>,
        %parallel_loop3A_701 = arith.addi %parallel_loop3A_541, %and3A_71 : vector<16xi32>
        %parallel_loop3A_702 = arith.constant 1 : i32
        %parallel_loop3A_703 = arith.constant 0 : i32
        %parallel_loop3A_704 = arith.constant 0 : i32
        %parallel_loop3A_705 = tpu.memref_slice %arg7[%parallel_loop3A_702, %parallel_loop3A_703, %parallel_loop3A_704] : memref<4x128x64xf32, #tpu.memory_space<vmem>> -> memref<1x128x64xf32, #tpu.memory_space<vmem>>
        %parallel_loop3A_706 = tpu.memref_squeeze %parallel_loop3A_705 : memref<1x128x64xf32, #tpu.memory_space<vmem>> -> memref<128x64xf32, #tpu.memory_space<vmem>>
        %parallel_loop3A_707 = tpu.vector_load_idx %parallel_loop3A_706[%and3A_149, %parallel_loop3A_701] : memref<128x64xf32, #tpu.memory_space<vmem>>[vector<16xi32>, vector<16xi32>], vector<16xf32>,
        %parallel_loop3A_708 = arith.addi %parallel_loop3A_546, %mul3A_134 : vector<16xi32>
        %parallel_loop3A_709 = arith.constant 1 : i32
        %parallel_loop3A_710 = arith.constant 0 : i32
        %parallel_loop3A_711 = arith.constant 0 : i32
        %parallel_loop3A_712 = arith.constant 0 : i32
        %parallel_loop3A_713 = tpu.memref_slice %arg8[%parallel_loop3A_709, %parallel_loop3A_710, %parallel_loop3A_711, %parallel_loop3A_712] : memref<4x8x8x128xf32, #tpu.memory_space<vmem>> -> memref<1x8x8x128xf32, #tpu.memory_space<vmem>>
        %parallel_loop3A_714 = tpu.memref_squeeze %parallel_loop3A_713 : memref<1x8x8x128xf32, #tpu.memory_space<vmem>> -> memref<8x8x128xf32, #tpu.memory_space<vmem>>
        tpu.vector_store_idx %parallel_loop3A_714[%and3A_149, %and3A_149, %parallel_loop3A_708], %parallel_loop3A_707 : memref<8x8x128xf32, #tpu.memory_space<vmem>>[vector<16xi32>, vector<16xi32>, vector<16xi32>], vector<16xf32>,
        %parallel_loop3A_715 = arith.addi %parallel_loop3A_541, %and3A_77 : vector<16xi32>
        %parallel_loop3A_716 = arith.constant 1 : i32
        %parallel_loop3A_717 = arith.constant 0 : i32
        %parallel_loop3A_718 = arith.constant 0 : i32
        %parallel_loop3A_719 = tpu.memref_slice %arg7[%parallel_loop3A_716, %parallel_loop3A_717, %parallel_loop3A_718] : memref<4x128x64xf32, #tpu.memory_space<vmem>> -> memref<1x128x64xf32, #tpu.memory_space<vmem>>
        %parallel_loop3A_720 = tpu.memref_squeeze %parallel_loop3A_719 : memref<1x128x64xf32, #tpu.memory_space<vmem>> -> memref<128x64xf32, #tpu.memory_space<vmem>>
        %parallel_loop3A_721 = tpu.vector_load_idx %parallel_loop3A_720[%and3A_149, %parallel_loop3A_715] : memref<128x64xf32, #tpu.memory_space<vmem>>[vector<16xi32>, vector<16xi32>], vector<16xf32>,
        %parallel_loop3A_722 = arith.addi %parallel_loop3A_546, %mul3A_137 : vector<16xi32>
        %parallel_loop3A_723 = arith.constant 1 : i32
        %parallel_loop3A_724 = arith.constant 0 : i32
        %parallel_loop3A_725 = arith.constant 0 : i32
        %parallel_loop3A_726 = arith.constant 0 : i32
        %parallel_loop3A_727 = tpu.memref_slice %arg8[%parallel_loop3A_723, %parallel_loop3A_724, %parallel_loop3A_725, %parallel_loop3A_726] : memref<4x8x8x128xf32, #tpu.memory_space<vmem>> -> memref<1x8x8x128xf32, #tpu.memory_space<vmem>>
        %parallel_loop3A_728 = tpu.memref_squeeze %parallel_loop3A_727 : memref<1x8x8x128xf32, #tpu.memory_space<vmem>> -> memref<8x8x128xf32, #tpu.memory_space<vmem>>
        tpu.vector_store_idx %parallel_loop3A_728[%and3A_149, %and3A_149, %parallel_loop3A_722], %parallel_loop3A_721 : memref<8x8x128xf32, #tpu.memory_space<vmem>>[vector<16xi32>, vector<16xi32>, vector<16xi32>], vector<16xf32>,
        %parallel_loop3A_729 = arith.addi %parallel_loop3A_541, %and3A_83 : vector<16xi32>
        %parallel_loop3A_730 = arith.constant 1 : i32
        %parallel_loop3A_731 = arith.constant 0 : i32
        %parallel_loop3A_732 = arith.constant 0 : i32
        %parallel_loop3A_733 = tpu.memref_slice %arg7[%parallel_loop3A_730, %parallel_loop3A_731, %parallel_loop3A_732] : memref<4x128x64xf32, #tpu.memory_space<vmem>> -> memref<1x128x64xf32, #tpu.memory_space<vmem>>
        %parallel_loop3A_734 = tpu.memref_squeeze %parallel_loop3A_733 : memref<1x128x64xf32, #tpu.memory_space<vmem>> -> memref<128x64xf32, #tpu.memory_space<vmem>>
        %parallel_loop3A_735 = tpu.vector_load_idx %parallel_loop3A_734[%and3A_149, %parallel_loop3A_729] : memref<128x64xf32, #tpu.memory_space<vmem>>[vector<16xi32>, vector<16xi32>], vector<16xf32>,
        %parallel_loop3A_736 = arith.addi %parallel_loop3A_546, %mul3A_140 : vector<16xi32>
        %parallel_loop3A_737 = arith.constant 1 : i32
        %parallel_loop3A_738 = arith.constant 0 : i32
        %parallel_loop3A_739 = arith.constant 0 : i32
        %parallel_loop3A_740 = arith.constant 0 : i32
        %parallel_loop3A_741 = tpu.memref_slice %arg8[%parallel_loop3A_737, %parallel_loop3A_738, %parallel_loop3A_739, %parallel_loop3A_740] : memref<4x8x8x128xf32, #tpu.memory_space<vmem>> -> memref<1x8x8x128xf32, #tpu.memory_space<vmem>>
        %parallel_loop3A_742 = tpu.memref_squeeze %parallel_loop3A_741 : memref<1x8x8x128xf32, #tpu.memory_space<vmem>> -> memref<8x8x128xf32, #tpu.memory_space<vmem>>
        tpu.vector_store_idx %parallel_loop3A_742[%and3A_149, %and3A_149, %parallel_loop3A_736], %parallel_loop3A_735 : memref<8x8x128xf32, #tpu.memory_space<vmem>>[vector<16xi32>, vector<16xi32>, vector<16xi32>], vector<16xf32>,
        %parallel_loop3A_743 = arith.addi %parallel_loop3A_541, %and3A_89 : vector<16xi32>
        %parallel_loop3A_744 = arith.constant 1 : i32
        %parallel_loop3A_745 = arith.constant 0 : i32
        %parallel_loop3A_746 = arith.constant 0 : i32
        %parallel_loop3A_747 = tpu.memref_slice %arg7[%parallel_loop3A_744, %parallel_loop3A_745, %parallel_loop3A_746] : memref<4x128x64xf32, #tpu.memory_space<vmem>> -> memref<1x128x64xf32, #tpu.memory_space<vmem>>
        %parallel_loop3A_748 = tpu.memref_squeeze %parallel_loop3A_747 : memref<1x128x64xf32, #tpu.memory_space<vmem>> -> memref<128x64xf32, #tpu.memory_space<vmem>>
        %parallel_loop3A_749 = tpu.vector_load_idx %parallel_loop3A_748[%and3A_149, %parallel_loop3A_743] : memref<128x64xf32, #tpu.memory_space<vmem>>[vector<16xi32>, vector<16xi32>], vector<16xf32>,
        %parallel_loop3A_750 = arith.addi %parallel_loop3A_546, %mul3A_143 : vector<16xi32>
        %parallel_loop3A_751 = arith.constant 1 : i32
        %parallel_loop3A_752 = arith.constant 0 : i32
        %parallel_loop3A_753 = arith.constant 0 : i32
        %parallel_loop3A_754 = arith.constant 0 : i32
        %parallel_loop3A_755 = tpu.memref_slice %arg8[%parallel_loop3A_751, %parallel_loop3A_752, %parallel_loop3A_753, %parallel_loop3A_754] : memref<4x8x8x128xf32, #tpu.memory_space<vmem>> -> memref<1x8x8x128xf32, #tpu.memory_space<vmem>>
        %parallel_loop3A_756 = tpu.memref_squeeze %parallel_loop3A_755 : memref<1x8x8x128xf32, #tpu.memory_space<vmem>> -> memref<8x8x128xf32, #tpu.memory_space<vmem>>
        tpu.vector_store_idx %parallel_loop3A_756[%and3A_149, %and3A_149, %parallel_loop3A_750], %parallel_loop3A_749 : memref<8x8x128xf32, #tpu.memory_space<vmem>>[vector<16xi32>, vector<16xi32>, vector<16xi32>], vector<16xf32>,
        %parallel_loop3A_757 = arith.addi %parallel_loop3A_541, %and3A_95 : vector<16xi32>
        %parallel_loop3A_758 = arith.constant 1 : i32
        %parallel_loop3A_759 = arith.constant 0 : i32
        %parallel_loop3A_760 = arith.constant 0 : i32
        %parallel_loop3A_761 = tpu.memref_slice %arg7[%parallel_loop3A_758, %parallel_loop3A_759, %parallel_loop3A_760] : memref<4x128x64xf32, #tpu.memory_space<vmem>> -> memref<1x128x64xf32, #tpu.memory_space<vmem>>
        %parallel_loop3A_762 = tpu.memref_squeeze %parallel_loop3A_761 : memref<1x128x64xf32, #tpu.memory_space<vmem>> -> memref<128x64xf32, #tpu.memory_space<vmem>>
        %parallel_loop3A_763 = tpu.vector_load_idx %parallel_loop3A_762[%and3A_149, %parallel_loop3A_757] : memref<128x64xf32, #tpu.memory_space<vmem>>[vector<16xi32>, vector<16xi32>], vector<16xf32>,
        %parallel_loop3A_764 = arith.addi %parallel_loop3A_546, %mul3A_146 : vector<16xi32>
        %parallel_loop3A_765 = arith.constant 1 : i32
        %parallel_loop3A_766 = arith.constant 0 : i32
        %parallel_loop3A_767 = arith.constant 0 : i32
        %parallel_loop3A_768 = arith.constant 0 : i32
        %parallel_loop3A_769 = tpu.memref_slice %arg8[%parallel_loop3A_765, %parallel_loop3A_766, %parallel_loop3A_767, %parallel_loop3A_768] : memref<4x8x8x128xf32, #tpu.memory_space<vmem>> -> memref<1x8x8x128xf32, #tpu.memory_space<vmem>>
        %parallel_loop3A_770 = tpu.memref_squeeze %parallel_loop3A_769 : memref<1x8x8x128xf32, #tpu.memory_space<vmem>> -> memref<8x8x128xf32, #tpu.memory_space<vmem>>
        tpu.vector_store_idx %parallel_loop3A_770[%and3A_149, %and3A_149, %parallel_loop3A_764], %parallel_loop3A_763 : memref<8x8x128xf32, #tpu.memory_space<vmem>>[vector<16xi32>, vector<16xi32>, vector<16xi32>], vector<16xf32>,
      } {sc.loop_unroll_factor = 4 : i64, sc.parallel_access}
      %dma_start3A_371 = arith.constant 1 : i32
      %dma_start3A_372 = arith.constant 0 : i32
      %dma_start3A_373 = arith.constant 0 : i32
      %dma_start3A_374 = arith.constant 0 : i32
      %dma_start3A_375 = tpu.memref_slice %arg8[%dma_start3A_371, %dma_start3A_372, %dma_start3A_373, %dma_start3A_374] : memref<4x8x8x128xf32, #tpu.memory_space<vmem>> -> memref<1x8x8x128xf32, #tpu.memory_space<vmem>>
      %dma_start3A_376 = tpu.memref_squeeze %dma_start3A_375 : memref<1x8x8x128xf32, #tpu.memory_space<vmem>> -> memref<8x8x128xf32, #tpu.memory_space<vmem>>
      %dma_start3A_377 = arith.constant 0 : i32
      %dma_start3A_378 = arith.constant 0 : i32
      %dma_start3A_379 = arith.constant 0 : i32
      %dma_start3A_380 = tpu.memref_slice %arg4[%add3A_346, %dma_start3A_377, %add3A, %dma_start3A_378, %dma_start3A_379] : memref<200x8x32x8x128xf32, #tpu.memory_space<hbm>> -> memref<1x8x1x8x128xf32, #tpu.memory_space<hbm>>
      %dma_start3A_381 = tpu.memref_squeeze %dma_start3A_380 : memref<1x8x1x8x128xf32, #tpu.memory_space<hbm>> -> memref<8x8x128xf32, #tpu.memory_space<hbm>>
      %dma_start3A_382 = arith.constant 0 : i32
      %dma_start3A_383 = arith.constant 0 : i32
      %dma_start3A_384 = arith.constant 0 : i32
      %dma_start3A_385 = tpu.memref_slice %arg4[%add3A_346, %dma_start3A_382, %add3A, %dma_start3A_383, %dma_start3A_384] : memref<200x8x32x8x128xf32, #tpu.memory_space<hbm>> -> memref<1x8x1x8x128xf32, #tpu.memory_space<hbm>>
      %dma_start3A_386 = tpu.memref_squeeze %dma_start3A_385 : memref<1x8x1x8x128xf32, #tpu.memory_space<hbm>> -> memref<8x8x128xf32, #tpu.memory_space<hbm>>
      %dma_start3A_387 = arith.constant 0 : i32
      %dma_start3A_388 = arith.constant 0 : i32
      %dma_start3A_389 = arith.constant 0 : i32
      %dma_start3A_390 = tpu.memref_slice %arg8[%dma_start3A_371, %dma_start3A_387, %dma_start3A_388, %dma_start3A_389] : memref<4x8x8x128xf32, #tpu.memory_space<vmem>> -> memref<1x8x8x128xf32, #tpu.memory_space<vmem>>
      %dma_start3A_391 = tpu.memref_squeeze %dma_start3A_390 : memref<1x8x8x128xf32, #tpu.memory_space<vmem>> -> memref<8x8x128xf32, #tpu.memory_space<vmem>>
      tpu.enqueue_dma source(%dma_start3A_391 : memref<8x8x128xf32, #tpu.memory_space<vmem>>) target(%dma_start3A_386 : memref<8x8x128xf32, #tpu.memory_space<hbm>>) target_semaphore(%arg14 : memref<!tpu.dma_semaphore, #tpu.memory_space<semaphore_mem>>)
      %mul3A_392 = arith.constant 4 : i32
      %mul3A_393 = arith.muli %scan3A_287, %mul3A_392 : i32
      %add3A_394 = arith.constant 2 : i32
      %add3A_395 = arith.addi %mul3A_393, %add3A_394 : i32
      %lt3A_396 = arith.constant 49 : i32
      %lt3A_397 = arith.cmpi slt, %scan3A_287, %lt3A_396 : i32
      %convert_element_type3A_398 = arith.extui %lt3A_397 : i1 to i32
      %cond3A_399 = arith.constant 0 : i32
      %cond3A_400 = arith.cmpi ne, %convert_element_type3A_398, %cond3A_399 : i32
      scf.if %cond3A_400 {
        %add3A_492 = arith.constant 3 : i32
        %add3A_493 = arith.addi %add3A_395, %add3A_492 : i32
        %dma_start3A_494 = arith.constant 1 : i32
        %dma_start3A_495 = arith.constant 0 : i32
        %dma_start3A_496 = arith.constant 0 : i32
        %dma_start3A_497 = tpu.memref_slice %arg7[%dma_start3A_494, %dma_start3A_495, %dma_start3A_496] : memref<4x128x64xf32, #tpu.memory_space<vmem>> -> memref<1x128x64xf32, #tpu.memory_space<vmem>>
        %dma_start3A_498 = tpu.memref_squeeze %dma_start3A_497 : memref<1x128x64xf32, #tpu.memory_space<vmem>> -> memref<128x64xf32, #tpu.memory_space<vmem>>
        %dma_start3A_499 = arith.constant 0 : i32
        %dma_start3A_500 = tpu.memref_slice %arg5[%add3A_493, %dma_start3A_499] : memref<200x128xi32, #tpu.memory_space<vmem>> -> memref<1x128xi32, #tpu.memory_space<vmem>>
        %dma_start3A_501 = tpu.memref_squeeze %dma_start3A_500 : memref<1x128xi32, #tpu.memory_space<vmem>> -> memref<128xi32, #tpu.memory_space<vmem>>
        %dma_start3A_502 = arith.constant 0 : i32
        %dma_start3A_503 = arith.constant 0 : i32
        %dma_start3A_504 = tpu.memref_slice %arg3[%dma_start3A_502, %dma_start3A_503] : memref<100000x64xf32, #tpu.memory_space<hbm>> -> memref<100000x64xf32, #tpu.memory_space<hbm>>
        tpu.enqueue_indirect_dma source(%dma_start3A_504 : memref<100000x64xf32, #tpu.memory_space<hbm>>) target(%dma_start3A_498 : memref<128x64xf32, #tpu.memory_space<vmem>>) offsets(%dma_start3A_501 : memref<128xi32, #tpu.memory_space<vmem>>) semaphore(%arg10 : memref<!tpu.dma_semaphore, #tpu.memory_space<semaphore_mem>>)
      } else {
      }
      %dma_wait3A_401 = arith.constant 0 : i32
      %dma_wait3A_402 = arith.constant 2 : i32
      %dma_wait3A_403 = arith.constant 0 : i32
      %dma_wait3A_404 = arith.constant 0 : i32
      %dma_wait3A_405 = tpu.memref_slice %arg7[%dma_wait3A_402, %dma_wait3A_403, %dma_wait3A_404] : memref<4x128x64xf32, #tpu.memory_space<vmem>> -> memref<1x128x64xf32, #tpu.memory_space<vmem>>
      %dma_wait3A_406 = tpu.memref_squeeze %dma_wait3A_405 : memref<1x128x64xf32, #tpu.memory_space<vmem>> -> memref<128x64xf32, #tpu.memory_space<vmem>>
      %dma_wait3A_407 = arith.constant 0 : i32
      %dma_wait3A_408 = tpu.memref_slice %arg5[%dma_wait3A_401, %dma_wait3A_407] : memref<200x128xi32, #tpu.memory_space<vmem>> -> memref<1x128xi32, #tpu.memory_space<vmem>>
      %dma_wait3A_409 = tpu.memref_squeeze %dma_wait3A_408 : memref<1x128xi32, #tpu.memory_space<vmem>> -> memref<128xi32, #tpu.memory_space<vmem>>
      %dma_wait3A_410 = arith.constant 0 : i32
      %dma_wait3A_411 = arith.constant 0 : i32
      %dma_wait3A_412 = tpu.memref_slice %arg3[%dma_wait3A_410, %dma_wait3A_411] : memref<100000x64xf32, #tpu.memory_space<hbm>> -> memref<100000x64xf32, #tpu.memory_space<hbm>>
      tpu.wait_indirect_dma semaphore(%arg11 : memref<!tpu.dma_semaphore, #tpu.memory_space<semaphore_mem>>) src(%dma_wait3A_412 : memref<100000x64xf32, #tpu.memory_space<hbm>>) dst(%dma_wait3A_406 : memref<128x64xf32, #tpu.memory_space<vmem>>)
      %gt3A_413 = arith.constant 0 : i32
      %gt3A_414 = arith.cmpi sgt, %scan3A_287, %gt3A_413 : i32
      %convert_element_type3A_415 = arith.extui %gt3A_414 : i1 to i32
      %cond3A_416 = arith.constant 0 : i32
      %cond3A_417 = arith.cmpi ne, %convert_element_type3A_415, %cond3A_416 : i32
      scf.if %cond3A_417 {
        %dma_wait3A_492 = arith.constant 2 : i32
        %dma_wait3A_493 = arith.constant 0 : i32
        %dma_wait3A_494 = arith.constant 0 : i32
        %dma_wait3A_495 = arith.constant 0 : i32
        %dma_wait3A_496 = arith.constant 0 : i32
        %dma_wait3A_497 = tpu.memref_slice %arg8[%dma_wait3A_492, %dma_wait3A_494, %dma_wait3A_495, %dma_wait3A_496] : memref<4x8x8x128xf32, #tpu.memory_space<vmem>> -> memref<1x8x8x128xf32, #tpu.memory_space<vmem>>
        %dma_wait3A_498 = tpu.memref_squeeze %dma_wait3A_497 : memref<1x8x8x128xf32, #tpu.memory_space<vmem>> -> memref<8x8x128xf32, #tpu.memory_space<vmem>>
        %dma_wait3A_499 = arith.constant 0 : i32
        %dma_wait3A_500 = arith.constant 0 : i32
        %dma_wait3A_501 = arith.constant 0 : i32
        %dma_wait3A_502 = tpu.memref_slice %arg4[%dma_wait3A_493, %dma_wait3A_499, %add3A, %dma_wait3A_500, %dma_wait3A_501] : memref<200x8x32x8x128xf32, #tpu.memory_space<hbm>> -> memref<1x8x1x8x128xf32, #tpu.memory_space<hbm>>
        %dma_wait3A_503 = tpu.memref_squeeze %dma_wait3A_502 : memref<1x8x1x8x128xf32, #tpu.memory_space<hbm>> -> memref<8x8x128xf32, #tpu.memory_space<hbm>>
        %dma_wait3A_504 = arith.constant 0 : i32
        %dma_wait3A_505 = arith.constant 0 : i32
        %dma_wait3A_506 = arith.constant 0 : i32
        %dma_wait3A_507 = tpu.memref_slice %arg4[%dma_wait3A_493, %dma_wait3A_504, %add3A, %dma_wait3A_505, %dma_wait3A_506] : memref<200x8x32x8x128xf32, #tpu.memory_space<hbm>> -> memref<1x8x1x8x128xf32, #tpu.memory_space<hbm>>
        %dma_wait3A_508 = tpu.memref_squeeze %dma_wait3A_507 : memref<1x8x1x8x128xf32, #tpu.memory_space<hbm>> -> memref<8x8x128xf32, #tpu.memory_space<hbm>>
        %dma_wait3A_509 = arith.constant 0 : i32
        %dma_wait3A_510 = arith.constant 0 : i32
        %dma_wait3A_511 = arith.constant 0 : i32
        %dma_wait3A_512 = tpu.memref_slice %arg8[%dma_wait3A_492, %dma_wait3A_509, %dma_wait3A_510, %dma_wait3A_511] : memref<4x8x8x128xf32, #tpu.memory_space<vmem>> -> memref<1x8x8x128xf32, #tpu.memory_space<vmem>>
        %dma_wait3A_513 = tpu.memref_squeeze %dma_wait3A_512 : memref<1x8x8x128xf32, #tpu.memory_space<vmem>> -> memref<8x8x128xf32, #tpu.memory_space<vmem>>
        tpu.wait_dma2 semaphore(%arg15 : memref<!tpu.dma_semaphore, #tpu.memory_space<semaphore_mem>>) src(%dma_wait3A_513 : memref<8x8x128xf32, #tpu.memory_space<vmem>>) dst(%dma_wait3A_508 : memref<8x8x128xf32, #tpu.memory_space<hbm>>)
      } else {
      }
      %parallel_loop3A_418 = arith.constant 0 : i32
      %parallel_loop3A_419 = arith.constant 32 : i32
      %parallel_loop3A_420 = arith.constant 1 : i32
      scf.for %parallel_loop3A_492 = %parallel_loop3A_418 to %parallel_loop3A_419 step %parallel_loop3A_420  : i32 {
        %parallel_loop3A_493 = arith.constant 8 : i32
        %parallel_loop3A_494 = arith.divsi %parallel_loop3A_492, %parallel_loop3A_493 : i32
        %parallel_loop3A_495 = arith.constant 0 : i32
        %parallel_loop3A_496 = arith.cmpi sgt, %parallel_loop3A_492, %parallel_loop3A_495 : i32
        %parallel_loop3A_497 = arith.extui %parallel_loop3A_496 : i1 to i32
        %parallel_loop3A_498 = arith.constant 0 : i32
        %parallel_loop3A_499 = arith.cmpi slt, %parallel_loop3A_492, %parallel_loop3A_498 : i32
        %parallel_loop3A_500 = arith.extui %parallel_loop3A_499 : i1 to i32
        %parallel_loop3A_501 = arith.subi %parallel_loop3A_497, %parallel_loop3A_500 : i32
        %parallel_loop3A_502 = arith.constant 0 : i32
        %parallel_loop3A_503 = arith.cmpi sgt, %parallel_loop3A_493, %parallel_loop3A_502 : i32
        %parallel_loop3A_504 = arith.extui %parallel_loop3A_503 : i1 to i32
        %parallel_loop3A_505 = arith.constant 0 : i32
        %parallel_loop3A_506 = arith.cmpi slt, %parallel_loop3A_493, %parallel_loop3A_505 : i32
        %parallel_loop3A_507 = arith.extui %parallel_loop3A_506 : i1 to i32
        %parallel_loop3A_508 = arith.subi %parallel_loop3A_504, %parallel_loop3A_507 : i32
        %parallel_loop3A_509 = arith.cmpi ne, %parallel_loop3A_501, %parallel_loop3A_508 : i32
        %parallel_loop3A_510 = arith.remsi %parallel_loop3A_492, %parallel_loop3A_493 : i32
        %parallel_loop3A_511 = arith.constant 0 : i32
        %parallel_loop3A_512 = arith.cmpi ne, %parallel_loop3A_510, %parallel_loop3A_511 : i32
        %parallel_loop3A_513 = arith.andi %parallel_loop3A_509, %parallel_loop3A_512 : i1
        %parallel_loop3A_514 = arith.constant 1 : i32
        %parallel_loop3A_515 = arith.subi %parallel_loop3A_494, %parallel_loop3A_514 : i32
        %parallel_loop3A_516 = arith.select %parallel_loop3A_513, %parallel_loop3A_515, %parallel_loop3A_494 : i32
        %parallel_loop3A_517 = arith.constant 16 : i32
        %parallel_loop3A_518 = arith.muli %parallel_loop3A_516, %parallel_loop3A_517 : i32
        %parallel_loop3A_519 = arith.constant 8 : i32
        %parallel_loop3A_520 = arith.constant 0 : i32
        %parallel_loop3A_521 = arith.cmpi eq, %parallel_loop3A_519, %parallel_loop3A_520 : i32
        %parallel_loop3A_522 = arith.constant 1 : i32
        %parallel_loop3A_523 = arith.select %parallel_loop3A_521, %parallel_loop3A_522, %parallel_loop3A_519 : i32
        %parallel_loop3A_524 = arith.remsi %parallel_loop3A_492, %parallel_loop3A_523 : i32
        %parallel_loop3A_525 = arith.constant 0 : i32
        %parallel_loop3A_526 = arith.cmpi ne, %parallel_loop3A_524, %parallel_loop3A_525 : i32
        %parallel_loop3A_527 = arith.constant 0 : i32
        %parallel_loop3A_528 = arith.cmpi slt, %parallel_loop3A_524, %parallel_loop3A_527 : i32
        %parallel_loop3A_529 = arith.constant 0 : i32
        %parallel_loop3A_530 = arith.cmpi slt, %parallel_loop3A_523, %parallel_loop3A_529 : i32
        %parallel_loop3A_531 = arith.xori %parallel_loop3A_528, %parallel_loop3A_530 : i1
        %parallel_loop3A_532 = arith.andi %parallel_loop3A_531, %parallel_loop3A_526 : i1
        %parallel_loop3A_533 = arith.addi %parallel_loop3A_524, %parallel_loop3A_523 : i32
        %parallel_loop3A_534 = arith.select %parallel_loop3A_532, %parallel_loop3A_533, %parallel_loop3A_524 : i32
        %parallel_loop3A_535 = arith.constant 16 : i32
        %parallel_loop3A_536 = arith.muli %parallel_loop3A_534, %parallel_loop3A_535 : i32
        %parallel_loop3A_537 = arith.constant 64 : i32
        %parallel_loop3A_538 = arith.muli %parallel_loop3A_536, %parallel_loop3A_537 : i32
        %parallel_loop3A_539 = arith.addi %parallel_loop3A_538, %parallel_loop3A_518 : i32
        %parallel_loop3A_540 = vector.broadcast %parallel_loop3A_539 : i32 to vector<16xi32>
        %parallel_loop3A_541 = arith.addi %mul3A_98, %parallel_loop3A_540 : vector<16xi32>
        %parallel_loop3A_542 = arith.constant 128 : i32
        %parallel_loop3A_543 = arith.muli %parallel_loop3A_518, %parallel_loop3A_542 : i32
        %parallel_loop3A_544 = arith.addi %parallel_loop3A_543, %parallel_loop3A_536 : i32
        %parallel_loop3A_545 = vector.broadcast %parallel_loop3A_544 : i32 to vector<16xi32>
        %parallel_loop3A_546 = arith.addi %iota3A, %parallel_loop3A_545 : vector<16xi32>
        %parallel_loop3A_547 = arith.addi %parallel_loop3A_541, %and3A_5 : vector<16xi32>
        %parallel_loop3A_548 = arith.constant 2 : i32
        %parallel_loop3A_549 = arith.constant 0 : i32
        %parallel_loop3A_550 = arith.constant 0 : i32
        %parallel_loop3A_551 = tpu.memref_slice %arg7[%parallel_loop3A_548, %parallel_loop3A_549, %parallel_loop3A_550] : memref<4x128x64xf32, #tpu.memory_space<vmem>> -> memref<1x128x64xf32, #tpu.memory_space<vmem>>
        %parallel_loop3A_552 = tpu.memref_squeeze %parallel_loop3A_551 : memref<1x128x64xf32, #tpu.memory_space<vmem>> -> memref<128x64xf32, #tpu.memory_space<vmem>>
        %parallel_loop3A_553 = tpu.vector_load_idx %parallel_loop3A_552[%and3A_149, %parallel_loop3A_547] : memref<128x64xf32, #tpu.memory_space<vmem>>[vector<16xi32>, vector<16xi32>], vector<16xf32>,
        %parallel_loop3A_554 = arith.addi %parallel_loop3A_546, %mul3A_101 : vector<16xi32>
        %parallel_loop3A_555 = arith.constant 2 : i32
        %parallel_loop3A_556 = arith.constant 0 : i32
        %parallel_loop3A_557 = arith.constant 0 : i32
        %parallel_loop3A_558 = arith.constant 0 : i32
        %parallel_loop3A_559 = tpu.memref_slice %arg8[%parallel_loop3A_555, %parallel_loop3A_556, %parallel_loop3A_557, %parallel_loop3A_558] : memref<4x8x8x128xf32, #tpu.memory_space<vmem>> -> memref<1x8x8x128xf32, #tpu.memory_space<vmem>>
        %parallel_loop3A_560 = tpu.memref_squeeze %parallel_loop3A_559 : memref<1x8x8x128xf32, #tpu.memory_space<vmem>> -> memref<8x8x128xf32, #tpu.memory_space<vmem>>
        tpu.vector_store_idx %parallel_loop3A_560[%and3A_149, %and3A_149, %parallel_loop3A_554], %parallel_loop3A_553 : memref<8x8x128xf32, #tpu.memory_space<vmem>>[vector<16xi32>, vector<16xi32>, vector<16xi32>], vector<16xf32>,
        %parallel_loop3A_561 = arith.addi %parallel_loop3A_541, %and3A_11 : vector<16xi32>
        %parallel_loop3A_562 = arith.constant 2 : i32
        %parallel_loop3A_563 = arith.constant 0 : i32
        %parallel_loop3A_564 = arith.constant 0 : i32
        %parallel_loop3A_565 = tpu.memref_slice %arg7[%parallel_loop3A_562, %parallel_loop3A_563, %parallel_loop3A_564] : memref<4x128x64xf32, #tpu.memory_space<vmem>> -> memref<1x128x64xf32, #tpu.memory_space<vmem>>
        %parallel_loop3A_566 = tpu.memref_squeeze %parallel_loop3A_565 : memref<1x128x64xf32, #tpu.memory_space<vmem>> -> memref<128x64xf32, #tpu.memory_space<vmem>>
        %parallel_loop3A_567 = tpu.vector_load_idx %parallel_loop3A_566[%and3A_149, %parallel_loop3A_561] : memref<128x64xf32, #tpu.memory_space<vmem>>[vector<16xi32>, vector<16xi32>], vector<16xf32>,
        %parallel_loop3A_568 = arith.addi %parallel_loop3A_546, %mul3A_104 : vector<16xi32>
        %parallel_loop3A_569 = arith.constant 2 : i32
        %parallel_loop3A_570 = arith.constant 0 : i32
        %parallel_loop3A_571 = arith.constant 0 : i32
        %parallel_loop3A_572 = arith.constant 0 : i32
        %parallel_loop3A_573 = tpu.memref_slice %arg8[%parallel_loop3A_569, %parallel_loop3A_570, %parallel_loop3A_571, %parallel_loop3A_572] : memref<4x8x8x128xf32, #tpu.memory_space<vmem>> -> memref<1x8x8x128xf32, #tpu.memory_space<vmem>>
        %parallel_loop3A_574 = tpu.memref_squeeze %parallel_loop3A_573 : memref<1x8x8x128xf32, #tpu.memory_space<vmem>> -> memref<8x8x128xf32, #tpu.memory_space<vmem>>
        tpu.vector_store_idx %parallel_loop3A_574[%and3A_149, %and3A_149, %parallel_loop3A_568], %parallel_loop3A_567 : memref<8x8x128xf32, #tpu.memory_space<vmem>>[vector<16xi32>, vector<16xi32>, vector<16xi32>], vector<16xf32>,
        %parallel_loop3A_575 = arith.addi %parallel_loop3A_541, %and3A_17 : vector<16xi32>
        %parallel_loop3A_576 = arith.constant 2 : i32
        %parallel_loop3A_577 = arith.constant 0 : i32
        %parallel_loop3A_578 = arith.constant 0 : i32
        %parallel_loop3A_579 = tpu.memref_slice %arg7[%parallel_loop3A_576, %parallel_loop3A_577, %parallel_loop3A_578] : memref<4x128x64xf32, #tpu.memory_space<vmem>> -> memref<1x128x64xf32, #tpu.memory_space<vmem>>
        %parallel_loop3A_580 = tpu.memref_squeeze %parallel_loop3A_579 : memref<1x128x64xf32, #tpu.memory_space<vmem>> -> memref<128x64xf32, #tpu.memory_space<vmem>>
        %parallel_loop3A_581 = tpu.vector_load_idx %parallel_loop3A_580[%and3A_149, %parallel_loop3A_575] : memref<128x64xf32, #tpu.memory_space<vmem>>[vector<16xi32>, vector<16xi32>], vector<16xf32>,
        %parallel_loop3A_582 = arith.addi %parallel_loop3A_546, %mul3A_107 : vector<16xi32>
        %parallel_loop3A_583 = arith.constant 2 : i32
        %parallel_loop3A_584 = arith.constant 0 : i32
        %parallel_loop3A_585 = arith.constant 0 : i32
        %parallel_loop3A_586 = arith.constant 0 : i32
        %parallel_loop3A_587 = tpu.memref_slice %arg8[%parallel_loop3A_583, %parallel_loop3A_584, %parallel_loop3A_585, %parallel_loop3A_586] : memref<4x8x8x128xf32, #tpu.memory_space<vmem>> -> memref<1x8x8x128xf32, #tpu.memory_space<vmem>>
        %parallel_loop3A_588 = tpu.memref_squeeze %parallel_loop3A_587 : memref<1x8x8x128xf32, #tpu.memory_space<vmem>> -> memref<8x8x128xf32, #tpu.memory_space<vmem>>
        tpu.vector_store_idx %parallel_loop3A_588[%and3A_149, %and3A_149, %parallel_loop3A_582], %parallel_loop3A_581 : memref<8x8x128xf32, #tpu.memory_space<vmem>>[vector<16xi32>, vector<16xi32>, vector<16xi32>], vector<16xf32>,
        %parallel_loop3A_589 = arith.addi %parallel_loop3A_541, %and3A_23 : vector<16xi32>
        %parallel_loop3A_590 = arith.constant 2 : i32
        %parallel_loop3A_591 = arith.constant 0 : i32
        %parallel_loop3A_592 = arith.constant 0 : i32
        %parallel_loop3A_593 = tpu.memref_slice %arg7[%parallel_loop3A_590, %parallel_loop3A_591, %parallel_loop3A_592] : memref<4x128x64xf32, #tpu.memory_space<vmem>> -> memref<1x128x64xf32, #tpu.memory_space<vmem>>
        %parallel_loop3A_594 = tpu.memref_squeeze %parallel_loop3A_593 : memref<1x128x64xf32, #tpu.memory_space<vmem>> -> memref<128x64xf32, #tpu.memory_space<vmem>>
        %parallel_loop3A_595 = tpu.vector_load_idx %parallel_loop3A_594[%and3A_149, %parallel_loop3A_589] : memref<128x64xf32, #tpu.memory_space<vmem>>[vector<16xi32>, vector<16xi32>], vector<16xf32>,
        %parallel_loop3A_596 = arith.addi %parallel_loop3A_546, %mul3A_110 : vector<16xi32>
        %parallel_loop3A_597 = arith.constant 2 : i32
        %parallel_loop3A_598 = arith.constant 0 : i32
        %parallel_loop3A_599 = arith.constant 0 : i32
        %parallel_loop3A_600 = arith.constant 0 : i32
        %parallel_loop3A_601 = tpu.memref_slice %arg8[%parallel_loop3A_597, %parallel_loop3A_598, %parallel_loop3A_599, %parallel_loop3A_600] : memref<4x8x8x128xf32, #tpu.memory_space<vmem>> -> memref<1x8x8x128xf32, #tpu.memory_space<vmem>>
        %parallel_loop3A_602 = tpu.memref_squeeze %parallel_loop3A_601 : memref<1x8x8x128xf32, #tpu.memory_space<vmem>> -> memref<8x8x128xf32, #tpu.memory_space<vmem>>
        tpu.vector_store_idx %parallel_loop3A_602[%and3A_149, %and3A_149, %parallel_loop3A_596], %parallel_loop3A_595 : memref<8x8x128xf32, #tpu.memory_space<vmem>>[vector<16xi32>, vector<16xi32>, vector<16xi32>], vector<16xf32>,
        %parallel_loop3A_603 = arith.addi %parallel_loop3A_541, %and3A_29 : vector<16xi32>
        %parallel_loop3A_604 = arith.constant 2 : i32
        %parallel_loop3A_605 = arith.constant 0 : i32
        %parallel_loop3A_606 = arith.constant 0 : i32
        %parallel_loop3A_607 = tpu.memref_slice %arg7[%parallel_loop3A_604, %parallel_loop3A_605, %parallel_loop3A_606] : memref<4x128x64xf32, #tpu.memory_space<vmem>> -> memref<1x128x64xf32, #tpu.memory_space<vmem>>
        %parallel_loop3A_608 = tpu.memref_squeeze %parallel_loop3A_607 : memref<1x128x64xf32, #tpu.memory_space<vmem>> -> memref<128x64xf32, #tpu.memory_space<vmem>>
        %parallel_loop3A_609 = tpu.vector_load_idx %parallel_loop3A_608[%and3A_149, %parallel_loop3A_603] : memref<128x64xf32, #tpu.memory_space<vmem>>[vector<16xi32>, vector<16xi32>], vector<16xf32>,
        %parallel_loop3A_610 = arith.addi %parallel_loop3A_546, %mul3A_113 : vector<16xi32>
        %parallel_loop3A_611 = arith.constant 2 : i32
        %parallel_loop3A_612 = arith.constant 0 : i32
        %parallel_loop3A_613 = arith.constant 0 : i32
        %parallel_loop3A_614 = arith.constant 0 : i32
        %parallel_loop3A_615 = tpu.memref_slice %arg8[%parallel_loop3A_611, %parallel_loop3A_612, %parallel_loop3A_613, %parallel_loop3A_614] : memref<4x8x8x128xf32, #tpu.memory_space<vmem>> -> memref<1x8x8x128xf32, #tpu.memory_space<vmem>>
        %parallel_loop3A_616 = tpu.memref_squeeze %parallel_loop3A_615 : memref<1x8x8x128xf32, #tpu.memory_space<vmem>> -> memref<8x8x128xf32, #tpu.memory_space<vmem>>
        tpu.vector_store_idx %parallel_loop3A_616[%and3A_149, %and3A_149, %parallel_loop3A_610], %parallel_loop3A_609 : memref<8x8x128xf32, #tpu.memory_space<vmem>>[vector<16xi32>, vector<16xi32>, vector<16xi32>], vector<16xf32>,
        %parallel_loop3A_617 = arith.addi %parallel_loop3A_541, %and3A_35 : vector<16xi32>
        %parallel_loop3A_618 = arith.constant 2 : i32
        %parallel_loop3A_619 = arith.constant 0 : i32
        %parallel_loop3A_620 = arith.constant 0 : i32
        %parallel_loop3A_621 = tpu.memref_slice %arg7[%parallel_loop3A_618, %parallel_loop3A_619, %parallel_loop3A_620] : memref<4x128x64xf32, #tpu.memory_space<vmem>> -> memref<1x128x64xf32, #tpu.memory_space<vmem>>
        %parallel_loop3A_622 = tpu.memref_squeeze %parallel_loop3A_621 : memref<1x128x64xf32, #tpu.memory_space<vmem>> -> memref<128x64xf32, #tpu.memory_space<vmem>>
        %parallel_loop3A_623 = tpu.vector_load_idx %parallel_loop3A_622[%and3A_149, %parallel_loop3A_617] : memref<128x64xf32, #tpu.memory_space<vmem>>[vector<16xi32>, vector<16xi32>], vector<16xf32>,
        %parallel_loop3A_624 = arith.addi %parallel_loop3A_546, %mul3A_116 : vector<16xi32>
        %parallel_loop3A_625 = arith.constant 2 : i32
        %parallel_loop3A_626 = arith.constant 0 : i32
        %parallel_loop3A_627 = arith.constant 0 : i32
        %parallel_loop3A_628 = arith.constant 0 : i32
        %parallel_loop3A_629 = tpu.memref_slice %arg8[%parallel_loop3A_625, %parallel_loop3A_626, %parallel_loop3A_627, %parallel_loop3A_628] : memref<4x8x8x128xf32, #tpu.memory_space<vmem>> -> memref<1x8x8x128xf32, #tpu.memory_space<vmem>>
        %parallel_loop3A_630 = tpu.memref_squeeze %parallel_loop3A_629 : memref<1x8x8x128xf32, #tpu.memory_space<vmem>> -> memref<8x8x128xf32, #tpu.memory_space<vmem>>
        tpu.vector_store_idx %parallel_loop3A_630[%and3A_149, %and3A_149, %parallel_loop3A_624], %parallel_loop3A_623 : memref<8x8x128xf32, #tpu.memory_space<vmem>>[vector<16xi32>, vector<16xi32>, vector<16xi32>], vector<16xf32>,
        %parallel_loop3A_631 = arith.addi %parallel_loop3A_541, %and3A_41 : vector<16xi32>
        %parallel_loop3A_632 = arith.constant 2 : i32
        %parallel_loop3A_633 = arith.constant 0 : i32
        %parallel_loop3A_634 = arith.constant 0 : i32
        %parallel_loop3A_635 = tpu.memref_slice %arg7[%parallel_loop3A_632, %parallel_loop3A_633, %parallel_loop3A_634] : memref<4x128x64xf32, #tpu.memory_space<vmem>> -> memref<1x128x64xf32, #tpu.memory_space<vmem>>
        %parallel_loop3A_636 = tpu.memref_squeeze %parallel_loop3A_635 : memref<1x128x64xf32, #tpu.memory_space<vmem>> -> memref<128x64xf32, #tpu.memory_space<vmem>>
        %parallel_loop3A_637 = tpu.vector_load_idx %parallel_loop3A_636[%and3A_149, %parallel_loop3A_631] : memref<128x64xf32, #tpu.memory_space<vmem>>[vector<16xi32>, vector<16xi32>], vector<16xf32>,
        %parallel_loop3A_638 = arith.addi %parallel_loop3A_546, %mul3A_119 : vector<16xi32>
        %parallel_loop3A_639 = arith.constant 2 : i32
        %parallel_loop3A_640 = arith.constant 0 : i32
        %parallel_loop3A_641 = arith.constant 0 : i32
        %parallel_loop3A_642 = arith.constant 0 : i32
        %parallel_loop3A_643 = tpu.memref_slice %arg8[%parallel_loop3A_639, %parallel_loop3A_640, %parallel_loop3A_641, %parallel_loop3A_642] : memref<4x8x8x128xf32, #tpu.memory_space<vmem>> -> memref<1x8x8x128xf32, #tpu.memory_space<vmem>>
        %parallel_loop3A_644 = tpu.memref_squeeze %parallel_loop3A_643 : memref<1x8x8x128xf32, #tpu.memory_space<vmem>> -> memref<8x8x128xf32, #tpu.memory_space<vmem>>
        tpu.vector_store_idx %parallel_loop3A_644[%and3A_149, %and3A_149, %parallel_loop3A_638], %parallel_loop3A_637 : memref<8x8x128xf32, #tpu.memory_space<vmem>>[vector<16xi32>, vector<16xi32>, vector<16xi32>], vector<16xf32>,
        %parallel_loop3A_645 = arith.addi %parallel_loop3A_541, %and3A_47 : vector<16xi32>
        %parallel_loop3A_646 = arith.constant 2 : i32
        %parallel_loop3A_647 = arith.constant 0 : i32
        %parallel_loop3A_648 = arith.constant 0 : i32
        %parallel_loop3A_649 = tpu.memref_slice %arg7[%parallel_loop3A_646, %parallel_loop3A_647, %parallel_loop3A_648] : memref<4x128x64xf32, #tpu.memory_space<vmem>> -> memref<1x128x64xf32, #tpu.memory_space<vmem>>
        %parallel_loop3A_650 = tpu.memref_squeeze %parallel_loop3A_649 : memref<1x128x64xf32, #tpu.memory_space<vmem>> -> memref<128x64xf32, #tpu.memory_space<vmem>>
        %parallel_loop3A_651 = tpu.vector_load_idx %parallel_loop3A_650[%and3A_149, %parallel_loop3A_645] : memref<128x64xf32, #tpu.memory_space<vmem>>[vector<16xi32>, vector<16xi32>], vector<16xf32>,
        %parallel_loop3A_652 = arith.addi %parallel_loop3A_546, %mul3A_122 : vector<16xi32>
        %parallel_loop3A_653 = arith.constant 2 : i32
        %parallel_loop3A_654 = arith.constant 0 : i32
        %parallel_loop3A_655 = arith.constant 0 : i32
        %parallel_loop3A_656 = arith.constant 0 : i32
        %parallel_loop3A_657 = tpu.memref_slice %arg8[%parallel_loop3A_653, %parallel_loop3A_654, %parallel_loop3A_655, %parallel_loop3A_656] : memref<4x8x8x128xf32, #tpu.memory_space<vmem>> -> memref<1x8x8x128xf32, #tpu.memory_space<vmem>>
        %parallel_loop3A_658 = tpu.memref_squeeze %parallel_loop3A_657 : memref<1x8x8x128xf32, #tpu.memory_space<vmem>> -> memref<8x8x128xf32, #tpu.memory_space<vmem>>
        tpu.vector_store_idx %parallel_loop3A_658[%and3A_149, %and3A_149, %parallel_loop3A_652], %parallel_loop3A_651 : memref<8x8x128xf32, #tpu.memory_space<vmem>>[vector<16xi32>, vector<16xi32>, vector<16xi32>], vector<16xf32>,
        %parallel_loop3A_659 = arith.addi %parallel_loop3A_541, %and3A_53 : vector<16xi32>
        %parallel_loop3A_660 = arith.constant 2 : i32
        %parallel_loop3A_661 = arith.constant 0 : i32
        %parallel_loop3A_662 = arith.constant 0 : i32
        %parallel_loop3A_663 = tpu.memref_slice %arg7[%parallel_loop3A_660, %parallel_loop3A_661, %parallel_loop3A_662] : memref<4x128x64xf32, #tpu.memory_space<vmem>> -> memref<1x128x64xf32, #tpu.memory_space<vmem>>
        %parallel_loop3A_664 = tpu.memref_squeeze %parallel_loop3A_663 : memref<1x128x64xf32, #tpu.memory_space<vmem>> -> memref<128x64xf32, #tpu.memory_space<vmem>>
        %parallel_loop3A_665 = tpu.vector_load_idx %parallel_loop3A_664[%and3A_149, %parallel_loop3A_659] : memref<128x64xf32, #tpu.memory_space<vmem>>[vector<16xi32>, vector<16xi32>], vector<16xf32>,
        %parallel_loop3A_666 = arith.addi %parallel_loop3A_546, %mul3A_125 : vector<16xi32>
        %parallel_loop3A_667 = arith.constant 2 : i32
        %parallel_loop3A_668 = arith.constant 0 : i32
        %parallel_loop3A_669 = arith.constant 0 : i32
        %parallel_loop3A_670 = arith.constant 0 : i32
        %parallel_loop3A_671 = tpu.memref_slice %arg8[%parallel_loop3A_667, %parallel_loop3A_668, %parallel_loop3A_669, %parallel_loop3A_670] : memref<4x8x8x128xf32, #tpu.memory_space<vmem>> -> memref<1x8x8x128xf32, #tpu.memory_space<vmem>>
        %parallel_loop3A_672 = tpu.memref_squeeze %parallel_loop3A_671 : memref<1x8x8x128xf32, #tpu.memory_space<vmem>> -> memref<8x8x128xf32, #tpu.memory_space<vmem>>
        tpu.vector_store_idx %parallel_loop3A_672[%and3A_149, %and3A_149, %parallel_loop3A_666], %parallel_loop3A_665 : memref<8x8x128xf32, #tpu.memory_space<vmem>>[vector<16xi32>, vector<16xi32>, vector<16xi32>], vector<16xf32>,
        %parallel_loop3A_673 = arith.addi %parallel_loop3A_541, %and3A_59 : vector<16xi32>
        %parallel_loop3A_674 = arith.constant 2 : i32
        %parallel_loop3A_675 = arith.constant 0 : i32
        %parallel_loop3A_676 = arith.constant 0 : i32
        %parallel_loop3A_677 = tpu.memref_slice %arg7[%parallel_loop3A_674, %parallel_loop3A_675, %parallel_loop3A_676] : memref<4x128x64xf32, #tpu.memory_space<vmem>> -> memref<1x128x64xf32, #tpu.memory_space<vmem>>
        %parallel_loop3A_678 = tpu.memref_squeeze %parallel_loop3A_677 : memref<1x128x64xf32, #tpu.memory_space<vmem>> -> memref<128x64xf32, #tpu.memory_space<vmem>>
        %parallel_loop3A_679 = tpu.vector_load_idx %parallel_loop3A_678[%and3A_149, %parallel_loop3A_673] : memref<128x64xf32, #tpu.memory_space<vmem>>[vector<16xi32>, vector<16xi32>], vector<16xf32>,
        %parallel_loop3A_680 = arith.addi %parallel_loop3A_546, %mul3A_128 : vector<16xi32>
        %parallel_loop3A_681 = arith.constant 2 : i32
        %parallel_loop3A_682 = arith.constant 0 : i32
        %parallel_loop3A_683 = arith.constant 0 : i32
        %parallel_loop3A_684 = arith.constant 0 : i32
        %parallel_loop3A_685 = tpu.memref_slice %arg8[%parallel_loop3A_681, %parallel_loop3A_682, %parallel_loop3A_683, %parallel_loop3A_684] : memref<4x8x8x128xf32, #tpu.memory_space<vmem>> -> memref<1x8x8x128xf32, #tpu.memory_space<vmem>>
        %parallel_loop3A_686 = tpu.memref_squeeze %parallel_loop3A_685 : memref<1x8x8x128xf32, #tpu.memory_space<vmem>> -> memref<8x8x128xf32, #tpu.memory_space<vmem>>
        tpu.vector_store_idx %parallel_loop3A_686[%and3A_149, %and3A_149, %parallel_loop3A_680], %parallel_loop3A_679 : memref<8x8x128xf32, #tpu.memory_space<vmem>>[vector<16xi32>, vector<16xi32>, vector<16xi32>], vector<16xf32>,
        %parallel_loop3A_687 = arith.addi %parallel_loop3A_541, %and3A_65 : vector<16xi32>
        %parallel_loop3A_688 = arith.constant 2 : i32
        %parallel_loop3A_689 = arith.constant 0 : i32
        %parallel_loop3A_690 = arith.constant 0 : i32
        %parallel_loop3A_691 = tpu.memref_slice %arg7[%parallel_loop3A_688, %parallel_loop3A_689, %parallel_loop3A_690] : memref<4x128x64xf32, #tpu.memory_space<vmem>> -> memref<1x128x64xf32, #tpu.memory_space<vmem>>
        %parallel_loop3A_692 = tpu.memref_squeeze %parallel_loop3A_691 : memref<1x128x64xf32, #tpu.memory_space<vmem>> -> memref<128x64xf32, #tpu.memory_space<vmem>>
        %parallel_loop3A_693 = tpu.vector_load_idx %parallel_loop3A_692[%and3A_149, %parallel_loop3A_687] : memref<128x64xf32, #tpu.memory_space<vmem>>[vector<16xi32>, vector<16xi32>], vector<16xf32>,
        %parallel_loop3A_694 = arith.addi %parallel_loop3A_546, %mul3A_131 : vector<16xi32>
        %parallel_loop3A_695 = arith.constant 2 : i32
        %parallel_loop3A_696 = arith.constant 0 : i32
        %parallel_loop3A_697 = arith.constant 0 : i32
        %parallel_loop3A_698 = arith.constant 0 : i32
        %parallel_loop3A_699 = tpu.memref_slice %arg8[%parallel_loop3A_695, %parallel_loop3A_696, %parallel_loop3A_697, %parallel_loop3A_698] : memref<4x8x8x128xf32, #tpu.memory_space<vmem>> -> memref<1x8x8x128xf32, #tpu.memory_space<vmem>>
        %parallel_loop3A_700 = tpu.memref_squeeze %parallel_loop3A_699 : memref<1x8x8x128xf32, #tpu.memory_space<vmem>> -> memref<8x8x128xf32, #tpu.memory_space<vmem>>
        tpu.vector_store_idx %parallel_loop3A_700[%and3A_149, %and3A_149, %parallel_loop3A_694], %parallel_loop3A_693 : memref<8x8x128xf32, #tpu.memory_space<vmem>>[vector<16xi32>, vector<16xi32>, vector<16xi32>], vector<16xf32>,
        %parallel_loop3A_701 = arith.addi %parallel_loop3A_541, %and3A_71 : vector<16xi32>
        %parallel_loop3A_702 = arith.constant 2 : i32
        %parallel_loop3A_703 = arith.constant 0 : i32
        %parallel_loop3A_704 = arith.constant 0 : i32
        %parallel_loop3A_705 = tpu.memref_slice %arg7[%parallel_loop3A_702, %parallel_loop3A_703, %parallel_loop3A_704] : memref<4x128x64xf32, #tpu.memory_space<vmem>> -> memref<1x128x64xf32, #tpu.memory_space<vmem>>
        %parallel_loop3A_706 = tpu.memref_squeeze %parallel_loop3A_705 : memref<1x128x64xf32, #tpu.memory_space<vmem>> -> memref<128x64xf32, #tpu.memory_space<vmem>>
        %parallel_loop3A_707 = tpu.vector_load_idx %parallel_loop3A_706[%and3A_149, %parallel_loop3A_701] : memref<128x64xf32, #tpu.memory_space<vmem>>[vector<16xi32>, vector<16xi32>], vector<16xf32>,
        %parallel_loop3A_708 = arith.addi %parallel_loop3A_546, %mul3A_134 : vector<16xi32>
        %parallel_loop3A_709 = arith.constant 2 : i32
        %parallel_loop3A_710 = arith.constant 0 : i32
        %parallel_loop3A_711 = arith.constant 0 : i32
        %parallel_loop3A_712 = arith.constant 0 : i32
        %parallel_loop3A_713 = tpu.memref_slice %arg8[%parallel_loop3A_709, %parallel_loop3A_710, %parallel_loop3A_711, %parallel_loop3A_712] : memref<4x8x8x128xf32, #tpu.memory_space<vmem>> -> memref<1x8x8x128xf32, #tpu.memory_space<vmem>>
        %parallel_loop3A_714 = tpu.memref_squeeze %parallel_loop3A_713 : memref<1x8x8x128xf32, #tpu.memory_space<vmem>> -> memref<8x8x128xf32, #tpu.memory_space<vmem>>
        tpu.vector_store_idx %parallel_loop3A_714[%and3A_149, %and3A_149, %parallel_loop3A_708], %parallel_loop3A_707 : memref<8x8x128xf32, #tpu.memory_space<vmem>>[vector<16xi32>, vector<16xi32>, vector<16xi32>], vector<16xf32>,
        %parallel_loop3A_715 = arith.addi %parallel_loop3A_541, %and3A_77 : vector<16xi32>
        %parallel_loop3A_716 = arith.constant 2 : i32
        %parallel_loop3A_717 = arith.constant 0 : i32
        %parallel_loop3A_718 = arith.constant 0 : i32
        %parallel_loop3A_719 = tpu.memref_slice %arg7[%parallel_loop3A_716, %parallel_loop3A_717, %parallel_loop3A_718] : memref<4x128x64xf32, #tpu.memory_space<vmem>> -> memref<1x128x64xf32, #tpu.memory_space<vmem>>
        %parallel_loop3A_720 = tpu.memref_squeeze %parallel_loop3A_719 : memref<1x128x64xf32, #tpu.memory_space<vmem>> -> memref<128x64xf32, #tpu.memory_space<vmem>>
        %parallel_loop3A_721 = tpu.vector_load_idx %parallel_loop3A_720[%and3A_149, %parallel_loop3A_715] : memref<128x64xf32, #tpu.memory_space<vmem>>[vector<16xi32>, vector<16xi32>], vector<16xf32>,
        %parallel_loop3A_722 = arith.addi %parallel_loop3A_546, %mul3A_137 : vector<16xi32>
        %parallel_loop3A_723 = arith.constant 2 : i32
        %parallel_loop3A_724 = arith.constant 0 : i32
        %parallel_loop3A_725 = arith.constant 0 : i32
        %parallel_loop3A_726 = arith.constant 0 : i32
        %parallel_loop3A_727 = tpu.memref_slice %arg8[%parallel_loop3A_723, %parallel_loop3A_724, %parallel_loop3A_725, %parallel_loop3A_726] : memref<4x8x8x128xf32, #tpu.memory_space<vmem>> -> memref<1x8x8x128xf32, #tpu.memory_space<vmem>>
        %parallel_loop3A_728 = tpu.memref_squeeze %parallel_loop3A_727 : memref<1x8x8x128xf32, #tpu.memory_space<vmem>> -> memref<8x8x128xf32, #tpu.memory_space<vmem>>
        tpu.vector_store_idx %parallel_loop3A_728[%and3A_149, %and3A_149, %parallel_loop3A_722], %parallel_loop3A_721 : memref<8x8x128xf32, #tpu.memory_space<vmem>>[vector<16xi32>, vector<16xi32>, vector<16xi32>], vector<16xf32>,
        %parallel_loop3A_729 = arith.addi %parallel_loop3A_541, %and3A_83 : vector<16xi32>
        %parallel_loop3A_730 = arith.constant 2 : i32
        %parallel_loop3A_731 = arith.constant 0 : i32
        %parallel_loop3A_732 = arith.constant 0 : i32
        %parallel_loop3A_733 = tpu.memref_slice %arg7[%parallel_loop3A_730, %parallel_loop3A_731, %parallel_loop3A_732] : memref<4x128x64xf32, #tpu.memory_space<vmem>> -> memref<1x128x64xf32, #tpu.memory_space<vmem>>
        %parallel_loop3A_734 = tpu.memref_squeeze %parallel_loop3A_733 : memref<1x128x64xf32, #tpu.memory_space<vmem>> -> memref<128x64xf32, #tpu.memory_space<vmem>>
        %parallel_loop3A_735 = tpu.vector_load_idx %parallel_loop3A_734[%and3A_149, %parallel_loop3A_729] : memref<128x64xf32, #tpu.memory_space<vmem>>[vector<16xi32>, vector<16xi32>], vector<16xf32>,
        %parallel_loop3A_736 = arith.addi %parallel_loop3A_546, %mul3A_140 : vector<16xi32>
        %parallel_loop3A_737 = arith.constant 2 : i32
        %parallel_loop3A_738 = arith.constant 0 : i32
        %parallel_loop3A_739 = arith.constant 0 : i32
        %parallel_loop3A_740 = arith.constant 0 : i32
        %parallel_loop3A_741 = tpu.memref_slice %arg8[%parallel_loop3A_737, %parallel_loop3A_738, %parallel_loop3A_739, %parallel_loop3A_740] : memref<4x8x8x128xf32, #tpu.memory_space<vmem>> -> memref<1x8x8x128xf32, #tpu.memory_space<vmem>>
        %parallel_loop3A_742 = tpu.memref_squeeze %parallel_loop3A_741 : memref<1x8x8x128xf32, #tpu.memory_space<vmem>> -> memref<8x8x128xf32, #tpu.memory_space<vmem>>
        tpu.vector_store_idx %parallel_loop3A_742[%and3A_149, %and3A_149, %parallel_loop3A_736], %parallel_loop3A_735 : memref<8x8x128xf32, #tpu.memory_space<vmem>>[vector<16xi32>, vector<16xi32>, vector<16xi32>], vector<16xf32>,
        %parallel_loop3A_743 = arith.addi %parallel_loop3A_541, %and3A_89 : vector<16xi32>
        %parallel_loop3A_744 = arith.constant 2 : i32
        %parallel_loop3A_745 = arith.constant 0 : i32
        %parallel_loop3A_746 = arith.constant 0 : i32
        %parallel_loop3A_747 = tpu.memref_slice %arg7[%parallel_loop3A_744, %parallel_loop3A_745, %parallel_loop3A_746] : memref<4x128x64xf32, #tpu.memory_space<vmem>> -> memref<1x128x64xf32, #tpu.memory_space<vmem>>
        %parallel_loop3A_748 = tpu.memref_squeeze %parallel_loop3A_747 : memref<1x128x64xf32, #tpu.memory_space<vmem>> -> memref<128x64xf32, #tpu.memory_space<vmem>>
        %parallel_loop3A_749 = tpu.vector_load_idx %parallel_loop3A_748[%and3A_149, %parallel_loop3A_743] : memref<128x64xf32, #tpu.memory_space<vmem>>[vector<16xi32>, vector<16xi32>], vector<16xf32>,
        %parallel_loop3A_750 = arith.addi %parallel_loop3A_546, %mul3A_143 : vector<16xi32>
        %parallel_loop3A_751 = arith.constant 2 : i32
        %parallel_loop3A_752 = arith.constant 0 : i32
        %parallel_loop3A_753 = arith.constant 0 : i32
        %parallel_loop3A_754 = arith.constant 0 : i32
        %parallel_loop3A_755 = tpu.memref_slice %arg8[%parallel_loop3A_751, %parallel_loop3A_752, %parallel_loop3A_753, %parallel_loop3A_754] : memref<4x8x8x128xf32, #tpu.memory_space<vmem>> -> memref<1x8x8x128xf32, #tpu.memory_space<vmem>>
        %parallel_loop3A_756 = tpu.memref_squeeze %parallel_loop3A_755 : memref<1x8x8x128xf32, #tpu.memory_space<vmem>> -> memref<8x8x128xf32, #tpu.memory_space<vmem>>
        tpu.vector_store_idx %parallel_loop3A_756[%and3A_149, %and3A_149, %parallel_loop3A_750], %parallel_loop3A_749 : memref<8x8x128xf32, #tpu.memory_space<vmem>>[vector<16xi32>, vector<16xi32>, vector<16xi32>], vector<16xf32>,
        %parallel_loop3A_757 = arith.addi %parallel_loop3A_541, %and3A_95 : vector<16xi32>
        %parallel_loop3A_758 = arith.constant 2 : i32
        %parallel_loop3A_759 = arith.constant 0 : i32
        %parallel_loop3A_760 = arith.constant 0 : i32
        %parallel_loop3A_761 = tpu.memref_slice %arg7[%parallel_loop3A_758, %parallel_loop3A_759, %parallel_loop3A_760] : memref<4x128x64xf32, #tpu.memory_space<vmem>> -> memref<1x128x64xf32, #tpu.memory_space<vmem>>
        %parallel_loop3A_762 = tpu.memref_squeeze %parallel_loop3A_761 : memref<1x128x64xf32, #tpu.memory_space<vmem>> -> memref<128x64xf32, #tpu.memory_space<vmem>>
        %parallel_loop3A_763 = tpu.vector_load_idx %parallel_loop3A_762[%and3A_149, %parallel_loop3A_757] : memref<128x64xf32, #tpu.memory_space<vmem>>[vector<16xi32>, vector<16xi32>], vector<16xf32>,
        %parallel_loop3A_764 = arith.addi %parallel_loop3A_546, %mul3A_146 : vector<16xi32>
        %parallel_loop3A_765 = arith.constant 2 : i32
        %parallel_loop3A_766 = arith.constant 0 : i32
        %parallel_loop3A_767 = arith.constant 0 : i32
        %parallel_loop3A_768 = arith.constant 0 : i32
        %parallel_loop3A_769 = tpu.memref_slice %arg8[%parallel_loop3A_765, %parallel_loop3A_766, %parallel_loop3A_767, %parallel_loop3A_768] : memref<4x8x8x128xf32, #tpu.memory_space<vmem>> -> memref<1x8x8x128xf32, #tpu.memory_space<vmem>>
        %parallel_loop3A_770 = tpu.memref_squeeze %parallel_loop3A_769 : memref<1x8x8x128xf32, #tpu.memory_space<vmem>> -> memref<8x8x128xf32, #tpu.memory_space<vmem>>
        tpu.vector_store_idx %parallel_loop3A_770[%and3A_149, %and3A_149, %parallel_loop3A_764], %parallel_loop3A_763 : memref<8x8x128xf32, #tpu.memory_space<vmem>>[vector<16xi32>, vector<16xi32>, vector<16xi32>], vector<16xf32>,
      } {sc.loop_unroll_factor = 4 : i64, sc.parallel_access}
      %dma_start3A_421 = arith.constant 2 : i32
      %dma_start3A_422 = arith.constant 0 : i32
      %dma_start3A_423 = arith.constant 0 : i32
      %dma_start3A_424 = arith.constant 0 : i32
      %dma_start3A_425 = tpu.memref_slice %arg8[%dma_start3A_421, %dma_start3A_422, %dma_start3A_423, %dma_start3A_424] : memref<4x8x8x128xf32, #tpu.memory_space<vmem>> -> memref<1x8x8x128xf32, #tpu.memory_space<vmem>>
      %dma_start3A_426 = tpu.memref_squeeze %dma_start3A_425 : memref<1x8x8x128xf32, #tpu.memory_space<vmem>> -> memref<8x8x128xf32, #tpu.memory_space<vmem>>
      %dma_start3A_427 = arith.constant 0 : i32
      %dma_start3A_428 = arith.constant 0 : i32
      %dma_start3A_429 = arith.constant 0 : i32
      %dma_start3A_430 = tpu.memref_slice %arg4[%add3A_395, %dma_start3A_427, %add3A, %dma_start3A_428, %dma_start3A_429] : memref<200x8x32x8x128xf32, #tpu.memory_space<hbm>> -> memref<1x8x1x8x128xf32, #tpu.memory_space<hbm>>
      %dma_start3A_431 = tpu.memref_squeeze %dma_start3A_430 : memref<1x8x1x8x128xf32, #tpu.memory_space<hbm>> -> memref<8x8x128xf32, #tpu.memory_space<hbm>>
      %dma_start3A_432 = arith.constant 0 : i32
      %dma_start3A_433 = arith.constant 0 : i32
      %dma_start3A_434 = arith.constant 0 : i32
      %dma_start3A_435 = tpu.memref_slice %arg4[%add3A_395, %dma_start3A_432, %add3A, %dma_start3A_433, %dma_start3A_434] : memref<200x8x32x8x128xf32, #tpu.memory_space<hbm>> -> memref<1x8x1x8x128xf32, #tpu.memory_space<hbm>>
      %dma_start3A_436 = tpu.memref_squeeze %dma_start3A_435 : memref<1x8x1x8x128xf32, #tpu.memory_space<hbm>> -> memref<8x8x128xf32, #tpu.memory_space<hbm>>
      %dma_start3A_437 = arith.constant 0 : i32
      %dma_start3A_438 = arith.constant 0 : i32
      %dma_start3A_439 = arith.constant 0 : i32
      %dma_start3A_440 = tpu.memref_slice %arg8[%dma_start3A_421, %dma_start3A_437, %dma_start3A_438, %dma_start3A_439] : memref<4x8x8x128xf32, #tpu.memory_space<vmem>> -> memref<1x8x8x128xf32, #tpu.memory_space<vmem>>
      %dma_start3A_441 = tpu.memref_squeeze %dma_start3A_440 : memref<1x8x8x128xf32, #tpu.memory_space<vmem>> -> memref<8x8x128xf32, #tpu.memory_space<vmem>>
      tpu.enqueue_dma source(%dma_start3A_441 : memref<8x8x128xf32, #tpu.memory_space<vmem>>) target(%dma_start3A_436 : memref<8x8x128xf32, #tpu.memory_space<hbm>>) target_semaphore(%arg15 : memref<!tpu.dma_semaphore, #tpu.memory_space<semaphore_mem>>)
      %mul3A_442 = arith.constant 4 : i32
      %mul3A_443 = arith.muli %scan3A_287, %mul3A_442 : i32
      %add3A_444 = arith.constant 3 : i32
      %add3A_445 = arith.addi %mul3A_443, %add3A_444 : i32
      %lt3A_446 = arith.constant 49 : i32
      %lt3A_447 = arith.cmpi slt, %scan3A_287, %lt3A_446 : i32
      %convert_element_type3A_448 = arith.extui %lt3A_447 : i1 to i32
      %cond3A_449 = arith.constant 0 : i32
      %cond3A_450 = arith.cmpi ne, %convert_element_type3A_448, %cond3A_449 : i32
      scf.if %cond3A_450 {
        %add3A_492 = arith.constant 3 : i32
        %add3A_493 = arith.addi %add3A_445, %add3A_492 : i32
        %dma_start3A_494 = arith.constant 2 : i32
        %dma_start3A_495 = arith.constant 0 : i32
        %dma_start3A_496 = arith.constant 0 : i32
        %dma_start3A_497 = tpu.memref_slice %arg7[%dma_start3A_494, %dma_start3A_495, %dma_start3A_496] : memref<4x128x64xf32, #tpu.memory_space<vmem>> -> memref<1x128x64xf32, #tpu.memory_space<vmem>>
        %dma_start3A_498 = tpu.memref_squeeze %dma_start3A_497 : memref<1x128x64xf32, #tpu.memory_space<vmem>> -> memref<128x64xf32, #tpu.memory_space<vmem>>
        %dma_start3A_499 = arith.constant 0 : i32
        %dma_start3A_500 = tpu.memref_slice %arg5[%add3A_493, %dma_start3A_499] : memref<200x128xi32, #tpu.memory_space<vmem>> -> memref<1x128xi32, #tpu.memory_space<vmem>>
        %dma_start3A_501 = tpu.memref_squeeze %dma_start3A_500 : memref<1x128xi32, #tpu.memory_space<vmem>> -> memref<128xi32, #tpu.memory_space<vmem>>
        %dma_start3A_502 = arith.constant 0 : i32
        %dma_start3A_503 = arith.constant 0 : i32
        %dma_start3A_504 = tpu.memref_slice %arg3[%dma_start3A_502, %dma_start3A_503] : memref<100000x64xf32, #tpu.memory_space<hbm>> -> memref<100000x64xf32, #tpu.memory_space<hbm>>
        tpu.enqueue_indirect_dma source(%dma_start3A_504 : memref<100000x64xf32, #tpu.memory_space<hbm>>) target(%dma_start3A_498 : memref<128x64xf32, #tpu.memory_space<vmem>>) offsets(%dma_start3A_501 : memref<128xi32, #tpu.memory_space<vmem>>) semaphore(%arg11 : memref<!tpu.dma_semaphore, #tpu.memory_space<semaphore_mem>>)
      } else {
      }
      %dma_wait3A_451 = arith.constant 0 : i32
      %dma_wait3A_452 = arith.constant 3 : i32
      %dma_wait3A_453 = arith.constant 0 : i32
      %dma_wait3A_454 = arith.constant 0 : i32
      %dma_wait3A_455 = tpu.memref_slice %arg7[%dma_wait3A_452, %dma_wait3A_453, %dma_wait3A_454] : memref<4x128x64xf32, #tpu.memory_space<vmem>> -> memref<1x128x64xf32, #tpu.memory_space<vmem>>
      %dma_wait3A_456 = tpu.memref_squeeze %dma_wait3A_455 : memref<1x128x64xf32, #tpu.memory_space<vmem>> -> memref<128x64xf32, #tpu.memory_space<vmem>>
      %dma_wait3A_457 = arith.constant 0 : i32
      %dma_wait3A_458 = tpu.memref_slice %arg5[%dma_wait3A_451, %dma_wait3A_457] : memref<200x128xi32, #tpu.memory_space<vmem>> -> memref<1x128xi32, #tpu.memory_space<vmem>>
      %dma_wait3A_459 = tpu.memref_squeeze %dma_wait3A_458 : memref<1x128xi32, #tpu.memory_space<vmem>> -> memref<128xi32, #tpu.memory_space<vmem>>
      %dma_wait3A_460 = arith.constant 0 : i32
      %dma_wait3A_461 = arith.constant 0 : i32
      %dma_wait3A_462 = tpu.memref_slice %arg3[%dma_wait3A_460, %dma_wait3A_461] : memref<100000x64xf32, #tpu.memory_space<hbm>> -> memref<100000x64xf32, #tpu.memory_space<hbm>>
      tpu.wait_indirect_dma semaphore(%arg12 : memref<!tpu.dma_semaphore, #tpu.memory_space<semaphore_mem>>) src(%dma_wait3A_462 : memref<100000x64xf32, #tpu.memory_space<hbm>>) dst(%dma_wait3A_456 : memref<128x64xf32, #tpu.memory_space<vmem>>)
      %gt3A_463 = arith.constant 0 : i32
      %gt3A_464 = arith.cmpi sgt, %scan3A_287, %gt3A_463 : i32
      %convert_element_type3A_465 = arith.extui %gt3A_464 : i1 to i32
      %cond3A_466 = arith.constant 0 : i32
      %cond3A_467 = arith.cmpi ne, %convert_element_type3A_465, %cond3A_466 : i32
      scf.if %cond3A_467 {
        %dma_wait3A_492 = arith.constant 3 : i32
        %dma_wait3A_493 = arith.constant 0 : i32
        %dma_wait3A_494 = arith.constant 0 : i32
        %dma_wait3A_495 = arith.constant 0 : i32
        %dma_wait3A_496 = arith.constant 0 : i32
        %dma_wait3A_497 = tpu.memref_slice %arg8[%dma_wait3A_492, %dma_wait3A_494, %dma_wait3A_495, %dma_wait3A_496] : memref<4x8x8x128xf32, #tpu.memory_space<vmem>> -> memref<1x8x8x128xf32, #tpu.memory_space<vmem>>
        %dma_wait3A_498 = tpu.memref_squeeze %dma_wait3A_497 : memref<1x8x8x128xf32, #tpu.memory_space<vmem>> -> memref<8x8x128xf32, #tpu.memory_space<vmem>>
        %dma_wait3A_499 = arith.constant 0 : i32
        %dma_wait3A_500 = arith.constant 0 : i32
        %dma_wait3A_501 = arith.constant 0 : i32
        %dma_wait3A_502 = tpu.memref_slice %arg4[%dma_wait3A_493, %dma_wait3A_499, %add3A, %dma_wait3A_500, %dma_wait3A_501] : memref<200x8x32x8x128xf32, #tpu.memory_space<hbm>> -> memref<1x8x1x8x128xf32, #tpu.memory_space<hbm>>
        %dma_wait3A_503 = tpu.memref_squeeze %dma_wait3A_502 : memref<1x8x1x8x128xf32, #tpu.memory_space<hbm>> -> memref<8x8x128xf32, #tpu.memory_space<hbm>>
        %dma_wait3A_504 = arith.constant 0 : i32
        %dma_wait3A_505 = arith.constant 0 : i32
        %dma_wait3A_506 = arith.constant 0 : i32
        %dma_wait3A_507 = tpu.memref_slice %arg4[%dma_wait3A_493, %dma_wait3A_504, %add3A, %dma_wait3A_505, %dma_wait3A_506] : memref<200x8x32x8x128xf32, #tpu.memory_space<hbm>> -> memref<1x8x1x8x128xf32, #tpu.memory_space<hbm>>
        %dma_wait3A_508 = tpu.memref_squeeze %dma_wait3A_507 : memref<1x8x1x8x128xf32, #tpu.memory_space<hbm>> -> memref<8x8x128xf32, #tpu.memory_space<hbm>>
        %dma_wait3A_509 = arith.constant 0 : i32
        %dma_wait3A_510 = arith.constant 0 : i32
        %dma_wait3A_511 = arith.constant 0 : i32
        %dma_wait3A_512 = tpu.memref_slice %arg8[%dma_wait3A_492, %dma_wait3A_509, %dma_wait3A_510, %dma_wait3A_511] : memref<4x8x8x128xf32, #tpu.memory_space<vmem>> -> memref<1x8x8x128xf32, #tpu.memory_space<vmem>>
        %dma_wait3A_513 = tpu.memref_squeeze %dma_wait3A_512 : memref<1x8x8x128xf32, #tpu.memory_space<vmem>> -> memref<8x8x128xf32, #tpu.memory_space<vmem>>
        tpu.wait_dma2 semaphore(%arg16 : memref<!tpu.dma_semaphore, #tpu.memory_space<semaphore_mem>>) src(%dma_wait3A_513 : memref<8x8x128xf32, #tpu.memory_space<vmem>>) dst(%dma_wait3A_508 : memref<8x8x128xf32, #tpu.memory_space<hbm>>)
      } else {
      }
      %parallel_loop3A_468 = arith.constant 0 : i32
      %parallel_loop3A_469 = arith.constant 32 : i32
      %parallel_loop3A_470 = arith.constant 1 : i32
      scf.for %parallel_loop3A_492 = %parallel_loop3A_468 to %parallel_loop3A_469 step %parallel_loop3A_470  : i32 {
        %parallel_loop3A_493 = arith.constant 8 : i32
        %parallel_loop3A_494 = arith.divsi %parallel_loop3A_492, %parallel_loop3A_493 : i32
        %parallel_loop3A_495 = arith.constant 0 : i32
        %parallel_loop3A_496 = arith.cmpi sgt, %parallel_loop3A_492, %parallel_loop3A_495 : i32
        %parallel_loop3A_497 = arith.extui %parallel_loop3A_496 : i1 to i32
        %parallel_loop3A_498 = arith.constant 0 : i32
        %parallel_loop3A_499 = arith.cmpi slt, %parallel_loop3A_492, %parallel_loop3A_498 : i32
        %parallel_loop3A_500 = arith.extui %parallel_loop3A_499 : i1 to i32
        %parallel_loop3A_501 = arith.subi %parallel_loop3A_497, %parallel_loop3A_500 : i32
        %parallel_loop3A_502 = arith.constant 0 : i32
        %parallel_loop3A_503 = arith.cmpi sgt, %parallel_loop3A_493, %parallel_loop3A_502 : i32
        %parallel_loop3A_504 = arith.extui %parallel_loop3A_503 : i1 to i32
        %parallel_loop3A_505 = arith.constant 0 : i32
        %parallel_loop3A_506 = arith.cmpi slt, %parallel_loop3A_493, %parallel_loop3A_505 : i32
        %parallel_loop3A_507 = arith.extui %parallel_loop3A_506 : i1 to i32
        %parallel_loop3A_508 = arith.subi %parallel_loop3A_504, %parallel_loop3A_507 : i32
        %parallel_loop3A_509 = arith.cmpi ne, %parallel_loop3A_501, %parallel_loop3A_508 : i32
        %parallel_loop3A_510 = arith.remsi %parallel_loop3A_492, %parallel_loop3A_493 : i32
        %parallel_loop3A_511 = arith.constant 0 : i32
        %parallel_loop3A_512 = arith.cmpi ne, %parallel_loop3A_510, %parallel_loop3A_511 : i32
        %parallel_loop3A_513 = arith.andi %parallel_loop3A_509, %parallel_loop3A_512 : i1
        %parallel_loop3A_514 = arith.constant 1 : i32
        %parallel_loop3A_515 = arith.subi %parallel_loop3A_494, %parallel_loop3A_514 : i32
        %parallel_loop3A_516 = arith.select %parallel_loop3A_513, %parallel_loop3A_515, %parallel_loop3A_494 : i32
        %parallel_loop3A_517 = arith.constant 16 : i32
        %parallel_loop3A_518 = arith.muli %parallel_loop3A_516, %parallel_loop3A_517 : i32
        %parallel_loop3A_519 = arith.constant 8 : i32
        %parallel_loop3A_520 = arith.constant 0 : i32
        %parallel_loop3A_521 = arith.cmpi eq, %parallel_loop3A_519, %parallel_loop3A_520 : i32
        %parallel_loop3A_522 = arith.constant 1 : i32
        %parallel_loop3A_523 = arith.select %parallel_loop3A_521, %parallel_loop3A_522, %parallel_loop3A_519 : i32
        %parallel_loop3A_524 = arith.remsi %parallel_loop3A_492, %parallel_loop3A_523 : i32
        %parallel_loop3A_525 = arith.constant 0 : i32
        %parallel_loop3A_526 = arith.cmpi ne, %parallel_loop3A_524, %parallel_loop3A_525 : i32
        %parallel_loop3A_527 = arith.constant 0 : i32
        %parallel_loop3A_528 = arith.cmpi slt, %parallel_loop3A_524, %parallel_loop3A_527 : i32
        %parallel_loop3A_529 = arith.constant 0 : i32
        %parallel_loop3A_530 = arith.cmpi slt, %parallel_loop3A_523, %parallel_loop3A_529 : i32
        %parallel_loop3A_531 = arith.xori %parallel_loop3A_528, %parallel_loop3A_530 : i1
        %parallel_loop3A_532 = arith.andi %parallel_loop3A_531, %parallel_loop3A_526 : i1
        %parallel_loop3A_533 = arith.addi %parallel_loop3A_524, %parallel_loop3A_523 : i32
        %parallel_loop3A_534 = arith.select %parallel_loop3A_532, %parallel_loop3A_533, %parallel_loop3A_524 : i32
        %parallel_loop3A_535 = arith.constant 16 : i32
        %parallel_loop3A_536 = arith.muli %parallel_loop3A_534, %parallel_loop3A_535 : i32
        %parallel_loop3A_537 = arith.constant 64 : i32
        %parallel_loop3A_538 = arith.muli %parallel_loop3A_536, %parallel_loop3A_537 : i32
        %parallel_loop3A_539 = arith.addi %parallel_loop3A_538, %parallel_loop3A_518 : i32
        %parallel_loop3A_540 = vector.broadcast %parallel_loop3A_539 : i32 to vector<16xi32>
        %parallel_loop3A_541 = arith.addi %mul3A_98, %parallel_loop3A_540 : vector<16xi32>
        %parallel_loop3A_542 = arith.constant 128 : i32
        %parallel_loop3A_543 = arith.muli %parallel_loop3A_518, %parallel_loop3A_542 : i32
        %parallel_loop3A_544 = arith.addi %parallel_loop3A_543, %parallel_loop3A_536 : i32
        %parallel_loop3A_545 = vector.broadcast %parallel_loop3A_544 : i32 to vector<16xi32>
        %parallel_loop3A_546 = arith.addi %iota3A, %parallel_loop3A_545 : vector<16xi32>
        %parallel_loop3A_547 = arith.addi %parallel_loop3A_541, %and3A_5 : vector<16xi32>
        %parallel_loop3A_548 = arith.constant 3 : i32
        %parallel_loop3A_549 = arith.constant 0 : i32
        %parallel_loop3A_550 = arith.constant 0 : i32
        %parallel_loop3A_551 = tpu.memref_slice %arg7[%parallel_loop3A_548, %parallel_loop3A_549, %parallel_loop3A_550] : memref<4x128x64xf32, #tpu.memory_space<vmem>> -> memref<1x128x64xf32, #tpu.memory_space<vmem>>
        %parallel_loop3A_552 = tpu.memref_squeeze %parallel_loop3A_551 : memref<1x128x64xf32, #tpu.memory_space<vmem>> -> memref<128x64xf32, #tpu.memory_space<vmem>>
        %parallel_loop3A_553 = tpu.vector_load_idx %parallel_loop3A_552[%and3A_149, %parallel_loop3A_547] : memref<128x64xf32, #tpu.memory_space<vmem>>[vector<16xi32>, vector<16xi32>], vector<16xf32>,
        %parallel_loop3A_554 = arith.addi %parallel_loop3A_546, %mul3A_101 : vector<16xi32>
        %parallel_loop3A_555 = arith.constant 3 : i32
        %parallel_loop3A_556 = arith.constant 0 : i32
        %parallel_loop3A_557 = arith.constant 0 : i32
        %parallel_loop3A_558 = arith.constant 0 : i32
        %parallel_loop3A_559 = tpu.memref_slice %arg8[%parallel_loop3A_555, %parallel_loop3A_556, %parallel_loop3A_557, %parallel_loop3A_558] : memref<4x8x8x128xf32, #tpu.memory_space<vmem>> -> memref<1x8x8x128xf32, #tpu.memory_space<vmem>>
        %parallel_loop3A_560 = tpu.memref_squeeze %parallel_loop3A_559 : memref<1x8x8x128xf32, #tpu.memory_space<vmem>> -> memref<8x8x128xf32, #tpu.memory_space<vmem>>
        tpu.vector_store_idx %parallel_loop3A_560[%and3A_149, %and3A_149, %parallel_loop3A_554], %parallel_loop3A_553 : memref<8x8x128xf32, #tpu.memory_space<vmem>>[vector<16xi32>, vector<16xi32>, vector<16xi32>], vector<16xf32>,
        %parallel_loop3A_561 = arith.addi %parallel_loop3A_541, %and3A_11 : vector<16xi32>
        %parallel_loop3A_562 = arith.constant 3 : i32
        %parallel_loop3A_563 = arith.constant 0 : i32
        %parallel_loop3A_564 = arith.constant 0 : i32
        %parallel_loop3A_565 = tpu.memref_slice %arg7[%parallel_loop3A_562, %parallel_loop3A_563, %parallel_loop3A_564] : memref<4x128x64xf32, #tpu.memory_space<vmem>> -> memref<1x128x64xf32, #tpu.memory_space<vmem>>
        %parallel_loop3A_566 = tpu.memref_squeeze %parallel_loop3A_565 : memref<1x128x64xf32, #tpu.memory_space<vmem>> -> memref<128x64xf32, #tpu.memory_space<vmem>>
        %parallel_loop3A_567 = tpu.vector_load_idx %parallel_loop3A_566[%and3A_149, %parallel_loop3A_561] : memref<128x64xf32, #tpu.memory_space<vmem>>[vector<16xi32>, vector<16xi32>], vector<16xf32>,
        %parallel_loop3A_568 = arith.addi %parallel_loop3A_546, %mul3A_104 : vector<16xi32>
        %parallel_loop3A_569 = arith.constant 3 : i32
        %parallel_loop3A_570 = arith.constant 0 : i32
        %parallel_loop3A_571 = arith.constant 0 : i32
        %parallel_loop3A_572 = arith.constant 0 : i32
        %parallel_loop3A_573 = tpu.memref_slice %arg8[%parallel_loop3A_569, %parallel_loop3A_570, %parallel_loop3A_571, %parallel_loop3A_572] : memref<4x8x8x128xf32, #tpu.memory_space<vmem>> -> memref<1x8x8x128xf32, #tpu.memory_space<vmem>>
        %parallel_loop3A_574 = tpu.memref_squeeze %parallel_loop3A_573 : memref<1x8x8x128xf32, #tpu.memory_space<vmem>> -> memref<8x8x128xf32, #tpu.memory_space<vmem>>
        tpu.vector_store_idx %parallel_loop3A_574[%and3A_149, %and3A_149, %parallel_loop3A_568], %parallel_loop3A_567 : memref<8x8x128xf32, #tpu.memory_space<vmem>>[vector<16xi32>, vector<16xi32>, vector<16xi32>], vector<16xf32>,
        %parallel_loop3A_575 = arith.addi %parallel_loop3A_541, %and3A_17 : vector<16xi32>
        %parallel_loop3A_576 = arith.constant 3 : i32
        %parallel_loop3A_577 = arith.constant 0 : i32
        %parallel_loop3A_578 = arith.constant 0 : i32
        %parallel_loop3A_579 = tpu.memref_slice %arg7[%parallel_loop3A_576, %parallel_loop3A_577, %parallel_loop3A_578] : memref<4x128x64xf32, #tpu.memory_space<vmem>> -> memref<1x128x64xf32, #tpu.memory_space<vmem>>
        %parallel_loop3A_580 = tpu.memref_squeeze %parallel_loop3A_579 : memref<1x128x64xf32, #tpu.memory_space<vmem>> -> memref<128x64xf32, #tpu.memory_space<vmem>>
        %parallel_loop3A_581 = tpu.vector_load_idx %parallel_loop3A_580[%and3A_149, %parallel_loop3A_575] : memref<128x64xf32, #tpu.memory_space<vmem>>[vector<16xi32>, vector<16xi32>], vector<16xf32>,
        %parallel_loop3A_582 = arith.addi %parallel_loop3A_546, %mul3A_107 : vector<16xi32>
        %parallel_loop3A_583 = arith.constant 3 : i32
        %parallel_loop3A_584 = arith.constant 0 : i32
        %parallel_loop3A_585 = arith.constant 0 : i32
        %parallel_loop3A_586 = arith.constant 0 : i32
        %parallel_loop3A_587 = tpu.memref_slice %arg8[%parallel_loop3A_583, %parallel_loop3A_584, %parallel_loop3A_585, %parallel_loop3A_586] : memref<4x8x8x128xf32, #tpu.memory_space<vmem>> -> memref<1x8x8x128xf32, #tpu.memory_space<vmem>>
        %parallel_loop3A_588 = tpu.memref_squeeze %parallel_loop3A_587 : memref<1x8x8x128xf32, #tpu.memory_space<vmem>> -> memref<8x8x128xf32, #tpu.memory_space<vmem>>
        tpu.vector_store_idx %parallel_loop3A_588[%and3A_149, %and3A_149, %parallel_loop3A_582], %parallel_loop3A_581 : memref<8x8x128xf32, #tpu.memory_space<vmem>>[vector<16xi32>, vector<16xi32>, vector<16xi32>], vector<16xf32>,
        %parallel_loop3A_589 = arith.addi %parallel_loop3A_541, %and3A_23 : vector<16xi32>
        %parallel_loop3A_590 = arith.constant 3 : i32
        %parallel_loop3A_591 = arith.constant 0 : i32
        %parallel_loop3A_592 = arith.constant 0 : i32
        %parallel_loop3A_593 = tpu.memref_slice %arg7[%parallel_loop3A_590, %parallel_loop3A_591, %parallel_loop3A_592] : memref<4x128x64xf32, #tpu.memory_space<vmem>> -> memref<1x128x64xf32, #tpu.memory_space<vmem>>
        %parallel_loop3A_594 = tpu.memref_squeeze %parallel_loop3A_593 : memref<1x128x64xf32, #tpu.memory_space<vmem>> -> memref<128x64xf32, #tpu.memory_space<vmem>>
        %parallel_loop3A_595 = tpu.vector_load_idx %parallel_loop3A_594[%and3A_149, %parallel_loop3A_589] : memref<128x64xf32, #tpu.memory_space<vmem>>[vector<16xi32>, vector<16xi32>], vector<16xf32>,
        %parallel_loop3A_596 = arith.addi %parallel_loop3A_546, %mul3A_110 : vector<16xi32>
        %parallel_loop3A_597 = arith.constant 3 : i32
        %parallel_loop3A_598 = arith.constant 0 : i32
        %parallel_loop3A_599 = arith.constant 0 : i32
        %parallel_loop3A_600 = arith.constant 0 : i32
        %parallel_loop3A_601 = tpu.memref_slice %arg8[%parallel_loop3A_597, %parallel_loop3A_598, %parallel_loop3A_599, %parallel_loop3A_600] : memref<4x8x8x128xf32, #tpu.memory_space<vmem>> -> memref<1x8x8x128xf32, #tpu.memory_space<vmem>>
        %parallel_loop3A_602 = tpu.memref_squeeze %parallel_loop3A_601 : memref<1x8x8x128xf32, #tpu.memory_space<vmem>> -> memref<8x8x128xf32, #tpu.memory_space<vmem>>
        tpu.vector_store_idx %parallel_loop3A_602[%and3A_149, %and3A_149, %parallel_loop3A_596], %parallel_loop3A_595 : memref<8x8x128xf32, #tpu.memory_space<vmem>>[vector<16xi32>, vector<16xi32>, vector<16xi32>], vector<16xf32>,
        %parallel_loop3A_603 = arith.addi %parallel_loop3A_541, %and3A_29 : vector<16xi32>
        %parallel_loop3A_604 = arith.constant 3 : i32
        %parallel_loop3A_605 = arith.constant 0 : i32
        %parallel_loop3A_606 = arith.constant 0 : i32
        %parallel_loop3A_607 = tpu.memref_slice %arg7[%parallel_loop3A_604, %parallel_loop3A_605, %parallel_loop3A_606] : memref<4x128x64xf32, #tpu.memory_space<vmem>> -> memref<1x128x64xf32, #tpu.memory_space<vmem>>
        %parallel_loop3A_608 = tpu.memref_squeeze %parallel_loop3A_607 : memref<1x128x64xf32, #tpu.memory_space<vmem>> -> memref<128x64xf32, #tpu.memory_space<vmem>>
        %parallel_loop3A_609 = tpu.vector_load_idx %parallel_loop3A_608[%and3A_149, %parallel_loop3A_603] : memref<128x64xf32, #tpu.memory_space<vmem>>[vector<16xi32>, vector<16xi32>], vector<16xf32>,
        %parallel_loop3A_610 = arith.addi %parallel_loop3A_546, %mul3A_113 : vector<16xi32>
        %parallel_loop3A_611 = arith.constant 3 : i32
        %parallel_loop3A_612 = arith.constant 0 : i32
        %parallel_loop3A_613 = arith.constant 0 : i32
        %parallel_loop3A_614 = arith.constant 0 : i32
        %parallel_loop3A_615 = tpu.memref_slice %arg8[%parallel_loop3A_611, %parallel_loop3A_612, %parallel_loop3A_613, %parallel_loop3A_614] : memref<4x8x8x128xf32, #tpu.memory_space<vmem>> -> memref<1x8x8x128xf32, #tpu.memory_space<vmem>>
        %parallel_loop3A_616 = tpu.memref_squeeze %parallel_loop3A_615 : memref<1x8x8x128xf32, #tpu.memory_space<vmem>> -> memref<8x8x128xf32, #tpu.memory_space<vmem>>
        tpu.vector_store_idx %parallel_loop3A_616[%and3A_149, %and3A_149, %parallel_loop3A_610], %parallel_loop3A_609 : memref<8x8x128xf32, #tpu.memory_space<vmem>>[vector<16xi32>, vector<16xi32>, vector<16xi32>], vector<16xf32>,
        %parallel_loop3A_617 = arith.addi %parallel_loop3A_541, %and3A_35 : vector<16xi32>
        %parallel_loop3A_618 = arith.constant 3 : i32
        %parallel_loop3A_619 = arith.constant 0 : i32
        %parallel_loop3A_620 = arith.constant 0 : i32
        %parallel_loop3A_621 = tpu.memref_slice %arg7[%parallel_loop3A_618, %parallel_loop3A_619, %parallel_loop3A_620] : memref<4x128x64xf32, #tpu.memory_space<vmem>> -> memref<1x128x64xf32, #tpu.memory_space<vmem>>
        %parallel_loop3A_622 = tpu.memref_squeeze %parallel_loop3A_621 : memref<1x128x64xf32, #tpu.memory_space<vmem>> -> memref<128x64xf32, #tpu.memory_space<vmem>>
        %parallel_loop3A_623 = tpu.vector_load_idx %parallel_loop3A_622[%and3A_149, %parallel_loop3A_617] : memref<128x64xf32, #tpu.memory_space<vmem>>[vector<16xi32>, vector<16xi32>], vector<16xf32>,
        %parallel_loop3A_624 = arith.addi %parallel_loop3A_546, %mul3A_116 : vector<16xi32>
        %parallel_loop3A_625 = arith.constant 3 : i32
        %parallel_loop3A_626 = arith.constant 0 : i32
        %parallel_loop3A_627 = arith.constant 0 : i32
        %parallel_loop3A_628 = arith.constant 0 : i32
        %parallel_loop3A_629 = tpu.memref_slice %arg8[%parallel_loop3A_625, %parallel_loop3A_626, %parallel_loop3A_627, %parallel_loop3A_628] : memref<4x8x8x128xf32, #tpu.memory_space<vmem>> -> memref<1x8x8x128xf32, #tpu.memory_space<vmem>>
        %parallel_loop3A_630 = tpu.memref_squeeze %parallel_loop3A_629 : memref<1x8x8x128xf32, #tpu.memory_space<vmem>> -> memref<8x8x128xf32, #tpu.memory_space<vmem>>
        tpu.vector_store_idx %parallel_loop3A_630[%and3A_149, %and3A_149, %parallel_loop3A_624], %parallel_loop3A_623 : memref<8x8x128xf32, #tpu.memory_space<vmem>>[vector<16xi32>, vector<16xi32>, vector<16xi32>], vector<16xf32>,
        %parallel_loop3A_631 = arith.addi %parallel_loop3A_541, %and3A_41 : vector<16xi32>
        %parallel_loop3A_632 = arith.constant 3 : i32
        %parallel_loop3A_633 = arith.constant 0 : i32
        %parallel_loop3A_634 = arith.constant 0 : i32
        %parallel_loop3A_635 = tpu.memref_slice %arg7[%parallel_loop3A_632, %parallel_loop3A_633, %parallel_loop3A_634] : memref<4x128x64xf32, #tpu.memory_space<vmem>> -> memref<1x128x64xf32, #tpu.memory_space<vmem>>
        %parallel_loop3A_636 = tpu.memref_squeeze %parallel_loop3A_635 : memref<1x128x64xf32, #tpu.memory_space<vmem>> -> memref<128x64xf32, #tpu.memory_space<vmem>>
        %parallel_loop3A_637 = tpu.vector_load_idx %parallel_loop3A_636[%and3A_149, %parallel_loop3A_631] : memref<128x64xf32, #tpu.memory_space<vmem>>[vector<16xi32>, vector<16xi32>], vector<16xf32>,
        %parallel_loop3A_638 = arith.addi %parallel_loop3A_546, %mul3A_119 : vector<16xi32>
        %parallel_loop3A_639 = arith.constant 3 : i32
        %parallel_loop3A_640 = arith.constant 0 : i32
        %parallel_loop3A_641 = arith.constant 0 : i32
        %parallel_loop3A_642 = arith.constant 0 : i32
        %parallel_loop3A_643 = tpu.memref_slice %arg8[%parallel_loop3A_639, %parallel_loop3A_640, %parallel_loop3A_641, %parallel_loop3A_642] : memref<4x8x8x128xf32, #tpu.memory_space<vmem>> -> memref<1x8x8x128xf32, #tpu.memory_space<vmem>>
        %parallel_loop3A_644 = tpu.memref_squeeze %parallel_loop3A_643 : memref<1x8x8x128xf32, #tpu.memory_space<vmem>> -> memref<8x8x128xf32, #tpu.memory_space<vmem>>
        tpu.vector_store_idx %parallel_loop3A_644[%and3A_149, %and3A_149, %parallel_loop3A_638], %parallel_loop3A_637 : memref<8x8x128xf32, #tpu.memory_space<vmem>>[vector<16xi32>, vector<16xi32>, vector<16xi32>], vector<16xf32>,
        %parallel_loop3A_645 = arith.addi %parallel_loop3A_541, %and3A_47 : vector<16xi32>
        %parallel_loop3A_646 = arith.constant 3 : i32
        %parallel_loop3A_647 = arith.constant 0 : i32
        %parallel_loop3A_648 = arith.constant 0 : i32
        %parallel_loop3A_649 = tpu.memref_slice %arg7[%parallel_loop3A_646, %parallel_loop3A_647, %parallel_loop3A_648] : memref<4x128x64xf32, #tpu.memory_space<vmem>> -> memref<1x128x64xf32, #tpu.memory_space<vmem>>
        %parallel_loop3A_650 = tpu.memref_squeeze %parallel_loop3A_649 : memref<1x128x64xf32, #tpu.memory_space<vmem>> -> memref<128x64xf32, #tpu.memory_space<vmem>>
        %parallel_loop3A_651 = tpu.vector_load_idx %parallel_loop3A_650[%and3A_149, %parallel_loop3A_645] : memref<128x64xf32, #tpu.memory_space<vmem>>[vector<16xi32>, vector<16xi32>], vector<16xf32>,
        %parallel_loop3A_652 = arith.addi %parallel_loop3A_546, %mul3A_122 : vector<16xi32>
        %parallel_loop3A_653 = arith.constant 3 : i32
        %parallel_loop3A_654 = arith.constant 0 : i32
        %parallel_loop3A_655 = arith.constant 0 : i32
        %parallel_loop3A_656 = arith.constant 0 : i32
        %parallel_loop3A_657 = tpu.memref_slice %arg8[%parallel_loop3A_653, %parallel_loop3A_654, %parallel_loop3A_655, %parallel_loop3A_656] : memref<4x8x8x128xf32, #tpu.memory_space<vmem>> -> memref<1x8x8x128xf32, #tpu.memory_space<vmem>>
        %parallel_loop3A_658 = tpu.memref_squeeze %parallel_loop3A_657 : memref<1x8x8x128xf32, #tpu.memory_space<vmem>> -> memref<8x8x128xf32, #tpu.memory_space<vmem>>
        tpu.vector_store_idx %parallel_loop3A_658[%and3A_149, %and3A_149, %parallel_loop3A_652], %parallel_loop3A_651 : memref<8x8x128xf32, #tpu.memory_space<vmem>>[vector<16xi32>, vector<16xi32>, vector<16xi32>], vector<16xf32>,
        %parallel_loop3A_659 = arith.addi %parallel_loop3A_541, %and3A_53 : vector<16xi32>
        %parallel_loop3A_660 = arith.constant 3 : i32
        %parallel_loop3A_661 = arith.constant 0 : i32
        %parallel_loop3A_662 = arith.constant 0 : i32
        %parallel_loop3A_663 = tpu.memref_slice %arg7[%parallel_loop3A_660, %parallel_loop3A_661, %parallel_loop3A_662] : memref<4x128x64xf32, #tpu.memory_space<vmem>> -> memref<1x128x64xf32, #tpu.memory_space<vmem>>
        %parallel_loop3A_664 = tpu.memref_squeeze %parallel_loop3A_663 : memref<1x128x64xf32, #tpu.memory_space<vmem>> -> memref<128x64xf32, #tpu.memory_space<vmem>>
        %parallel_loop3A_665 = tpu.vector_load_idx %parallel_loop3A_664[%and3A_149, %parallel_loop3A_659] : memref<128x64xf32, #tpu.memory_space<vmem>>[vector<16xi32>, vector<16xi32>], vector<16xf32>,
        %parallel_loop3A_666 = arith.addi %parallel_loop3A_546, %mul3A_125 : vector<16xi32>
        %parallel_loop3A_667 = arith.constant 3 : i32
        %parallel_loop3A_668 = arith.constant 0 : i32
        %parallel_loop3A_669 = arith.constant 0 : i32
        %parallel_loop3A_670 = arith.constant 0 : i32
        %parallel_loop3A_671 = tpu.memref_slice %arg8[%parallel_loop3A_667, %parallel_loop3A_668, %parallel_loop3A_669, %parallel_loop3A_670] : memref<4x8x8x128xf32, #tpu.memory_space<vmem>> -> memref<1x8x8x128xf32, #tpu.memory_space<vmem>>
        %parallel_loop3A_672 = tpu.memref_squeeze %parallel_loop3A_671 : memref<1x8x8x128xf32, #tpu.memory_space<vmem>> -> memref<8x8x128xf32, #tpu.memory_space<vmem>>
        tpu.vector_store_idx %parallel_loop3A_672[%and3A_149, %and3A_149, %parallel_loop3A_666], %parallel_loop3A_665 : memref<8x8x128xf32, #tpu.memory_space<vmem>>[vector<16xi32>, vector<16xi32>, vector<16xi32>], vector<16xf32>,
        %parallel_loop3A_673 = arith.addi %parallel_loop3A_541, %and3A_59 : vector<16xi32>
        %parallel_loop3A_674 = arith.constant 3 : i32
        %parallel_loop3A_675 = arith.constant 0 : i32
        %parallel_loop3A_676 = arith.constant 0 : i32
        %parallel_loop3A_677 = tpu.memref_slice %arg7[%parallel_loop3A_674, %parallel_loop3A_675, %parallel_loop3A_676] : memref<4x128x64xf32, #tpu.memory_space<vmem>> -> memref<1x128x64xf32, #tpu.memory_space<vmem>>
        %parallel_loop3A_678 = tpu.memref_squeeze %parallel_loop3A_677 : memref<1x128x64xf32, #tpu.memory_space<vmem>> -> memref<128x64xf32, #tpu.memory_space<vmem>>
        %parallel_loop3A_679 = tpu.vector_load_idx %parallel_loop3A_678[%and3A_149, %parallel_loop3A_673] : memref<128x64xf32, #tpu.memory_space<vmem>>[vector<16xi32>, vector<16xi32>], vector<16xf32>,
        %parallel_loop3A_680 = arith.addi %parallel_loop3A_546, %mul3A_128 : vector<16xi32>
        %parallel_loop3A_681 = arith.constant 3 : i32
        %parallel_loop3A_682 = arith.constant 0 : i32
        %parallel_loop3A_683 = arith.constant 0 : i32
        %parallel_loop3A_684 = arith.constant 0 : i32
        %parallel_loop3A_685 = tpu.memref_slice %arg8[%parallel_loop3A_681, %parallel_loop3A_682, %parallel_loop3A_683, %parallel_loop3A_684] : memref<4x8x8x128xf32, #tpu.memory_space<vmem>> -> memref<1x8x8x128xf32, #tpu.memory_space<vmem>>
        %parallel_loop3A_686 = tpu.memref_squeeze %parallel_loop3A_685 : memref<1x8x8x128xf32, #tpu.memory_space<vmem>> -> memref<8x8x128xf32, #tpu.memory_space<vmem>>
        tpu.vector_store_idx %parallel_loop3A_686[%and3A_149, %and3A_149, %parallel_loop3A_680], %parallel_loop3A_679 : memref<8x8x128xf32, #tpu.memory_space<vmem>>[vector<16xi32>, vector<16xi32>, vector<16xi32>], vector<16xf32>,
        %parallel_loop3A_687 = arith.addi %parallel_loop3A_541, %and3A_65 : vector<16xi32>
        %parallel_loop3A_688 = arith.constant 3 : i32
        %parallel_loop3A_689 = arith.constant 0 : i32
        %parallel_loop3A_690 = arith.constant 0 : i32
        %parallel_loop3A_691 = tpu.memref_slice %arg7[%parallel_loop3A_688, %parallel_loop3A_689, %parallel_loop3A_690] : memref<4x128x64xf32, #tpu.memory_space<vmem>> -> memref<1x128x64xf32, #tpu.memory_space<vmem>>
        %parallel_loop3A_692 = tpu.memref_squeeze %parallel_loop3A_691 : memref<1x128x64xf32, #tpu.memory_space<vmem>> -> memref<128x64xf32, #tpu.memory_space<vmem>>
        %parallel_loop3A_693 = tpu.vector_load_idx %parallel_loop3A_692[%and3A_149, %parallel_loop3A_687] : memref<128x64xf32, #tpu.memory_space<vmem>>[vector<16xi32>, vector<16xi32>], vector<16xf32>,
        %parallel_loop3A_694 = arith.addi %parallel_loop3A_546, %mul3A_131 : vector<16xi32>
        %parallel_loop3A_695 = arith.constant 3 : i32
        %parallel_loop3A_696 = arith.constant 0 : i32
        %parallel_loop3A_697 = arith.constant 0 : i32
        %parallel_loop3A_698 = arith.constant 0 : i32
        %parallel_loop3A_699 = tpu.memref_slice %arg8[%parallel_loop3A_695, %parallel_loop3A_696, %parallel_loop3A_697, %parallel_loop3A_698] : memref<4x8x8x128xf32, #tpu.memory_space<vmem>> -> memref<1x8x8x128xf32, #tpu.memory_space<vmem>>
        %parallel_loop3A_700 = tpu.memref_squeeze %parallel_loop3A_699 : memref<1x8x8x128xf32, #tpu.memory_space<vmem>> -> memref<8x8x128xf32, #tpu.memory_space<vmem>>
        tpu.vector_store_idx %parallel_loop3A_700[%and3A_149, %and3A_149, %parallel_loop3A_694], %parallel_loop3A_693 : memref<8x8x128xf32, #tpu.memory_space<vmem>>[vector<16xi32>, vector<16xi32>, vector<16xi32>], vector<16xf32>,
        %parallel_loop3A_701 = arith.addi %parallel_loop3A_541, %and3A_71 : vector<16xi32>
        %parallel_loop3A_702 = arith.constant 3 : i32
        %parallel_loop3A_703 = arith.constant 0 : i32
        %parallel_loop3A_704 = arith.constant 0 : i32
        %parallel_loop3A_705 = tpu.memref_slice %arg7[%parallel_loop3A_702, %parallel_loop3A_703, %parallel_loop3A_704] : memref<4x128x64xf32, #tpu.memory_space<vmem>> -> memref<1x128x64xf32, #tpu.memory_space<vmem>>
        %parallel_loop3A_706 = tpu.memref_squeeze %parallel_loop3A_705 : memref<1x128x64xf32, #tpu.memory_space<vmem>> -> memref<128x64xf32, #tpu.memory_space<vmem>>
        %parallel_loop3A_707 = tpu.vector_load_idx %parallel_loop3A_706[%and3A_149, %parallel_loop3A_701] : memref<128x64xf32, #tpu.memory_space<vmem>>[vector<16xi32>, vector<16xi32>], vector<16xf32>,
        %parallel_loop3A_708 = arith.addi %parallel_loop3A_546, %mul3A_134 : vector<16xi32>
        %parallel_loop3A_709 = arith.constant 3 : i32
        %parallel_loop3A_710 = arith.constant 0 : i32
        %parallel_loop3A_711 = arith.constant 0 : i32
        %parallel_loop3A_712 = arith.constant 0 : i32
        %parallel_loop3A_713 = tpu.memref_slice %arg8[%parallel_loop3A_709, %parallel_loop3A_710, %parallel_loop3A_711, %parallel_loop3A_712] : memref<4x8x8x128xf32, #tpu.memory_space<vmem>> -> memref<1x8x8x128xf32, #tpu.memory_space<vmem>>
        %parallel_loop3A_714 = tpu.memref_squeeze %parallel_loop3A_713 : memref<1x8x8x128xf32, #tpu.memory_space<vmem>> -> memref<8x8x128xf32, #tpu.memory_space<vmem>>
        tpu.vector_store_idx %parallel_loop3A_714[%and3A_149, %and3A_149, %parallel_loop3A_708], %parallel_loop3A_707 : memref<8x8x128xf32, #tpu.memory_space<vmem>>[vector<16xi32>, vector<16xi32>, vector<16xi32>], vector<16xf32>,
        %parallel_loop3A_715 = arith.addi %parallel_loop3A_541, %and3A_77 : vector<16xi32>
        %parallel_loop3A_716 = arith.constant 3 : i32
        %parallel_loop3A_717 = arith.constant 0 : i32
        %parallel_loop3A_718 = arith.constant 0 : i32
        %parallel_loop3A_719 = tpu.memref_slice %arg7[%parallel_loop3A_716, %parallel_loop3A_717, %parallel_loop3A_718] : memref<4x128x64xf32, #tpu.memory_space<vmem>> -> memref<1x128x64xf32, #tpu.memory_space<vmem>>
        %parallel_loop3A_720 = tpu.memref_squeeze %parallel_loop3A_719 : memref<1x128x64xf32, #tpu.memory_space<vmem>> -> memref<128x64xf32, #tpu.memory_space<vmem>>
        %parallel_loop3A_721 = tpu.vector_load_idx %parallel_loop3A_720[%and3A_149, %parallel_loop3A_715] : memref<128x64xf32, #tpu.memory_space<vmem>>[vector<16xi32>, vector<16xi32>], vector<16xf32>,
        %parallel_loop3A_722 = arith.addi %parallel_loop3A_546, %mul3A_137 : vector<16xi32>
        %parallel_loop3A_723 = arith.constant 3 : i32
        %parallel_loop3A_724 = arith.constant 0 : i32
        %parallel_loop3A_725 = arith.constant 0 : i32
        %parallel_loop3A_726 = arith.constant 0 : i32
        %parallel_loop3A_727 = tpu.memref_slice %arg8[%parallel_loop3A_723, %parallel_loop3A_724, %parallel_loop3A_725, %parallel_loop3A_726] : memref<4x8x8x128xf32, #tpu.memory_space<vmem>> -> memref<1x8x8x128xf32, #tpu.memory_space<vmem>>
        %parallel_loop3A_728 = tpu.memref_squeeze %parallel_loop3A_727 : memref<1x8x8x128xf32, #tpu.memory_space<vmem>> -> memref<8x8x128xf32, #tpu.memory_space<vmem>>
        tpu.vector_store_idx %parallel_loop3A_728[%and3A_149, %and3A_149, %parallel_loop3A_722], %parallel_loop3A_721 : memref<8x8x128xf32, #tpu.memory_space<vmem>>[vector<16xi32>, vector<16xi32>, vector<16xi32>], vector<16xf32>,
        %parallel_loop3A_729 = arith.addi %parallel_loop3A_541, %and3A_83 : vector<16xi32>
        %parallel_loop3A_730 = arith.constant 3 : i32
        %parallel_loop3A_731 = arith.constant 0 : i32
        %parallel_loop3A_732 = arith.constant 0 : i32
        %parallel_loop3A_733 = tpu.memref_slice %arg7[%parallel_loop3A_730, %parallel_loop3A_731, %parallel_loop3A_732] : memref<4x128x64xf32, #tpu.memory_space<vmem>> -> memref<1x128x64xf32, #tpu.memory_space<vmem>>
        %parallel_loop3A_734 = tpu.memref_squeeze %parallel_loop3A_733 : memref<1x128x64xf32, #tpu.memory_space<vmem>> -> memref<128x64xf32, #tpu.memory_space<vmem>>
        %parallel_loop3A_735 = tpu.vector_load_idx %parallel_loop3A_734[%and3A_149, %parallel_loop3A_729] : memref<128x64xf32, #tpu.memory_space<vmem>>[vector<16xi32>, vector<16xi32>], vector<16xf32>,
        %parallel_loop3A_736 = arith.addi %parallel_loop3A_546, %mul3A_140 : vector<16xi32>
        %parallel_loop3A_737 = arith.constant 3 : i32
        %parallel_loop3A_738 = arith.constant 0 : i32
        %parallel_loop3A_739 = arith.constant 0 : i32
        %parallel_loop3A_740 = arith.constant 0 : i32
        %parallel_loop3A_741 = tpu.memref_slice %arg8[%parallel_loop3A_737, %parallel_loop3A_738, %parallel_loop3A_739, %parallel_loop3A_740] : memref<4x8x8x128xf32, #tpu.memory_space<vmem>> -> memref<1x8x8x128xf32, #tpu.memory_space<vmem>>
        %parallel_loop3A_742 = tpu.memref_squeeze %parallel_loop3A_741 : memref<1x8x8x128xf32, #tpu.memory_space<vmem>> -> memref<8x8x128xf32, #tpu.memory_space<vmem>>
        tpu.vector_store_idx %parallel_loop3A_742[%and3A_149, %and3A_149, %parallel_loop3A_736], %parallel_loop3A_735 : memref<8x8x128xf32, #tpu.memory_space<vmem>>[vector<16xi32>, vector<16xi32>, vector<16xi32>], vector<16xf32>,
        %parallel_loop3A_743 = arith.addi %parallel_loop3A_541, %and3A_89 : vector<16xi32>
        %parallel_loop3A_744 = arith.constant 3 : i32
        %parallel_loop3A_745 = arith.constant 0 : i32
        %parallel_loop3A_746 = arith.constant 0 : i32
        %parallel_loop3A_747 = tpu.memref_slice %arg7[%parallel_loop3A_744, %parallel_loop3A_745, %parallel_loop3A_746] : memref<4x128x64xf32, #tpu.memory_space<vmem>> -> memref<1x128x64xf32, #tpu.memory_space<vmem>>
        %parallel_loop3A_748 = tpu.memref_squeeze %parallel_loop3A_747 : memref<1x128x64xf32, #tpu.memory_space<vmem>> -> memref<128x64xf32, #tpu.memory_space<vmem>>
        %parallel_loop3A_749 = tpu.vector_load_idx %parallel_loop3A_748[%and3A_149, %parallel_loop3A_743] : memref<128x64xf32, #tpu.memory_space<vmem>>[vector<16xi32>, vector<16xi32>], vector<16xf32>,
        %parallel_loop3A_750 = arith.addi %parallel_loop3A_546, %mul3A_143 : vector<16xi32>
        %parallel_loop3A_751 = arith.constant 3 : i32
        %parallel_loop3A_752 = arith.constant 0 : i32
        %parallel_loop3A_753 = arith.constant 0 : i32
        %parallel_loop3A_754 = arith.constant 0 : i32
        %parallel_loop3A_755 = tpu.memref_slice %arg8[%parallel_loop3A_751, %parallel_loop3A_752, %parallel_loop3A_753, %parallel_loop3A_754] : memref<4x8x8x128xf32, #tpu.memory_space<vmem>> -> memref<1x8x8x128xf32, #tpu.memory_space<vmem>>
        %parallel_loop3A_756 = tpu.memref_squeeze %parallel_loop3A_755 : memref<1x8x8x128xf32, #tpu.memory_space<vmem>> -> memref<8x8x128xf32, #tpu.memory_space<vmem>>
        tpu.vector_store_idx %parallel_loop3A_756[%and3A_149, %and3A_149, %parallel_loop3A_750], %parallel_loop3A_749 : memref<8x8x128xf32, #tpu.memory_space<vmem>>[vector<16xi32>, vector<16xi32>, vector<16xi32>], vector<16xf32>,
        %parallel_loop3A_757 = arith.addi %parallel_loop3A_541, %and3A_95 : vector<16xi32>
        %parallel_loop3A_758 = arith.constant 3 : i32
        %parallel_loop3A_759 = arith.constant 0 : i32
        %parallel_loop3A_760 = arith.constant 0 : i32
        %parallel_loop3A_761 = tpu.memref_slice %arg7[%parallel_loop3A_758, %parallel_loop3A_759, %parallel_loop3A_760] : memref<4x128x64xf32, #tpu.memory_space<vmem>> -> memref<1x128x64xf32, #tpu.memory_space<vmem>>
        %parallel_loop3A_762 = tpu.memref_squeeze %parallel_loop3A_761 : memref<1x128x64xf32, #tpu.memory_space<vmem>> -> memref<128x64xf32, #tpu.memory_space<vmem>>
        %parallel_loop3A_763 = tpu.vector_load_idx %parallel_loop3A_762[%and3A_149, %parallel_loop3A_757] : memref<128x64xf32, #tpu.memory_space<vmem>>[vector<16xi32>, vector<16xi32>], vector<16xf32>,
        %parallel_loop3A_764 = arith.addi %parallel_loop3A_546, %mul3A_146 : vector<16xi32>
        %parallel_loop3A_765 = arith.constant 3 : i32
        %parallel_loop3A_766 = arith.constant 0 : i32
        %parallel_loop3A_767 = arith.constant 0 : i32
        %parallel_loop3A_768 = arith.constant 0 : i32
        %parallel_loop3A_769 = tpu.memref_slice %arg8[%parallel_loop3A_765, %parallel_loop3A_766, %parallel_loop3A_767, %parallel_loop3A_768] : memref<4x8x8x128xf32, #tpu.memory_space<vmem>> -> memref<1x8x8x128xf32, #tpu.memory_space<vmem>>
        %parallel_loop3A_770 = tpu.memref_squeeze %parallel_loop3A_769 : memref<1x8x8x128xf32, #tpu.memory_space<vmem>> -> memref<8x8x128xf32, #tpu.memory_space<vmem>>
        tpu.vector_store_idx %parallel_loop3A_770[%and3A_149, %and3A_149, %parallel_loop3A_764], %parallel_loop3A_763 : memref<8x8x128xf32, #tpu.memory_space<vmem>>[vector<16xi32>, vector<16xi32>, vector<16xi32>], vector<16xf32>,
      } {sc.loop_unroll_factor = 4 : i64, sc.parallel_access}
      %dma_start3A_471 = arith.constant 3 : i32
      %dma_start3A_472 = arith.constant 0 : i32
      %dma_start3A_473 = arith.constant 0 : i32
      %dma_start3A_474 = arith.constant 0 : i32
      %dma_start3A_475 = tpu.memref_slice %arg8[%dma_start3A_471, %dma_start3A_472, %dma_start3A_473, %dma_start3A_474] : memref<4x8x8x128xf32, #tpu.memory_space<vmem>> -> memref<1x8x8x128xf32, #tpu.memory_space<vmem>>
      %dma_start3A_476 = tpu.memref_squeeze %dma_start3A_475 : memref<1x8x8x128xf32, #tpu.memory_space<vmem>> -> memref<8x8x128xf32, #tpu.memory_space<vmem>>
      %dma_start3A_477 = arith.constant 0 : i32
      %dma_start3A_478 = arith.constant 0 : i32
      %dma_start3A_479 = arith.constant 0 : i32
      %dma_start3A_480 = tpu.memref_slice %arg4[%add3A_445, %dma_start3A_477, %add3A, %dma_start3A_478, %dma_start3A_479] : memref<200x8x32x8x128xf32, #tpu.memory_space<hbm>> -> memref<1x8x1x8x128xf32, #tpu.memory_space<hbm>>
      %dma_start3A_481 = tpu.memref_squeeze %dma_start3A_480 : memref<1x8x1x8x128xf32, #tpu.memory_space<hbm>> -> memref<8x8x128xf32, #tpu.memory_space<hbm>>
      %dma_start3A_482 = arith.constant 0 : i32
      %dma_start3A_483 = arith.constant 0 : i32
      %dma_start3A_484 = arith.constant 0 : i32
      %dma_start3A_485 = tpu.memref_slice %arg4[%add3A_445, %dma_start3A_482, %add3A, %dma_start3A_483, %dma_start3A_484] : memref<200x8x32x8x128xf32, #tpu.memory_space<hbm>> -> memref<1x8x1x8x128xf32, #tpu.memory_space<hbm>>
      %dma_start3A_486 = tpu.memref_squeeze %dma_start3A_485 : memref<1x8x1x8x128xf32, #tpu.memory_space<hbm>> -> memref<8x8x128xf32, #tpu.memory_space<hbm>>
      %dma_start3A_487 = arith.constant 0 : i32
      %dma_start3A_488 = arith.constant 0 : i32
      %dma_start3A_489 = arith.constant 0 : i32
      %dma_start3A_490 = tpu.memref_slice %arg8[%dma_start3A_471, %dma_start3A_487, %dma_start3A_488, %dma_start3A_489] : memref<4x8x8x128xf32, #tpu.memory_space<vmem>> -> memref<1x8x8x128xf32, #tpu.memory_space<vmem>>
      %dma_start3A_491 = tpu.memref_squeeze %dma_start3A_490 : memref<1x8x8x128xf32, #tpu.memory_space<vmem>> -> memref<8x8x128xf32, #tpu.memory_space<vmem>>
      tpu.enqueue_dma source(%dma_start3A_491 : memref<8x8x128xf32, #tpu.memory_space<vmem>>) target(%dma_start3A_486 : memref<8x8x128xf32, #tpu.memory_space<hbm>>) target_semaphore(%arg16 : memref<!tpu.dma_semaphore, #tpu.memory_space<semaphore_mem>>)
    }
    %scan3A_199 = arith.constant 50 : i32
    %dma_wait3A = arith.constant 0 : i32
    %dma_wait3A_200 = arith.constant 0 : i32
    %dma_wait3A_201 = arith.constant 0 : i32
    %dma_wait3A_202 = arith.constant 0 : i32
    %dma_wait3A_203 = arith.constant 0 : i32
    %dma_wait3A_204 = tpu.memref_slice %arg8[%dma_wait3A, %dma_wait3A_201, %dma_wait3A_202, %dma_wait3A_203] : memref<4x8x8x128xf32, #tpu.memory_space<vmem>> -> memref<1x8x8x128xf32, #tpu.memory_space<vmem>>
    %dma_wait3A_205 = tpu.memref_squeeze %dma_wait3A_204 : memref<1x8x8x128xf32, #tpu.memory_space<vmem>> -> memref<8x8x128xf32, #tpu.memory_space<vmem>>
    %dma_wait3A_206 = arith.constant 0 : i32
    %dma_wait3A_207 = arith.constant 0 : i32
    %dma_wait3A_208 = arith.constant 0 : i32
    %dma_wait3A_209 = tpu.memref_slice %arg4[%dma_wait3A_200, %dma_wait3A_206, %add3A, %dma_wait3A_207, %dma_wait3A_208] : memref<200x8x32x8x128xf32, #tpu.memory_space<hbm>> -> memref<1x8x1x8x128xf32, #tpu.memory_space<hbm>>
    %dma_wait3A_210 = tpu.memref_squeeze %dma_wait3A_209 : memref<1x8x1x8x128xf32, #tpu.memory_space<hbm>> -> memref<8x8x128xf32, #tpu.memory_space<hbm>>
    %dma_wait3A_211 = arith.constant 0 : i32
    %dma_wait3A_212 = arith.constant 0 : i32
    %dma_wait3A_213 = arith.constant 0 : i32
    %dma_wait3A_214 = tpu.memref_slice %arg4[%dma_wait3A_200, %dma_wait3A_211, %add3A, %dma_wait3A_212, %dma_wait3A_213] : memref<200x8x32x8x128xf32, #tpu.memory_space<hbm>> -> memref<1x8x1x8x128xf32, #tpu.memory_space<hbm>>
    %dma_wait3A_215 = tpu.memref_squeeze %dma_wait3A_214 : memref<1x8x1x8x128xf32, #tpu.memory_space<hbm>> -> memref<8x8x128xf32, #tpu.memory_space<hbm>>
    %dma_wait3A_216 = arith.constant 0 : i32
    %dma_wait3A_217 = arith.constant 0 : i32
    %dma_wait3A_218 = arith.constant 0 : i32
    %dma_wait3A_219 = tpu.memref_slice %arg8[%dma_wait3A, %dma_wait3A_216, %dma_wait3A_217, %dma_wait3A_218] : memref<4x8x8x128xf32, #tpu.memory_space<vmem>> -> memref<1x8x8x128xf32, #tpu.memory_space<vmem>>
    %dma_wait3A_220 = tpu.memref_squeeze %dma_wait3A_219 : memref<1x8x8x128xf32, #tpu.memory_space<vmem>> -> memref<8x8x128xf32, #tpu.memory_space<vmem>>
    tpu.wait_dma2 semaphore(%arg13 : memref<!tpu.dma_semaphore, #tpu.memory_space<semaphore_mem>>) src(%dma_wait3A_220 : memref<8x8x128xf32, #tpu.memory_space<vmem>>) dst(%dma_wait3A_215 : memref<8x8x128xf32, #tpu.memory_space<hbm>>)
    %dma_wait3A_221 = arith.constant 1 : i32
    %dma_wait3A_222 = arith.constant 0 : i32
    %dma_wait3A_223 = arith.constant 0 : i32
    %dma_wait3A_224 = arith.constant 0 : i32
    %dma_wait3A_225 = arith.constant 0 : i32
    %dma_wait3A_226 = tpu.memref_slice %arg8[%dma_wait3A_221, %dma_wait3A_223, %dma_wait3A_224, %dma_wait3A_225] : memref<4x8x8x128xf32, #tpu.memory_space<vmem>> -> memref<1x8x8x128xf32, #tpu.memory_space<vmem>>
    %dma_wait3A_227 = tpu.memref_squeeze %dma_wait3A_226 : memref<1x8x8x128xf32, #tpu.memory_space<vmem>> -> memref<8x8x128xf32, #tpu.memory_space<vmem>>
    %dma_wait3A_228 = arith.constant 0 : i32
    %dma_wait3A_229 = arith.constant 0 : i32
    %dma_wait3A_230 = arith.constant 0 : i32
    %dma_wait3A_231 = tpu.memref_slice %arg4[%dma_wait3A_222, %dma_wait3A_228, %add3A, %dma_wait3A_229, %dma_wait3A_230] : memref<200x8x32x8x128xf32, #tpu.memory_space<hbm>> -> memref<1x8x1x8x128xf32, #tpu.memory_space<hbm>>
    %dma_wait3A_232 = tpu.memref_squeeze %dma_wait3A_231 : memref<1x8x1x8x128xf32, #tpu.memory_space<hbm>> -> memref<8x8x128xf32, #tpu.memory_space<hbm>>
    %dma_wait3A_233 = arith.constant 0 : i32
    %dma_wait3A_234 = arith.constant 0 : i32
    %dma_wait3A_235 = arith.constant 0 : i32
    %dma_wait3A_236 = tpu.memref_slice %arg4[%dma_wait3A_222, %dma_wait3A_233, %add3A, %dma_wait3A_234, %dma_wait3A_235] : memref<200x8x32x8x128xf32, #tpu.memory_space<hbm>> -> memref<1x8x1x8x128xf32, #tpu.memory_space<hbm>>
    %dma_wait3A_237 = tpu.memref_squeeze %dma_wait3A_236 : memref<1x8x1x8x128xf32, #tpu.memory_space<hbm>> -> memref<8x8x128xf32, #tpu.memory_space<hbm>>
    %dma_wait3A_238 = arith.constant 0 : i32
    %dma_wait3A_239 = arith.constant 0 : i32
    %dma_wait3A_240 = arith.constant 0 : i32
    %dma_wait3A_241 = tpu.memref_slice %arg8[%dma_wait3A_221, %dma_wait3A_238, %dma_wait3A_239, %dma_wait3A_240] : memref<4x8x8x128xf32, #tpu.memory_space<vmem>> -> memref<1x8x8x128xf32, #tpu.memory_space<vmem>>
    %dma_wait3A_242 = tpu.memref_squeeze %dma_wait3A_241 : memref<1x8x8x128xf32, #tpu.memory_space<vmem>> -> memref<8x8x128xf32, #tpu.memory_space<vmem>>
    tpu.wait_dma2 semaphore(%arg14 : memref<!tpu.dma_semaphore, #tpu.memory_space<semaphore_mem>>) src(%dma_wait3A_242 : memref<8x8x128xf32, #tpu.memory_space<vmem>>) dst(%dma_wait3A_237 : memref<8x8x128xf32, #tpu.memory_space<hbm>>)
    %dma_wait3A_243 = arith.constant 2 : i32
    %dma_wait3A_244 = arith.constant 0 : i32
    %dma_wait3A_245 = arith.constant 0 : i32
    %dma_wait3A_246 = arith.constant 0 : i32
    %dma_wait3A_247 = arith.constant 0 : i32
    %dma_wait3A_248 = tpu.memref_slice %arg8[%dma_wait3A_243, %dma_wait3A_245, %dma_wait3A_246, %dma_wait3A_247] : memref<4x8x8x128xf32, #tpu.memory_space<vmem>> -> memref<1x8x8x128xf32, #tpu.memory_space<vmem>>
    %dma_wait3A_249 = tpu.memref_squeeze %dma_wait3A_248 : memref<1x8x8x128xf32, #tpu.memory_space<vmem>> -> memref<8x8x128xf32, #tpu.memory_space<vmem>>
    %dma_wait3A_250 = arith.constant 0 : i32
    %dma_wait3A_251 = arith.constant 0 : i32
    %dma_wait3A_252 = arith.constant 0 : i32
    %dma_wait3A_253 = tpu.memref_slice %arg4[%dma_wait3A_244, %dma_wait3A_250, %add3A, %dma_wait3A_251, %dma_wait3A_252] : memref<200x8x32x8x128xf32, #tpu.memory_space<hbm>> -> memref<1x8x1x8x128xf32, #tpu.memory_space<hbm>>
    %dma_wait3A_254 = tpu.memref_squeeze %dma_wait3A_253 : memref<1x8x1x8x128xf32, #tpu.memory_space<hbm>> -> memref<8x8x128xf32, #tpu.memory_space<hbm>>
    %dma_wait3A_255 = arith.constant 0 : i32
    %dma_wait3A_256 = arith.constant 0 : i32
    %dma_wait3A_257 = arith.constant 0 : i32
    %dma_wait3A_258 = tpu.memref_slice %arg4[%dma_wait3A_244, %dma_wait3A_255, %add3A, %dma_wait3A_256, %dma_wait3A_257] : memref<200x8x32x8x128xf32, #tpu.memory_space<hbm>> -> memref<1x8x1x8x128xf32, #tpu.memory_space<hbm>>
    %dma_wait3A_259 = tpu.memref_squeeze %dma_wait3A_258 : memref<1x8x1x8x128xf32, #tpu.memory_space<hbm>> -> memref<8x8x128xf32, #tpu.memory_space<hbm>>
    %dma_wait3A_260 = arith.constant 0 : i32
    %dma_wait3A_261 = arith.constant 0 : i32
    %dma_wait3A_262 = arith.constant 0 : i32
    %dma_wait3A_263 = tpu.memref_slice %arg8[%dma_wait3A_243, %dma_wait3A_260, %dma_wait3A_261, %dma_wait3A_262] : memref<4x8x8x128xf32, #tpu.memory_space<vmem>> -> memref<1x8x8x128xf32, #tpu.memory_space<vmem>>
    %dma_wait3A_264 = tpu.memref_squeeze %dma_wait3A_263 : memref<1x8x8x128xf32, #tpu.memory_space<vmem>> -> memref<8x8x128xf32, #tpu.memory_space<vmem>>
    tpu.wait_dma2 semaphore(%arg15 : memref<!tpu.dma_semaphore, #tpu.memory_space<semaphore_mem>>) src(%dma_wait3A_264 : memref<8x8x128xf32, #tpu.memory_space<vmem>>) dst(%dma_wait3A_259 : memref<8x8x128xf32, #tpu.memory_space<hbm>>)
    %dma_wait3A_265 = arith.constant 3 : i32
    %dma_wait3A_266 = arith.constant 0 : i32
    %dma_wait3A_267 = arith.constant 0 : i32
    %dma_wait3A_268 = arith.constant 0 : i32
    %dma_wait3A_269 = arith.constant 0 : i32
    %dma_wait3A_270 = tpu.memref_slice %arg8[%dma_wait3A_265, %dma_wait3A_267, %dma_wait3A_268, %dma_wait3A_269] : memref<4x8x8x128xf32, #tpu.memory_space<vmem>> -> memref<1x8x8x128xf32, #tpu.memory_space<vmem>>
    %dma_wait3A_271 = tpu.memref_squeeze %dma_wait3A_270 : memref<1x8x8x128xf32, #tpu.memory_space<vmem>> -> memref<8x8x128xf32, #tpu.memory_space<vmem>>
    %dma_wait3A_272 = arith.constant 0 : i32
    %dma_wait3A_273 = arith.constant 0 : i32
    %dma_wait3A_274 = arith.constant 0 : i32
    %dma_wait3A_275 = tpu.memref_slice %arg4[%dma_wait3A_266, %dma_wait3A_272, %add3A, %dma_wait3A_273, %dma_wait3A_274] : memref<200x8x32x8x128xf32, #tpu.memory_space<hbm>> -> memref<1x8x1x8x128xf32, #tpu.memory_space<hbm>>
    %dma_wait3A_276 = tpu.memref_squeeze %dma_wait3A_275 : memref<1x8x1x8x128xf32, #tpu.memory_space<hbm>> -> memref<8x8x128xf32, #tpu.memory_space<hbm>>
    %dma_wait3A_277 = arith.constant 0 : i32
    %dma_wait3A_278 = arith.constant 0 : i32
    %dma_wait3A_279 = arith.constant 0 : i32
    %dma_wait3A_280 = tpu.memref_slice %arg4[%dma_wait3A_266, %dma_wait3A_277, %add3A, %dma_wait3A_278, %dma_wait3A_279] : memref<200x8x32x8x128xf32, #tpu.memory_space<hbm>> -> memref<1x8x1x8x128xf32, #tpu.memory_space<hbm>>
    %dma_wait3A_281 = tpu.memref_squeeze %dma_wait3A_280 : memref<1x8x1x8x128xf32, #tpu.memory_space<hbm>> -> memref<8x8x128xf32, #tpu.memory_space<hbm>>
    %dma_wait3A_282 = arith.constant 0 : i32
    %dma_wait3A_283 = arith.constant 0 : i32
    %dma_wait3A_284 = arith.constant 0 : i32
    %dma_wait3A_285 = tpu.memref_slice %arg8[%dma_wait3A_265, %dma_wait3A_282, %dma_wait3A_283, %dma_wait3A_284] : memref<4x8x8x128xf32, #tpu.memory_space<vmem>> -> memref<1x8x8x128xf32, #tpu.memory_space<vmem>>
    %dma_wait3A_286 = tpu.memref_squeeze %dma_wait3A_285 : memref<1x8x8x128xf32, #tpu.memory_space<vmem>> -> memref<8x8x128xf32, #tpu.memory_space<vmem>>
    tpu.wait_dma2 semaphore(%arg16 : memref<!tpu.dma_semaphore, #tpu.memory_space<semaphore_mem>>) src(%dma_wait3A_286 : memref<8x8x128xf32, #tpu.memory_space<vmem>>) dst(%dma_wait3A_281 : memref<8x8x128xf32, #tpu.memory_space<hbm>>)
    return
  }
}

</mosaic_0001>

<sc_bundles>
// kernel: kernel.3.cloned.1.call-start
scs
__scs_entry_jumppad:
0x0: {  	(pc) =	sbr.rel $0x88, $3  }
0x1: {  	(tag) =	ssettag $0x0;
	lr =	simm.s32 $0x1  }
0x2: {  	[smem:$0x3F9F] =	sst lr;
	_ =	strace $0xD0000000  }
0x3: {  	_ = 	snop  }
0x4: {  	_ = 	snop  }
0x5: {  	_ = 	snop  }
0x6: {  	_ = 	snop  }
0x7: {  	_ = 	snop  }
__scs_overlays_trampoline_lowered:
0x8: {  	[smem:$0x3FAE] =	sst s0  }
0x9: {  	[smem:$0x3FAF] =	sst s1  }
0xa: {  	[smem:$0x3FB0] =	sst s2  }
0xb: {  	[smem:$0x3FB1] =	sst s3  }
0xc: {  	[smem:$0x3FB2] =	sst s4  }
0xd: {  	[smem:$0x3FB3] =	sst s5  }
0xe: {  	[smem:$0x3FB4] =	sst s6  }
0xf: {  	[smem:$0x3FB5] =	sst s7  }
0x10: {  	[smem:$0x3FB6] =	sst s8  }
0x11: {  	[smem:$0x3FB7] =	sst s9;
	s0 =	simm.s32 @!p0 $0x0  }
0x12: {  	s1 =	sld [smem:$0x3F9D];
	s0 =	simm.s32 @p0 $0x1  }
0x13: {  	[smem:$0x3FB8] =	sst s0;
	s0 =	simm.s32 @!p1 $0x0  }
0x14: {  	s2 =	sld [smem:$0x3F9C];
	s0 =	simm.s32 @p1 $0x1  }
0x15: {  	[smem:$0x3FB9] =	sst s0;
	s0 =	simm.s32 @!p2 $0x0  }
0x16: {  	s3 =	sld [smem:$0x3FDB];
	s0 =	simm.s32 @p2 $0x1  }
0x17: {  	s4 =	simm.s32 $0x1BF5;
	[smem:$0x3FBB] =	sst s0  }
0x18: {  	s0 =	sld [smem:$0x3F9E];
	_ =	swait.ge [sflag:s4], $0x0  }
0x19: {  	s7 =	sld [smem:$0x3F9F]  }
0x1a: {  	s8 =	sadd.s32 $0xFFFFE003, lr  }
0x1b: {  	s9 =	sadd.s32 $0xFFFFFEF7, lr;
	s5 =	simm.s32 $0xFFFFFFFF;
	p2 =	slt.u32 s8, $0xFFFFF086  }
0x1c: {  	p1 =	slt.u32 s9, $0xF7A;
	s5 =	simm.s32 @!p2 $0x0  }
0x1d: {  	s5 =	simm.s32 @p1 $0x1;
	p0 =	seq.s32 s7, s2  }
0x1e: {  	s7 =	smul.u32 @!p0 $0xF7A, s2;
	p2 =	seq.s32 @!p0 s5, $0x0  }
0x1f: {  	s9 =	smul.u32 $0xF7A, s1;
	s8 =	simm.s32 @!p0 $0x1BF5;
	p2 =	por !p2, p0  }
0x20: {  	[sflag:s8] =	ssyncset.s32 @!p0 $0xFFFFF086;
	s6 =	sadd.s32 @!p0 s3, s7;
	s7 =	simm.s32 @!p0 $0x108  }
0x21: {  	s3 =	sadd.s32 s3, s9;
	s6 =	sadd.s32 @!p0 $0x88, s6;
	s7 =	simm.s32 @p2 $0x1082  }
0x22: {  	[simem:s7], [sflag:s8] =	dma.local @!p0 [hbm:s6], $0xF7A  }
0x23: {  	s9 =	sor.u32 $0xD0000000, s2;
	s6 =	simm.s32 $0x108;
	_ =	swait.ge @!p0 [sflag:s8], $0x0  }
0x24: {  	s3 =	sadd.s32 $0x88, s3;
	s6 =	simm.s32 @!p1 $0x1082;
	[sflag:s4] =	ssyncset.s32 $0xFFFFF086  }
0x25: {  	[simem:s6], [sflag:s4] =	dma.local [hbm:s3], $0xF7A  }
0x26: {  	[smem:$0x3F9F] =	sst s1;
	(tag) =	ssettag s2;
	_ =	strace s9  }
0x27: {  	s1 =	sld [smem:$0x3FAF]  }
0x28: {  	s2 =	sld [smem:$0x3FB0]  }
0x29: {  	s4 =	sld [smem:$0x3FB2]  }
0x2a: {  	p0 =	seq.s32 s5, $0x0;
	s5 =	sld [smem:$0x3FB3]  }
0x2b: {  	s6 =	sld [smem:$0x3FB4]  }
0x2c: {  	s7 =	sld [smem:$0x3FB5]  }
0x2d: {  	s3 =	simm.s32 $0x108;
	s8 =	sld [smem:$0x3FB6]  }
0x2e: {  	s3 =	simm.s32 @!p0 $0x1082;
	s9 =	sld [smem:$0x3FB7]  }
0x2f: {  	lr =	sadd.s32 s0, s3;
	s0 =	sld [smem:$0x3FAE]  }
0x30: {  	s3 =	sld [smem:$0x3FB1]  }
0x31: {  	[smem:$0x3FBA] =	sst s10  }
0x32: {  	s10 =	sld [smem:$0x3FB8];
	_ =	sdelay $0x3  }
0x33: {  	p0 =	seq.s32 s10, $0x1;
	s10 =	sld [smem:$0x3FBA];
	_ =	sdelay $0x3  }
0x34: {  	[smem:$0x3FBA] =	sst s10  }
0x35: {  	s10 =	sld [smem:$0x3FB9];
	_ =	sdelay $0x3  }
0x36: {  	p1 =	seq.s32 s10, $0x1;
	s10 =	sld [smem:$0x3FBA];
	_ =	sdelay $0x3  }
0x37: {  	[smem:$0x3FBA] =	sst s10  }
0x38: {  	s10 =	sld [smem:$0x3FBB]  }
0x39: {  	_ = 	snop;
	(pc) =	sbr.ind lr, $3  }
0x3a: {  	_ = 	snop  }
0x3b: {  	_ = 	snop  }
0x3c: {  	p2 =	seq.s32 s10, $0x1;
	s10 =	sld [smem:$0x3FBA]  }
0x3d: {  	_ =	shalt  }
0x3e: {  	_ =	shalt  }
0x3f: {  	_ =	shalt  }
0x40: {  	_ =	shalt  }
0x41: {  	_ =	shalt  }
0x42: {  	_ =	shalt  }
0x43: {  	_ =	shalt  }
0x44: {  	_ =	shalt  }
0x45: {  	_ =	shalt  }
0x46: {  	_ =	shalt  }
0x47: {  	_ =	shalt  }
0x48: {  	_ =	shalt  }
0x49: {  	_ =	shalt  }
0x4a: {  	_ =	shalt  }
0x4b: {  	_ =	shalt  }
0x4c: {  	_ =	shalt  }
0x4d: {  	_ =	shalt  }
0x4e: {  	_ =	shalt  }
0x4f: {  	_ =	shalt  }
0x50: {  	_ =	shalt  }
0x51: {  	_ =	shalt  }
0x52: {  	_ =	shalt  }
0x53: {  	_ =	shalt  }
0x54: {  	_ =	shalt  }
0x55: {  	_ =	shalt  }
0x56: {  	_ =	shalt  }
0x57: {  	_ =	shalt  }
0x58: {  	_ =	shalt  }
0x59: {  	_ =	shalt  }
0x5a: {  	_ =	shalt  }
0x5b: {  	_ =	shalt  }
0x5c: {  	_ =	shalt  }
0x5d: {  	_ =	shalt  }
0x5e: {  	_ =	shalt  }
0x5f: {  	_ =	shalt  }
0x60: {  	_ =	shalt  }
0x61: {  	_ =	shalt  }
0x62: {  	_ =	shalt  }
0x63: {  	_ =	shalt  }
0x64: {  	_ =	shalt  }
0x65: {  	_ =	shalt  }
0x66: {  	_ =	shalt  }
0x67: {  	_ =	shalt  }
0x68: {  	_ =	shalt  }
0x69: {  	_ =	shalt  }
0x6a: {  	_ =	shalt  }
0x6b: {  	_ =	shalt  }
0x6c: {  	_ =	shalt  }
0x6d: {  	_ =	shalt  }
0x6e: {  	_ =	shalt  }
0x6f: {  	_ =	shalt  }
0x70: {  	_ =	shalt  }
0x71: {  	_ =	shalt  }
0x72: {  	_ =	shalt  }
0x73: {  	_ =	shalt  }
0x74: {  	_ =	shalt  }
0x75: {  	_ =	shalt  }
0x76: {  	_ =	shalt  }
0x77: {  	_ =	shalt  }
0x78: {  	_ =	shalt  }
0x79: {  	_ =	shalt  }
0x7a: {  	_ =	shalt  }
0x7b: {  	_ =	shalt  }
0x7c: {  	_ =	shalt  }
0x7d: {  	_ =	shalt  }
0x7e: {  	_ =	shalt  }
0x7f: {  	_ =	shalt  }
0x80: {  	_ =	shalt  }
0x81: {  	_ =	shalt  }
0x82: {  	_ =	shalt  }
0x83: {  	_ =	shalt  }
0x84: {  	_ =	shalt  }
0x85: {  	_ =	shalt  }
0x86: {  	_ =	shalt  }
0x87: {  	_ =	shalt  }
.Lfunc_end0:
.L_simem_size_0:
called_computation_lowered:
.L_overlay_start_0:
0x88: {  	s2 =	sld [smem:$0x3FD9]  }
0x89: {  	s3 =	sld [smem:$0x3FFE];
	_ =	sdelay $0x1  }
0x8a: {  	s1 =	srdreg.scid  }
0x8b: {  	s0 =	sand.u32 $0x1, s1  }
0x8c: {  	s17 =	sshll.u32 s0, $0xA;
	s2 =	sadd.s32 s3, s2  }
0x8d: {  	s2 =	sadd.s32 s2, s17  }
0x8e: {  	[smem:$0x3FC6] =	sst s2  }
0x8f: {  	_ = 	snop  }
0x90: {  	s2 =	sld [smem:$0x3FD0];
	(tm) =	ssettm $0x1  }
0x91: {  	s18 =	sld [smem:$0x3FFB];
	_ =	sdelay $0x3  }
0x92: {  	_ =	strace s18  }
0x93: {  	s3 =	sld [smem:$0x3FFC];
	_ =	sdelay $0x3  }
0x94: {  	_ =	strace s3  }
0x95: {  	s3 =	sld [smem:$0x3FFD];
	_ =	sdelay $0x3  }
0x96: {  	_ =	strace s3  }
0x97: {  	_ =	strace $0x8FFFFFFF  }
0x98: {  	s19 =	sld [smem:$0x3FDB];
	_ =	sdelay $0x1  }
0x99: {  	s4 =	simm.s32 $_scs_section_size  }
0x9a: {  	s5 =	simm.s32 $_size__tile_overlayer_lowered;
	s6 =	simm.s32 $_tile_overlayer_lowered  }
0x9b: {  	s22 =	simm.s32 $0x1BFF;
	s21 =	sshll.u32 s6, $0x1;
	s3 =	sadd.s32 s4, s19  }
0x9c: {  	s7 =	simm.s32 $0x0;
	s20 =	sshll.u32 s5, $0x1;
	s5 =	sadd.s32 s21, s3  }
0x9d: {  	[timem:s7], [sflag:s22] =	dma.local [hbm:s5], s20  }
0x9e: {  	_ =	swait.ge [sflag:s22], s20  }
0x9f: {  	s4 =	ssub.s32 $0x0, s20;
	[sflag:s22] =	ssyncset.done $0x0  }
0xa0: {  	[sflag:s22] =	ssyncadd.s32 s4;
	_ =	sdelay $0x1  }
0xa1: {  	s23 =	simm.s32 $0x1B8B  }
0xa2: {  	_ =	swait.ge [sflag:s23], $0x1  }
0xa3: {  	[sflag:s23] =	ssyncset.done $0x0  }
0xa4: {  	s25 =	simm.s32 $0x1B8E;
	s24 =	sld [smem:$0x3FFE];
	[sflag:s23] =	ssyncadd.s32 $0xFFFFFFFF  }
0xa5: {  	s26 =	simm.s32 $execute0_lowered;
	[smem:$0x3FD2] =	sst s25  }
0xa6: {  	s5 =	sshll.u32 s26, $0x1;
	_ =	strace $0x80000046;
	[dreg:$0x1] =	wrdreg $0xFFFFFFFF  }
0xa7: {  	s28 =	simm.s32 $_size_execute0_lowered;
	s3 =	sadd.s32 s3, s5;
	[dreg:$0x0] =	wrdreg $0x0  }
0xa8: {  	s5 =	sshll.u32 s28, $0x1;
	[dreg:$0x2] =	wrdreg s3  }
0xa9: {  	[dreg:$0x3] =	wrdreg s5  }
0xaa: {  	[dreg:$0x4] =	wrdreg $0xC0  }
0xab: {  	_ =	task [dreg:s7], $0x5FFFF  }
0xac: {  	[dreg:$0x1] =	wrdreg $0xFFFFFFFF  }
0xad: {  	[dreg:$0x0] =	wrdreg $0x60  }
0xae: {  	[dreg:$0x2] =	wrdreg s24  }
0xaf: {  	[dreg:$0x3] =	wrdreg s2  }
0xb0: {  	[dreg:$0x4] =	wrdreg $0x9  }
0xb1: {  	_ =	task.clear_ibuf [dreg:s7], $0x5FFFF;
	_ =	strace $0x90000046  }
0xb2: {  	s29 =	simm.s32 $0x9;
	_ =	strace $0x80000048  }
0xb3: {  	_ =	swait.ge [sflag:s29], $0x1  }
0xb4: {  	[sflag:s29] =	ssyncadd.s32 $0xFFFFFFFF  }
0xb5: {  	_ =	strace $0x90000048  }
0xb6: {  	_ =	sfence  }
0xb7: {  	s30 =	sld [smem:$0x0];
	_ =	sdelay $0x2  }
0xb8: {  	s31 =	sshll.u32 s1, $0xD;
	s1 =	sshrl.u32 s1, $0x2  }
0xb9: {  	s3 =	sand.u32 $0x4000, s31;
	s1 =	sadd.s32 s1, s30  }
0xba: {  	s0 =	sor.u32 s3, s0;
	s1 =	sshll.u32 s1, $0x11  }
0xbb: {  	s0 =	sor.u32 s1, s0  }
0xbc: {  	s0 =	sadd.s32 $0x8F2B, s0  }
0xbd: {  	[sflag:s0] =	ssyncadd.remote.s32 $0x1  }
0xbe: {  	_ =	sfence.sel $0xFFFF  }
0xbf: {  	[dreg:$0x0] =	wrdreg $0xFFFFFFFF;
	(pc) =	sbr.abs _section_cstart, $3  }
0xc0: {  	[dreg:$0x1] =	wrdreg $0xFFFFFFFF  }
0xc1: {  	_ =	task.clear_ibuf [dreg:s7], $0x2FFFF;
	_ =	strace $0x9FFFFFFF  }
0xc2: {  	(tm) =	ssettm $0x7FFFFFFF  }
0xc3: {  	_ =	shalt  }
tec
execute0_lowered:
.L_overlay_start_1:
0x0: {  	(tag) =	ssettag $0x1  }
0x1: {  	v0 =	vimm.s32 $0xBB8;
	vm14 =	vcmask $0x300;
	vm13 =	vcmask $0x704  }
0x2: {  	vm12 =	vcmask $0xB08;
	vm11 =	vcmask $0xF0C;
	vm10 =	vcmask $0x1310  }
0x3: {  	vm9 =	vcmask $0x1714;
	vm8 =	vcmask $0x1B18;
	v0 =	vsel vm14, $0x1, v0  }
0x4: {  	vm7 =	vcmask $0x1F1C;
	vm6 =	vcmask $0x2320;
	v0 =	vsel vm13, $0xCA, v0  }
0x5: {  	vm5 =	vcmask $0x2724;
	v1 =	vimm.s32 $0xF;
	v0 =	vsel vm12, $0x193, v0  }
0x6: {  	vm4 =	vcmask $0x2B28;
	v1 =	vsel vm14, $0x80, v1;
	v0 =	vsel vm11, $0x25C, v0  }
0x7: {  	vm3 =	vcmask $0x2F2C;
	v1 =	vsel vm13, $0x101, v1;
	v0 =	vsel vm10, $0x325, v0  }
0x8: {  	vm2 =	vcmask $0x3330;
	v1 =	vsel vm12, $0x182, v1;
	v0 =	vsel vm9, $0x3EE, v0  }
0x9: {  	vm1 =	vcmask $0x3734;
	v1 =	vsel vm11, $0x203, v1;
	v41 =	vsel vm8, $0x4B7, v0  }
0xa: {  	v3 =	vimm.s32 $0xBB9;
	v1 =	vsel vm10, $0x284, v1;
	v0 =	vsel vm7, $0x580, v41  }
0xb: {  	v3 =	vsel vm14, $0x2, v3;
	v1 =	vsel vm9, $0x305, v1;
	v0 =	vsel vm6, $0x649, v0  }
0xc: {  	v43 =	vsel vm8, $0x386, v1;
	v1 =	vsel vm13, $0xCB, v3;
	v0 =	vsel vm5, $0x712, v0  }
0xd: {  	vm0 =	vcmask $0x3B38;
	v1 =	vsel vm12, $0x194, v1;
	v0 =	vsel vm4, $0x7DB, v0  }
0xe: {  	v4 =	vimm.s32 $0x7654321;
	v1 =	vsel vm11, $0x25D, v1;
	v0 =	vsel vm3, $0x8A4, v0  }
0xf: {  	v3 =	vunpack.c.l.s4.s8 v4;
	v1 =	vsel vm10, $0x326, v1;
	v0 =	vsel vm2, $0x96D, v0  }
0x10: {  	v4 =	vsel vm7, $0x407, v43;
	v42 =	vsel vm9, $0x3EF, v1;
	v0 =	vsel vm1, $0xA36, v0  }
0x11: {  	v1 =	vimm.s32 $0x8F;
	v13 =	vsel vm0, $0xAFF, v0;
	v0 =	vsel vm6, $0x488, v4  }
0x12: {  	v34 =	vunpack.c.0.s8.s32 v3;
	v1 =	vsel vm14, $0x100, v1;
	v0 =	vsel vm5, $0x509, v0  }
0x13: {  	v3 =	vsel vm8, $0x4B8, v42;
	v1 =	vsel vm13, $0x181, v1;
	v0 =	vsel vm4, $0x58A, v0  }
0x14: {  	v3 =	vsel vm7, $0x581, v3;
	v1 =	vsel vm12, $0x202, v1;
	v0 =	vsel vm3, $0x60B, v0  }
0x15: {  	v3 =	vsel vm6, $0x64A, v3;
	v1 =	vsel vm11, $0x283, v1;
	v0 =	vsel vm2, $0x68C, v0  }
0x16: {  	v4 =	vimm.s32 $0x10765432;
	v1 =	vsel vm10, $0x304, v1;
	v0 =	vsel vm1, $0x70D, v0  }
0x17: {  	v5 =	vsel vm0, $0x78E, v0;
	v0 =	vsel vm5, $0x713, v3;
	v3 =	vimm.s32 $0xBBA  }
0x18: {  	v4 =	vunpack.c.l.s4.s8 v4;
	v44 =	vsel vm9, $0x385, v1;
	v1 =	vsel vm14, $0x3, v3  }
0x19: {  	v0 =	vsel vm4, $0x7DC, v0;
	v3 =	vsel vm8, $0x406, v44;
	v1 =	vsel vm13, $0xCC, v1  }
0x1a: {  	v0 =	vsel vm3, $0x8A5, v0;
	v3 =	vsel vm7, $0x487, v3;
	v1 =	vsel vm12, $0x195, v1  }
0x1b: {  	v0 =	vsel vm2, $0x96E, v0;
	v3 =	vsel vm6, $0x508, v3;
	v1 =	vsel vm11, $0x25E, v1  }
0x1c: {  	v0 =	vsel vm1, $0xA37, v0;
	v3 =	vsel vm5, $0x589, v3;
	v46 =	vsel vm10, $0x327, v1  }
0x1d: {  	v21 =	vsel vm0, $0xAF0, v0;
	v0 =	vsel vm4, $0x60A, v3;
	v1 =	vsel vm9, $0x3F0, v46  }
0x1e: {  	v22 =	vunpack.c.0.s8.s32 v4;
	v0 =	vsel vm3, $0x68B, v0;
	v1 =	vsel vm8, $0x4B9, v1  }
0x1f: {  	v3 =	vimm.s32 $0x10F;
	v0 =	vsel vm2, $0x70C, v0;
	v1 =	vsel vm7, $0x582, v1  }
0x20: {  	v3 =	vsel vm14, $0x180, v3;
	v0 =	vsel vm1, $0x78D, v0;
	v1 =	vsel vm6, $0x64B, v1  }
0x21: {  	v8 =	vsel vm0, $0xE, v0;
	v0 =	vsel vm5, $0x714, v1;
	v1 =	vsel vm13, $0x201, v3  }
0x22: {  	v3 =	vimm.s32 $0xBBB;
	v0 =	vsel vm4, $0x7DD, v0;
	v1 =	vsel vm12, $0x282, v1  }
0x23: {  	v3 =	vsel vm14, $0x4, v3;
	v0 =	vsel vm3, $0x8A6, v0;
	v1 =	vsel vm11, $0x303, v1  }
0x24: {  	v0 =	vsel vm2, $0x96F, v0;
	v45 =	vsel vm10, $0x384, v1;
	v1 =	vsel vm13, $0xCD, v3  }
0x25: {  	v4 =	vimm.s32 $0x21076543;
	v0 =	vsel vm1, $0xA28, v0;
	v1 =	vsel vm12, $0x196, v1  }
0x26: {  	v3 =	vsel vm9, $0x405, v45;
	v47 =	vsel vm11, $0x25F, v1;
	v1 =	vunpack.c.l.s4.s8 v4  }
0x27: {  	v3 =	vsel vm8, $0x486, v3;
	v24 =	vsel vm0, $0xAF1, v0  }
0x28: {  	v3 =	vsel vm7, $0x507, v3;
	v4 =	vsel vm10, $0x328, v47;
	v1 =	vunpack.c.0.s8.s32 v1  }
0x29: {  	v0 =	vsel vm6, $0x588, v3;
	v3 =	vsel vm9, $0x3F1, v4;
	v4 =	vimm.s32 $0x32107654  }
0x2a: {  	v0 =	vsel vm5, $0x609, v0;
	v4 =	vunpack.c.l.s4.s8 v4;
	[tilespmem:$0x1FD80] =	vst v1;
	v1 =	vsel vm8, $0x4BA, v3  }
0x2b: {  	v0 =	vsel vm4, $0x68A, v0;
	v3 =	vimm.s32 $0x18F;
	v1 =	vsel vm7, $0x583, v1  }
0x2c: {  	v0 =	vsel vm3, $0x70B, v0;
	v3 =	vsel vm14, $0x200, v3;
	v1 =	vsel vm6, $0x64C, v1  }
0x2d: {  	v0 =	vsel vm2, $0x78C, v0;
	v3 =	vsel vm13, $0x281, v3;
	v1 =	vsel vm5, $0x715, v1  }
0x2e: {  	v0 =	vsel vm1, $0xD, v0;
	v3 =	vsel vm12, $0x302, v3;
	v1 =	vsel vm4, $0x7DE, v1  }
0x2f: {  	v11 =	vsel vm0, $0x8E, v0;
	v15 =	vsel vm11, $0x383, v3;
	v3 =	vimm.s32 $0xBBC  }
0x30: {  	v0 =	vsel vm3, $0x8A7, v1;
	v1 =	vsel vm10, $0x404, v15;
	v3 =	vsel vm14, $0x5, v3  }
0x31: {  	v0 =	vsel vm2, $0x960, v0;
	v1 =	vsel vm9, $0x485, v1;
	v3 =	vsel vm13, $0xCE, v3  }
0x32: {  	v0 =	vsel vm1, $0xA29, v0;
	v1 =	vsel vm8, $0x506, v1;
	v48 =	vsel vm12, $0x197, v3  }
0x33: {  	v3 =	vunpack.c.0.s8.s32 v4;
	v4 =	vimm.s32 $0x43210765;
	v1 =	vsel vm7, $0x587, v1  }
0x34: {  	v26 =	vsel vm0, $0xAF2, v0;
	v0 =	vsel vm6, $0x608, v1;
	v1 =	vsel vm11, $0x260, v48  }
0x35: {  	v4 =	vunpack.c.l.s4.s8 v4;
	v0 =	vsel vm5, $0x689, v0;
	v1 =	vsel vm10, $0x329, v1  }
0x36: {  	[tilespmem:$0x1FD90] =	vst v3;
	v3 =	vimm.s32 $0x20F;
	v0 =	vsel vm4, $0x70A, v0;
	v1 =	vsel vm9, $0x3F2, v1  }
0x37: {  	v3 =	vsel vm14, $0x280, v3;
	v0 =	vsel vm3, $0x78B, v0;
	v1 =	vsel vm8, $0x4BB, v1  }
0x38: {  	v3 =	vsel vm13, $0x301, v3;
	v0 =	vsel vm2, $0xC, v0;
	v1 =	vsel vm7, $0x584, v1  }
0x39: {  	v12 =	vsel vm12, $0x382, v3;
	v0 =	vsel vm1, $0x8D, v0;
	v1 =	vsel vm6, $0x64D, v1  }
0x3a: {  	v14 =	vsel vm0, $0x10E, v0;
	v0 =	vsel vm5, $0x716, v1;
	v1 =	vsel vm11, $0x403, v12  }
0x3b: {  	v50 =	vunpack.c.0.s8.s32 v4;
	v3 =	vimm.s32 $0xBBD;
	v1 =	vsel vm10, $0x484, v1  }
0x3c: {  	v4 =	vimm.s32 $0x54321076;
	v3 =	vsel vm14, $0x6, v3;
	v1 =	vsel vm9, $0x505, v1  }
0x3d: {  	v51 =	vsel vm13, $0xCF, v3;
	v0 =	vsel vm4, $0x7DF, v0;
	v1 =	vsel vm8, $0x586, v1  }
0x3e: {  	v3 =	vsel vm12, $0x198, v51;
	v0 =	vsel vm3, $0x898, v0;
	v1 =	vsel vm7, $0x607, v1  }
0x3f: {  	v3 =	vsel vm11, $0x261, v3;
	v0 =	vsel vm2, $0x961, v0;
	v1 =	vsel vm6, $0x688, v1  }
0x40: {  	v3 =	vsel vm10, $0x32A, v3;
	v0 =	vsel vm1, $0xA2A, v0;
	v1 =	vsel vm5, $0x709, v1  }
0x41: {  	v30 =	vsel vm0, $0xAF3, v0;
	v0 =	vsel vm4, $0x78A, v1;
	v1 =	vsel vm9, $0x3F3, v3  }
0x42: {  	v3 =	vimm.s32 $0x28F;
	v0 =	vsel vm3, $0xB, v0;
	v1 =	vsel vm8, $0x4BC, v1  }
0x43: {  	v3 =	vsel vm14, $0x300, v3;
	v0 =	vsel vm2, $0x8C, v0;
	v1 =	vsel vm7, $0x585, v1  }
0x44: {  	v52 =	vsel vm13, $0x381, v3;
	v0 =	vsel vm1, $0x10D, v0;
	v1 =	vsel vm6, $0x64E, v1  }
0x45: {  	v17 =	vsel vm0, $0x18E, v0;
	v0 =	vsel vm5, $0x717, v1;
	v1 =	vsel vm12, $0x402, v52  }
0x46: {  	v4 =	vunpack.c.l.s4.s8 v4;
	v3 =	vimm.s32 $0xBBE;
	v1 =	vsel vm11, $0x483, v1  }
0x47: {  	v53 =	vsel vm14, $0x7, v3;
	v0 =	vsel vm4, $0x7D0, v0;
	v1 =	vsel vm10, $0x504, v1  }
0x48: {  	v3 =	vsel vm13, $0xD0, v53;
	v0 =	vsel vm3, $0x899, v0;
	v1 =	vsel vm9, $0x585, v1  }
0x49: {  	v3 =	vsel vm12, $0x199, v3;
	v0 =	vsel vm2, $0x962, v0;
	v1 =	vsel vm8, $0x606, v1  }
0x4a: {  	v3 =	vsel vm11, $0x262, v3;
	v0 =	vsel vm1, $0xA2B, v0;
	v1 =	vsel vm7, $0x687, v1  }
0x4b: {  	v3 =	vsel vm10, $0x32B, v3;
	v49 =	vsel vm0, $0xAF4, v0;
	v0 =	vsel vm6, $0x708, v1  }
0x4c: {  	v1 =	vsel vm9, $0x3F4, v3;
	v3 =	vunpack.c.0.s8.s32 v4;
	v0 =	vsel vm5, $0x789, v0  }
0x4d: {  	v1 =	vsel vm8, $0x4BD, v1;
	v0 =	vsel vm4, $0xA, v0  }
0x4e: {  	[tilespmem:$0x1FDA0] =	vst v3;
	v1 =	vsel vm7, $0x586, v1;
	v3 =	vimm.s32 $0x30F;
	v0 =	vsel vm3, $0x8B, v0  }
0x4f: {  	v1 =	vsel vm6, $0x64F, v1;
	v54 =	vsel vm14, $0x380, v3;
	v0 =	vsel vm2, $0x10C, v0  }
0x50: {  	v1 =	vsel vm5, $0x708, v1;
	v3 =	vsel vm13, $0x401, v54;
	v0 =	vsel vm1, $0x18D, v0  }
0x51: {  	v1 =	vsel vm4, $0x7D1, v1;
	v3 =	vsel vm12, $0x482, v3;
	v20 =	vsel vm0, $0x20E, v0  }
0x52: {  	v0 =	vsel vm3, $0x89A, v1;
	v1 =	vsel vm11, $0x503, v3;
	v3 =	vimm.s32 $0x65432107  }
0x53: {  	v0 =	vsel vm2, $0x963, v0;
	v1 =	vsel vm10, $0x584, v1;
	v4 =	vunpack.c.l.s4.s8 v3  }
0x54: {  	v0 =	vsel vm1, $0xA2C, v0;
	v1 =	vsel vm9, $0x605, v1  }
0x55: {  	v36 =	vsel vm0, $0xAF5, v0;
	v0 =	vsel vm8, $0x686, v1;
	v1 =	vunpack.c.0.s8.s32 v4  }
0x56: {  	v3 =	vimm.s32 $0xBBF  }
0x57: {  	[tilespmem:$0x1FDB0] =	vst v1;
	v1 =	vsel vm14, $0x8, v3  }
0x58: {  	v0 =	vsel vm7, $0x707, v0;
	v1 =	vsel vm13, $0xD1, v1  }
0x59: {  	v4 =	vsel vm6, $0x788, v0;
	v0 =	vimm.s32 $0x38F;
	v1 =	vsel vm12, $0x19A, v1  }
0x5a: {  	v4 =	vsel vm5, $0x9, v4;
	v6 =	vsel vm14, $0x400, v0;
	v1 =	vsel vm11, $0x263, v1  }
0x5b: {  	v4 =	vsel vm4, $0x8A, v4;
	v6 =	vsel vm13, $0x481, v6;
	v1 =	vsel vm10, $0x32C, v1  }
0x5c: {  	v4 =	vsel vm3, $0x10B, v4;
	v6 =	vsel vm12, $0x502, v6;
	v1 =	vsel vm9, $0x3F5, v1  }
0x5d: {  	v4 =	vsel vm2, $0x18C, v4;
	v6 =	vsel vm11, $0x583, v6;
	v1 =	vsel vm8, $0x4BE, v1  }
0x5e: {  	v4 =	vsel vm1, $0x20D, v4;
	v6 =	vsel vm10, $0x604, v6;
	v1 =	vsel vm7, $0x587, v1  }
0x5f: {  	v23 =	vsel vm0, $0x28E, v4;
	v4 =	vsel vm9, $0x685, v6;
	v1 =	vsel vm6, $0x640, v1  }
0x60: {  	v6 =	vimm.s32 $0xBC0;
	v4 =	vsel vm8, $0x706, v4;
	v1 =	vsel vm5, $0x709, v1  }
0x61: {  	v6 =	vsel vm14, $0x9, v6;
	v4 =	vsel vm7, $0x787, v4;
	v1 =	vsel vm4, $0x7D2, v1  }
0x62: {  	v6 =	vsel vm13, $0xD2, v6;
	v4 =	vsel vm6, $0x8, v4;
	v1 =	vsel vm3, $0x89B, v1  }
0x63: {  	v6 =	vsel vm12, $0x19B, v6;
	v4 =	vsel vm5, $0x89, v4;
	v1 =	vsel vm2, $0x964, v1  }
0x64: {  	v6 =	vsel vm11, $0x264, v6;
	v4 =	vsel vm4, $0x10A, v4;
	v1 =	vsel vm1, $0xA2D, v1  }
0x65: {  	v6 =	vsel vm10, $0x32D, v6;
	v4 =	vsel vm3, $0x18B, v4;
	v1 =	vsel vm0, $0xAF6, v1  }
0x66: {  	[tilespmem:$0x1FDC0] =	vst v1;
	v1 =	vsel vm2, $0x20C, v4;
	v4 =	vsel vm9, $0x3F6, v6  }
0x67: {  	v1 =	vsel vm1, $0x28D, v1;
	v4 =	vsel vm8, $0x4BF, v4  }
0x68: {  	v6 =	vimm.s32 $0x40F;
	v25 =	vsel vm0, $0x30E, v1;
	v1 =	vsel vm7, $0x578, v4  }
0x69: {  	v4 =	vsel vm14, $0x480, v6;
	v1 =	vsel vm6, $0x641, v1  }
0x6a: {  	v6 =	vimm.s32 $0xBC1;
	v4 =	vsel vm13, $0x501, v4;
	v1 =	vsel vm5, $0x70A, v1  }
0x6b: {  	v6 =	vsel vm14, $0xA, v6;
	v4 =	vsel vm12, $0x582, v4;
	v1 =	vsel vm4, $0x7D3, v1  }
0x6c: {  	v6 =	vsel vm13, $0xD3, v6;
	v4 =	vsel vm11, $0x603, v4;
	v1 =	vsel vm3, $0x89C, v1  }
0x6d: {  	v6 =	vsel vm12, $0x19C, v6;
	v4 =	vsel vm10, $0x684, v4;
	v1 =	vsel vm2, $0x965, v1  }
0x6e: {  	v6 =	vsel vm11, $0x265, v6;
	v4 =	vsel vm9, $0x705, v4;
	v1 =	vsel vm1, $0xA2E, v1  }
0x6f: {  	v6 =	vsel vm10, $0x32E, v6;
	v4 =	vsel vm8, $0x786, v4;
	v1 =	vsel vm0, $0xAF7, v1  }
0x70: {  	[tilespmem:$0x1FDD0] =	vst v1;
	v1 =	vsel vm7, $0x7, v4;
	v4 =	vsel vm9, $0x3F7, v6  }
0x71: {  	v1 =	vsel vm6, $0x88, v1;
	v4 =	vsel vm8, $0x4B0, v4  }
0x72: {  	v6 =	vimm.s32 $0x48F;
	v1 =	vsel vm5, $0x109, v1;
	v4 =	vsel vm7, $0x579, v4  }
0x73: {  	v6 =	vsel vm14, $0x500, v6;
	v1 =	vsel vm4, $0x18A, v1;
	v4 =	vsel vm6, $0x642, v4  }
0x74: {  	v6 =	vsel vm13, $0x581, v6;
	v1 =	vsel vm3, $0x20B, v1;
	v4 =	vsel vm5, $0x70B, v4  }
0x75: {  	v6 =	vsel vm12, $0x602, v6;
	v1 =	vsel vm2, $0x28C, v1;
	v4 =	vsel vm4, $0x7D4, v4  }
0x76: {  	v6 =	vsel vm11, $0x683, v6;
	v1 =	vsel vm1, $0x30D, v1;
	v4 =	vsel vm3, $0x89D, v4  }
0x77: {  	v6 =	vsel vm10, $0x704, v6;
	v27 =	vsel vm0, $0x38E, v1;
	v1 =	vsel vm2, $0x966, v4  }
0x78: {  	v4 =	vsel vm9, $0x785, v6;
	v1 =	vsel vm1, $0xA2F, v1  }
0x79: {  	v6 =	vimm.s32 $0xBC2;
	v4 =	vsel vm8, $0x6, v4;
	v1 =	vsel vm0, $0xAF8, v1  }
0x7a: {  	[tilespmem:$0x1FDE0] =	vst v1;
	v1 =	vsel vm7, $0x87, v4;
	v4 =	vsel vm14, $0xB, v6  }
0x7b: {  	v1 =	vsel vm6, $0x108, v1;
	v4 =	vsel vm13, $0xD4, v4  }
0x7c: {  	v6 =	vimm.s32 $0x50F;
	v1 =	vsel vm5, $0x189, v1;
	v4 =	vsel vm12, $0x19D, v4  }
0x7d: {  	v6 =	vsel vm14, $0x580, v6;
	v1 =	vsel vm4, $0x20A, v1;
	v4 =	vsel vm11, $0x266, v4  }
0x7e: {  	v6 =	vsel vm13, $0x601, v6;
	v1 =	vsel vm3, $0x28B, v1;
	v4 =	vsel vm10, $0x32F, v4  }
0x7f: {  	v6 =	vsel vm12, $0x682, v6;
	v1 =	vsel vm2, $0x30C, v1;
	v4 =	vsel vm9, $0x3E8, v4  }
0x80: {  	v6 =	vsel vm11, $0x703, v6;
	v1 =	vsel vm1, $0x38D, v1;
	v4 =	vsel vm8, $0x4B1, v4  }
0x81: {  	v6 =	vsel vm10, $0x784, v6;
	v29 =	vsel vm0, $0x40E, v1;
	v1 =	vsel vm7, $0x57A, v4  }
0x82: {  	v4 =	vsel vm9, $0x5, v6;
	v1 =	vsel vm6, $0x643, v1  }
0x83: {  	v6 =	vimm.s32 $0xBC3;
	v4 =	vsel vm8, $0x86, v4;
	v1 =	vsel vm5, $0x70C, v1  }
0x84: {  	v6 =	vsel vm14, $0xC, v6;
	v4 =	vsel vm7, $0x107, v4;
	v1 =	vsel vm4, $0x7D5, v1  }
0x85: {  	v6 =	vsel vm13, $0xD5, v6;
	v4 =	vsel vm6, $0x188, v4;
	v1 =	vsel vm3, $0x89E, v1  }
0x86: {  	v6 =	vsel vm12, $0x19E, v6;
	v4 =	vsel vm5, $0x209, v4;
	v1 =	vsel vm2, $0x967, v1  }
0x87: {  	v6 =	vsel vm11, $0x267, v6;
	v4 =	vsel vm4, $0x28A, v4;
	v1 =	vsel vm1, $0xA30, v1  }
0x88: {  	v6 =	vsel vm10, $0x320, v6;
	v4 =	vsel vm3, $0x30B, v4;
	v1 =	vsel vm0, $0xAF9, v1  }
0x89: {  	[tilespmem:$0x1FDF0] =	vst v1;
	v1 =	vsel vm2, $0x38C, v4;
	v4 =	vsel vm9, $0x3E9, v6  }
0x8a: {  	v1 =	vsel vm1, $0x40D, v1;
	v4 =	vsel vm8, $0x4B2, v4  }
0x8b: {  	v6 =	vimm.s32 $0x58F;
	v31 =	vsel vm0, $0x48E, v1;
	v1 =	vsel vm7, $0x57B, v4  }
0x8c: {  	v4 =	vsel vm14, $0x600, v6;
	v1 =	vsel vm6, $0x644, v1  }
0x8d: {  	v6 =	vimm.s32 $0xBC4;
	v4 =	vsel vm13, $0x681, v4;
	v1 =	vsel vm5, $0x70D, v1  }
0x8e: {  	v6 =	vsel vm14, $0xD, v6;
	v4 =	vsel vm12, $0x702, v4;
	v1 =	vsel vm4, $0x7D6, v1  }
0x8f: {  	v6 =	vsel vm13, $0xD6, v6;
	v4 =	vsel vm11, $0x783, v4;
	v1 =	vsel vm3, $0x89F, v1  }
0x90: {  	v6 =	vsel vm12, $0x19F, v6;
	v4 =	vsel vm10, $0x4, v4;
	v1 =	vsel vm2, $0x968, v1  }
0x91: {  	v6 =	vsel vm11, $0x258, v6;
	v4 =	vsel vm9, $0x85, v4;
	v1 =	vsel vm1, $0xA31, v1  }
0x92: {  	v6 =	vsel vm10, $0x321, v6;
	v4 =	vsel vm8, $0x106, v4;
	v1 =	vsel vm0, $0xAFA, v1  }
0x93: {  	[tilespmem:$0x1FE00] =	vst v1;
	v1 =	vsel vm7, $0x187, v4;
	v4 =	vsel vm9, $0x3EA, v6  }
0x94: {  	v1 =	vsel vm6, $0x208, v1;
	v4 =	vsel vm8, $0x4B3, v4  }
0x95: {  	v6 =	vimm.s32 $0x60F;
	v1 =	vsel vm5, $0x289, v1;
	v4 =	vsel vm7, $0x57C, v4  }
0x96: {  	v6 =	vsel vm14, $0x680, v6;
	v1 =	vsel vm4, $0x30A, v1;
	v4 =	vsel vm6, $0x645, v4  }
0x97: {  	v6 =	vsel vm13, $0x701, v6;
	v1 =	vsel vm3, $0x38B, v1;
	v4 =	vsel vm5, $0x70E, v4  }
0x98: {  	v6 =	vsel vm12, $0x782, v6;
	v1 =	vsel vm2, $0x40C, v1;
	v4 =	vsel vm4, $0x7D7, v4  }
0x99: {  	v6 =	vsel vm11, $0x3, v6;
	v1 =	vsel vm1, $0x48D, v1;
	v4 =	vsel vm3, $0x8A0, v4  }
0x9a: {  	v6 =	vsel vm10, $0x84, v6;
	v33 =	vsel vm0, $0x50E, v1;
	v1 =	vsel vm2, $0x969, v4  }
0x9b: {  	v4 =	vsel vm9, $0x105, v6;
	v1 =	vsel vm1, $0xA32, v1  }
0x9c: {  	v6 =	vimm.s32 $0xBC5;
	v4 =	vsel vm8, $0x186, v4;
	v1 =	vsel vm0, $0xAFB, v1  }
0x9d: {  	[tilespmem:$0x1FE10] =	vst v1;
	v1 =	vsel vm7, $0x207, v4;
	v4 =	vsel vm14, $0xE, v6  }
0x9e: {  	v1 =	vsel vm6, $0x288, v1;
	v4 =	vsel vm13, $0xD7, v4  }
0x9f: {  	v6 =	vimm.s32 $0x68F;
	v1 =	vsel vm5, $0x309, v1;
	v4 =	vsel vm12, $0x190, v4  }
0xa0: {  	v6 =	vsel vm14, $0x700, v6;
	v1 =	vsel vm4, $0x38A, v1;
	v4 =	vsel vm11, $0x259, v4  }
0xa1: {  	v6 =	vsel vm13, $0x781, v6;
	v1 =	vsel vm3, $0x40B, v1;
	v4 =	vsel vm10, $0x322, v4  }
0xa2: {  	v6 =	vsel vm12, $0x2, v6;
	v1 =	vsel vm2, $0x48C, v1;
	v4 =	vsel vm9, $0x3EB, v4  }
0xa3: {  	v6 =	vsel vm11, $0x83, v6;
	v1 =	vsel vm1, $0x50D, v1;
	v4 =	vsel vm8, $0x4B4, v4  }
0xa4: {  	v6 =	vsel vm10, $0x104, v6;
	v35 =	vsel vm0, $0x58E, v1;
	v1 =	vsel vm7, $0x57D, v4  }
0xa5: {  	v4 =	vsel vm9, $0x185, v6;
	v1 =	vsel vm6, $0x646, v1  }
0xa6: {  	v6 =	vimm.s32 $0xBC6;
	v4 =	vsel vm8, $0x206, v4;
	v1 =	vsel vm5, $0x70F, v1  }
0xa7: {  	v6 =	vsel vm14, $0xF, v6;
	v4 =	vsel vm7, $0x287, v4;
	v1 =	vsel vm4, $0x7D8, v1  }
0xa8: {  	v6 =	vsel vm13, $0xC8, v6;
	v4 =	vsel vm6, $0x308, v4;
	v1 =	vsel vm3, $0x8A1, v1  }
0xa9: {  	v6 =	vsel vm12, $0x191, v6;
	v4 =	vsel vm5, $0x389, v4;
	v1 =	vsel vm2, $0x96A, v1  }
0xaa: {  	v6 =	vsel vm11, $0x25A, v6;
	v4 =	vsel vm4, $0x40A, v4;
	v1 =	vsel vm1, $0xA33, v1  }
0xab: {  	v6 =	vsel vm10, $0x323, v6;
	v4 =	vsel vm3, $0x48B, v4;
	v1 =	vsel vm0, $0xAFC, v1  }
0xac: {  	[tilespmem:$0x1FE20] =	vst v1;
	v1 =	vsel vm2, $0x50C, v4;
	v4 =	vsel vm9, $0x3EC, v6  }
0xad: {  	v1 =	vsel vm1, $0x58D, v1;
	v4 =	vsel vm8, $0x4B5, v4  }
0xae: {  	v6 =	vimm.s32 $0x70F;
	v37 =	vsel vm0, $0x60E, v1;
	v1 =	vsel vm7, $0x57E, v4  }
0xaf: {  	v4 =	vsel vm14, $0x780, v6;
	v1 =	vsel vm6, $0x647, v1  }
0xb0: {  	v3 =	vsel vm14, $0x0, v3;
	v4 =	vsel vm13, $0x1, v4;
	v1 =	vsel vm5, $0x710, v1  }
0xb1: {  	v3 =	vsel vm13, $0xC9, v3;
	v4 =	vsel vm12, $0x82, v4;
	v1 =	vsel vm4, $0x7D9, v1  }
0xb2: {  	v3 =	vsel vm12, $0x192, v3;
	v4 =	vsel vm11, $0x103, v4;
	v1 =	vsel vm3, $0x8A2, v1  }
0xb3: {  	v3 =	vsel vm11, $0x25B, v3;
	v4 =	vsel vm10, $0x184, v4;
	v1 =	vsel vm2, $0x96B, v1  }
0xb4: {  	v3 =	vsel vm10, $0x324, v3;
	v4 =	vsel vm9, $0x205, v4;
	v1 =	vsel vm1, $0xA34, v1  }
0xb5: {  	v3 =	vsel vm9, $0x3ED, v3;
	v4 =	vsel vm8, $0x286, v4;
	v1 =	vsel vm0, $0xAFD, v1  }
0xb6: {  	v3 =	vsel vm8, $0x4B6, v3;
	[tilespmem:$0x1FE30] =	vst v1;
	v1 =	vsel vm7, $0x307, v4  }
0xb7: {  	v0 =	vsel vm14, $0x0, v0;
	v3 =	vsel vm7, $0x57F, v3;
	v1 =	vsel vm6, $0x388, v1  }
0xb8: {  	v0 =	vsel vm13, $0x81, v0;
	v3 =	vsel vm6, $0x640, v3;
	v1 =	vsel vm5, $0x409, v1  }
0xb9: {  	v0 =	vsel vm12, $0x102, v0;
	v3 =	vsel vm5, $0x709, v3;
	v1 =	vsel vm4, $0x48A, v1  }
0xba: {  	v0 =	vsel vm11, $0x183, v0;
	v3 =	vsel vm4, $0x7D2, v3;
	v1 =	vsel vm3, $0x50B, v1  }
0xbb: {  	v0 =	vsel vm10, $0x204, v0;
	v3 =	vsel vm3, $0x89B, v3;
	v1 =	vsel vm2, $0x58C, v1  }
0xbc: {  	v0 =	vsel vm9, $0x285, v0;
	v3 =	vsel vm2, $0x964, v3;
	v1 =	vsel vm1, $0x60D, v1  }
0xbd: {  	v0 =	vsel vm8, $0x306, v0;
	v39 =	vsel vm0, $0x68E, v1;
	v1 =	vsel vm1, $0xA2D, v3  }
0xbe: {  	v0 =	vsel vm7, $0x387, v0;
	v1 =	vsel vm0, $0xAF6, v1  }
0xbf: {  	v0 =	vsel vm6, $0x8, v0;
	[tilespmem:$0x1FE40] =	vst v1;
	v1 =	vsel vm7, $0x578, v41  }
0xc0: {  	v0 =	vsel vm5, $0x89, v0;
	v1 =	vsel vm6, $0x641, v1  }
0xc1: {  	v0 =	vsel vm4, $0x10A, v0;
	v3 =	vsel vm7, $0x7, v43;
	v1 =	vsel vm5, $0x70A, v1  }
0xc2: {  	v0 =	vsel vm3, $0x18B, v0;
	v3 =	vsel vm6, $0x88, v3;
	v1 =	vsel vm4, $0x7D3, v1  }
0xc3: {  	v0 =	vsel vm2, $0x20C, v0;
	v3 =	vsel vm5, $0x109, v3;
	v1 =	vsel vm3, $0x89C, v1  }
0xc4: {  	v0 =	vsel vm1, $0x28D, v0;
	v3 =	vsel vm4, $0x18A, v3;
	v1 =	vsel vm2, $0x965, v1  }
0xc5: {  	v0 =	vsel vm0, $0x30E, v0;
	v3 =	vsel vm3, $0x20B, v3;
	v1 =	vsel vm1, $0xA2E, v1  }
0xc6: {  	[tilespmem:$0x1FE50] =	vst v0;
	v3 =	vsel vm2, $0x28C, v3;
	v0 =	vsel vm0, $0xAF7, v1  }
0xc7: {  	[tilespmem:$0x1FE60] =	vst v0;
	v0 =	vsel vm1, $0x30D, v3  }
0xc8: {  	v0 =	vsel vm0, $0x38E, v0  }
0xc9: {  	[tilespmem:$0x1FE70] =	vst v0;
	v0 =	vsel vm8, $0x4B0, v42  }
0xca: {  	v0 =	vsel vm7, $0x579, v0  }
0xcb: {  	v1 =	vsel vm9, $0x3E8, v46;
	v3 =	vsel vm8, $0x6, v44;
	v0 =	vsel vm6, $0x642, v0  }
0xcc: {  	v1 =	vsel vm8, $0x4B1, v1;
	v3 =	vsel vm7, $0x87, v3;
	v0 =	vsel vm5, $0x70B, v0  }
0xcd: {  	v1 =	vsel vm7, $0x57A, v1;
	v3 =	vsel vm6, $0x108, v3;
	v0 =	vsel vm4, $0x7D4, v0  }
0xce: {  	v1 =	vsel vm6, $0x643, v1;
	v3 =	vsel vm5, $0x189, v3;
	v0 =	vsel vm3, $0x89D, v0  }
0xcf: {  	v1 =	vsel vm5, $0x70C, v1;
	v3 =	vsel vm4, $0x20A, v3;
	v0 =	vsel vm2, $0x966, v0  }
0xd0: {  	v1 =	vsel vm4, $0x7D5, v1;
	v3 =	vsel vm3, $0x28B, v3;
	v0 =	vsel vm1, $0xA2F, v0  }
0xd1: {  	v1 =	vsel vm3, $0x89E, v1;
	v3 =	vsel vm2, $0x30C, v3;
	v0 =	vsel vm0, $0xAF0, v0  }
0xd2: {  	v1 =	vsel vm2, $0x967, v1;
	[tilespmem:$0x1FE80] =	vst v0;
	v0 =	vsel vm1, $0x38D, v3  }
0xd3: {  	v1 =	vsel vm1, $0xA28, v1;
	v0 =	vsel vm0, $0xE, v0  }
0xd4: {  	[tilespmem:$0x1FE90] =	vst v0;
	v0 =	vsel vm0, $0xAF1, v1  }
0xd5: {  	[tilespmem:$0x1FEA0] =	vst v0;
	v0 =	vsel vm10, $0x320, v47  }
0xd6: {  	v0 =	vsel vm9, $0x3E9, v0  }
0xd7: {  	v3 =	vsel vm10, $0x4, v15;
	v1 =	vsel vm9, $0x5, v45;
	v0 =	vsel vm8, $0x4B2, v0  }
0xd8: {  	v3 =	vsel vm9, $0x85, v3;
	v1 =	vsel vm8, $0x86, v1;
	v0 =	vsel vm7, $0x57B, v0  }
0xd9: {  	v3 =	vsel vm8, $0x106, v3;
	v1 =	vsel vm7, $0x107, v1;
	v0 =	vsel vm6, $0x644, v0  }
0xda: {  	v3 =	vsel vm7, $0x187, v3;
	v1 =	vsel vm6, $0x188, v1;
	v0 =	vsel vm5, $0x70D, v0  }
0xdb: {  	v3 =	vsel vm6, $0x208, v3;
	v1 =	vsel vm5, $0x209, v1;
	v0 =	vsel vm4, $0x7D6, v0  }
0xdc: {  	v3 =	vsel vm5, $0x289, v3;
	v1 =	vsel vm4, $0x28A, v1;
	v0 =	vsel vm3, $0x89F, v0  }
0xdd: {  	v3 =	vsel vm4, $0x30A, v3;
	v1 =	vsel vm3, $0x30B, v1;
	v0 =	vsel vm2, $0x960, v0  }
0xde: {  	v3 =	vsel vm3, $0x38B, v3;
	v1 =	vsel vm2, $0x38C, v1;
	v0 =	vsel vm1, $0xA29, v0  }
0xdf: {  	v3 =	vsel vm2, $0xC, v3;
	v1 =	vsel vm1, $0xD, v1;
	v0 =	vsel vm0, $0xAF2, v0  }
0xe0: {  	v40 =	vlaneseq.u32;
	v1 =	vsel vm0, $0x8E, v1;
	[tilespmem:$0x1FEC0] =	vst v0;
	v0 =	vsel vm1, $0x8D, v3  }
0xe1: {  	vm15 =	vcmask $0xF00;
	v7 =	vimm.s32 $0xC9884706;
	[tilespmem:$0x1FEB0] =	vst v1;
	v0 =	vsel vm0, $0x10E, v0  }
0xe2: {  	v10 =	vmul.u32 $0xC9, v40;
	v1 =	vsel vm11, $0x3, v12;
	[tilespmem:$0x1FED0] =	vst v0;
	v0 =	vsel vm11, $0x258, v48  }
0xe3: {  	v55 =	vand.u32 $0x7, v40;
	v1 =	vsel vm10, $0x84, v1;
	v0 =	vsel vm10, $0x321, v0  }
0xe4: {  	v3 =	vsel vm12, $0x190, v51;
	v1 =	vsel vm9, $0x105, v1;
	v0 =	vsel vm9, $0x3EA, v0  }
0xe5: {  	v3 =	vsel vm11, $0x259, v3;
	v1 =	vsel vm8, $0x186, v1;
	v0 =	vsel vm8, $0x4B3, v0  }
0xe6: {  	v3 =	vsel vm10, $0x322, v3;
	v1 =	vsel vm7, $0x207, v1;
	v0 =	vsel vm7, $0x57C, v0  }
0xe7: {  	v3 =	vsel vm9, $0x3EB, v3;
	v1 =	vsel vm6, $0x288, v1;
	v0 =	vsel vm6, $0x645, v0  }
0xe8: {  	v3 =	vsel vm8, $0x4B4, v3;
	v1 =	vsel vm5, $0x309, v1;
	v0 =	vsel vm5, $0x70E, v0  }
0xe9: {  	v3 =	vsel vm7, $0x57D, v3;
	v1 =	vsel vm4, $0x38A, v1;
	v0 =	vsel vm4, $0x7D7, v0  }
0xea: {  	v3 =	vsel vm6, $0x646, v3;
	v1 =	vsel vm3, $0xB, v1;
	v0 =	vsel vm3, $0x898, v0  }
0xeb: {  	v3 =	vsel vm5, $0x70F, v3;
	v1 =	vsel vm2, $0x8C, v1;
	v0 =	vsel vm2, $0x961, v0  }
0xec: {  	v3 =	vsel vm4, $0x7D0, v3;
	v1 =	vsel vm1, $0x10D, v1;
	v0 =	vsel vm1, $0xA2A, v0  }
0xed: {  	v3 =	vsel vm3, $0x899, v3;
	v12 =	vsel vm0, $0xAF3, v0;
	v0 =	vsel vm0, $0x18E, v1  }
0xee: {  	v2 =	vmul.u32 $0x81, v40;
	v56 =	vmul.u32 $0x41, v40;
	[tilespmem:$0x1FEE0] =	vst v0;
	v0 =	vsel vm2, $0x962, v3  }
0xef: {  	v1 =	vsel vm12, $0x2, v52;
	v3 =	vsel vm13, $0xC8, v53;
	v0 =	vsel vm1, $0xA2B, v0  }
0xf0: {  	v48 =	vsel vm0, $0xAF4, v0;
	v0 =	vsel vm11, $0x83, v1;
	v1 =	vsel vm12, $0x191, v3  }
0xf1: {  	v7 =	vunpack.c.0.s8.s32 v7;
	v0 =	vsel vm10, $0x104, v0;
	v1 =	vsel vm11, $0x25A, v1  }
0xf2: {  	v3 =	vsel vm13, $0x1, v54;
	v0 =	vsel vm9, $0x185, v0;
	v1 =	vsel vm10, $0x323, v1  }
0xf3: {  	v3 =	vsel vm12, $0x82, v3;
	v0 =	vsel vm8, $0x206, v0;
	v1 =	vsel vm9, $0x3EC, v1  }
0xf4: {  	v3 =	vsel vm11, $0x103, v3;
	v0 =	vsel vm7, $0x287, v0;
	v1 =	vsel vm8, $0x4B5, v1  }
0xf5: {  	v3 =	vsel vm10, $0x184, v3;
	v0 =	vsel vm6, $0x308, v0;
	v1 =	vsel vm7, $0x57E, v1  }
0xf6: {  	v3 =	vsel vm9, $0x205, v3;
	v0 =	vsel vm5, $0x389, v0;
	v1 =	vsel vm6, $0x647, v1  }
0xf7: {  	v3 =	vsel vm8, $0x286, v3;
	v0 =	vsel vm4, $0xA, v0;
	v1 =	vsel vm5, $0x708, v1  }
0xf8: {  	v3 =	vsel vm7, $0x307, v3;
	v0 =	vsel vm3, $0x8B, v0;
	v1 =	vsel vm4, $0x7D1, v1  }
0xf9: {  	v3 =	vsel vm6, $0x388, v3;
	v0 =	vsel vm2, $0x10C, v0;
	v1 =	vsel vm3, $0x89A, v1  }
0xfa: {  	v3 =	vsel vm5, $0x9, v3;
	v0 =	vsel vm1, $0x18D, v0;
	v1 =	vsel vm2, $0x963, v1  }
0xfb: {  	v3 =	vsel vm4, $0x8A, v3;
	v51 =	vsel vm0, $0x20E, v0;
	v0 =	vsel vm1, $0xA2C, v1  }
0xfc: {  	v4 =	vimm.s32 $0xC6854403;
	v1 =	vsel vm3, $0x10B, v3;
	v0 =	vsel vm0, $0xAF5, v0  }
0xfd: {  	v3 =	vimm.s32 $0xC5844302;
	[tilespmem:$0x1FEF0] =	vst v0;
	v0 =	vsel vm2, $0x18C, v1;
	v1 =	vimm.s32 $0xC4834201  }
0xfe: {  	v3 =	vunpack.c.0.s8.s32 v3;
	v1 =	vunpack.c.0.s8.s32 v1;
	v0 =	vsel vm1, $0x20D, v0  }
0xff: {  	v6 =	vimm.s32 $0xC8874605;
	v4 =	vunpack.c.0.s8.s32 v4;
	v0 =	vsel vm0, $0x28E, v0  }
0x100: {  	v6 =	vunpack.c.0.s8.s32 v6;
	[tilespmem:$0x1FF00] =	vst v0;
	v0 =	vand.u32 $0xFF, v1;
	v1 =	vand.u32 $0xFF, v3  }
0x101: {  	v3 =	vand.u32 $0xFF, v4;
	v4 =	vimm.s32 $0xC7864504;
	v0 =	vnsel vm15, $0x3C0, v0  }
0x102: {  	v1 =	vnsel vm15, $0x3C1, v1;
	v3 =	vnsel vm15, $0x3C2, v3;
	v4 =	vunpack.c.0.s8.s32 v4  }
0x103: {  	v0 =	vsel vm10, $0x105, v0;
	v1 =	vsel vm10, $0x106, v1;
	v3 =	vsel vm10, $0x107, v3  }
0x104: {  	v0 =	vsel vm9, $0x146, v0;
	v1 =	vsel vm9, $0x147, v1;
	v3 =	vsel vm9, $0x148, v3  }
0x105: {  	v0 =	vsel vm8, $0x187, v0;
	v1 =	vsel vm8, $0x188, v1;
	v3 =	vsel vm8, $0x189, v3  }
0x106: {  	v0 =	vsel vm7, $0x1C8, v0;
	v1 =	vsel vm7, $0x1C9, v1;
	v3 =	vsel vm7, $0x1CA, v3  }
0x107: {  	v0 =	vsel vm6, $0x209, v0;
	v1 =	vsel vm6, $0x20A, v1;
	v3 =	vsel vm6, $0x20B, v3  }
0x108: {  	v0 =	vsel vm5, $0x24A, v0;
	v1 =	vsel vm5, $0x24B, v1;
	v3 =	vsel vm5, $0x24C, v3  }
0x109: {  	v0 =	vsel vm4, $0x28B, v0;
	v1 =	vsel vm4, $0x28C, v1;
	v3 =	vsel vm4, $0x28D, v3  }
0x10a: {  	v0 =	vsel vm3, $0x2CC, v0;
	v1 =	vsel vm3, $0x2CD, v1;
	v3 =	vsel vm3, $0x2CE, v3  }
0x10b: {  	v0 =	vsel vm2, $0x30D, v0;
	v1 =	vsel vm2, $0x30E, v1;
	v3 =	vsel vm2, $0x30F, v3  }
0x10c: {  	v0 =	vsel vm1, $0x34E, v0;
	v1 =	vsel vm1, $0x34F, v1;
	v3 =	vsel vm1, $0x340, v3  }
0x10d: {  	v57 =	vsel vm0, $0x38F, v0;
	v58 =	vsel vm0, $0x380, v1;
	v59 =	vsel vm0, $0x381, v3  }
0x10e: {  	v0 =	vand.u32 $0xFF, v4;
	v1 =	vand.u32 $0xFF, v6;
	v3 =	vand.u32 $0xFF, v7  }
0x10f: {  	v4 =	vimm.s32 $0xCA894807;
	v6 =	vimm.s32 $0xCB8A4908;
	v7 =	vimm.s32 $0xCC8B4A09  }
0x110: {  	v0 =	vnsel vm15, $0x3C3, v0;
	v1 =	vnsel vm15, $0x3C4, v1;
	v3 =	vnsel vm15, $0x3C5, v3  }
0x111: {  	v4 =	vunpack.c.0.s8.s32 v4;
	v6 =	vunpack.c.0.s8.s32 v6;
	v7 =	vunpack.c.0.s8.s32 v7  }
0x112: {  	v0 =	vsel vm10, $0x108, v0;
	v1 =	vsel vm10, $0x109, v1;
	v3 =	vsel vm10, $0x10A, v3  }
0x113: {  	v0 =	vsel vm9, $0x149, v0;
	v1 =	vsel vm9, $0x14A, v1;
	v3 =	vsel vm9, $0x14B, v3  }
0x114: {  	v0 =	vsel vm8, $0x18A, v0;
	v1 =	vsel vm8, $0x18B, v1;
	v3 =	vsel vm8, $0x18C, v3  }
0x115: {  	v0 =	vsel vm7, $0x1CB, v0;
	v1 =	vsel vm7, $0x1CC, v1;
	v3 =	vsel vm7, $0x1CD, v3  }
0x116: {  	v0 =	vsel vm6, $0x20C, v0;
	v1 =	vsel vm6, $0x20D, v1;
	v3 =	vsel vm6, $0x20E, v3  }
0x117: {  	v0 =	vsel vm5, $0x24D, v0;
	v1 =	vsel vm5, $0x24E, v1;
	v3 =	vsel vm5, $0x24F, v3  }
0x118: {  	v0 =	vsel vm4, $0x28E, v0;
	v1 =	vsel vm4, $0x28F, v1;
	v3 =	vsel vm4, $0x280, v3  }
0x119: {  	v0 =	vsel vm3, $0x2CF, v0;
	v1 =	vsel vm3, $0x2C0, v1;
	v3 =	vsel vm3, $0x2C1, v3  }
0x11a: {  	v0 =	vsel vm2, $0x300, v0;
	v1 =	vsel vm2, $0x301, v1;
	v3 =	vsel vm2, $0x302, v3  }
0x11b: {  	v0 =	vsel vm1, $0x341, v0;
	v1 =	vsel vm1, $0x342, v1;
	v3 =	vsel vm1, $0x343, v3  }
0x11c: {  	v60 =	vsel vm0, $0x382, v0;
	v61 =	vsel vm0, $0x383, v1;
	v62 =	vsel vm0, $0x384, v3  }
0x11d: {  	v0 =	vand.u32 $0xFF, v4;
	v1 =	vand.u32 $0xFF, v6;
	v3 =	vand.u32 $0xFF, v7  }
0x11e: {  	v4 =	vimm.s32 $0xCD8C4B0A;
	v6 =	vimm.s32 $0xCE8D4C0B;
	v7 =	vimm.s32 $0xCF8E4D0C  }
0x11f: {  	v0 =	vnsel vm15, $0x3C6, v0;
	v1 =	vnsel vm15, $0x3C7, v1;
	v3 =	vnsel vm15, $0x3C8, v3  }
0x120: {  	v4 =	vunpack.c.0.s8.s32 v4;
	v6 =	vunpack.c.0.s8.s32 v6;
	v7 =	vunpack.c.0.s8.s32 v7  }
0x121: {  	v0 =	vsel vm10, $0x10B, v0;
	v1 =	vsel vm10, $0x10C, v1;
	v3 =	vsel vm10, $0x10D, v3  }
0x122: {  	v0 =	vsel vm9, $0x14C, v0;
	v1 =	vsel vm9, $0x14D, v1;
	v3 =	vsel vm9, $0x14E, v3  }
0x123: {  	v0 =	vsel vm8, $0x18D, v0;
	v1 =	vsel vm8, $0x18E, v1;
	v3 =	vsel vm8, $0x18F, v3  }
0x124: {  	v0 =	vsel vm7, $0x1CE, v0;
	v1 =	vsel vm7, $0x1CF, v1;
	v3 =	vsel vm7, $0x1C0, v3  }
0x125: {  	v0 =	vsel vm6, $0x20F, v0;
	v1 =	vsel vm6, $0x200, v1;
	v3 =	vsel vm6, $0x201, v3  }
0x126: {  	v0 =	vsel vm5, $0x240, v0;
	v1 =	vsel vm5, $0x241, v1;
	v3 =	vsel vm5, $0x242, v3  }
0x127: {  	v0 =	vsel vm4, $0x281, v0;
	v1 =	vsel vm4, $0x282, v1;
	v3 =	vsel vm4, $0x283, v3  }
0x128: {  	v0 =	vsel vm3, $0x2C2, v0;
	v1 =	vsel vm3, $0x2C3, v1;
	v3 =	vsel vm3, $0x2C4, v3  }
0x129: {  	v0 =	vsel vm2, $0x303, v0;
	v1 =	vsel vm2, $0x304, v1;
	v3 =	vsel vm2, $0x305, v3  }
0x12a: {  	v0 =	vsel vm1, $0x344, v0;
	v1 =	vsel vm1, $0x345, v1;
	v3 =	vsel vm1, $0x346, v3  }
0x12b: {  	v63 =	vsel vm0, $0x385, v0;
	v40 =	vsel vm0, $0x386, v1;
	v41 =	vsel vm0, $0x387, v3  }
0x12c: {  	v0 =	vand.u32 $0xFF, v4;
	v1 =	vand.u32 $0xFF, v6;
	v3 =	vand.u32 $0xFF, v7  }
0x12d: {  	v4 =	vimm.s32 $0xC08F4E0D;
	v6 =	vimm.s32 $0xC1804F0E;
	v7 =	vimm.s32 $0xC281400F  }
0x12e: {  	v0 =	vnsel vm15, $0x3C9, v0;
	v1 =	vnsel vm15, $0x3CA, v1;
	v3 =	vnsel vm15, $0x3CB, v3  }
0x12f: {  	v4 =	vunpack.c.0.s8.s32 v4;
	v6 =	vunpack.c.0.s8.s32 v6;
	v7 =	vunpack.c.0.s8.s32 v7  }
0x130: {  	v0 =	vsel vm10, $0x10E, v0;
	v1 =	vsel vm10, $0x10F, v1;
	v3 =	vsel vm10, $0x100, v3  }
0x131: {  	v0 =	vsel vm9, $0x14F, v0;
	v1 =	vsel vm9, $0x140, v1;
	v3 =	vsel vm9, $0x141, v3  }
0x132: {  	v0 =	vsel vm8, $0x180, v0;
	v1 =	vsel vm8, $0x181, v1;
	v3 =	vsel vm8, $0x182, v3  }
0x133: {  	v0 =	vsel vm7, $0x1C1, v0;
	v1 =	vsel vm7, $0x1C2, v1;
	v3 =	vsel vm7, $0x1C3, v3  }
0x134: {  	v0 =	vsel vm6, $0x202, v0;
	v1 =	vsel vm6, $0x203, v1;
	v3 =	vsel vm6, $0x204, v3  }
0x135: {  	v0 =	vsel vm5, $0x243, v0;
	v1 =	vsel vm5, $0x244, v1;
	v3 =	vsel vm5, $0x245, v3  }
0x136: {  	v0 =	vsel vm4, $0x284, v0;
	v1 =	vsel vm4, $0x285, v1;
	v3 =	vsel vm4, $0x286, v3  }
0x137: {  	s1 =	rddreg [dreg:$0x0];
	s3 =	simm.s32 $0x0;
	v0 =	vsel vm3, $0x2C5, v0;
	v1 =	vsel vm3, $0x2C6, v1;
	v3 =	vsel vm3, $0x2C7, v3  }
0x138: {  	[smem:$0x7FF] =	sst s3;
	v0 =	vsel vm2, $0x306, v0;
	v1 =	vsel vm2, $0x307, v1;
	v3 =	vsel vm2, $0x308, v3  }
0x139: {  	s17 =	rddreg [dreg:$0x1];
	_ =	strace $0x80000047;
	[tilespmem:$0x1FF10] =	vst v13;
	v0 =	vsel vm1, $0x347, v0;
	v1 =	vsel vm1, $0x348, v1;
	v3 =	vsel vm1, $0x349, v3  }
0x13a: {  	[tilespmem:$0x1FF20] =	vst v21;
	v42 =	vsel vm0, $0x388, v0;
	v43 =	vsel vm0, $0x389, v1;
	v44 =	vsel vm0, $0x38A, v3  }
0x13b: {  	[tilespmem:$0x1FF30] =	vst v22;
	v0 =	vand.u32 $0xFF, v4;
	v1 =	vand.u32 $0xFF, v6;
	v3 =	vand.u32 $0xFF, v7  }
0x13c: {  	s0 =	srdreg.scid;
	s2 =	stileid.u32;
	[tilespmem:$0x1FF40] =	vst v24;
	v0 =	vnsel vm15, $0x3CC, v0;
	v1 =	vnsel vm15, $0x3CD, v1;
	v3 =	vnsel vm15, $0x3CE, v3  }
0x13d: {  	s0 =	sand.u32 $0x1, s0;
	s2 =	sshll.u32 s2, $0x1;
	[tilespmem:$0x1FF50] =	vst v26;
	v0 =	vsel vm10, $0x101, v0;
	v1 =	vsel vm10, $0x102, v1;
	v3 =	vsel vm10, $0x103, v3  }
0x13e: {  	s10 =	simm.s32 $0x6400;
	s13 =	simm.s32 $0xC800;
	s2 =	sor.u32 s0, s2;
	[tilespmem:$0x1FF60] =	vst v30;
	v0 =	vsel vm9, $0x142, v0;
	v1 =	vsel vm9, $0x143, v1;
	v3 =	vsel vm9, $0x144, v3  }
0x13f: {  	s14 =	simm.s32 $0xE800;
	s4 =	smul.u32 $0xC80, s2;
	[tilespmem:$0x1FF70] =	vst v50;
	v0 =	vsel vm8, $0x183, v0;
	v1 =	vsel vm8, $0x184, v1;
	v3 =	vsel vm8, $0x185, v3  }
0x140: {  	s16 =	simm.s32 $0x10800;
	s30 =	simm.s32 $0x12800;
	[tilespmem:$0x1FF80] =	vst v49;
	v0 =	vsel vm7, $0x1C4, v0;
	v1 =	vsel vm7, $0x1C5, v1;
	v3 =	vsel vm7, $0x1C6, v3  }
0x141: {  	s19 =	simm.s32 $0x14800;
	s4 =	sadd.s32 s4, s1;
	s1 =	sadd.s32 $0x19400, s1;
	[tilespmem:$0x1FF90] =	vst v36;
	v0 =	vsel vm6, $0x205, v0;
	v1 =	vsel vm6, $0x206, v1;
	v3 =	vsel vm6, $0x207, v3  }
0x142: {  	s28 =	simm.s32 $0x18800;
	s24 =	sadd.s32 $0x400, s4;
	[dreg:$0x3] =	wrdreg s1;
	[tilespmem:$0x1FFA0] =	vst v10;
	v0 =	vsel vm5, $0x246, v0;
	v1 =	vsel vm5, $0x247, v1;
	v3 =	vsel vm5, $0x248, v3  }
0x143: {  	s0 =	ssub.s32 $0x2, s0;
	s25 =	sshll.u32 s2, $0xA;
	[dreg:$0x4] =	wrdreg s24;
	[tilespmem:$0x1FFB0] =	vst v12;
	v0 =	vsel vm4, $0x287, v0;
	v1 =	vsel vm4, $0x288, v1;
	v3 =	vsel vm4, $0x289, v3  }
0x144: {  	s26 =	sadd.s32 $0x8000, s17;
	s5 =	sshrl.u32 s0, $0x1;
	[dreg:$0x5] =	wrdreg s25;
	[tilespmem:$0x1FFC0] =	vst v48;
	v0 =	vsel vm3, $0x2C8, v0;
	v1 =	vsel vm3, $0x2C9, v1;
	v3 =	vsel vm3, $0x2CA, v3  }
0x145: {  	s29 =	sadd.s32 $0x10000, s17;
	s0 =	ssub.s32 s0, s5;
	[dreg:$0x6] =	wrdreg s26;
	[tilespmem:$0x1FFD0] =	vst v51;
	v0 =	vsel vm2, $0x309, v0;
	v1 =	vsel vm2, $0x30A, v1;
	v3 =	vsel vm2, $0x30B, v3  }
0x146: {  	s31 =	simm.s32 $0x1A800;
	s0 =	smax.u32 s0, $0x1;
	[dreg:$0x7] =	wrdreg s29;
	[tilespmem:$0x1FFE0] =	vst v34;
	v0 =	vsel vm1, $0x34A, v0;
	v1 =	vsel vm1, $0x34B, v1;
	v3 =	vsel vm1, $0x34C, v3  }
0x147: {  	s2 =	simm.s32 $0x0;
	[dreg:$0x8] =	wrdreg s0;
	s24 =	simm.s32 $0x16800;
	[tilespmem:$0x1FFF0] =	vst v55;
	v45 =	vsel vm0, $0x38B, v0;
	v46 =	vsel vm0, $0x38C, v1;
	v47 =	vsel vm0, $0x38D, v3  }
.LBB2_1:
0x148: {  	s0 =	rddreg [dreg:$0x4]  }
0x149: {  	[tilespmem:s10], [sflag:$0x9] =	stream.linear.gather [hbm4b:s0+s3], $0x6400, $0x38;
	[tilespmem:$0x1C800] =	vst v63  }
0x14a: {  	s0 =	simm.s32 $0x0  }
0x14b: {  	s4 =	sand.u32 $0x4, s0  }
0x14c: {  	s25 =	sor.u32 $0x3, s4  }
0x14d: {  	s5 =	sor.u32 $0x1, s4;
	s1 =	smul.u32 $0xC80, s25  }
0x14e: {  	s7 =	sor.u32 $0x2, s4;
	s6 =	smul.u32 $0xC80, s5  }
0x14f: {  	s8 =	smul.u32 $0xC80, s7;
	s1 =	sadd.s32 $0x0, s1  }
0x150: {  	s6 =	sadd.s32 $0x0, s6;
	v0 =	vadd.s32 s1, v10  }
0x151: {  	s9 =	sadd.s32 $0x0, s8;
	v1 =	vadd.s32 s6, v10;
	v0 =	vand.u32 $0x7FFFFFF8, v0  }
0x152: {  	[dreg:$0x9] =	wrdreg s2;
	s12 =	simm.s32 $0x9;
	s11 =	smul.u32 $0xC80, s4;
	v3 =	vadd.s32 s9, v10;
	v1 =	vand.u32 $0x7FFFFFF8, v1;
	v0 =	vor.u32 v55, v0  }
0x153: {  	s26 =	simm.s32 $0x0;
	_ =	swait.ge [sflag:s12], $0x6400;
	s2 =	sshll.u32 s25, $0x4;
	v3 =	vand.u32 $0x7FFFFFF8, v3;
	v1 =	vor.u32 v55, v1  }
0x154: {  	s29 =	sshll.u32 s5, $0x4;
	s11 =	sadd.s32 $0x0, s11;
	s5 =	sor.u32 s26, s2;
	v3 =	vor.u32 v55, v3  }
0x155: {  	[sflag:s12] =	ssyncset.done $0x0;
	v4 =	vadd.s32 s11, v10;
	v9 =	vor.u32 s5, v2  }
0x156: {  	[sflag:s12] =	ssyncadd.s32 $0xFFFF9C00;
	s2 =	sor.u32 s26, s29;
	v4 =	vand.u32 $0x7FFFFFF8, v4;
	v6 =	vadd.s32 s1, v13;
	v7 =	vadd.s32 s6, v13  }
0x157: {  	s7 =	sshll.u32 s7, $0x4;
	v10 =	vor.u32 s2, v2;
	v4 =	vor.u32 v55, v4;
	v6 =	vand.u32 $0x7FFFFFF8, v6;
	v0 =	vld.idx.msk [tilespmem:v0+s10+$0x0], $0xffff  }
0x158: {  	s7 =	sor.u32 s26, s7;
	v12 =	vadd.s32 s9, v13;
	v7 =	vand.u32 $0x7FFFFFF8, v7;
	v6 =	vor.u32 v34, v6;
	v1 =	vld.idx.msk [tilespmem:v1+s10+$0x0], $0xffff  }
0x159: {  	s4 =	sshll.u32 s4, $0x4;
	v15 =	vor.u32 s7, v2;
	v12 =	vand.u32 $0x7FFFFFF8, v12;
	v7 =	vor.u32 v34, v7;
	v3 =	vld.idx.msk [tilespmem:v3+s10+$0x0], $0xffff  }
0x15a: {  	s8 =	sor.u32 s4, s26;
	v12 =	vor.u32 v34, v12  }
0x15b: {  	v13 =	vadd.s32 s11, v13;
	v16 =	vor.u32 s8, v2  }
0x15c: {  	v18 =	vadd.s32 s6, v21;
	v13 =	vand.u32 $0x7FFFFFF8, v13;
	v4 =	vld.idx.msk [tilespmem:v4+s10+$0x0], $0xffff;
	[tilespmem:v9+s3+$0x0] =	vst.idx.msk $0xffff, v0;
	v0 =	vadd.s32 s1, v21  }
0x15d: {  	v13 =	vor.u32 v34, v13;
	[tilespmem:v10+s3+$0x0] =	vst.idx.msk $0xffff, v1;
	v1 =	vld.idx.msk [tilespmem:v6+s10+$0x0], $0xffff;
	v6 =	vor.u32 s5, v5;
	v0 =	vand.u32 $0x7FFFFFF8, v0  }
0x15e: {  	v10 =	vand.u32 $0x7FFFFFF8, v18;
	v18 =	vor.u32 s2, v5;
	[tilespmem:v15+s3+$0x0] =	vst.idx.msk $0xffff, v3;
	v7 =	vld.idx.msk [tilespmem:v7+s10+$0x0], $0xffff;
	v0 =	vor.u32 v22, v0  }
0x15f: {  	v15 =	vor.u32 s7, v5;
	v3 =	vor.u32 v22, v10;
	v12 =	vld.idx.msk [tilespmem:v12+s10+$0x0], $0xffff;
	_ =	sdelay $0x1  }
0x160: {  	[tilespmem:v16+s3+$0x0] =	vst.idx.msk $0xffff, v4  }
0x161: {  	v13 =	vld.idx.msk [tilespmem:v13+s10+$0x0], $0xffff;
	[tilespmem:v6+s3+$0x0] =	vst.idx.msk $0xffff, v1  }
0x162: {  	v10 =	vor.u32 s8, v5;
	[tilespmem:v18+s3+$0x0] =	vst.idx.msk $0xffff, v7;
	v0 =	vld.idx.msk [tilespmem:v0+s10+$0x0], $0xffff  }
0x163: {  	v7 =	vor.u32 s5, v8;
	[tilespmem:v15+s3+$0x0] =	vst.idx.msk $0xffff, v12;
	v3 =	vld.idx.msk [tilespmem:v3+s10+$0x0], $0xffff  }
0x164: {  	v18 =	vor.u32 s2, v8;
	v51 =	vld [tilespmem:$0x1FD80]  }
0x165: {  	v19 =	vadd.s32 s9, v21  }
0x166: {  	v19 =	vand.u32 $0x7FFFFFF8, v19;
	v9 =	vadd.s32 s11, v21  }
0x167: {  	v4 =	vor.u32 v22, v19;
	v9 =	vand.u32 $0x7FFFFFF8, v9;
	v6 =	vadd.s32 s1, v24;
	[tilespmem:v10+s3+$0x0] =	vst.idx.msk $0xffff, v13  }
0x168: {  	v16 =	vadd.s32 s6, v24;
	v9 =	vor.u32 v22, v9;
	v6 =	vand.u32 $0x7FFFFFF8, v6;
	[tilespmem:v7+s3+$0x0] =	vst.idx.msk $0xffff, v0  }
0x169: {  	v16 =	vand.u32 $0x7FFFFFF8, v16;
	v6 =	vor.u32 v51, v6;
	[tilespmem:v18+s3+$0x0] =	vst.idx.msk $0xffff, v3  }
0x16a: {  	v19 =	vadd.s32 s9, v24;
	v16 =	vor.u32 v51, v16;
	v54 =	vld [tilespmem:$0x1FD90]  }
0x16b: {  	v21 =	vadd.s32 s11, v24;
	v19 =	vand.u32 $0x7FFFFFF8, v19  }
0x16c: {  	v1 =	vand.u32 $0x7FFFFFF8, v21;
	v21 =	vor.u32 s7, v8;
	v12 =	vor.u32 s8, v8;
	v4 =	vld.idx.msk [tilespmem:v4+s10+$0x0], $0xffff  }
0x16d: {  	v15 =	vadd.s32 s6, v26;
	v19 =	vor.u32 v51, v19;
	v0 =	vld.idx.msk [tilespmem:v9+s10+$0x0], $0xffff;
	v18 =	vadd.s32 s1, v26  }
0x16e: {  	v24 =	vor.u32 s5, v11;
	v1 =	vor.u32 v51, v1;
	v18 =	vand.u32 $0x7FFFFFF8, v18;
	v6 =	vld.idx.msk [tilespmem:v6+s10+$0x0], $0xffff  }
0x16f: {  	v53 =	vmovc v22;
	v22 =	vor.u32 s2, v11;
	v13 =	vand.u32 $0x7FFFFFF8, v15;
	v16 =	vld.idx.msk [tilespmem:v16+s10+$0x0], $0xffff;
	v18 =	vor.u32 v54, v18  }
0x170: {  	v3 =	vor.u32 v54, v13;
	v13 =	vadd.s32 s6, v30  }
0x171: {  	v28 =	vadd.s32 s6, v49;
	[tilespmem:v21+s3+$0x0] =	vst.idx.msk $0xffff, v4;
	v13 =	vand.u32 $0x7FFFFFF8, v13  }
0x172: {  	v10 =	vadd.s32 s11, v26;
	v9 =	vor.u32 s7, v11;
	[tilespmem:v12+s3+$0x0] =	vst.idx.msk $0xffff, v0;
	v12 =	vor.u32 v50, v13;
	v13 =	vld.idx.msk [tilespmem:v19+s10+$0x0], $0xffff  }
0x173: {  	v15 =	vadd.s32 s9, v26;
	v7 =	vor.u32 s8, v11;
	v1 =	vld.idx.msk [tilespmem:v1+s10+$0x0], $0xffff;
	[tilespmem:v24+s3+$0x0] =	vst.idx.msk $0xffff, v6  }
0x174: {  	v26 =	vadd.s32 s11, v30;
	[tilespmem:v22+s3+$0x0] =	vst.idx.msk $0xffff, v16;
	v6 =	vand.u32 $0x7FFFFFF8, v28;
	v28 =	vor.u32 s5, v14;
	v18 =	vld.idx.msk [tilespmem:v18+s10+$0x0], $0xffff  }
0x175: {  	v48 =	vor.u32 s2, v14;
	v21 =	vand.u32 $0x7FFFFFF8, v26;
	v26 =	vor.u32 s8, v17;
	v3 =	vld.idx.msk [tilespmem:v3+s10+$0x0], $0xffff  }
0x176: {  	v15 =	vand.u32 $0x7FFFFFF8, v15;
	[tilespmem:$0x1FC70] =	vst v26  }
0x177: {  	v10 =	vand.u32 $0x7FFFFFF8, v10;
	v15 =	vor.u32 v54, v15;
	[tilespmem:v9+s3+$0x0] =	vst.idx.msk $0xffff, v13  }
0x178: {  	v10 =	vor.u32 v54, v10;
	v22 =	vadd.s32 s1, v30;
	v26 =	vld [tilespmem:$0x1FDA0];
	[tilespmem:v7+s3+$0x0] =	vst.idx.msk $0xffff, v1  }
0x179: {  	v22 =	vand.u32 $0x7FFFFFF8, v22;
	[tilespmem:v28+s3+$0x0] =	vst.idx.msk $0xffff, v18  }
0x17a: {  	v4 =	vadd.s32 s9, v30;
	v22 =	vor.u32 v50, v22;
	[tilespmem:v48+s3+$0x0] =	vst.idx.msk $0xffff, v3  }
0x17b: {  	v0 =	vand.u32 $0x7FFFFFF8, v4;
	v52 =	vld [tilespmem:$0x1FDB0]  }
0x17c: {  	v21 =	vor.u32 v50, v21;
	v4 =	vor.u32 s8, v14;
	v0 =	vor.u32 v50, v0;
	v15 =	vld.idx.msk [tilespmem:v15+s10+$0x0], $0xffff  }
0x17d: {  	v19 =	vor.u32 s7, v14;
	v24 =	vadd.s32 s11, v49;
	v7 =	vadd.s32 s11, v36;
	v10 =	vld.idx.msk [tilespmem:v10+s10+$0x0], $0xffff  }
0x17e: {  	v24 =	vand.u32 $0x7FFFFFF8, v24;
	v1 =	vor.u32 s8, v20;
	v7 =	vand.u32 $0x7FFFFFF8, v7;
	v3 =	vmovc v55;
	v55 =	vld [tilespmem:$0x1FDC0]  }
0x17f: {  	v28 =	vor.u32 s5, v17;
	v22 =	vld.idx.msk [tilespmem:v22+s10+$0x0], $0xffff;
	v38 =	vor.u32 v26, v24;
	v24 =	vadd.s32 s9, v36  }
0x180: {  	v12 =	vld.idx.msk [tilespmem:v12+s10+$0x0], $0xffff;
	[tilespmem:$0x1FC80] =	vst v1;
	v18 =	vand.u32 $0x7FFFFFF8, v24;
	v24 =	vadd.s32 s1, v49;
	v1 =	vor.u32 v52, v7  }
0x181: {  	v24 =	vand.u32 $0x7FFFFFF8, v24;
	[tilespmem:$0x1FC90] =	vst v1  }
0x182: {  	v32 =	vor.u32 s2, v17;
	v16 =	vadd.s32 s9, v49;
	v24 =	vor.u32 v26, v24;
	[tilespmem:v19+s3+$0x0] =	vst.idx.msk $0xffff, v15  }
0x183: {  	v16 =	vand.u32 $0x7FFFFFF8, v16;
	v1 =	vor.u32 s8, v23;
	v19 =	vadd.s32 s11, v55;
	[tilespmem:v4+s3+$0x0] =	vst.idx.msk $0xffff, v10;
	v0 =	vld.idx.msk [tilespmem:v0+s10+$0x0], $0xffff  }
0x184: {  	v9 =	vor.u32 s7, v17;
	v6 =	vor.u32 v26, v6;
	v10 =	vand.u32 $0x7FFFFFF8, v19;
	v19 =	vld.idx.msk [tilespmem:v21+s10+$0x0], $0xffff;
	[tilespmem:$0x1FCC0] =	vst v1  }
0x185: {  	v13 =	vor.u32 v26, v16;
	[tilespmem:v28+s3+$0x0] =	vst.idx.msk $0xffff, v22;
	v1 =	vor.u32 v3, v10  }
0x186: {  	[tilespmem:$0x1FCD0] =	vst v1  }
0x187: {  	[tilespmem:v32+s3+$0x0] =	vst.idx.msk $0xffff, v12;
	v12 =	vld.idx.msk [tilespmem:v24+s10+$0x0], $0xffff  }
0x188: {  	v15 =	vadd.s32 s9, v55;
	v1 =	vld [tilespmem:$0x1FDD0]  }
0x189: {  	v4 =	vand.u32 $0x7FFFFFF8, v15;
	v7 =	vld.idx.msk [tilespmem:v6+s10+$0x0], $0xffff;
	[tilespmem:v9+s3+$0x0] =	vst.idx.msk $0xffff, v0  }
0x18a: {  	v22 =	vor.u32 v3, v4;
	v4 =	vor.u32 s8, v25;
	v6 =	vld.idx.msk [tilespmem:v13+s10+$0x0], $0xffff  }
0x18b: {  	[tilespmem:$0x1FCF0] =	vst v4;
	v4 =	vld [tilespmem:$0x1FC70];
	_ =	sdelay $0x4  }
0x18c: {  	v48 =	vmov v36  }
0x18d: {  	v24 =	vadd.s32 s1, v48;
	v48 =	vadd.s32 s11, v1  }
0x18e: {  	v9 =	vand.u32 $0x7FFFFFF8, v48  }
0x18f: {  	[tilespmem:v4+s3+$0x0] =	vst.idx.msk $0xffff, v19;
	v4 =	vor.u32 v34, v9  }
0x190: {  	v16 =	vadd.s32 s6, v36;
	[tilespmem:$0x1FD10] =	vst v4;
	v4 =	vld [tilespmem:$0x1FDE0]  }
0x191: {  	v30 =	vor.u32 s2, v20;
	v16 =	vand.u32 $0x7FFFFFF8, v16  }
0x192: {  	v49 =	vor.u32 s7, v20;
	v16 =	vor.u32 v52, v16;
	v32 =	vor.u32 s5, v20  }
0x193: {  	v36 =	vadd.s32 s6, v55;
	v24 =	vand.u32 $0x7FFFFFF8, v24;
	v28 =	vadd.s32 s9, v1  }
0x194: {  	v18 =	vor.u32 v52, v18;
	v0 =	vor.u32 v52, v24;
	v28 =	vand.u32 $0x7FFFFFF8, v28  }
0x195: {  	v10 =	vadd.s32 s6, v1;
	v52 =	vor.u32 v34, v28;
	v28 =	vadd.s32 s9, v4  }
0x196: {  	v36 =	vand.u32 $0x7FFFFFF8, v36;
	v10 =	vand.u32 $0x7FFFFFF8, v10  }
0x197: {  	v36 =	vor.u32 v3, v36;
	v48 =	vor.u32 v34, v10;
	[tilespmem:v32+s3+$0x0] =	vst.idx.msk $0xffff, v12  }
0x198: {  	v10 =	vld.idx.msk [tilespmem:v38+s10+$0x0], $0xffff;
	[tilespmem:v30+s3+$0x0] =	vst.idx.msk $0xffff, v7;
	v7 =	vand.u32 $0x7FFFFFF8, v28;
	v28 =	vmov v3;
	v3 =	vor.u32 s2, v27  }
0x199: {  	v30 =	vld.idx.msk [tilespmem:v0+s10+$0x0], $0xffff;
	[tilespmem:$0x1FD20] =	vst v3  }
0x19a: {  	v3 =	vor.u32 s8, v27;
	[tilespmem:v49+s3+$0x0] =	vst.idx.msk $0xffff, v6  }
0x19b: {  	v16 =	vld.idx.msk [tilespmem:v16+s10+$0x0], $0xffff;
	[tilespmem:$0x1FD60] =	vst v3;
	v3 =	vor.u32 s7, v27  }
0x19c: {  	v0 =	vadd.s32 s1, v55;
	[tilespmem:$0x1FD40] =	vst v3  }
0x19d: {  	v0 =	vand.u32 $0x7FFFFFF8, v0;
	v49 =	vld.idx.msk [tilespmem:v18+s10+$0x0], $0xffff  }
0x19e: {  	v18 =	vor.u32 v28, v0;
	v0 =	vld [tilespmem:$0x1FC80];
	_ =	sdelay $0x7  }
0x19f: {  	[tilespmem:v0+s3+$0x0] =	vst.idx.msk $0xffff, v10  }
0x1a0: {  	v6 =	vld [tilespmem:$0x1FC90]  }
0x1a1: {  	v38 =	vld [tilespmem:$0x1FDF0];
	_ =	sdelay $0x1  }
0x1a2: {  	v9 =	vadd.s32 s6, v4;
	v13 =	vadd.s32 s11, v4  }
0x1a3: {  	v12 =	vand.u32 $0x7FFFFFF8, v9;
	v9 =	vand.u32 $0x7FFFFFF8, v13;
	v13 =	vor.u32 s5, v23  }
0x1a4: {  	v0 =	vor.u32 v53, v7  }
0x1a5: {  	v15 =	vor.u32 s2, v23;
	v21 =	vor.u32 s7, v23;
	[tilespmem:$0x1FD70] =	vst v0;
	v0 =	vadd.s32 s11, v38  }
0x1a6: {  	v32 =	vor.u32 v53, v12;
	v12 =	vand.u32 $0x7FFFFFF8, v0;
	v0 =	vor.u32 s8, v29  }
0x1a7: {  	v7 =	vld.idx.msk [tilespmem:v6+s10+$0x0], $0xffff;
	[tilespmem:$0x1FCA0] =	vst v0  }
0x1a8: {  	v3 =	vadd.s32 s6, v38;
	v6 =	vor.u32 s7, v29;
	[tilespmem:v13+s3+$0x0] =	vst.idx.msk $0xffff, v30  }
0x1a9: {  	v3 =	vand.u32 $0x7FFFFFF8, v3;
	[tilespmem:$0x1FCB0] =	vst v6  }
0x1aa: {  	v10 =	vadd.s32 s9, v38;
	v13 =	vor.u32 v51, v3;
	v3 =	vadd.s32 s1, v1;
	[tilespmem:v15+s3+$0x0] =	vst.idx.msk $0xffff, v16  }
0x1ab: {  	v10 =	vand.u32 $0x7FFFFFF8, v10;
	v1 =	vand.u32 $0x7FFFFFF8, v3;
	v28 =	vld [tilespmem:$0x1FE00];
	[tilespmem:v21+s3+$0x0] =	vst.idx.msk $0xffff, v49  }
0x1ac: {  	v16 =	vor.u32 v51, v10;
	v10 =	vor.u32 v51, v12;
	v12 =	vor.u32 v34, v1;
	v1 =	vld [tilespmem:$0x1FCC0];
	_ =	sdelay $0x7  }
0x1ad: {  	[tilespmem:v1+s3+$0x0] =	vst.idx.msk $0xffff, v7  }
0x1ae: {  	v7 =	vld [tilespmem:$0x1FCD0];
	_ =	sdelay $0x3  }
0x1af: {  	v15 =	vld.idx.msk [tilespmem:v18+s10+$0x0], $0xffff;
	v18 =	vor.u32 s5, v25  }
0x1b0: {  	v24 =	vor.u32 s2, v25;
	v3 =	vld.idx.msk [tilespmem:v36+s10+$0x0], $0xffff;
	v6 =	vadd.s32 s6, v28;
	v1 =	vadd.s32 s11, v28  }
0x1b1: {  	v19 =	vor.u32 s7, v25;
	v30 =	vld.idx.msk [tilespmem:v22+s10+$0x0], $0xffff;
	v6 =	vand.u32 $0x7FFFFFF8, v6;
	v49 =	vand.u32 $0x7FFFFFF8, v1  }
0x1b2: {  	v21 =	vadd.s32 s9, v28;
	v28 =	vor.u32 v54, v6;
	v6 =	vor.u32 v54, v49  }
0x1b3: {  	v22 =	vld.idx.msk [tilespmem:v7+s10+$0x0], $0xffff;
	[tilespmem:$0x1FCE0] =	vst v6  }
0x1b4: {  	v49 =	vld [tilespmem:$0x1FE10];
	[tilespmem:v18+s3+$0x0] =	vst.idx.msk $0xffff, v15  }
0x1b5: {  	[tilespmem:v24+s3+$0x0] =	vst.idx.msk $0xffff, v3  }
0x1b6: {  	v15 =	vadd.s32 s1, v4;
	[tilespmem:v19+s3+$0x0] =	vst.idx.msk $0xffff, v30  }
0x1b7: {  	v4 =	vand.u32 $0x7FFFFFF8, v15;
	v15 =	vld [tilespmem:$0x1FCF0];
	_ =	sdelay $0x7  }
0x1b8: {  	[tilespmem:v15+s3+$0x0] =	vst.idx.msk $0xffff, v22  }
0x1b9: {  	v24 =	vld [tilespmem:$0x1FD10]  }
0x1ba: {  	v18 =	vld.idx.msk [tilespmem:v12+s10+$0x0], $0xffff;
	v12 =	vadd.s32 s11, v49  }
0x1bb: {  	v15 =	vand.u32 $0x7FFFFFF8, v12  }
0x1bc: {  	v19 =	vor.u32 s5, v27;
	v55 =	vor.u32 v50, v15;
	v15 =	vld [tilespmem:$0x1FE20]  }
0x1bd: {  	v21 =	vand.u32 $0x7FFFFFF8, v21;
	v6 =	vadd.s32 s6, v49  }
0x1be: {  	v34 =	vor.u32 v54, v21;
	v3 =	vand.u32 $0x7FFFFFF8, v6  }
0x1bf: {  	v6 =	vadd.s32 s9, v49;
	v21 =	vld.idx.msk [tilespmem:v48+s10+$0x0], $0xffff;
	v22 =	vor.u32 v53, v4;
	v4 =	vor.u32 s8, v33  }
0x1c0: {  	v6 =	vand.u32 $0x7FFFFFF8, v6;
	v49 =	vld.idx.msk [tilespmem:v52+s10+$0x0], $0xffff;
	v30 =	vor.u32 v50, v3;
	[tilespmem:$0x1FD00] =	vst v4  }
0x1c1: {  	[tilespmem:v19+s3+$0x0] =	vst.idx.msk $0xffff, v18;
	v3 =	vadd.s32 s11, v15;
	v52 =	vld.idx.msk [tilespmem:v24+s10+$0x0], $0xffff;
	v24 =	vor.u32 v50, v6;
	v6 =	vadd.s32 s6, v15  }
0x1c2: {  	v54 =	vadd.s32 s9, v15;
	v15 =	vand.u32 $0x7FFFFFF8, v3;
	v3 =	vand.u32 $0x7FFFFFF8, v6;
	v6 =	vld [tilespmem:$0x1FD20];
	_ =	sdelay $0x7  }
0x1c3: {  	[tilespmem:v6+s3+$0x0] =	vst.idx.msk $0xffff, v21  }
0x1c4: {  	v50 =	vor.u32 v26, v3;
	v3 =	vld [tilespmem:$0x1FD40];
	_ =	sdelay $0x4  }
0x1c5: {  	v6 =	vor.u32 s2, v35  }
0x1c6: {  	[tilespmem:$0x1FD30] =	vst v6  }
0x1c7: {  	v9 =	vor.u32 v53, v9;
	v53 =	vld.idx.msk [tilespmem:v22+s10+$0x0], $0xffff  }
0x1c8: {  	v19 =	vld.idx.msk [tilespmem:v32+s10+$0x0], $0xffff;
	[tilespmem:v3+s3+$0x0] =	vst.idx.msk $0xffff, v49;
	v3 =	vor.u32 s7, v35  }
0x1c9: {  	[tilespmem:$0x1FD50] =	vst v3;
	v3 =	vld [tilespmem:$0x1FD60];
	_ =	sdelay $0x7  }
0x1ca: {  	[tilespmem:v3+s3+$0x0] =	vst.idx.msk $0xffff, v52  }
0x1cb: {  	v3 =	vld [tilespmem:$0x1FD70];
	_ =	sdelay $0x2  }
0x1cc: {  	v26 =	vld [tilespmem:$0x1FE30]  }
0x1cd: {  	v0 =	vor.u32 s2, v29  }
0x1ce: {  	v36 =	vor.u32 s8, v31;
	v1 =	vor.u32 s7, v31;
	v7 =	vor.u32 s2, v31  }
0x1cf: {  	v12 =	vor.u32 s7, v33;
	v4 =	vor.u32 s2, v33;
	v21 =	vadd.s32 s1, v38  }
0x1d0: {  	v18 =	vand.u32 $0x7FFFFFF8, v54;
	v54 =	vor.u32 s5, v29;
	v21 =	vand.u32 $0x7FFFFFF8, v21  }
0x1d1: {  	v21 =	vor.u32 v51, v21;
	v49 =	vor.u32 s8, v35;
	v52 =	vadd.s32 s6, v26;
	s6 =	simm.s32 $0x0;
	v22 =	vld.idx.msk [tilespmem:v3+s10+$0x0], $0xffff  }
.LBB2_2:
0x1d2: {  	v48 =	vld [tilespmem:$0x1FDA0];
	_ =	sdelay $0x3  }
0x1d3: {  	[tilespmem:v0+s6+$0x0] =	vst.idx.msk $0xffff, v19;
	v0 =	vor.u32 s2, v39  }
0x1d4: {  	v3 =	vor.u32 v48, v15;
	[tilespmem:$0x1FB90] =	vst v0;
	v0 =	vld [tilespmem:$0x1FE00]  }
0x1d5: {  	[tilespmem:$0x1FB40] =	vst v3;
	v3 =	vor.u32 v48, v18  }
0x1d6: {  	[tilespmem:$0x1FB20] =	vst v3;
	v3 =	vld [tilespmem:$0x1FE30];
	_ =	sdelay $0x1  }
0x1d7: {  	v6 =	vld [tilespmem:$0x1FDB0]  }
0x1d8: {  	v19 =	vadd.s32 s1, v0;
	v0 =	vld [tilespmem:$0x1FCB0];
	_ =	sdelay $0x1  }
0x1d9: {  	v18 =	vadd.s32 s9, v26;
	v26 =	vadd.s32 s11, v3;
	v3 =	vor.u32 s2, v37  }
0x1da: {  	[tilespmem:$0x1FB50] =	vst v3;
	v3 =	vor.u32 s7, v37  }
0x1db: {  	v52 =	vand.u32 $0x7FFFFFF8, v52;
	[tilespmem:$0x1FB70] =	vst v3;
	v3 =	vor.u32 s8, v37  }
0x1dc: {  	v18 =	vand.u32 $0x7FFFFFF8, v18;
	[tilespmem:$0x1FB80] =	vst v3;
	v3 =	vor.u32 v6, v52  }
0x1dd: {  	s0 =	sadd.s32 $0x4, s0;
	[tilespmem:$0x1FB60] =	vst v3;
	v3 =	vor.u32 v6, v18  }
0x1de: {  	s26 =	sand.u32 $0x4, s0;
	v13 =	vld.idx.msk [tilespmem:v13+s10+$0x0], $0xffff;
	[tilespmem:$0x1FBA0] =	vst v3  }
0x1df: {  	s12 =	sor.u32 $0x3, s26;
	v15 =	vld [tilespmem:$0x1FD90];
	v51 =	vand.u32 $0x7FFFFFF8, v26;
	[tilespmem:v0+s6+$0x0] =	vst.idx.msk $0xffff, v22;
	v0 =	vor.u32 s7, v39  }
0x1e0: {  	s15 =	sor.u32 $0x2, s26;
	s18 =	smul.u32 $0xC80, s12;
	v3 =	vor.u32 v6, v51;
	[tilespmem:$0x1FBE0] =	vst v0;
	v0 =	vld [tilespmem:$0x1FFA0]  }
0x1e1: {  	s29 =	sor.u32 $0x1, s26;
	s17 =	smul.u32 $0xC80, s15;
	[tilespmem:$0x1FBB0] =	vst v3;
	v3 =	vld [tilespmem:$0x1FCA0]  }
0x1e2: {  	[tilespmem:v54+s6+$0x0] =	vst.idx.msk $0xffff, v53;
	s20 =	sshrl.u32 s0, $0x3;
	v53 =	vmov v6;
	s11 =	smul.u32 $0xC80, s29;
	v6 =	vld [tilespmem:$0x1FFF0]  }
0x1e3: {  	v38 =	vld.idx.msk [tilespmem:v9+s10+$0x0], $0xffff;
	s21 =	sshll.u32 s20, $0x4;
	s23 =	sshll.u32 s26, $0x4;
	s25 =	smul.u32 $0xC80, s26;
	v19 =	vand.u32 $0x7FFFFFF8, v19  }
0x1e4: {  	s18 =	sadd.s32 s21, s18;
	s9 =	sadd.s32 s21, s17;
	v19 =	vor.u32 v15, v19;
	s26 =	sadd.s32 s21, s11;
	v18 =	vld.idx.msk [tilespmem:v21+s10+$0x0], $0xffff;
	v21 =	vor.u32 s5, v31  }
0x1e5: {  	s11 =	sadd.s32 s21, s25;
	v22 =	vadd.s32 s18, v0;
	v54 =	vadd.s32 s26, v0;
	v32 =	vadd.s32 s9, v0  }
0x1e6: {  	[tilespmem:$0x1FB30] =	vst v49;
	v16 =	vld.idx.msk [tilespmem:v16+s10+$0x0], $0xffff;
	v0 =	vadd.s32 s11, v0;
	v22 =	vand.u32 $0x7FFFFFF8, v22;
	v49 =	vand.u32 $0x7FFFFFF8, v54  }
0x1e7: {  	[tilespmem:v7+s6+$0x0] =	vst.idx.msk $0xffff, v13;
	v54 =	vand.u32 $0x7FFFFFF8, v32;
	v0 =	vand.u32 $0x7FFFFFF8, v0;
	v22 =	vor.u32 v6, v22  }
0x1e8: {  	v49 =	vor.u32 v6, v49;
	v54 =	vor.u32 v6, v54;
	v0 =	vor.u32 v6, v0;
	v6 =	vld [tilespmem:$0x1FE10]  }
0x1e9: {  	v9 =	vld [tilespmem:$0x1FF70];
	[tilespmem:v3+s6+$0x0] =	vst.idx.msk $0xffff, v38  }
0x1ea: {  	[tilespmem:v21+s6+$0x0] =	vst.idx.msk $0xffff, v18;
	v10 =	vld.idx.msk [tilespmem:v10+s10+$0x0], $0xffff  }
0x1eb: {  	v7 =	vld.idx.msk [tilespmem:v19+s10+$0x0], $0xffff;
	[tilespmem:v1+s6+$0x0] =	vst.idx.msk $0xffff, v16;
	v3 =	vor.u32 s8, v39  }
0x1ec: {  	v1 =	vor.u32 s5, v33;
	[tilespmem:$0x1FBF0] =	vst v3;
	v3 =	vld [tilespmem:$0x1FF10]  }
0x1ed: {  	v13 =	vadd.s32 s1, v6  }
0x1ee: {  	v52 =	vld [tilespmem:$0x1FFE0];
	v13 =	vand.u32 $0x7FFFFFF8, v13  }
0x1ef: {  	v21 =	vld.idx.msk [tilespmem:v28+s10+$0x0], $0xffff;
	[tilespmem:v36+s6+$0x0] =	vst.idx.msk $0xffff, v10;
	v10 =	vor.u32 v9, v13  }
0x1f0: {  	v22 =	vld.idx.msk [tilespmem:v22+s10+$0x0], $0xffff  }
0x1f1: {  	[tilespmem:v1+s6+$0x0] =	vst.idx.msk $0xffff, v7;
	v7 =	vld [tilespmem:$0x1FE20];
	v18 =	vadd.s32 s11, v3  }
0x1f2: {  	s4 =	sshll.u32 s29, $0x4;
	s22 =	sshll.u32 s15, $0x4;
	s29 =	sshll.u32 s20, $0xB;
	v51 =	vadd.s32 s26, v3;
	v13 =	vand.u32 $0x7FFFFFF8, v18;
	v18 =	vld.idx.msk [tilespmem:v49+s10+$0x0], $0xffff  }
0x1f3: {  	s12 =	sshll.u32 s12, $0x4;
	s7 =	sor.u32 s29, s22;
	v38 =	vadd.s32 s9, v3;
	v19 =	vand.u32 $0x7FFFFFF8, v51;
	v51 =	vld.idx.msk [tilespmem:v54+s10+$0x0], $0xffff  }
0x1f4: {  	s20 =	sor.u32 s29, s12;
	v16 =	vand.u32 $0x7FFFFFF8, v38;
	v54 =	vor.u32 s7, v2;
	[tilespmem:v4+s6+$0x0] =	vst.idx.msk $0xffff, v21;
	v4 =	vld.idx.msk [tilespmem:v10+s10+$0x0], $0xffff  }
0x1f5: {  	v36 =	vor.u32 s20, v2;
	v38 =	vadd.s32 s18, v3;
	v16 =	vor.u32 v52, v16;
	v10 =	vld [tilespmem:$0x1FCE0]  }
0x1f6: {  	s2 =	sor.u32 s29, s4;
	v34 =	vld.idx.msk [tilespmem:v34+s10+$0x0], $0xffff;
	v38 =	vand.u32 $0x7FFFFFF8, v38  }
0x1f7: {  	v32 =	vld [tilespmem:$0x1FF20];
	v49 =	vor.u32 s2, v2;
	v38 =	vor.u32 v52, v38;
	v7 =	vadd.s32 s1, v7  }
0x1f8: {  	s12 =	simm.s32 $0x0;
	s8 =	sor.u32 s23, s29;
	v0 =	vld.idx.msk [tilespmem:v0+s10+$0x0], $0xffff;
	v7 =	vand.u32 $0x7FFFFFF8, v7  }
0x1f9: {  	v26 =	vmov v55;
	v55 =	vor.u32 s8, v2;
	v7 =	vor.u32 v48, v7;
	[tilespmem:v54+s12+$0x0] =	vst.idx.msk $0xffff, v51;
	v48 =	vld [tilespmem:$0x1FF40]  }
0x1fa: {  	v19 =	vor.u32 v52, v19;
	[tilespmem:v36+s12+$0x0] =	vst.idx.msk $0xffff, v22;
	v16 =	vld.idx.msk [tilespmem:v16+s10+$0x0], $0xffff  }
0x1fb: {  	v21 =	vor.u32 s5, v35;
	[tilespmem:v12+s6+$0x0] =	vst.idx.msk $0xffff, v34;
	v12 =	vld [tilespmem:$0x1FE30]  }
0x1fc: {  	[tilespmem:v49+s12+$0x0] =	vst.idx.msk $0xffff, v18;
	v18 =	vld.idx.msk [tilespmem:v38+s10+$0x0], $0xffff  }
0x1fd: {  	v10 =	vld.idx.msk [tilespmem:v10+s10+$0x0], $0xffff  }
0x1fe: {  	v6 =	vadd.s32 s9, v32;
	v36 =	vor.u32 s20, v5;
	[tilespmem:v55+s12+$0x0] =	vst.idx.msk $0xffff, v0;
	v55 =	vmov v50;
	v50 =	vld [tilespmem:$0x1FF30]  }
0x1ff: {  	v28 =	vor.u32 s2, v5;
	v1 =	vadd.s32 s11, v32;
	v6 =	vand.u32 $0x7FFFFFF8, v6;
	v19 =	vld.idx.msk [tilespmem:v19+s10+$0x0], $0xffff  }
0x200: {  	v1 =	vand.u32 $0x7FFFFFF8, v1;
	v3 =	vadd.s32 s26, v32;
	v13 =	vor.u32 v52, v13;
	[tilespmem:v21+s6+$0x0] =	vst.idx.msk $0xffff, v4  }
0x201: {  	v22 =	vadd.s32 s18, v32;
	v38 =	vor.u32 s7, v5;
	v51 =	vadd.s32 s26, v48;
	v7 =	vld.idx.msk [tilespmem:v7+s10+$0x0], $0xffff  }
0x202: {  	v22 =	vand.u32 $0x7FFFFFF8, v22;
	v4 =	vand.u32 $0x7FFFFFF8, v51;
	v51 =	vadd.s32 s1, v12;
	v12 =	vld [tilespmem:$0x1FD00]  }
0x203: {  	v3 =	vand.u32 $0x7FFFFFF8, v3;
	v49 =	vadd.s32 s11, v48;
	s1 =	smov.u32 s18;
	[tilespmem:v36+s12+$0x0] =	vst.idx.msk $0xffff, v18;
	v18 =	vld.idx.msk [tilespmem:v30+s10+$0x0], $0xffff;
	v22 =	vor.u32 v50, v22  }
0x204: {  	v32 =	vadd.s32 s9, v48;
	[tilespmem:v28+s12+$0x0] =	vst.idx.msk $0xffff, v19;
	v28 =	vadd.s32 s1, v48;
	v48 =	vld [tilespmem:$0x1FD80];
	v3 =	vor.u32 v50, v3  }
0x205: {  	v21 =	vand.u32 $0x7FFFFFF8, v32;
	v0 =	vor.u32 s8, v5;
	v13 =	vld.idx.msk [tilespmem:v13+s10+$0x0], $0xffff;
	v6 =	vor.u32 v50, v6  }
0x206: {  	v30 =	vor.u32 s5, v37;
	v32 =	vand.u32 $0x7FFFFFF8, v51;
	[tilespmem:v38+s12+$0x0] =	vst.idx.msk $0xffff, v16;
	v51 =	vld [tilespmem:$0x1FF50];
	v1 =	vor.u32 v50, v1  }
0x207: {  	v24 =	vld.idx.msk [tilespmem:v24+s10+$0x0], $0xffff  }
0x208: {  	v36 =	vor.u32 s20, v8;
	v32 =	vor.u32 v53, v32;
	v28 =	vand.u32 $0x7FFFFFF8, v28;
	v22 =	vld.idx.msk [tilespmem:v22+s10+$0x0], $0xffff  }
0x209: {  	v19 =	vor.u32 s2, v8;
	v28 =	vor.u32 v48, v28;
	v3 =	vld.idx.msk [tilespmem:v3+s10+$0x0], $0xffff  }
0x20a: {  	v16 =	vor.u32 s7, v8;
	[tilespmem:v0+s12+$0x0] =	vst.idx.msk $0xffff, v13;
	v6 =	vld.idx.msk [tilespmem:v6+s10+$0x0], $0xffff  }
0x20b: {  	v54 =	vand.u32 $0x7FFFFFF8, v49;
	v0 =	vor.u32 s8, v8;
	v1 =	vld.idx.msk [tilespmem:v1+s10+$0x0], $0xffff;
	[tilespmem:v30+s6+$0x0] =	vst.idx.msk $0xffff, v7  }
0x20c: {  	v34 =	vor.u32 v48, v54;
	v4 =	vor.u32 v48, v4;
	v54 =	vadd.s32 s9, v51;
	[tilespmem:v12+s6+$0x0] =	vst.idx.msk $0xffff, v10  }
0x20d: {  	v38 =	vadd.s32 s11, v51;
	v54 =	vand.u32 $0x7FFFFFF8, v54;
	v13 =	vadd.s32 s26, v51;
	v10 =	vld.idx.msk [tilespmem:v32+s10+$0x0], $0xffff;
	[tilespmem:v36+s12+$0x0] =	vst.idx.msk $0xffff, v22  }
0x20e: {  	v13 =	vand.u32 $0x7FFFFFF8, v13;
	v7 =	vand.u32 $0x7FFFFFF8, v38;
	[tilespmem:v19+s12+$0x0] =	vst.idx.msk $0xffff, v3;
	v19 =	vld.idx.msk [tilespmem:v28+s10+$0x0], $0xffff;
	v28 =	vadd.s32 s1, v51  }
0x20f: {  	v3 =	vor.u32 v15, v13;
	[tilespmem:v16+s12+$0x0] =	vst.idx.msk $0xffff, v6;
	v6 =	vor.u32 v15, v54;
	v28 =	vand.u32 $0x7FFFFFF8, v28  }
0x210: {  	[tilespmem:v0+s12+$0x0] =	vst.idx.msk $0xffff, v1;
	v0 =	vor.u32 v15, v7;
	v7 =	vor.u32 v15, v28;
	v15 =	vld [tilespmem:$0x1FD30]  }
0x211: {  	v21 =	vor.u32 v48, v21;
	_ =	sdelay $0x3  }
0x212: {  	v4 =	vld.idx.msk [tilespmem:v4+s10+$0x0], $0xffff  }
0x213: {  	v1 =	vld.idx.msk [tilespmem:v21+s10+$0x0], $0xffff  }
0x214: {  	v12 =	vor.u32 s8, v11;
	v21 =	vld.idx.msk [tilespmem:v34+s10+$0x0], $0xffff  }
0x215: {  	[tilespmem:v15+s6+$0x0] =	vst.idx.msk $0xffff, v18;
	v15 =	vld [tilespmem:$0x1FD50];
	_ =	sdelay $0x1  }
0x216: {  	v49 =	vld [tilespmem:$0x1FF60]  }
0x217: {  	v36 =	vld.idx.msk [tilespmem:v26+s10+$0x0], $0xffff  }
0x218: {  	v32 =	vor.u32 s7, v11;
	[tilespmem:v12+s12+$0x0] =	vst.idx.msk $0xffff, v21;
	v26 =	vld.idx.msk [tilespmem:v55+s10+$0x0], $0xffff  }
0x219: {  	v22 =	vor.u32 s5, v39;
	v55 =	vld.idx.msk [tilespmem:v0+s10+$0x0], $0xffff  }
0x21a: {  	s5 =	smov.u32 s20;
	v0 =	vld [tilespmem:$0x1FB20]  }
0x21b: {  	v16 =	vor.u32 s5, v11  }
0x21c: {  	[tilespmem:v15+s6+$0x0] =	vst.idx.msk $0xffff, v24  }
0x21d: {  	[tilespmem:v32+s12+$0x0] =	vst.idx.msk $0xffff, v1  }
0x21e: {  	v13 =	vadd.s32 s26, v49;
	[tilespmem:v22+s6+$0x0] =	vst.idx.msk $0xffff, v10;
	v22 =	vor.u32 s7, v14;
	v6 =	vld.idx.msk [tilespmem:v6+s10+$0x0], $0xffff  }
0x21f: {  	v30 =	vor.u32 s2, v11;
	v54 =	vadd.s32 s9, v49;
	v13 =	vand.u32 $0x7FFFFFF8, v13  }
0x220: {  	v34 =	vand.u32 $0x7FFFFFF8, v54;
	v28 =	vadd.s32 s11, v49;
	[tilespmem:v16+s12+$0x0] =	vst.idx.msk $0xffff, v19;
	v19 =	vadd.s32 s1, v49  }
0x221: {  	v13 =	vor.u32 v9, v13;
	v19 =	vand.u32 $0x7FFFFFF8, v19;
	v18 =	vand.u32 $0x7FFFFFF8, v28  }
0x222: {  	v34 =	vor.u32 v9, v34;
	v19 =	vor.u32 v9, v19;
	v18 =	vor.u32 v9, v18;
	v9 =	vld.idx.msk [tilespmem:v0+s10+$0x0], $0xffff  }
0x223: {  	[tilespmem:v22+s12+$0x0] =	vst.idx.msk $0xffff, v6;
	v6 =	vld [tilespmem:$0x1FB50]  }
0x224: {  	[tilespmem:v30+s12+$0x0] =	vst.idx.msk $0xffff, v4  }
0x225: {  	v28 =	vor.u32 s2, v14;
	v3 =	vld.idx.msk [tilespmem:v3+s10+$0x0], $0xffff;
	_ =	sdelay $0x4  }
0x226: {  	[tilespmem:v28+s12+$0x0] =	vst.idx.msk $0xffff, v3;
	v15 =	vld [tilespmem:$0x1FB30]  }
0x227: {  	v13 =	vld.idx.msk [tilespmem:v13+s10+$0x0], $0xffff;
	[tilespmem:v6+s6+$0x0] =	vst.idx.msk $0xffff, v26;
	v6 =	vor.u32 s7, v23  }
0x228: {  	[tilespmem:$0x1FC00] =	vst v6;
	v6 =	vld [tilespmem:$0x1FB60];
	_ =	sdelay $0x1  }
0x229: {  	v0 =	vld [tilespmem:$0x1FF90];
	_ =	sdelay $0x3  }
0x22a: {  	v7 =	vld.idx.msk [tilespmem:v7+s10+$0x0], $0xffff;
	v1 =	vor.u32 s5, v14  }
0x22b: {  	v49 =	vadd.s32 s26, v0;
	v51 =	vadd.s32 s9, v0  }
0x22c: {  	[tilespmem:v15+s6+$0x0] =	vst.idx.msk $0xffff, v36;
	v36 =	vand.u32 $0x7FFFFFF8, v49;
	v49 =	vand.u32 $0x7FFFFFF8, v51;
	v51 =	vld.idx.msk [tilespmem:v6+s10+$0x0], $0xffff  }
0x22d: {  	v6 =	vld [tilespmem:$0x1FB70];
	_ =	sdelay $0x1  }
0x22e: {  	[tilespmem:v1+s12+$0x0] =	vst.idx.msk $0xffff, v7;
	v1 =	vld [tilespmem:$0x1FB40];
	_ =	sdelay $0x1  }
0x22f: {  	v54 =	vld [tilespmem:$0x1FF80]  }
0x230: {  	v10 =	vor.u32 s8, v14  }
0x231: {  	v21 =	vld [tilespmem:$0x1FDA0]  }
0x232: {  	v15 =	vld.idx.msk [tilespmem:v19+s10+$0x0], $0xffff  }
0x233: {  	v28 =	vld.idx.msk [tilespmem:v34+s10+$0x0], $0xffff;
	[tilespmem:v6+s6+$0x0] =	vst.idx.msk $0xffff, v9;
	v6 =	vor.u32 s8, v23  }
0x234: {  	v24 =	vadd.s32 s26, v54;
	[tilespmem:$0x1FC10] =	vst v6;
	v6 =	vld [tilespmem:$0x1FB80]  }
0x235: {  	v4 =	vand.u32 $0x7FFFFFF8, v24;
	v24 =	vadd.s32 s11, v54;
	v22 =	vor.u32 s5, v17;
	v7 =	vld.idx.msk [tilespmem:v1+s10+$0x0], $0xffff;
	[tilespmem:v10+s12+$0x0] =	vst.idx.msk $0xffff, v55  }
0x236: {  	v38 =	vor.u32 s8, v17;
	v12 =	vand.u32 $0x7FFFFFF8, v24;
	v18 =	vld.idx.msk [tilespmem:v18+s10+$0x0], $0xffff  }
0x237: {  	v12 =	vor.u32 v21, v12  }
0x238: {  	v19 =	vadd.s32 s1, v54  }
0x239: {  	v19 =	vand.u32 $0x7FFFFFF8, v19  }
0x23a: {  	v24 =	vor.u32 s2, v17;
	v19 =	vor.u32 v21, v19;
	[tilespmem:v22+s12+$0x0] =	vst.idx.msk $0xffff, v15  }
0x23b: {  	[tilespmem:v38+s12+$0x0] =	vst.idx.msk $0xffff, v18  }
0x23c: {  	v12 =	vld.idx.msk [tilespmem:v12+s10+$0x0], $0xffff;
	[tilespmem:v6+s6+$0x0] =	vst.idx.msk $0xffff, v7;
	v6 =	vor.u32 s8, v25  }
0x23d: {  	[tilespmem:$0x1FC40] =	vst v6;
	v6 =	vor.u32 s7, v25  }
0x23e: {  	v32 =	vadd.s32 s11, v0;
	[tilespmem:$0x1FC30] =	vst v6;
	v6 =	vld [tilespmem:$0x1FB90]  }
0x23f: {  	[tilespmem:v24+s12+$0x0] =	vst.idx.msk $0xffff, v13;
	v13 =	vld.idx.msk [tilespmem:v19+s10+$0x0], $0xffff;
	v19 =	vadd.s32 s1, v0;
	v0 =	vor.u32 s5, v20  }
0x240: {  	v4 =	vor.u32 v21, v4;
	_ =	sdelay $0x1  }
0x241: {  	v1 =	vor.u32 v53, v36  }
0x242: {  	[tilespmem:$0x1FBC0] =	vst v1;
	v7 =	vld [tilespmem:$0x1FBB0]  }
0x243: {  	[tilespmem:v0+s12+$0x0] =	vst.idx.msk $0xffff, v13;
	v0 =	vld [tilespmem:$0x1FBC0]  }
0x244: {  	v30 =	vor.u32 s7, v17;
	v4 =	vld.idx.msk [tilespmem:v4+s10+$0x0], $0xffff  }
0x245: {  	v16 =	vadd.s32 s9, v54;
	v3 =	vor.u32 s2, v20;
	[tilespmem:v6+s6+$0x0] =	vst.idx.msk $0xffff, v51;
	v6 =	vld [tilespmem:$0x1FBA0]  }
0x246: {  	v16 =	vand.u32 $0x7FFFFFF8, v16  }
0x247: {  	v16 =	vor.u32 v21, v16;
	v21 =	vld [tilespmem:$0x1FFF0];
	v1 =	vor.u32 s7, v20  }
0x248: {  	[tilespmem:$0x1FBD0] =	vst v1;
	v1 =	vld [tilespmem:$0x1FDC0]  }
0x249: {  	v24 =	vld [tilespmem:$0x1FDD0];
	[tilespmem:v30+s12+$0x0] =	vst.idx.msk $0xffff, v28  }
0x24a: {  	v28 =	vld.idx.msk [tilespmem:v7+s10+$0x0], $0xffff;
	[tilespmem:v3+s12+$0x0] =	vst.idx.msk $0xffff, v4  }
0x24b: {  	v7 =	vld.idx.msk [tilespmem:v0+s10+$0x0], $0xffff  }
0x24c: {  	v0 =	vld [tilespmem:$0x1FBD0]  }
0x24d: {  	v15 =	vld.idx.msk [tilespmem:v6+s10+$0x0], $0xffff  }
0x24e: {  	v55 =	vadd.s32 s11, v1;
	v6 =	vld [tilespmem:$0x1FDE0]  }
0x24f: {  	v26 =	vand.u32 $0x7FFFFFF8, v55  }
0x250: {  	v9 =	vor.u32 v21, v26  }
0x251: {  	[tilespmem:$0x1FC20] =	vst v9;
	v9 =	vadd.s32 s26, v24;
	v16 =	vld.idx.msk [tilespmem:v16+s10+$0x0], $0xffff  }
0x252: {  	v9 =	vand.u32 $0x7FFFFFF8, v9  }
0x253: {  	v30 =	vor.u32 v52, v9;
	v9 =	vadd.s32 s26, v6  }
0x254: {  	v10 =	vadd.s32 s26, v1;
	v38 =	vand.u32 $0x7FFFFFF8, v9;
	v9 =	vadd.s32 s9, v6  }
0x255: {  	v36 =	vadd.s32 s9, v1;
	v3 =	vand.u32 $0x7FFFFFF8, v9;
	v9 =	vadd.s32 s1, v1;
	v1 =	vld [tilespmem:$0x1FBE0]  }
0x256: {  	v54 =	vor.u32 s8, v20;
	[tilespmem:v0+s12+$0x0] =	vst.idx.msk $0xffff, v16;
	v0 =	vor.u32 s8, v27  }
0x257: {  	v34 =	vor.u32 v53, v49;
	[tilespmem:$0x1FC50] =	vst v0;
	v0 =	vor.u32 v50, v3;
	v3 =	vld [tilespmem:$0x1FDF0];
	_ =	sdelay $0x3  }
0x258: {  	v19 =	vand.u32 $0x7FFFFFF8, v19;
	[tilespmem:v54+s12+$0x0] =	vst.idx.msk $0xffff, v12  }
0x259: {  	v19 =	vor.u32 v53, v19;
	v12 =	vld.idx.msk [tilespmem:v34+s10+$0x0], $0xffff;
	[tilespmem:$0x1FC60] =	vst v0;
	v0 =	vadd.s32 s11, v3  }
0x25a: {  	[tilespmem:v1+s6+$0x0] =	vst.idx.msk $0xffff, v15;
	v1 =	vand.u32 $0x7FFFFFF8, v0;
	v0 =	vld [tilespmem:$0x1FBF0];
	_ =	sdelay $0x1  }
0x25b: {  	v32 =	vand.u32 $0x7FFFFFF8, v32  }
0x25c: {  	v32 =	vor.u32 v53, v32;
	v10 =	vand.u32 $0x7FFFFFF8, v10  }
0x25d: {  	v49 =	vor.u32 v21, v10;
	v10 =	vld.idx.msk [tilespmem:v19+s10+$0x0], $0xffff;
	v4 =	vor.u32 s5, v23;
	_ =	sdelay $0x3  }
0x25e: {  	v54 =	vld.idx.msk [tilespmem:v32+s10+$0x0], $0xffff;
	[tilespmem:v0+s6+$0x0] =	vst.idx.msk $0xffff, v28;
	s6 =	smov.u32 s12  }
0x25f: {  	[tilespmem:v4+s6+$0x0] =	vst.idx.msk $0xffff, v10;
	v10 =	vld [tilespmem:$0x1FC00]  }
0x260: {  	v9 =	vand.u32 $0x7FFFFFF8, v9  }
0x261: {  	v16 =	vor.u32 v21, v9;
	_ =	sdelay $0x3  }
0x262: {  	v32 =	vor.u32 v50, v38;
	v38 =	vadd.s32 s9, v3  }
0x263: {  	v34 =	vand.u32 $0x7FFFFFF8, v38;
	v38 =	vld.idx.msk [tilespmem:v16+s10+$0x0], $0xffff  }
0x264: {  	[tilespmem:v10+s6+$0x0] =	vst.idx.msk $0xffff, v12;
	v12 =	vor.u32 s5, v25;
	v10 =	vld [tilespmem:$0x1FC10]  }
0x265: {  	v36 =	vand.u32 $0x7FFFFFF8, v36  }
0x266: {  	v55 =	vor.u32 s2, v23;
	v36 =	vor.u32 v21, v36;
	_ =	sdelay $0x2  }
0x267: {  	v51 =	vadd.s32 s11, v6;
	[tilespmem:v12+s6+$0x0] =	vst.idx.msk $0xffff, v38;
	v12 =	vadd.s32 s1, v6;
	v6 =	vld [tilespmem:$0x1FC30]  }
0x268: {  	v22 =	vadd.s32 s9, v24  }
0x269: {  	v18 =	vadd.s32 s11, v24;
	[tilespmem:v55+s6+$0x0] =	vst.idx.msk $0xffff, v7;
	v7 =	vadd.s32 s1, v24;
	v24 =	vld.idx.msk [tilespmem:v36+s10+$0x0], $0xffff  }
0x26a: {  	[tilespmem:v10+s6+$0x0] =	vst.idx.msk $0xffff, v54;
	v10 =	vor.u32 v48, v1;
	v1 =	vld [tilespmem:$0x1FC20];
	_ =	sdelay $0x4  }
0x26b: {  	[tilespmem:v6+s6+$0x0] =	vst.idx.msk $0xffff, v24;
	v6 =	vld [tilespmem:$0x1FC40]  }
0x26c: {  	v28 =	vld [tilespmem:$0x1FE00]  }
0x26d: {  	v26 =	vor.u32 s2, v25;
	v15 =	vor.u32 s7, v29;
	v53 =	vld.idx.msk [tilespmem:v49+s10+$0x0], $0xffff  }
0x26e: {  	[tilespmem:$0x1FCB0] =	vst v15;
	v15 =	vld.idx.msk [tilespmem:v1+s10+$0x0], $0xffff  }
0x26f: {  	v18 =	vand.u32 $0x7FFFFFF8, v18;
	v22 =	vand.u32 $0x7FFFFFF8, v22;
	v21 =	vld [tilespmem:$0x1FD90]  }
0x270: {  	v18 =	vor.u32 v52, v18;
	v22 =	vor.u32 v52, v22;
	v7 =	vand.u32 $0x7FFFFFF8, v7  }
0x271: {  	v19 =	vor.u32 s2, v27;
	v16 =	vor.u32 v48, v34;
	v49 =	vor.u32 v52, v7;
	v54 =	vld [tilespmem:$0x1FE10]  }
0x272: {  	v4 =	vadd.s32 s26, v28;
	[tilespmem:v26+s6+$0x0] =	vst.idx.msk $0xffff, v53;
	v1 =	vadd.s32 s11, v28;
	v28 =	vadd.s32 s9, v28  }
0x273: {  	v4 =	vand.u32 $0x7FFFFFF8, v4;
	v34 =	vand.u32 $0x7FFFFFF8, v1;
	v52 =	vand.u32 $0x7FFFFFF8, v28;
	[tilespmem:v6+s6+$0x0] =	vst.idx.msk $0xffff, v15;
	v6 =	vld [tilespmem:$0x1FF70]  }
0x274: {  	v28 =	vor.u32 v21, v4;
	v4 =	vor.u32 v21, v34;
	v34 =	vor.u32 v21, v52;
	v52 =	vld.idx.msk [tilespmem:v30+s10+$0x0], $0xffff;
	_ =	sdelay $0x1  }
0x275: {  	v21 =	vld.idx.msk [tilespmem:v49+s10+$0x0], $0xffff;
	v49 =	vadd.s32 s11, v54  }
0x276: {  	v15 =	vand.u32 $0x7FFFFFF8, v49  }
0x277: {  	[tilespmem:$0x1FCE0] =	vst v4;
	v55 =	vor.u32 v6, v15;
	v15 =	vld [tilespmem:$0x1FE20]  }
0x278: {  	v13 =	vand.u32 $0x7FFFFFF8, v51;
	v4 =	vadd.s32 s26, v54;
	[tilespmem:v19+s6+$0x0] =	vst.idx.msk $0xffff, v52;
	v19 =	vor.u32 s2, v35  }
0x279: {  	v9 =	vor.u32 v50, v13;
	v38 =	vand.u32 $0x7FFFFFF8, v4;
	v4 =	vadd.s32 s9, v54;
	[tilespmem:$0x1FD30] =	vst v19;
	v19 =	vld [tilespmem:$0x1FDA0]  }
0x27a: {  	v13 =	vadd.s32 s26, v3;
	v12 =	vand.u32 $0x7FFFFFF8, v12;
	v24 =	vand.u32 $0x7FFFFFF8, v4  }
0x27b: {  	v26 =	vor.u32 v50, v12;
	v30 =	vor.u32 v6, v38;
	v24 =	vor.u32 v6, v24  }
0x27c: {  	v49 =	vld.idx.msk [tilespmem:v18+s10+$0x0], $0xffff;
	v6 =	vadd.s32 s11, v15;
	v18 =	vadd.s32 s26, v15;
	v50 =	vadd.s32 s9, v15  }
0x27d: {  	v15 =	vand.u32 $0x7FFFFFF8, v6;
	v6 =	vand.u32 $0x7FFFFFF8, v18;
	v18 =	vand.u32 $0x7FFFFFF8, v50  }
0x27e: {  	v50 =	vor.u32 v19, v6;
	v6 =	vadd.s32 s1, v3;
	v3 =	vor.u32 s7, v35  }
0x27f: {  	[tilespmem:$0x1FD50] =	vst v3;
	v3 =	vld [tilespmem:$0x1FC50];
	_ =	sdelay $0x3  }
0x280: {  	v53 =	vor.u32 s5, v27;
	_ =	sdelay $0x3  }
0x281: {  	[tilespmem:v3+s6+$0x0] =	vst.idx.msk $0xffff, v49;
	v3 =	vld [tilespmem:$0x1FC60]  }
0x282: {  	v51 =	vor.u32 s7, v27;
	v22 =	vld.idx.msk [tilespmem:v22+s10+$0x0], $0xffff;
	[tilespmem:v53+s6+$0x0] =	vst.idx.msk $0xffff, v21  }
0x283: {  	v53 =	vld.idx.msk [tilespmem:v26+s10+$0x0], $0xffff  }
0x284: {  	p1 =	slt.u32 s0, $0x5C;
	v13 =	vand.u32 $0x7FFFFFF8, v13;
	v26 =	vld [tilespmem:$0x1FE30]  }
.Ltmp0:
0x285: {  	v13 =	vor.u32 v48, v13;
	v0 =	vor.u32 s8, v29;
	(pc) =	sbr.rel @p1 .LBB2_2-.Ltmp0, $4  }
0x286: {  	[tilespmem:$0x1FCA0] =	vst v0;
	v0 =	vor.u32 s2, v29;
	v7 =	vor.u32 s2, v31;
	v36 =	vor.u32 s8, v31  }
0x287: {  	v12 =	vor.u32 s7, v33;
	v1 =	vor.u32 s7, v31;
	[tilespmem:v51+s6+$0x0] =	vst.idx.msk $0xffff, v22;
	v4 =	vor.u32 s8, v33  }
0x288: {  	v54 =	vor.u32 s5, v29;
	[tilespmem:$0x1FD00] =	vst v4;
	v4 =	vor.u32 s2, v33;
	v19 =	vld.idx.msk [tilespmem:v32+s10+$0x0], $0xffff;
	v6 =	vand.u32 $0x7FFFFFF8, v6  }
0x289: {  	p0 =	por $0x1, $0x1;
	v52 =	vadd.s32 s26, v26;
	v21 =	vor.u32 v48, v6;
	v49 =	vor.u32 s8, v35;
	v22 =	vld.idx.msk [tilespmem:v3+s10+$0x0], $0xffff  }
0x28a: {  	_ =	sdelay $0x3  }
0x28b: {  	[tilespmem:v54+s6+$0x0] =	vst.idx.msk $0xffff, v53  }
0x28c: {  	v6 =	vld [tilespmem:$0x1FE00];
	[tilespmem:v0+s6+$0x0] =	vst.idx.msk $0xffff, v19  }
0x28d: {  	v19 =	vld [tilespmem:$0x1FCB0];
	_ =	sdelay $0x7  }
0x28e: {  	v0 =	vld.idx.msk [tilespmem:v21+s10+$0x0], $0xffff;
	[tilespmem:v19+s6+$0x0] =	vst.idx.msk $0xffff, v22  }
0x28f: {  	v21 =	vld [tilespmem:$0x1FCA0];
	_ =	sdelay $0x1  }
0x290: {  	v19 =	vld [tilespmem:$0x1FD90]  }
0x291: {  	v3 =	vld.idx.msk [tilespmem:v9+s10+$0x0], $0xffff;
	_ =	sdelay $0x1  }
0x292: {  	v9 =	vor.u32 s5, v31;
	v6 =	vadd.s32 s1, v6  }
0x293: {  	v6 =	vand.u32 $0x7FFFFFF8, v6  }
0x294: {  	v13 =	vld.idx.msk [tilespmem:v13+s10+$0x0], $0xffff;
	v6 =	vor.u32 v19, v6  }
0x295: {  	[tilespmem:v21+s6+$0x0] =	vst.idx.msk $0xffff, v3;
	v3 =	vld.idx.msk [tilespmem:v16+s10+$0x0], $0xffff;
	_ =	sdelay $0x1  }
0x296: {  	[tilespmem:v9+s6+$0x0] =	vst.idx.msk $0xffff, v0;
	v10 =	vld.idx.msk [tilespmem:v10+s10+$0x0], $0xffff  }
0x297: {  	v0 =	vld [tilespmem:$0x1FE10]  }
0x298: {  	[tilespmem:v7+s6+$0x0] =	vst.idx.msk $0xffff, v13;
	v6 =	vld.idx.msk [tilespmem:v6+s10+$0x0], $0xffff  }
0x299: {  	v7 =	vor.u32 s5, v33;
	v9 =	vld.idx.msk [tilespmem:v28+s10+$0x0], $0xffff;
	[tilespmem:v1+s6+$0x0] =	vst.idx.msk $0xffff, v3  }
0x29a: {  	v28 =	vld [tilespmem:$0x1FF70]  }
0x29b: {  	[tilespmem:v36+s6+$0x0] =	vst.idx.msk $0xffff, v10;
	v1 =	vld.idx.msk [tilespmem:v34+s10+$0x0], $0xffff  }
0x29c: {  	v3 =	vld [tilespmem:$0x1FCE0];
	_ =	sdelay $0x1  }
0x29d: {  	v0 =	vadd.s32 s1, v0;
	[tilespmem:v7+s6+$0x0] =	vst.idx.msk $0xffff, v6  }
0x29e: {  	v0 =	vand.u32 $0x7FFFFFF8, v0;
	v6 =	vld [tilespmem:$0x1FE20];
	[tilespmem:v4+s6+$0x0] =	vst.idx.msk $0xffff, v9  }
0x29f: {  	v21 =	vld [tilespmem:$0x1FDA0];
	v0 =	vor.u32 v28, v0;
	[tilespmem:v12+s6+$0x0] =	vst.idx.msk $0xffff, v1  }
0x2a0: {  	v9 =	vld [tilespmem:$0x1FD00];
	_ =	sdelay $0x2  }
0x2a1: {  	v3 =	vld.idx.msk [tilespmem:v3+s10+$0x0], $0xffff  }
0x2a2: {  	v4 =	vor.u32 s5, v35;
	v0 =	vld.idx.msk [tilespmem:v0+s10+$0x0], $0xffff;
	_ =	sdelay $0x3  }
0x2a3: {  	[tilespmem:v9+s6+$0x0] =	vst.idx.msk $0xffff, v3  }
0x2a4: {  	[tilespmem:v4+s6+$0x0] =	vst.idx.msk $0xffff, v0  }
0x2a5: {  	v10 =	vor.u32 v21, v15;
	v15 =	vld [tilespmem:$0x1FD30];
	_ =	sdelay $0x2  }
0x2a6: {  	v1 =	vld.idx.msk [tilespmem:v30+s10+$0x0], $0xffff;
	_ =	sdelay $0x4  }
0x2a7: {  	v6 =	vadd.s32 s1, v6;
	[tilespmem:v15+s6+$0x0] =	vst.idx.msk $0xffff, v1  }
0x2a8: {  	v6 =	vand.u32 $0x7FFFFFF8, v6;
	v3 =	vor.u32 v21, v18;
	v18 =	vld [tilespmem:$0x1FD50]  }
0x2a9: {  	v6 =	vor.u32 v21, v6;
	v9 =	vld.idx.msk [tilespmem:v55+s10+$0x0], $0xffff  }
0x2aa: {  	v32 =	vld [tilespmem:$0x1FDB0]  }
0x2ab: {  	v7 =	vld.idx.msk [tilespmem:v24+s10+$0x0], $0xffff;
	_ =	sdelay $0x1  }
0x2ac: {  	v13 =	vor.u32 s5, v37;
	v0 =	vadd.s32 s1, v26  }
0x2ad: {  	v12 =	vadd.s32 s9, v26;
	v4 =	vadd.s32 s11, v26;
	v6 =	vld.idx.msk [tilespmem:v6+s10+$0x0], $0xffff;
	v0 =	vand.u32 $0x7FFFFFF8, v0  }
0x2ae: {  	v1 =	vand.u32 $0x7FFFFFF8, v52;
	v15 =	vor.u32 s2, v37;
	v16 =	vld.idx.msk [tilespmem:v50+s10+$0x0], $0xffff;
	[tilespmem:v49+s6+$0x0] =	vst.idx.msk $0xffff, v9;
	v0 =	vor.u32 v32, v0  }
0x2af: {  	v4 =	vand.u32 $0x7FFFFFF8, v4;
	v9 =	vor.u32 s8, v37;
	v10 =	vld.idx.msk [tilespmem:v10+s10+$0x0], $0xffff;
	v1 =	vor.u32 v32, v1;
	[tilespmem:v18+s6+$0x0] =	vst.idx.msk $0xffff, v7  }
0x2b0: {  	v4 =	vor.u32 v32, v4;
	v7 =	vand.u32 $0x7FFFFFF8, v12;
	v12 =	vor.u32 s7, v37;
	v3 =	vld.idx.msk [tilespmem:v3+s10+$0x0], $0xffff  }
0x2b1: {  	v7 =	vor.u32 v32, v7  }
0x2b2: {  	[tilespmem:v13+s6+$0x0] =	vst.idx.msk $0xffff, v6  }
0x2b3: {  	v6 =	vor.u32 s5, v39;
	[tilespmem:v15+s6+$0x0] =	vst.idx.msk $0xffff, v16;
	v0 =	vld.idx.msk [tilespmem:v0+s10+$0x0], $0xffff  }
0x2b4: {  	v13 =	vor.u32 s2, v39;
	[tilespmem:v9+s6+$0x0] =	vst.idx.msk $0xffff, v10;
	v1 =	vld.idx.msk [tilespmem:v1+s10+$0x0], $0xffff  }
0x2b5: {  	v9 =	vor.u32 s8, v39;
	v4 =	vld.idx.msk [tilespmem:v4+s10+$0x0], $0xffff;
	[tilespmem:v12+s6+$0x0] =	vst.idx.msk $0xffff, v3  }
0x2b6: {  	v3 =	vor.u32 s7, v39;
	v7 =	vld.idx.msk [tilespmem:v7+s10+$0x0], $0xffff;
	_ =	sdelay $0x1  }
0x2b7: {  	[tilespmem:v6+s6+$0x0] =	vst.idx.msk $0xffff, v0  }
0x2b8: {  	[tilespmem:v13+s6+$0x0] =	vst.idx.msk $0xffff, v1  }
0x2b9: {  	[tilespmem:v9+s6+$0x0] =	vst.idx.msk $0xffff, v4  }
0x2ba: {  	[tilespmem:v3+s6+$0x0] =	vst.idx.msk $0xffff, v7  }
0x2bb: {  	v22 =	vld [tilespmem:$0x1FF30]  }
0x2bc: {  	v34 =	vld [tilespmem:$0x1FE40]  }
0x2bd: {  	v36 =	vld [tilespmem:$0x1FE50]  }
0x2be: {  	v38 =	vld [tilespmem:$0x1FE60]  }
0x2bf: {  	v48 =	vld [tilespmem:$0x1FE70]  }
0x2c0: {  	v49 =	vld [tilespmem:$0x1FE80]  }
0x2c1: {  	v50 =	vld [tilespmem:$0x1FE90]  }
0x2c2: {  	v51 =	vld [tilespmem:$0x1FEA0]  }
0x2c3: {  	v52 =	vld [tilespmem:$0x1FEB0]  }
0x2c4: {  	v53 =	vld [tilespmem:$0x1FEC0]  }
0x2c5: {  	v55 =	vld [tilespmem:$0x1FED0]  }
0x2c6: {  	v54 =	vld [tilespmem:$0x1FEE0]  }
0x2c7: {  	v24 =	vld [tilespmem:$0x1FEF0]  }
0x2c8: {  	v30 =	vmov v21;
	v26 =	vld [tilespmem:$0x1FF00]  }
.LBB2_4:
0x2c9: {  	s0 =	smul.u32 $0xC80, s12;
	s1 =	sor.u32 $0x1, s12;
	v7 =	vld [tilespmem:$0x1FFF0]  }
0x2ca: {  	s5 =	sor.u32 $0x2, s12;
	s4 =	smul.u32 $0xC80, s1  }
0x2cb: {  	s7 =	sor.u32 $0x3, s12;
	s22 =	smul.u32 $0xC80, s5;
	s2 =	sor.u32 $0xC0, s0  }
0x2cc: {  	s23 =	smul.u32 $0xC80, s7;
	v0 =	vadd.s32 s2, v34;
	s6 =	sadd.s32 $0xC0, s4  }
0x2cd: {  	s8 =	sor.u32 $0xC0, s22;
	v0 =	vand.u32 $0x7FF8, v0;
	v1 =	vadd.s32 s6, v34  }
0x2ce: {  	s9 =	sadd.s32 $0xC0, s23;
	v3 =	vadd.s32 s8, v34;
	v0 =	vor.u32 v7, v0;
	v1 =	vand.u32 $0x7FFFFFF8, v1  }
0x2cf: {  	v19 =	vld [tilespmem:$0x1FFE0];
	v4 =	vadd.s32 s9, v34;
	v3 =	vand.u32 $0x7FFFFFF8, v3;
	v1 =	vor.u32 v7, v1  }
0x2d0: {  	v4 =	vand.u32 $0x7FFFFFF8, v4;
	v3 =	vor.u32 v7, v3  }
0x2d1: {  	s25 =	sshll.u32 s12, $0x4;
	s1 =	sshll.u32 s1, $0x4;
	v4 =	vor.u32 v7, v4  }
0x2d2: {  	s26 =	sshll.u32 s5, $0x4;
	s0 =	sor.u32 $0x6000, s25;
	s1 =	sor.u32 $0x6000, s1;
	v6 =	vadd.s32 s2, v38  }
0x2d3: {  	s29 =	sshll.u32 s7, $0x4;
	s5 =	sor.u32 $0x6000, s26;
	v9 =	vor.u32 s0, v36;
	v10 =	vor.u32 s1, v36;
	v6 =	vand.u32 $0x7FF8, v6;
	v0 =	vld.idx.msk [tilespmem:v0+s10+$0x0], $0xffff  }
0x2d4: {  	s7 =	sor.u32 $0x6000, s29;
	v13 =	vor.u32 s5, v36;
	v6 =	vor.u32 v19, v6;
	v7 =	vadd.s32 s6, v38;
	v1 =	vld.idx.msk [tilespmem:v1+s10+$0x0], $0xffff  }
0x2d5: {  	v16 =	vor.u32 s7, v36;
	v12 =	vadd.s32 s8, v38;
	v7 =	vand.u32 $0x7FFFFFF8, v7;
	v3 =	vld.idx.msk [tilespmem:v3+s10+$0x0], $0xffff  }
0x2d6: {  	v15 =	vadd.s32 s9, v38;
	v12 =	vand.u32 $0x7FFFFFF8, v12;
	v7 =	vor.u32 v19, v7;
	v4 =	vld.idx.msk [tilespmem:v4+s10+$0x0], $0xffff  }
0x2d7: {  	v15 =	vand.u32 $0x7FFFFFF8, v15;
	v12 =	vor.u32 v19, v12  }
0x2d8: {  	v18 =	vadd.s32 s2, v49;
	v15 =	vor.u32 v19, v15;
	[tilespmem:v9+s3+$0x0] =	vst.idx.msk $0xffff, v0  }
0x2d9: {  	v0 =	vand.u32 $0x7FF8, v18;
	v9 =	vadd.s32 s6, v49;
	v18 =	vor.u32 s0, v48;
	v6 =	vld.idx.msk [tilespmem:v6+s10+$0x0], $0xffff;
	[tilespmem:v10+s3+$0x0] =	vst.idx.msk $0xffff, v1  }
0x2da: {  	v19 =	vld [tilespmem:$0x1FD80];
	v0 =	vor.u32 v22, v0;
	v1 =	vand.u32 $0x7FFFFFF8, v9;
	v9 =	vor.u32 s1, v48;
	[tilespmem:v13+s3+$0x0] =	vst.idx.msk $0xffff, v3  }
0x2db: {  	v3 =	vadd.s32 s8, v49;
	[tilespmem:v16+s3+$0x0] =	vst.idx.msk $0xffff, v4;
	v4 =	vadd.s32 s9, v49;
	v7 =	vld.idx.msk [tilespmem:v7+s10+$0x0], $0xffff  }
0x2dc: {  	v1 =	vor.u32 v22, v1;
	v10 =	vld.idx.msk [tilespmem:v12+s10+$0x0], $0xffff;
	v12 =	vor.u32 s5, v48;
	v3 =	vand.u32 $0x7FFFFFF8, v3  }
0x2dd: {  	v13 =	vld.idx.msk [tilespmem:v15+s10+$0x0], $0xffff;
	v15 =	vor.u32 s7, v48;
	v4 =	vand.u32 $0x7FFFFFF8, v4;
	v3 =	vor.u32 v22, v3  }
0x2de: {  	v16 =	vadd.s32 s2, v51;
	v4 =	vor.u32 v22, v4;
	[tilespmem:v18+s3+$0x0] =	vst.idx.msk $0xffff, v6  }
0x2df: {  	v6 =	vand.u32 $0x7FF8, v16;
	v18 =	vor.u32 s0, v50;
	v0 =	vld.idx.msk [tilespmem:v0+s10+$0x0], $0xffff  }
0x2e0: {  	v21 =	vld [tilespmem:$0x1FD90];
	v16 =	vadd.s32 s6, v51;
	v6 =	vor.u32 v19, v6;
	[tilespmem:v9+s3+$0x0] =	vst.idx.msk $0xffff, v7;
	v9 =	vor.u32 s1, v50  }
0x2e1: {  	v7 =	vand.u32 $0x7FFFFFF8, v16;
	[tilespmem:v12+s3+$0x0] =	vst.idx.msk $0xffff, v10;
	v10 =	vadd.s32 s8, v51;
	v12 =	vor.u32 s5, v50;
	v1 =	vld.idx.msk [tilespmem:v1+s10+$0x0], $0xffff  }
0x2e2: {  	[tilespmem:v15+s3+$0x0] =	vst.idx.msk $0xffff, v13;
	v13 =	vadd.s32 s9, v51;
	v7 =	vor.u32 v19, v7;
	v3 =	vld.idx.msk [tilespmem:v3+s10+$0x0], $0xffff;
	v10 =	vand.u32 $0x7FFFFFF8, v10  }
0x2e3: {  	v15 =	vor.u32 s7, v50;
	v4 =	vld.idx.msk [tilespmem:v4+s10+$0x0], $0xffff;
	v13 =	vand.u32 $0x7FFFFFF8, v13;
	v10 =	vor.u32 v19, v10  }
0x2e4: {  	v16 =	vadd.s32 s2, v53;
	v13 =	vor.u32 v19, v13;
	v19 =	vld [tilespmem:$0x1FFB0];
	[tilespmem:v18+s3+$0x0] =	vst.idx.msk $0xffff, v0  }
0x2e5: {  	v0 =	vand.u32 $0x7FF8, v16;
	v18 =	vor.u32 s0, v52;
	v6 =	vld.idx.msk [tilespmem:v6+s10+$0x0], $0xffff  }
0x2e6: {  	v0 =	vor.u32 v21, v0;
	[tilespmem:v9+s3+$0x0] =	vst.idx.msk $0xffff, v1  }
0x2e7: {  	v16 =	vadd.s32 s6, v53;
	v9 =	vor.u32 s1, v52;
	[tilespmem:v12+s3+$0x0] =	vst.idx.msk $0xffff, v3;
	v7 =	vld.idx.msk [tilespmem:v7+s10+$0x0], $0xffff  }
0x2e8: {  	v1 =	vand.u32 $0x7FFFFFF8, v16;
	v12 =	vor.u32 s5, v52;
	[tilespmem:v15+s3+$0x0] =	vst.idx.msk $0xffff, v4;
	v10 =	vld.idx.msk [tilespmem:v10+s10+$0x0], $0xffff  }
0x2e9: {  	v3 =	vadd.s32 s8, v53;
	v4 =	vadd.s32 s9, v53;
	v15 =	vor.u32 s7, v52;
	v13 =	vld.idx.msk [tilespmem:v13+s10+$0x0], $0xffff  }
0x2ea: {  	v1 =	vor.u32 v21, v1;
	v3 =	vand.u32 $0x7FFFFFF8, v3;
	v16 =	vadd.s32 s2, v19;
	[tilespmem:v18+s3+$0x0] =	vst.idx.msk $0xffff, v6  }
0x2eb: {  	v3 =	vor.u32 v21, v3;
	v6 =	vand.u32 $0x7FF8, v16;
	v18 =	vor.u32 s0, v55;
	v0 =	vld.idx.msk [tilespmem:v0+s10+$0x0], $0xffff  }
0x2ec: {  	v4 =	vand.u32 $0x7FFFFFF8, v4;
	v6 =	vor.u32 v28, v6;
	[tilespmem:v9+s3+$0x0] =	vst.idx.msk $0xffff, v7  }
0x2ed: {  	v4 =	vor.u32 v21, v4;
	[tilespmem:v12+s3+$0x0] =	vst.idx.msk $0xffff, v10  }
0x2ee: {  	v16 =	vadd.s32 s6, v19;
	v10 =	vadd.s32 s8, v19;
	[tilespmem:v15+s3+$0x0] =	vst.idx.msk $0xffff, v13;
	v13 =	vadd.s32 s9, v19;
	v19 =	vld [tilespmem:$0x1FFC0]  }
0x2ef: {  	v7 =	vand.u32 $0x7FFFFFF8, v16;
	v9 =	vor.u32 s1, v55;
	v1 =	vld.idx.msk [tilespmem:v1+s10+$0x0], $0xffff  }
0x2f0: {  	v12 =	vor.u32 s5, v55;
	v7 =	vor.u32 v28, v7;
	v3 =	vld.idx.msk [tilespmem:v3+s10+$0x0], $0xffff;
	[tilespmem:v18+s3+$0x0] =	vst.idx.msk $0xffff, v0  }
0x2f1: {  	v10 =	vand.u32 $0x7FFFFFF8, v10;
	v18 =	vor.u32 s0, v54;
	v6 =	vld.idx.msk [tilespmem:v6+s10+$0x0], $0xffff  }
0x2f2: {  	v15 =	vor.u32 s7, v55;
	v4 =	vld.idx.msk [tilespmem:v4+s10+$0x0], $0xffff;
	v13 =	vand.u32 $0x7FFFFFF8, v13;
	v10 =	vor.u32 v28, v10  }
0x2f3: {  	v13 =	vor.u32 v28, v13;
	v16 =	vadd.s32 s2, v19  }
0x2f4: {  	v0 =	vand.u32 $0x7FF8, v16;
	v16 =	vadd.s32 s6, v19;
	[tilespmem:v9+s3+$0x0] =	vst.idx.msk $0xffff, v1  }
0x2f5: {  	v9 =	vor.u32 s1, v54;
	[tilespmem:v12+s3+$0x0] =	vst.idx.msk $0xffff, v3;
	v3 =	vadd.s32 s8, v19;
	v7 =	vld.idx.msk [tilespmem:v7+s10+$0x0], $0xffff  }
0x2f6: {  	v12 =	vor.u32 s5, v54;
	v0 =	vor.u32 v30, v0;
	v1 =	vand.u32 $0x7FFFFFF8, v16;
	[tilespmem:v18+s3+$0x0] =	vst.idx.msk $0xffff, v6;
	v18 =	vld [tilespmem:$0x1FFD0]  }
0x2f7: {  	[tilespmem:v15+s3+$0x0] =	vst.idx.msk $0xffff, v4;
	v4 =	vadd.s32 s9, v19;
	v10 =	vld.idx.msk [tilespmem:v10+s10+$0x0], $0xffff;
	v3 =	vand.u32 $0x7FFFFFF8, v3;
	v1 =	vor.u32 v30, v1  }
0x2f8: {  	v15 =	vor.u32 s7, v54;
	v13 =	vld.idx.msk [tilespmem:v13+s10+$0x0], $0xffff;
	v4 =	vand.u32 $0x7FFFFFF8, v4;
	v3 =	vor.u32 v30, v3  }
0x2f9: {  	v4 =	vor.u32 v30, v4  }
0x2fa: {  	v21 =	vadd.s32 s8, v24;
	v19 =	vadd.s32 s6, v24;
	v16 =	vadd.s32 s2, v24  }
0x2fb: {  	v6 =	vadd.s32 s9, v24;
	[tilespmem:v9+s3+$0x0] =	vst.idx.msk $0xffff, v7;
	v0 =	vld.idx.msk [tilespmem:v0+s10+$0x0], $0xffff;
	v9 =	vand.u32 $0x7FF8, v16;
	v7 =	vor.u32 s0, v18  }
0x2fc: {  	[tilespmem:v12+s3+$0x0] =	vst.idx.msk $0xffff, v10;
	v12 =	vand.u32 $0x7FFFFFF8, v19;
	v9 =	vor.u32 v32, v9;
	v1 =	vld.idx.msk [tilespmem:v1+s10+$0x0], $0xffff;
	v10 =	vor.u32 s1, v18  }
0x2fd: {  	[tilespmem:v15+s3+$0x0] =	vst.idx.msk $0xffff, v13;
	v15 =	vand.u32 $0x7FFFFFF8, v21;
	v12 =	vor.u32 v32, v12;
	v3 =	vld.idx.msk [tilespmem:v3+s10+$0x0], $0xffff;
	v13 =	vor.u32 s5, v18  }
0x2fe: {  	v6 =	vand.u32 $0x7FFFFFF8, v6;
	v15 =	vor.u32 v32, v15;
	v4 =	vld.idx.msk [tilespmem:v4+s10+$0x0], $0xffff;
	v16 =	vor.u32 s7, v18  }
0x2ff: {  	v6 =	vor.u32 v32, v6  }
0x300: {  	[tilespmem:v7+s3+$0x0] =	vst.idx.msk $0xffff, v0  }
0x301: {  	v0 =	vor.u32 s0, v26;
	[tilespmem:v10+s3+$0x0] =	vst.idx.msk $0xffff, v1;
	v1 =	vld.idx.msk [tilespmem:v9+s10+$0x0], $0xffff  }
0x302: {  	[tilespmem:v13+s3+$0x0] =	vst.idx.msk $0xffff, v3;
	v7 =	vor.u32 s1, v26;
	v3 =	vld.idx.msk [tilespmem:v12+s10+$0x0], $0xffff  }
0x303: {  	[tilespmem:v16+s3+$0x0] =	vst.idx.msk $0xffff, v4;
	v4 =	vor.u32 s5, v26;
	v9 =	vld.idx.msk [tilespmem:v15+s10+$0x0], $0xffff  }
0x304: {  	p1 =	por p0, p0;
	v10 =	vor.u32 s7, v26;
	v6 =	vld.idx.msk [tilespmem:v6+s10+$0x0], $0xffff  }
.Ltmp1:
0x305: {  	_ = 	snop;
	(pc) =	sbr.rel @p1 .LBB2_4-.Ltmp1, $4  }
0x306: {  	[tilespmem:v0+s3+$0x0] =	vst.idx.msk $0xffff, v1  }
0x307: {  	[tilespmem:v7+s3+$0x0] =	vst.idx.msk $0xffff, v3  }
0x308: {  	[tilespmem:v4+s3+$0x0] =	vst.idx.msk $0xffff, v9  }
0x309: {  	s12 =	simm.s32 $0x4;
	p0 =	por $0x0, $0x0;
	[tilespmem:v10+s3+$0x0] =	vst.idx.msk $0xffff, v6  }
0x30a: {  	s4 =	simm.s32 $0x0;
	s0 =	rddreg [dreg:$0x3];
	s1 =	simm.s32 $0x80  }
0x30b: {  	[tilespmem:s13], [sflag:$0x1] =	stream.indirect.gather [hbm4b:s0+s1], $0x40, s4, s1, $0xb8;
	[tilespmem:$0x1C800] =	vst v63  }
0x30c: {  	_ = 	snop  }
0x30d: {  	[tilespmem:s14], [sflag:$0x2] =	stream.indirect.gather [hbm4b:s0+s1], $0x40, s1, s1, $0xb8;
	[tilespmem:$0x1C800] =	vst v63  }
0x30e: {  	s2 =	simm.s32 $0x100  }
0x30f: {  	v55 =	vld [tilespmem:$0x1FFF0];
	[tilespmem:s16], [sflag:$0x3] =	stream.indirect.gather [hbm4b:s0+s1], $0x40, s2, s1, $0xb8  }
.LBB2_6:
0x310: {  	s0 =	sshllo.u32 s4, $0x2;
	s1 =	rddreg [dreg:$0x3]  }
0x311: {  	[dreg:$0xb] =	wrdreg s0;
	s0 =	sshll.u32 s0, $0x7  }
0x312: {  	s2 =	simm.s32 $0x80;
	s23 =	simm.s32 $0x0;
	s0 =	sand.u32 $0x3FFFFF80, s0  }
0x313: {  	[tilespmem:s30], [sflag:$0x4] =	stream.indirect.gather [hbm4b:s1+s2], $0x40, s0, s2, $0xb8;
	[tilespmem:$0x1C800] =	vst v63  }
0x314: {  	s0 =	sand.u32 $0x4, s23  }
0x315: {  	s3 =	simm.s32 $0x1;
	s25 =	sor.u32 $0x2, s0  }
0x316: {  	p0 =	seq.s32 s4, $0x0;
	_ =	swait.ge [sflag:s3], $0x2000;
	s26 =	sshll.u32 s25, $0xA  }
0x317: {  	s7 =	simm.s32 @!p0 $0x5;
	[sflag:s3] =	ssyncset.done $0x0;
	s2 =	sadd.s32 $0x0, s26  }
0x318: {  	s5 =	sshll.u32 s0, $0xA;
	[sflag:s3] =	ssyncadd.s32 $0xFFFFE000;
	s3 =	sor.u32 $0x3, s0;
	v0 =	vor.u32 s2, v56  }
0x319: {  	[dreg:$0xa] =	wrdreg s4;
	s9 =	sadd.s32 $0x0, s5;
	s8 =	sshll.u32 s3, $0xA  }
0x31a: {  	v1 =	vor.u32 s9, v56;
	_ =	swait.ge @!p0 [sflag:s7], $0x2000;
	s6 =	sadd.s32 $0x0, s8  }
0x31b: {  	s10 =	simm.s32 $0x0;
	s1 =	sshll.u32 s25, $0x4;
	[sflag:s7] =	ssyncset.done @!p0 $0x0;
	v3 =	vor.u32 s6, v56  }
0x31c: {  	s1 =	sor.u32 s10, s1;
	[sflag:s7] =	ssyncadd.s32 @!p0 $0xFFFFE000  }
0x31d: {  	s12 =	sshll.u32 s0, $0x4;
	v4 =	vor.u32 s1, v2;
	v0 =	vld.idx.msk [tilespmem:v0+s13+$0x0], $0xffff  }
0x31e: {  	s11 =	sor.u32 s12, s10;
	s4 =	sshll.u32 s3, $0x4;
	v6 =	vor.u32 s2, v57  }
0x31f: {  	v7 =	vor.u32 s11, v2;
	s20 =	sor.u32 s10, s4;
	v1 =	vld.idx.msk [tilespmem:v1+s13+$0x0], $0xffff  }
0x320: {  	s0 =	sor.u32 $0x1, s0;
	v9 =	vor.u32 s9, v57;
	v10 =	vor.u32 s20, v2;
	v3 =	vld.idx.msk [tilespmem:v3+s13+$0x0], $0xffff  }
0x321: {  	s14 =	sshll.u32 s0, $0xA;
	v12 =	vor.u32 s6, v57  }
0x322: {  	s7 =	sadd.s32 $0x0, s14;
	[tilespmem:v4+s19+$0x0] =	vst.idx.msk $0xffff, v0  }
0x323: {  	v0 =	vor.u32 s7, v56;
	v4 =	vld.idx.msk [tilespmem:v6+s13+$0x0], $0xffff;
	v6 =	vor.u32 s1, v5  }
0x324: {  	[tilespmem:v7+s19+$0x0] =	vst.idx.msk $0xffff, v1;
	v1 =	vor.u32 s2, v58  }
0x325: {  	v7 =	vld.idx.msk [tilespmem:v9+s13+$0x0], $0xffff;
	v9 =	vor.u32 s11, v5;
	[tilespmem:v10+s19+$0x0] =	vst.idx.msk $0xffff, v3  }
0x326: {  	s0 =	sshll.u32 s0, $0x4;
	v3 =	vor.u32 s20, v5;
	v10 =	vld.idx.msk [tilespmem:v12+s13+$0x0], $0xffff;
	v12 =	vor.u32 s9, v58  }
0x327: {  	s0 =	sor.u32 s10, s0;
	v13 =	vor.u32 s6, v58  }
0x328: {  	v15 =	vor.u32 s0, v2;
	v0 =	vld.idx.msk [tilespmem:v0+s13+$0x0], $0xffff;
	[tilespmem:v6+s19+$0x0] =	vst.idx.msk $0xffff, v4  }
0x329: {  	v4 =	vor.u32 s7, v57;
	v6 =	vor.u32 s1, v8;
	v1 =	vld.idx.msk [tilespmem:v1+s13+$0x0], $0xffff  }
0x32a: {  	[tilespmem:v9+s19+$0x0] =	vst.idx.msk $0xffff, v7;
	v7 =	vor.u32 s2, v59  }
0x32b: {  	v9 =	vor.u32 s11, v8;
	[tilespmem:v3+s19+$0x0] =	vst.idx.msk $0xffff, v10;
	v3 =	vld.idx.msk [tilespmem:v12+s13+$0x0], $0xffff  }
0x32c: {  	v12 =	vor.u32 s20, v8;
	v10 =	vld.idx.msk [tilespmem:v13+s13+$0x0], $0xffff;
	v13 =	vor.u32 s9, v59  }
0x32d: {  	[tilespmem:v15+s19+$0x0] =	vst.idx.msk $0xffff, v0;
	v0 =	vor.u32 s6, v59  }
0x32e: {  	v15 =	vor.u32 s0, v5;
	v4 =	vld.idx.msk [tilespmem:v4+s13+$0x0], $0xffff;
	[tilespmem:v6+s19+$0x0] =	vst.idx.msk $0xffff, v1  }
0x32f: {  	v1 =	vor.u32 s7, v58;
	v6 =	vld.idx.msk [tilespmem:v7+s13+$0x0], $0xffff;
	v7 =	vor.u32 s1, v11  }
0x330: {  	v16 =	vor.u32 s2, v60;
	[tilespmem:v9+s19+$0x0] =	vst.idx.msk $0xffff, v3  }
0x331: {  	v9 =	vor.u32 s11, v11;
	[tilespmem:v12+s19+$0x0] =	vst.idx.msk $0xffff, v10;
	v3 =	vld.idx.msk [tilespmem:v13+s13+$0x0], $0xffff  }
0x332: {  	v10 =	vor.u32 s20, v11;
	v12 =	vor.u32 s9, v60;
	v0 =	vld.idx.msk [tilespmem:v0+s13+$0x0], $0xffff  }
0x333: {  	[tilespmem:v15+s19+$0x0] =	vst.idx.msk $0xffff, v4;
	v4 =	vor.u32 s6, v60  }
0x334: {  	v13 =	vor.u32 s0, v8;
	v1 =	vld.idx.msk [tilespmem:v1+s13+$0x0], $0xffff;
	[tilespmem:v7+s19+$0x0] =	vst.idx.msk $0xffff, v6  }
0x335: {  	v15 =	vor.u32 s1, v14;
	v6 =	vor.u32 s7, v59;
	v7 =	vld.idx.msk [tilespmem:v16+s13+$0x0], $0xffff  }
0x336: {  	v16 =	vor.u32 s2, v61;
	[tilespmem:v9+s19+$0x0] =	vst.idx.msk $0xffff, v3  }
0x337: {  	v3 =	vor.u32 s11, v14;
	[tilespmem:v10+s19+$0x0] =	vst.idx.msk $0xffff, v0;
	v0 =	vld.idx.msk [tilespmem:v12+s13+$0x0], $0xffff  }
0x338: {  	v9 =	vor.u32 s20, v14;
	v10 =	vor.u32 s9, v61;
	v4 =	vld.idx.msk [tilespmem:v4+s13+$0x0], $0xffff  }
0x339: {  	[tilespmem:v13+s19+$0x0] =	vst.idx.msk $0xffff, v1;
	v1 =	vor.u32 s6, v61  }
0x33a: {  	v12 =	vor.u32 s0, v11;
	v6 =	vld.idx.msk [tilespmem:v6+s13+$0x0], $0xffff;
	[tilespmem:v15+s19+$0x0] =	vst.idx.msk $0xffff, v7  }
0x33b: {  	v7 =	vor.u32 s7, v60;
	v15 =	vor.u32 s1, v17;
	v13 =	vld.idx.msk [tilespmem:v16+s13+$0x0], $0xffff  }
0x33c: {  	v16 =	vor.u32 s2, v62;
	[tilespmem:v3+s19+$0x0] =	vst.idx.msk $0xffff, v0  }
0x33d: {  	v3 =	vor.u32 s11, v17;
	[tilespmem:v9+s19+$0x0] =	vst.idx.msk $0xffff, v4;
	v0 =	vld.idx.msk [tilespmem:v10+s13+$0x0], $0xffff  }
0x33e: {  	v4 =	vor.u32 s20, v17;
	v9 =	vor.u32 s9, v62;
	v1 =	vld.idx.msk [tilespmem:v1+s13+$0x0], $0xffff  }
0x33f: {  	[tilespmem:v12+s19+$0x0] =	vst.idx.msk $0xffff, v6;
	v6 =	vor.u32 s6, v62  }
0x340: {  	v10 =	vor.u32 s0, v14;
	v7 =	vld.idx.msk [tilespmem:v7+s13+$0x0], $0xffff;
	[tilespmem:v15+s19+$0x0] =	vst.idx.msk $0xffff, v13  }
0x341: {  	v12 =	vor.u32 s7, v61;
	v15 =	vor.u32 s1, v20;
	v13 =	vld.idx.msk [tilespmem:v16+s13+$0x0], $0xffff  }
0x342: {  	v16 =	vor.u32 s2, v63;
	[tilespmem:v3+s19+$0x0] =	vst.idx.msk $0xffff, v0  }
0x343: {  	[tilespmem:v4+s19+$0x0] =	vst.idx.msk $0xffff, v1;
	v0 =	vld.idx.msk [tilespmem:v9+s13+$0x0], $0xffff;
	v1 =	vor.u32 s11, v20  }
0x344: {  	s29 =	simm.s32 $0x4;
	v4 =	vor.u32 s20, v20;
	v3 =	vld.idx.msk [tilespmem:v6+s13+$0x0], $0xffff;
	v6 =	vor.u32 s9, v63  }
0x345: {  	s15 =	sand.u32 $0x4, s29;
	[tilespmem:v10+s19+$0x0] =	vst.idx.msk $0xffff, v7;
	v7 =	vor.u32 s6, v63  }
0x346: {  	s16 =	sor.u32 $0x2, s15;
	v10 =	vor.u32 s0, v17;
	v9 =	vld.idx.msk [tilespmem:v12+s13+$0x0], $0xffff;
	[tilespmem:v15+s19+$0x0] =	vst.idx.msk $0xffff, v13  }
0x347: {  	s8 =	sshll.u32 s16, $0xA;
	v12 =	vor.u32 s7, v62;
	v15 =	vor.u32 s1, v23;
	v13 =	vld.idx.msk [tilespmem:v16+s13+$0x0], $0xffff  }
0x348: {  	s8 =	sadd.s32 $0x0, s8;
	v16 =	vor.u32 s2, v40;
	[tilespmem:v1+s19+$0x0] =	vst.idx.msk $0xffff, v0  }
0x349: {  	s12 =	sor.u32 $0x1, s15;
	v1 =	vor.u32 s11, v23;
	[tilespmem:v4+s19+$0x0] =	vst.idx.msk $0xffff, v3;
	v0 =	vld.idx.msk [tilespmem:v6+s13+$0x0], $0xffff;
	v3 =	vor.u32 s8, v56  }
0x34a: {  	s21 =	simm.s32 $0x0;
	s18 =	sshll.u32 s12, $0xA;
	v6 =	vor.u32 s9, v40;
	v4 =	vld.idx.msk [tilespmem:v7+s13+$0x0], $0xffff;
	v7 =	vor.u32 s20, v23  }
0x34b: {  	s22 =	sshll.u32 s15, $0xA;
	s25 =	sor.u32 $0x3, s15;
	s30 =	sadd.s32 $0x0, s18;
	[tilespmem:v10+s19+$0x0] =	vst.idx.msk $0xffff, v9;
	v9 =	vor.u32 s6, v40  }
0x34c: {  	s5 =	sshll.u32 s16, $0x4;
	s26 =	sadd.s32 $0x0, s22;
	s17 =	sshll.u32 s25, $0xA;
	v10 =	vld.idx.msk [tilespmem:v12+s13+$0x0], $0xffff;
	v12 =	vor.u32 s30, v56;
	[tilespmem:v15+s19+$0x0] =	vst.idx.msk $0xffff, v13  }
0x34d: {  	s23 =	sor.u32 s21, s5;
	s22 =	sadd.s32 $0x0, s17;
	v15 =	vor.u32 s26, v56;
	v13 =	vld.idx.msk [tilespmem:v16+s13+$0x0], $0xffff  }
0x34e: {  	v16 =	vor.u32 s22, v56;
	[tilespmem:v1+s19+$0x0] =	vst.idx.msk $0xffff, v0;
	v0 =	vld.idx.msk [tilespmem:v3+s13+$0x0], $0xffff;
	v1 =	vor.u32 s23, v2  }
0x34f: {  	s18 =	sshll.u32 s12, $0x4;
	[tilespmem:v7+s19+$0x0] =	vst.idx.msk $0xffff, v4;
	v3 =	vld.idx.msk [tilespmem:v6+s13+$0x0], $0xffff;
	v4 =	vor.u32 s11, v25;
	v6 =	vor.u32 s8, v57  }
0x350: {  	v18 =	vor.u32 s9, v41;
	s12 =	sor.u32 s21, s18;
	s4 =	sshll.u32 s15, $0x4;
	v7 =	vld.idx.msk [tilespmem:v9+s13+$0x0], $0xffff;
	v9 =	vor.u32 s20, v25  }
0x351: {  	s25 =	sshll.u32 s25, $0x4;
	s18 =	sor.u32 s4, s21;
	v19 =	vor.u32 s12, v2;
	v21 =	vor.u32 s6, v41;
	v12 =	vld.idx.msk [tilespmem:v12+s13+$0x0], $0xffff  }
0x352: {  	s25 =	sor.u32 s21, s25;
	v22 =	vor.u32 s30, v57;
	v24 =	vor.u32 s18, v2;
	v15 =	vld.idx.msk [tilespmem:v15+s13+$0x0], $0xffff  }
0x353: {  	v28 =	vor.u32 s25, v2;
	v16 =	vld.idx.msk [tilespmem:v16+s13+$0x0], $0xffff;
	[tilespmem:v1+s19+$0x0] =	vst.idx.msk $0xffff, v0  }
0x354: {  	v0 =	vor.u32 s22, v57;
	[tilespmem:v4+s19+$0x0] =	vst.idx.msk $0xffff, v3;
	v1 =	vld.idx.msk [tilespmem:v6+s13+$0x0], $0xffff;
	v3 =	vor.u32 s23, v5  }
0x355: {  	v26 =	vor.u32 s26, v57;
	v4 =	vor.u32 s1, v25;
	[tilespmem:v9+s19+$0x0] =	vst.idx.msk $0xffff, v7;
	v6 =	vld.idx.msk [tilespmem:v18+s13+$0x0], $0xffff  }
0x356: {  	v7 =	vor.u32 s8, v58;
	v18 =	vor.u32 s20, v27;
	[tilespmem:v19+s19+$0x0] =	vst.idx.msk $0xffff, v12;
	v9 =	vld.idx.msk [tilespmem:v21+s13+$0x0], $0xffff  }
0x357: {  	v19 =	vor.u32 s12, v5;
	[tilespmem:v24+s19+$0x0] =	vst.idx.msk $0xffff, v15;
	v15 =	vld.idx.msk [tilespmem:v22+s13+$0x0], $0xffff  }
0x358: {  	v12 =	vor.u32 s2, v41;
	v22 =	vor.u32 s0, v20;
	[tilespmem:v28+s19+$0x0] =	vst.idx.msk $0xffff, v16  }
0x359: {  	v21 =	vor.u32 s6, v42;
	v16 =	vor.u32 s25, v5;
	v0 =	vld.idx.msk [tilespmem:v0+s13+$0x0], $0xffff;
	[tilespmem:v3+s19+$0x0] =	vst.idx.msk $0xffff, v1  }
0x35a: {  	v24 =	vor.u32 s30, v58;
	v26 =	vld.idx.msk [tilespmem:v26+s13+$0x0], $0xffff;
	[tilespmem:v4+s19+$0x0] =	vst.idx.msk $0xffff, v13;
	v1 =	vor.u32 s18, v5  }
0x35b: {  	v28 =	vor.u32 s7, v63;
	v4 =	vld.idx.msk [tilespmem:v7+s13+$0x0], $0xffff;
	v7 =	vor.u32 s11, v27;
	[tilespmem:v18+s19+$0x0] =	vst.idx.msk $0xffff, v9  }
0x35c: {  	v13 =	vor.u32 s26, v58;
	v9 =	vor.u32 s23, v8;
	[tilespmem:v19+s19+$0x0] =	vst.idx.msk $0xffff, v15  }
0x35d: {  	v3 =	vor.u32 s22, v58;
	v12 =	vld.idx.msk [tilespmem:v12+s13+$0x0], $0xffff;
	v18 =	vor.u32 s1, v27;
	[tilespmem:v22+s19+$0x0] =	vst.idx.msk $0xffff, v10  }
0x35e: {  	v15 =	vld.idx.msk [tilespmem:v21+s13+$0x0], $0xffff;
	v10 =	vor.u32 s8, v59;
	v22 =	vor.u32 s20, v29;
	[tilespmem:v16+s19+$0x0] =	vst.idx.msk $0xffff, v0  }
0x35f: {  	v21 =	vor.u32 s2, v42;
	v19 =	vld.idx.msk [tilespmem:v24+s13+$0x0], $0xffff;
	v16 =	vor.u32 s12, v8;
	[tilespmem:v1+s19+$0x0] =	vst.idx.msk $0xffff, v26  }
0x360: {  	v0 =	vld.idx.msk [tilespmem:v28+s13+$0x0], $0xffff;
	v1 =	vor.u32 s6, v43;
	[tilespmem:v7+s19+$0x0] =	vst.idx.msk $0xffff, v6;
	v7 =	vor.u32 s0, v23  }
0x361: {  	v24 =	vor.u32 s18, v8;
	v6 =	vor.u32 s30, v59;
	v13 =	vld.idx.msk [tilespmem:v13+s13+$0x0], $0xffff;
	[tilespmem:v9+s19+$0x0] =	vst.idx.msk $0xffff, v4  }
0x362: {  	v3 =	vld.idx.msk [tilespmem:v3+s13+$0x0], $0xffff;
	v4 =	vor.u32 s25, v8;
	v9 =	vor.u32 s7, v40;
	[tilespmem:v18+s19+$0x0] =	vst.idx.msk $0xffff, v12  }
0x363: {  	v18 =	vor.u32 s26, v59;
	v10 =	vld.idx.msk [tilespmem:v10+s13+$0x0], $0xffff;
	[tilespmem:v22+s19+$0x0] =	vst.idx.msk $0xffff, v15  }
0x364: {  	v26 =	vor.u32 s22, v59;
	v28 =	vor.u32 s23, v11;
	v21 =	vld.idx.msk [tilespmem:v21+s13+$0x0], $0xffff;
	[tilespmem:v16+s19+$0x0] =	vst.idx.msk $0xffff, v19  }
0x365: {  	v15 =	vor.u32 s8, v60;
	v16 =	vor.u32 s1, v29;
	v1 =	vld.idx.msk [tilespmem:v1+s13+$0x0], $0xffff;
	[tilespmem:v7+s19+$0x0] =	vst.idx.msk $0xffff, v0  }
0x366: {  	v6 =	vld.idx.msk [tilespmem:v6+s13+$0x0], $0xffff;
	v0 =	vor.u32 s2, v43;
	v7 =	vor.u32 s20, v31;
	[tilespmem:v24+s19+$0x0] =	vst.idx.msk $0xffff, v13  }
0x367: {  	v12 =	vor.u32 s6, v44;
	v19 =	vor.u32 s12, v11;
	[tilespmem:v4+s19+$0x0] =	vst.idx.msk $0xffff, v3;
	v3 =	vld.idx.msk [tilespmem:v9+s13+$0x0], $0xffff  }
0x368: {  	v22 =	vor.u32 s0, v25;
	v9 =	vor.u32 s30, v60;
	v18 =	vld.idx.msk [tilespmem:v18+s13+$0x0], $0xffff  }
0x369: {  	v24 =	vor.u32 s7, v41;
	v13 =	vld.idx.msk [tilespmem:v26+s13+$0x0], $0xffff;
	[tilespmem:v28+s19+$0x0] =	vst.idx.msk $0xffff, v10;
	v10 =	vor.u32 s25, v11  }
0x36a: {  	v26 =	vor.u32 s18, v11;
	v28 =	vor.u32 s22, v60;
	v15 =	vld.idx.msk [tilespmem:v15+s13+$0x0], $0xffff;
	[tilespmem:v16+s19+$0x0] =	vst.idx.msk $0xffff, v21  }
0x36b: {  	v16 =	vor.u32 s26, v60;
	v21 =	vor.u32 s23, v14;
	v0 =	vld.idx.msk [tilespmem:v0+s13+$0x0], $0xffff;
	[tilespmem:v7+s19+$0x0] =	vst.idx.msk $0xffff, v1  }
0x36c: {  	[tilespmem:v19+s19+$0x0] =	vst.idx.msk $0xffff, v6;
	v1 =	vor.u32 s8, v61;
	v6 =	vor.u32 s1, v31;
	v7 =	vld.idx.msk [tilespmem:v12+s13+$0x0], $0xffff  }
0x36d: {  	v9 =	vld.idx.msk [tilespmem:v9+s13+$0x0], $0xffff;
	[tilespmem:v22+s19+$0x0] =	vst.idx.msk $0xffff, v3;
	v3 =	vor.u32 s2, v44;
	v12 =	vor.u32 s20, v33  }
0x36e: {  	v19 =	vor.u32 s6, v45;
	v22 =	vor.u32 s12, v14;
	[tilespmem:v10+s19+$0x0] =	vst.idx.msk $0xffff, v13;
	v10 =	vld.idx.msk [tilespmem:v24+s13+$0x0], $0xffff  }
0x36f: {  	[tilespmem:v26+s19+$0x0] =	vst.idx.msk $0xffff, v18;
	v13 =	vor.u32 s30, v61;
	v24 =	vor.u32 s0, v27;
	v18 =	vld.idx.msk [tilespmem:v28+s13+$0x0], $0xffff  }
0x370: {  	v16 =	vld.idx.msk [tilespmem:v16+s13+$0x0], $0xffff;
	[tilespmem:v21+s19+$0x0] =	vst.idx.msk $0xffff, v15;
	v15 =	vor.u32 s25, v14;
	v21 =	vor.u32 s7, v42  }
0x371: {  	v32 =	vor.u32 s22, v62;
	v26 =	vor.u32 s18, v14;
	v28 =	vor.u32 s22, v61;
	v1 =	vld.idx.msk [tilespmem:v1+s13+$0x0], $0xffff;
	[tilespmem:v6+s19+$0x0] =	vst.idx.msk $0xffff, v0  }
0x372: {  	v34 =	vor.u32 s23, v20;
	v0 =	vor.u32 s26, v61;
	v6 =	vor.u32 s23, v17;
	v3 =	vld.idx.msk [tilespmem:v3+s13+$0x0], $0xffff;
	[tilespmem:v12+s19+$0x0] =	vst.idx.msk $0xffff, v7  }
0x373: {  	[tilespmem:v22+s19+$0x0] =	vst.idx.msk $0xffff, v9;
	v7 =	vor.u32 s8, v62;
	v9 =	vor.u32 s1, v33;
	v12 =	vld.idx.msk [tilespmem:v19+s13+$0x0], $0xffff  }
0x374: {  	v19 =	vor.u32 s9, v42;
	v13 =	vld.idx.msk [tilespmem:v13+s13+$0x0], $0xffff;
	[tilespmem:v24+s19+$0x0] =	vst.idx.msk $0xffff, v10;
	v10 =	vor.u32 s20, v35  }
0x375: {  	v22 =	vor.u32 s6, v46;
	v24 =	vor.u32 s12, v17;
	[tilespmem:v15+s19+$0x0] =	vst.idx.msk $0xffff, v18;
	v15 =	vld.idx.msk [tilespmem:v21+s13+$0x0], $0xffff  }
0x376: {  	[tilespmem:v26+s19+$0x0] =	vst.idx.msk $0xffff, v16;
	v16 =	vor.u32 s30, v62;
	v21 =	vor.u32 s0, v29;
	v18 =	vld.idx.msk [tilespmem:v28+s13+$0x0], $0xffff  }
0x377: {  	v26 =	vld.idx.msk [tilespmem:v0+s13+$0x0], $0xffff;
	[tilespmem:v6+s19+$0x0] =	vst.idx.msk $0xffff, v1;
	v0 =	vor.u32 s25, v17;
	v6 =	vor.u32 s7, v43  }
0x378: {  	v49 =	vor.u32 s20, v39;
	v38 =	vor.u32 s20, v37;
	v28 =	vor.u32 s18, v17;
	v30 =	vld.idx.msk [tilespmem:v7+s13+$0x0], $0xffff;
	[tilespmem:v9+s19+$0x0] =	vst.idx.msk $0xffff, v3  }
0x379: {  	v51 =	vor.u32 s6, v47;
	v9 =	vor.u32 s26, v62;
	v19 =	vld.idx.msk [tilespmem:v19+s13+$0x0], $0xffff;
	[tilespmem:v10+s19+$0x0] =	vst.idx.msk $0xffff, v12  }
0x37a: {  	v4 =	vor.u32 s11, v29;
	[tilespmem:v24+s19+$0x0] =	vst.idx.msk $0xffff, v13;
	v24 =	vor.u32 s8, v63;
	v22 =	vld.idx.msk [tilespmem:v22+s13+$0x0], $0xffff  }
0x37b: {  	v52 =	vor.u32 s12, v20;
	v12 =	vor.u32 s9, v43;
	v36 =	vld.idx.msk [tilespmem:v16+s13+$0x0], $0xffff;
	[tilespmem:v21+s19+$0x0] =	vst.idx.msk $0xffff, v15  }
0x37c: {  	v50 =	vor.u32 s9, v45;
	v1 =	vor.u32 s11, v31;
	v3 =	vor.u32 s9, v44;
	[tilespmem:v0+s19+$0x0] =	vst.idx.msk $0xffff, v18;
	v7 =	vld.idx.msk [tilespmem:v6+s13+$0x0], $0xffff  }
0x37d: {  	v13 =	vor.u32 s2, v45;
	v10 =	vor.u32 s7, v44;
	[tilespmem:v28+s19+$0x0] =	vst.idx.msk $0xffff, v26;
	v21 =	vld.idx.msk [tilespmem:v32+s13+$0x0], $0xffff  }
0x37e: {  	v15 =	vor.u32 s0, v31;
	v6 =	vor.u32 s11, v33;
	v0 =	vor.u32 s11, v35;
	v18 =	vld.idx.msk [tilespmem:v9+s13+$0x0], $0xffff;
	[tilespmem:v34+s19+$0x0] =	vst.idx.msk $0xffff, v30  }
0x37f: {  	v48 =	vor.u32 s25, v39;
	v28 =	vor.u32 s25, v20;
	v26 =	vor.u32 s18, v20;
	v16 =	vld.idx.msk [tilespmem:v24+s13+$0x0], $0xffff;
	[tilespmem:v4+s19+$0x0] =	vst.idx.msk $0xffff, v19  }
0x380: {  	v30 =	vor.u32 s22, v63;
	v24 =	vor.u32 s26, v63;
	v12 =	vld.idx.msk [tilespmem:v12+s13+$0x0], $0xffff;
	[tilespmem:v38+s19+$0x0] =	vst.idx.msk $0xffff, v22  }
0x381: {  	v19 =	vor.u32 s8, v40;
	v22 =	vor.u32 s23, v23;
	[tilespmem:v52+s19+$0x0] =	vst.idx.msk $0xffff, v36;
	v9 =	vld.idx.msk [tilespmem:v51+s13+$0x0], $0xffff  }
.LBB2_7:
0x382: {  	s29 =	sadd.s32 $0x4, s29  }
0x383: {  	v4 =	vor.u32 s9, v47;
	[tilespmem:v15+s19+$0x0] =	vst.idx.msk $0xffff, v7;
	v15 =	vor.u32 s7, v45;
	v13 =	vld.idx.msk [tilespmem:v13+s13+$0x0], $0xffff;
	s17 =	simm.s32 $0xC800;
	s4 =	sshrl.u32 s29, $0x3;
	s20 =	sand.u32 $0x4, s29  }
0x384: {  	v7 =	vor.u32 s11, v37;
	p1 =	slt.u32 s29, $0x1C;
	[tilespmem:v28+s19+$0x0] =	vst.idx.msk $0xffff, v21;
	v10 =	vld.idx.msk [tilespmem:v10+s13+$0x0], $0xffff;
	v21 =	vor.u32 s1, v35;
	s15 =	sshll.u32 s4, $0xB;
	s6 =	sor.u32 $0x1, s20  }
0x385: {  	v28 =	vor.u32 s2, v46;
	s3 =	sor.u32 $0x2, s20;
	[tilespmem:v26+s19+$0x0] =	vst.idx.msk $0xffff, v18;
	v18 =	vld.idx.msk [tilespmem:v30+s13+$0x0], $0xffff;
	v26 =	vor.u32 s0, v33;
	s10 =	sshll.u32 s4, $0x4;
	s13 =	sor.u32 $0x3, s20  }
0x386: {  	v30 =	vor.u32 s26, v40;
	s5 =	sshll.u32 s20, $0xA;
	s4 =	sshll.u32 s6, $0xA;
	v24 =	vld.idx.msk [tilespmem:v24+s17+$0x0], $0xffff;
	[tilespmem:v22+s19+$0x0] =	vst.idx.msk $0xffff, v16;
	v16 =	vor.u32 s25, v23;
	s14 =	sshll.u32 s3, $0xA  }
0x387: {  	v32 =	vor.u32 s22, v40;
	v22 =	vor.u32 s18, v23;
	s5 =	sadd.s32 s10, s5;
	s6 =	sshll.u32 s6, $0x4;
	s4 =	sadd.s32 s10, s4;
	v19 =	vld.idx.msk [tilespmem:v19+s17+$0x0], $0xffff;
	[tilespmem:v1+s19+$0x0] =	vst.idx.msk $0xffff, v12  }
0x388: {  	v34 =	vor.u32 s23, v25;
	s16 =	sshll.u32 s13, $0xA;
	s3 =	sshll.u32 s3, $0x4;
	s13 =	sshll.u32 s13, $0x4;
	v12 =	vor.u32 s4, v56;
	v3 =	vld.idx.msk [tilespmem:v3+s17+$0x0], $0xffff;
	[tilespmem:v49+s19+$0x0] =	vst.idx.msk $0xffff, v9;
	v49 =	vmov v48  }
0x389: {  	s21 =	sor.u32 s15, s6;
	s14 =	sadd.s32 s10, s14;
	s6 =	sadd.s32 s10, s16;
	v9 =	vor.u32 s0, v35;
	[tilespmem:v21+s19+$0x0] =	vst.idx.msk $0xffff, v13  }
0x38a: {  	s10 =	sshll.u32 s20, $0x4;
	s20 =	sor.u32 s15, s13;
	s13 =	simm.s32 $0xC800;
	v13 =	vor.u32 s14, v56;
	v21 =	vor.u32 s6, v56;
	[tilespmem:v26+s19+$0x0] =	vst.idx.msk $0xffff, v10;
	v10 =	vld.idx.msk [tilespmem:v28+s17+$0x0], $0xffff  }
0x38b: {  	s3 =	sor.u32 s15, s3;
	v1 =	vor.u32 s11, v39;
	s10 =	sor.u32 s10, s15;
	[tilespmem:v16+s19+$0x0] =	vst.idx.msk $0xffff, v18;
	v15 =	vld.idx.msk [tilespmem:v15+s13+$0x0], $0xffff;
	v16 =	vor.u32 s1, v37  }
0x38c: {  	s11 =	smov.u32 s18;
	v48 =	vor.u32 s20, v39;
	s18 =	smov.u32 s10;
	v18 =	vor.u32 s5, v56;
	[tilespmem:v22+s19+$0x0] =	vst.idx.msk $0xffff, v24;
	v22 =	vld.idx.msk [tilespmem:v32+s13+$0x0], $0xffff  }
0x38d: {  	v26 =	vor.u32 s7, v46;
	v24 =	vld.idx.msk [tilespmem:v30+s13+$0x0], $0xffff;
	[tilespmem:v34+s19+$0x0] =	vst.idx.msk $0xffff, v19;
	v19 =	vor.u32 s25, v25  }
0x38e: {  	v28 =	vor.u32 s11, v25;
	v12 =	vld.idx.msk [tilespmem:v12+s13+$0x0], $0xffff;
	[tilespmem:v6+s19+$0x0] =	vst.idx.msk $0xffff, v3;
	v3 =	vor.u32 s2, v47;
	s2 =	smov.u32 s8;
	s8 =	smov.u32 s14  }
0x38f: {  	v30 =	vor.u32 s26, v41;
	v6 =	vor.u32 s21, v2;
	v32 =	vld.idx.msk [tilespmem:v50+s13+$0x0], $0xffff  }
0x390: {  	v36 =	vor.u32 s3, v2;
	v34 =	vor.u32 s4, v57;
	v13 =	vld.idx.msk [tilespmem:v13+s13+$0x0], $0xffff;
	[tilespmem:v16+s19+$0x0] =	vst.idx.msk $0xffff, v10  }
0x391: {  	v16 =	vor.u32 s8, v57;
	v10 =	vld.idx.msk [tilespmem:v18+s13+$0x0], $0xffff;
	v18 =	vor.u32 s9, v46;
	[tilespmem:v9+s19+$0x0] =	vst.idx.msk $0xffff, v15;
	s9 =	smov.u32 s26;
	s26 =	smov.u32 s5  }
0x392: {  	v9 =	vor.u32 s18, v2;
	[tilespmem:v19+s19+$0x0] =	vst.idx.msk $0xffff, v22;
	v15 =	vld.idx.msk [tilespmem:v26+s13+$0x0], $0xffff;
	v19 =	vor.u32 s0, v37  }
0x393: {  	v22 =	vor.u32 s26, v57;
	[tilespmem:v28+s19+$0x0] =	vst.idx.msk $0xffff, v24;
	v3 =	vld.idx.msk [tilespmem:v3+s13+$0x0], $0xffff;
	v24 =	vor.u32 s1, v39;
	s1 =	smov.u32 s23;
	s23 =	smov.u32 s3  }
0x394: {  	v26 =	vor.u32 s22, v41;
	[tilespmem:v6+s19+$0x0] =	vst.idx.msk $0xffff, v12;
	v6 =	vor.u32 s20, v2;
	v12 =	vld.idx.msk [tilespmem:v30+s13+$0x0], $0xffff  }
0x395: {  	v28 =	vor.u32 s6, v57;
	v30 =	vor.u32 s11, v27;
	v21 =	vld.idx.msk [tilespmem:v21+s13+$0x0], $0xffff;
	[tilespmem:v0+s19+$0x0] =	vst.idx.msk $0xffff, v32  }
0x396: {  	v0 =	vor.u32 s21, v5;
	[tilespmem:v36+s19+$0x0] =	vst.idx.msk $0xffff, v13;
	v13 =	vld.idx.msk [tilespmem:v18+s13+$0x0], $0xffff;
	v18 =	vor.u32 s7, v47;
	s7 =	smov.u32 s30;
	s30 =	smov.u32 s4  }
0x397: {  	[tilespmem:v9+s19+$0x0] =	vst.idx.msk $0xffff, v10;
	v9 =	vor.u32 s30, v58;
	v10 =	vld.idx.msk [tilespmem:v16+s13+$0x0], $0xffff;
	v16 =	vor.u32 s23, v5  }
0x398: {  	v50 =	vor.u32 s9, v45;
	v22 =	vld.idx.msk [tilespmem:v22+s13+$0x0], $0xffff;
	[tilespmem:v19+s19+$0x0] =	vst.idx.msk $0xffff, v15  }
0x399: {  	v15 =	vor.u32 s18, v5;
	v19 =	vor.u32 s8, v58;
	v26 =	vld.idx.msk [tilespmem:v26+s13+$0x0], $0xffff;
	[tilespmem:v24+s19+$0x0] =	vst.idx.msk $0xffff, v3  }
0x39a: {  	v24 =	vor.u32 s25, v27;
	v3 =	vld.idx.msk [tilespmem:v34+s13+$0x0], $0xffff;
	[tilespmem:v30+s19+$0x0] =	vst.idx.msk $0xffff, v12;
	v12 =	vor.u32 s2, v41  }
0x39b: {  	[tilespmem:v6+s19+$0x0] =	vst.idx.msk $0xffff, v21;
	v6 =	vor.u32 s20, v5;
	v21 =	vor.u32 s22, v42;
	v18 =	vld.idx.msk [tilespmem:v18+s13+$0x0], $0xffff  }
0x39c: {  	v30 =	vor.u32 s7, v63;
	v28 =	vld.idx.msk [tilespmem:v28+s13+$0x0], $0xffff;
	[tilespmem:v7+s19+$0x0] =	vst.idx.msk $0xffff, v13;
	v7 =	vor.u32 s0, v39;
	s0 =	smov.u32 s12;
	s12 =	smov.u32 s21  }
0x39d: {  	v13 =	vor.u32 s12, v8;
	[tilespmem:v16+s19+$0x0] =	vst.idx.msk $0xffff, v10;
	v10 =	vor.u32 s6, v58;
	v4 =	vld.idx.msk [tilespmem:v4+s13+$0x0], $0xffff  }
0x39e: {  	v32 =	vor.u32 s11, v29;
	v16 =	vor.u32 s26, v58;
	[tilespmem:v15+s19+$0x0] =	vst.idx.msk $0xffff, v22;
	v15 =	vld.idx.msk [tilespmem:v19+s13+$0x0], $0xffff  }
0x39f: {  	v19 =	vor.u32 s23, v8;
	v22 =	vor.u32 s2, v42;
	v12 =	vld.idx.msk [tilespmem:v12+s13+$0x0], $0xffff;
	[tilespmem:v24+s19+$0x0] =	vst.idx.msk $0xffff, v26  }
0x3a0: {  	[tilespmem:v0+s19+$0x0] =	vst.idx.msk $0xffff, v3;
	v0 =	vor.u32 s8, v59;
	v3 =	vor.u32 s1, v27;
	v21 =	vld.idx.msk [tilespmem:v21+s13+$0x0], $0xffff  }
0x3a1: {  	v24 =	vor.u32 s25, v29;
	v26 =	vor.u32 s0, v23;
	v9 =	vld.idx.msk [tilespmem:v9+s13+$0x0], $0xffff;
	[tilespmem:v7+s19+$0x0] =	vst.idx.msk $0xffff, v18  }
0x3a2: {  	v7 =	vor.u32 s22, v43;
	v18 =	vor.u32 s30, v59;
	[tilespmem:v6+s19+$0x0] =	vst.idx.msk $0xffff, v28;
	v6 =	vld.idx.msk [tilespmem:v30+s13+$0x0], $0xffff  }
0x3a3: {  	v34 =	vor.u32 s23, v14;
	v28 =	vor.u32 s6, v59;
	v30 =	vor.u32 s23, v11;
	v10 =	vld.idx.msk [tilespmem:v10+s13+$0x0], $0xffff;
	[tilespmem:v1+s19+$0x0] =	vst.idx.msk $0xffff, v4  }
0x3a4: {  	v1 =	vld.idx.msk [tilespmem:v16+s13+$0x0], $0xffff;
	[tilespmem:v19+s19+$0x0] =	vst.idx.msk $0xffff, v15;
	v15 =	vor.u32 s20, v8;
	v16 =	vor.u32 s7, v40  }
0x3a5: {  	v19 =	vor.u32 s18, v8;
	v0 =	vld.idx.msk [tilespmem:v0+s13+$0x0], $0xffff;
	[tilespmem:v3+s19+$0x0] =	vst.idx.msk $0xffff, v12;
	v12 =	vor.u32 s22, v44  }
0x3a6: {  	v4 =	vor.u32 s9, v43;
	v3 =	vor.u32 s26, v59;
	v22 =	vld.idx.msk [tilespmem:v22+s13+$0x0], $0xffff;
	[tilespmem:v24+s19+$0x0] =	vst.idx.msk $0xffff, v21  }
0x3a7: {  	[tilespmem:v13+s19+$0x0] =	vst.idx.msk $0xffff, v9;
	v9 =	vor.u32 s8, v60;
	v13 =	vor.u32 s1, v29;
	v7 =	vld.idx.msk [tilespmem:v7+s13+$0x0], $0xffff  }
0x3a8: {  	v21 =	vor.u32 s25, v31;
	v18 =	vld.idx.msk [tilespmem:v18+s13+$0x0], $0xffff;
	[tilespmem:v26+s19+$0x0] =	vst.idx.msk $0xffff, v6;
	v6 =	vor.u32 s2, v43  }
0x3a9: {  	v24 =	vor.u32 s12, v11;
	v26 =	vor.u32 s7, v41;
	[tilespmem:v15+s19+$0x0] =	vst.idx.msk $0xffff, v10;
	v10 =	vld.idx.msk [tilespmem:v16+s13+$0x0], $0xffff  }
0x3aa: {  	v16 =	vor.u32 s0, v25;
	[tilespmem:v19+s19+$0x0] =	vst.idx.msk $0xffff, v1;
	v1 =	vor.u32 s30, v60;
	v15 =	vld.idx.msk [tilespmem:v28+s13+$0x0], $0xffff  }
0x3ab: {  	v28 =	vor.u32 s18, v11;
	v19 =	vld.idx.msk [tilespmem:v3+s13+$0x0], $0xffff;
	[tilespmem:v30+s19+$0x0] =	vst.idx.msk $0xffff, v0;
	v0 =	vor.u32 s20, v11  }
0x3ac: {  	v30 =	vor.u32 s6, v60;
	v9 =	vld.idx.msk [tilespmem:v9+s13+$0x0], $0xffff;
	[tilespmem:v13+s19+$0x0] =	vst.idx.msk $0xffff, v22;
	v13 =	vor.u32 s22, v45  }
0x3ad: {  	v38 =	vor.u32 s9, v42;
	v3 =	vor.u32 s9, v44;
	v22 =	vor.u32 s26, v60;
	v6 =	vld.idx.msk [tilespmem:v6+s13+$0x0], $0xffff;
	[tilespmem:v21+s19+$0x0] =	vst.idx.msk $0xffff, v7  }
0x3ae: {  	v7 =	vor.u32 s8, v61;
	[tilespmem:v24+s19+$0x0] =	vst.idx.msk $0xffff, v18;
	v18 =	vor.u32 s1, v31;
	v12 =	vld.idx.msk [tilespmem:v12+s13+$0x0], $0xffff  }
0x3af: {  	v21 =	vld.idx.msk [tilespmem:v1+s13+$0x0], $0xffff;
	[tilespmem:v16+s19+$0x0] =	vst.idx.msk $0xffff, v10;
	v10 =	vor.u32 s2, v44;
	v16 =	vor.u32 s25, v33  }
0x3b0: {  	v24 =	vor.u32 s12, v14;
	v1 =	vor.u32 s11, v31;
	[tilespmem:v0+s19+$0x0] =	vst.idx.msk $0xffff, v15;
	v0 =	vld.idx.msk [tilespmem:v26+s13+$0x0], $0xffff  }
0x3b1: {  	v15 =	vor.u32 s30, v61;
	v26 =	vor.u32 s0, v27;
	[tilespmem:v28+s19+$0x0] =	vst.idx.msk $0xffff, v19;
	v19 =	vld.idx.msk [tilespmem:v30+s13+$0x0], $0xffff  }
0x3b2: {  	v28 =	vor.u32 s7, v42;
	v22 =	vld.idx.msk [tilespmem:v22+s13+$0x0], $0xffff;
	[tilespmem:v34+s19+$0x0] =	vst.idx.msk $0xffff, v9;
	v9 =	vor.u32 s20, v14  }
0x3b3: {  	v30 =	vor.u32 s18, v14;
	v34 =	vor.u32 s6, v61;
	v7 =	vld.idx.msk [tilespmem:v7+s13+$0x0], $0xffff;
	[tilespmem:v18+s19+$0x0] =	vst.idx.msk $0xffff, v6  }
0x3b4: {  	v36 =	vor.u32 s23, v17;
	v18 =	vor.u32 s26, v61;
	v10 =	vld.idx.msk [tilespmem:v10+s13+$0x0], $0xffff;
	[tilespmem:v16+s19+$0x0] =	vst.idx.msk $0xffff, v12  }
0x3b5: {  	v12 =	vor.u32 s8, v62;
	v16 =	vor.u32 s1, v33;
	[tilespmem:v24+s19+$0x0] =	vst.idx.msk $0xffff, v21;
	v13 =	vld.idx.msk [tilespmem:v13+s13+$0x0], $0xffff  }
0x3b6: {  	v21 =	vor.u32 s22, v46;
	v15 =	vld.idx.msk [tilespmem:v15+s13+$0x0], $0xffff;
	[tilespmem:v26+s19+$0x0] =	vst.idx.msk $0xffff, v0;
	v0 =	vor.u32 s25, v35  }
0x3b7: {  	v6 =	vor.u32 s11, v33;
	v24 =	vor.u32 s12, v17;
	[tilespmem:v9+s19+$0x0] =	vst.idx.msk $0xffff, v19;
	v9 =	vld.idx.msk [tilespmem:v28+s13+$0x0], $0xffff  }
0x3b8: {  	v26 =	vor.u32 s0, v29;
	v19 =	vor.u32 s30, v62;
	[tilespmem:v30+s19+$0x0] =	vst.idx.msk $0xffff, v22;
	v22 =	vld.idx.msk [tilespmem:v34+s13+$0x0], $0xffff  }
0x3b9: {  	v28 =	vor.u32 s7, v43;
	v18 =	vld.idx.msk [tilespmem:v18+s13+$0x0], $0xffff;
	[tilespmem:v36+s19+$0x0] =	vst.idx.msk $0xffff, v7;
	v7 =	vor.u32 s20, v17  }
0x3ba: {  	v30 =	vor.u32 s18, v17;
	v34 =	vor.u32 s6, v62;
	v12 =	vld.idx.msk [tilespmem:v12+s13+$0x0], $0xffff;
	[tilespmem:v16+s19+$0x0] =	vst.idx.msk $0xffff, v10  }
0x3bb: {  	v10 =	vor.u32 s26, v62;
	v16 =	vor.u32 s23, v20;
	v36 =	vld.idx.msk [tilespmem:v38+s13+$0x0], $0xffff;
	[tilespmem:v0+s19+$0x0] =	vst.idx.msk $0xffff, v13  }
0x3bc: {  	[tilespmem:v24+s19+$0x0] =	vst.idx.msk $0xffff, v15;
	v24 =	vor.u32 s8, v63;
	v38 =	vld.idx.msk [tilespmem:v21+s13+$0x0], $0xffff  }
0x3bd: {  	v51 =	vor.u32 s22, v47;
	s22 =	smov.u32 s6;
	v19 =	vld.idx.msk [tilespmem:v19+s13+$0x0], $0xffff;
	[tilespmem:v26+s19+$0x0] =	vst.idx.msk $0xffff, v9;
	v9 =	vor.u32 s25, v37;
	s25 =	smov.u32 s20  }
0x3be: {  	v52 =	vor.u32 s12, v20;
	v0 =	vor.u32 s11, v35;
	[tilespmem:v7+s19+$0x0] =	vst.idx.msk $0xffff, v22;
	v7 =	vld.idx.msk [tilespmem:v28+s13+$0x0], $0xffff  }
.Ltmp2:
0x3bf: {  	v13 =	vor.u32 s2, v45;
	v15 =	vor.u32 s0, v31;
	[tilespmem:v30+s19+$0x0] =	vst.idx.msk $0xffff, v18;
	v21 =	vld.idx.msk [tilespmem:v34+s13+$0x0], $0xffff;
	(pc) =	sbr.rel @p1 .LBB2_7-.Ltmp2, $4  }
0x3c0: {  	v28 =	vor.u32 s25, v20;
	v18 =	vld.idx.msk [tilespmem:v10+s13+$0x0], $0xffff;
	[tilespmem:v16+s19+$0x0] =	vst.idx.msk $0xffff, v12;
	v10 =	vor.u32 s7, v44  }
0x3c1: {  	v26 =	vor.u32 s18, v20;
	v30 =	vor.u32 s22, v63;
	v16 =	vld.idx.msk [tilespmem:v24+s13+$0x0], $0xffff;
	[tilespmem:v32+s19+$0x0] =	vst.idx.msk $0xffff, v36  }
0x3c2: {  	v22 =	vor.u32 s23, v23;
	v24 =	vor.u32 s26, v63;
	v12 =	vld.idx.msk [tilespmem:v4+s13+$0x0], $0xffff;
	[tilespmem:v9+s19+$0x0] =	vst.idx.msk $0xffff, v38  }
0x3c3: {  	[tilespmem:v52+s19+$0x0] =	vst.idx.msk $0xffff, v19;
	v19 =	vor.u32 s8, v40;
	v9 =	vld.idx.msk [tilespmem:v51+s13+$0x0], $0xffff  }
0x3c4: {  	_ =	sdelay $0x2  }
0x3c5: {  	v4 =	vor.u32 s30, v63  }
0x3c6: {  	[tilespmem:v28+s19+$0x0] =	vst.idx.msk $0xffff, v21  }
0x3c7: {  	v28 =	vor.u32 s25, v23;
	v21 =	vld.idx.msk [tilespmem:v30+s13+$0x0], $0xffff  }
0x3c8: {  	v30 =	vor.u32 s22, v40;
	[tilespmem:v26+s19+$0x0] =	vst.idx.msk $0xffff, v18  }
0x3c9: {  	v26 =	vor.u32 s18, v23;
	v24 =	vld.idx.msk [tilespmem:v24+s13+$0x0], $0xffff  }
0x3ca: {  	v34 =	vor.u32 s26, v40;
	v18 =	vor.u32 s12, v23;
	v4 =	vld.idx.msk [tilespmem:v4+s13+$0x0], $0xffff  }
0x3cb: {  	v32 =	vor.u32 s30, v40  }
0x3cc: {  	[tilespmem:v28+s19+$0x0] =	vst.idx.msk $0xffff, v21  }
0x3cd: {  	[tilespmem:v22+s19+$0x0] =	vst.idx.msk $0xffff, v16;
	v21 =	vor.u32 s25, v25;
	v16 =	vld.idx.msk [tilespmem:v30+s13+$0x0], $0xffff  }
0x3ce: {  	v22 =	vor.u32 s23, v25;
	v19 =	vld.idx.msk [tilespmem:v19+s13+$0x0], $0xffff;
	v28 =	vor.u32 s22, v41;
	[tilespmem:v26+s19+$0x0] =	vst.idx.msk $0xffff, v24  }
0x3cf: {  	v30 =	vor.u32 s18, v25;
	v26 =	vld.idx.msk [tilespmem:v34+s13+$0x0], $0xffff;
	[tilespmem:v18+s19+$0x0] =	vst.idx.msk $0xffff, v4;
	v4 =	vor.u32 s8, v41  }
0x3d0: {  	v54 =	vor.u32 s26, v41;
	v24 =	vor.u32 s12, v25;
	v18 =	vld.idx.msk [tilespmem:v32+s13+$0x0], $0xffff  }
0x3d1: {  	[tilespmem:v15+s19+$0x0] =	vst.idx.msk $0xffff, v7  }
0x3d2: {  	v53 =	vor.u32 s30, v41;
	[tilespmem:v21+s19+$0x0] =	vst.idx.msk $0xffff, v16  }
0x3d3: {  	[tilespmem:v22+s19+$0x0] =	vst.idx.msk $0xffff, v19;
	v19 =	vor.u32 s25, v27;
	v16 =	vld.idx.msk [tilespmem:v28+s13+$0x0], $0xffff  }
0x3d4: {  	v22 =	vor.u32 s23, v27;
	v21 =	vor.u32 s22, v42;
	[tilespmem:v30+s19+$0x0] =	vst.idx.msk $0xffff, v26;
	v4 =	vld.idx.msk [tilespmem:v4+s13+$0x0], $0xffff  }
0x3d5: {  	v15 =	vor.u32 s18, v27;
	v7 =	vld.idx.msk [tilespmem:v54+s13+$0x0], $0xffff;
	[tilespmem:v24+s19+$0x0] =	vst.idx.msk $0xffff, v18;
	v18 =	vor.u32 s8, v42  }
0x3d6: {  	[tilespmem:v1+s19+$0x0] =	vst.idx.msk $0xffff, v12;
	v1 =	vor.u32 s26, v42;
	v12 =	vld.idx.msk [tilespmem:v13+s13+$0x0], $0xffff;
	v13 =	vor.u32 s1, v35  }
0x3d7: {  	[tilespmem:v49+s19+$0x0] =	vst.idx.msk $0xffff, v9;
	v26 =	vor.u32 s12, v27;
	v24 =	vld.idx.msk [tilespmem:v53+s13+$0x0], $0xffff  }
0x3d8: {  	v28 =	vor.u32 s30, v42;
	[tilespmem:v19+s19+$0x0] =	vst.idx.msk $0xffff, v16  }
0x3d9: {  	v19 =	vor.u32 s25, v29;
	v16 =	vld.idx.msk [tilespmem:v21+s13+$0x0], $0xffff;
	[tilespmem:v22+s19+$0x0] =	vst.idx.msk $0xffff, v4  }
0x3da: {  	v21 =	vor.u32 s23, v29;
	[tilespmem:v15+s19+$0x0] =	vst.idx.msk $0xffff, v7;
	v4 =	vor.u32 s22, v43;
	v18 =	vld.idx.msk [tilespmem:v18+s13+$0x0], $0xffff  }
0x3db: {  	v9 =	vor.u32 s18, v29;
	[tilespmem:v13+s19+$0x0] =	vst.idx.msk $0xffff, v12;
	v7 =	vor.u32 s8, v43;
	v1 =	vld.idx.msk [tilespmem:v1+s13+$0x0], $0xffff  }
0x3dc: {  	v10 =	vld.idx.msk [tilespmem:v10+s13+$0x0], $0xffff;
	v12 =	vor.u32 s26, v43;
	[tilespmem:v26+s19+$0x0] =	vst.idx.msk $0xffff, v24;
	v26 =	vor.u32 s0, v33  }
0x3dd: {  	v13 =	vor.u32 s2, v46;
	v22 =	vor.u32 s12, v29;
	v15 =	vld.idx.msk [tilespmem:v28+s13+$0x0], $0xffff  }
0x3de: {  	v3 =	vld.idx.msk [tilespmem:v3+s13+$0x0], $0xffff;
	v24 =	vor.u32 s30, v43;
	[tilespmem:v19+s19+$0x0] =	vst.idx.msk $0xffff, v16  }
0x3df: {  	v16 =	vor.u32 s7, v45;
	v19 =	vor.u32 s25, v31;
	v4 =	vld.idx.msk [tilespmem:v4+s13+$0x0], $0xffff;
	[tilespmem:v21+s19+$0x0] =	vst.idx.msk $0xffff, v18  }
0x3e0: {  	[tilespmem:v9+s19+$0x0] =	vst.idx.msk $0xffff, v1;
	v21 =	vor.u32 s23, v31;
	v7 =	vld.idx.msk [tilespmem:v7+s13+$0x0], $0xffff  }
0x3e1: {  	v1 =	vor.u32 s18, v31;
	v18 =	vor.u32 s22, v44;
	[tilespmem:v26+s19+$0x0] =	vst.idx.msk $0xffff, v10;
	v10 =	vld.idx.msk [tilespmem:v12+s13+$0x0], $0xffff  }
0x3e2: {  	v12 =	vld.idx.msk [tilespmem:v13+s13+$0x0], $0xffff;
	v13 =	vor.u32 s1, v37;
	[tilespmem:v22+s19+$0x0] =	vst.idx.msk $0xffff, v15;
	v15 =	vor.u32 s8, v44  }
0x3e3: {  	[tilespmem:v6+s19+$0x0] =	vst.idx.msk $0xffff, v3;
	v3 =	vor.u32 s26, v44;
	v22 =	vld.idx.msk [tilespmem:v24+s13+$0x0], $0xffff;
	v24 =	vor.u32 s12, v31  }
0x3e4: {  	v6 =	vor.u32 s0, v35;
	v16 =	vld.idx.msk [tilespmem:v16+s13+$0x0], $0xffff;
	[tilespmem:v19+s19+$0x0] =	vst.idx.msk $0xffff, v4  }
0x3e5: {  	v9 =	vor.u32 s30, v44;
	[tilespmem:v21+s19+$0x0] =	vst.idx.msk $0xffff, v7  }
0x3e6: {  	v4 =	vor.u32 s7, v46;
	v19 =	vor.u32 s25, v33;
	v18 =	vld.idx.msk [tilespmem:v18+s13+$0x0], $0xffff;
	[tilespmem:v1+s19+$0x0] =	vst.idx.msk $0xffff, v10  }
0x3e7: {  	v7 =	vor.u32 s22, v45;
	v21 =	vor.u32 s23, v33;
	[tilespmem:v13+s19+$0x0] =	vst.idx.msk $0xffff, v12;
	v15 =	vld.idx.msk [tilespmem:v15+s13+$0x0], $0xffff  }
0x3e8: {  	v1 =	vor.u32 s18, v33;
	v3 =	vld.idx.msk [tilespmem:v3+s13+$0x0], $0xffff;
	[tilespmem:v24+s19+$0x0] =	vst.idx.msk $0xffff, v22;
	v22 =	vor.u32 s8, v45  }
0x3e9: {  	v12 =	vld.idx.msk [tilespmem:v50+s13+$0x0], $0xffff;
	[tilespmem:v6+s19+$0x0] =	vst.idx.msk $0xffff, v16;
	v6 =	vor.u32 s26, v45  }
0x3ea: {  	v13 =	vor.u32 s2, v47;
	v24 =	vor.u32 s12, v33;
	v9 =	vld.idx.msk [tilespmem:v9+s13+$0x0], $0xffff  }
0x3eb: {  	v10 =	vor.u32 s30, v45;
	v16 =	vor.u32 s0, v37;
	v4 =	vld.idx.msk [tilespmem:v4+s13+$0x0], $0xffff;
	[tilespmem:v19+s19+$0x0] =	vst.idx.msk $0xffff, v18  }
0x3ec: {  	v18 =	vor.u32 s9, v46;
	v7 =	vld.idx.msk [tilespmem:v7+s13+$0x0], $0xffff;
	[tilespmem:v21+s19+$0x0] =	vst.idx.msk $0xffff, v15  }
0x3ed: {  	v19 =	vor.u32 s25, v35;
	[tilespmem:v1+s19+$0x0] =	vst.idx.msk $0xffff, v3;
	v21 =	vld.idx.msk [tilespmem:v22+s13+$0x0], $0xffff  }
0x3ee: {  	[tilespmem:v0+s19+$0x0] =	vst.idx.msk $0xffff, v12;
	v15 =	vor.u32 s22, v46;
	v22 =	vor.u32 s23, v35;
	v3 =	vld.idx.msk [tilespmem:v6+s13+$0x0], $0xffff  }
0x3ef: {  	v0 =	vor.u32 s18, v35;
	v6 =	vld.idx.msk [tilespmem:v13+s13+$0x0], $0xffff;
	[tilespmem:v24+s19+$0x0] =	vst.idx.msk $0xffff, v9;
	v9 =	vor.u32 s8, v46  }
0x3f0: {  	v12 =	vor.u32 s1, v39;
	[tilespmem:v16+s19+$0x0] =	vst.idx.msk $0xffff, v4;
	v4 =	vor.u32 s26, v46;
	v10 =	vld.idx.msk [tilespmem:v10+s13+$0x0], $0xffff  }
0x3f1: {  	v24 =	vor.u32 s12, v35;
	v16 =	vld.idx.msk [tilespmem:v18+s13+$0x0], $0xffff;
	v18 =	vor.u32 s7, v47  }
0x3f2: {  	v1 =	vor.u32 s30, v46;
	v13 =	vor.u32 s11, v37;
	[tilespmem:v19+s19+$0x0] =	vst.idx.msk $0xffff, v7  }
0x3f3: {  	v7 =	vor.u32 s9, v47;
	v19 =	vor.u32 s25, v37;
	v15 =	vld.idx.msk [tilespmem:v15+s13+$0x0], $0xffff;
	[tilespmem:v22+s19+$0x0] =	vst.idx.msk $0xffff, v21  }
0x3f4: {  	v21 =	vor.u32 s22, v47;
	v22 =	vor.u32 s23, v37;
	[tilespmem:v0+s19+$0x0] =	vst.idx.msk $0xffff, v3;
	v9 =	vld.idx.msk [tilespmem:v9+s13+$0x0], $0xffff  }
0x3f5: {  	[tilespmem:v12+s19+$0x0] =	vst.idx.msk $0xffff, v6;
	v0 =	vor.u32 s18, v37;
	v3 =	vld.idx.msk [tilespmem:v4+s13+$0x0], $0xffff  }
0x3f6: {  	v12 =	vor.u32 s0, v39;
	[tilespmem:v24+s19+$0x0] =	vst.idx.msk $0xffff, v10;
	v10 =	vor.u32 s8, v47;
	v6 =	vld.idx.msk [tilespmem:v18+s13+$0x0], $0xffff  }
0x3f7: {  	v24 =	vor.u32 s12, v37;
	[tilespmem:v13+s19+$0x0] =	vst.idx.msk $0xffff, v16;
	v1 =	vld.idx.msk [tilespmem:v1+s13+$0x0], $0xffff  }
0x3f8: {  	v16 =	vor.u32 s11, v39;
	v7 =	vld.idx.msk [tilespmem:v7+s13+$0x0], $0xffff;
	[tilespmem:v19+s19+$0x0] =	vst.idx.msk $0xffff, v15  }
0x3f9: {  	v4 =	vor.u32 s30, v47;
	v15 =	vld.idx.msk [tilespmem:v21+s13+$0x0], $0xffff;
	[tilespmem:v22+s19+$0x0] =	vst.idx.msk $0xffff, v9  }
0x3fa: {  	v13 =	vor.u32 s26, v47;
	[tilespmem:v0+s19+$0x0] =	vst.idx.msk $0xffff, v3  }
0x3fb: {  	v9 =	vld.idx.msk [tilespmem:v10+s13+$0x0], $0xffff;
	v10 =	vor.u32 s23, v39;
	[tilespmem:v12+s19+$0x0] =	vst.idx.msk $0xffff, v6  }
0x3fc: {  	[tilespmem:v24+s19+$0x0] =	vst.idx.msk $0xffff, v1  }
0x3fd: {  	[tilespmem:v16+s19+$0x0] =	vst.idx.msk $0xffff, v7  }
0x3fe: {  	v0 =	vor.u32 s12, v39;
	v1 =	vld.idx.msk [tilespmem:v4+s13+$0x0], $0xffff;
	[tilespmem:v48+s19+$0x0] =	vst.idx.msk $0xffff, v15  }
0x3ff: {  	v3 =	vor.u32 s18, v39;
	v4 =	vld.idx.msk [tilespmem:v13+s13+$0x0], $0xffff;
	s3 =	rddreg [dreg:$0xa]  }
0x400: {  	[tilespmem:v10+s19+$0x0] =	vst.idx.msk $0xffff, v9;
	p1 =	sne.s32 s3, $0x31  }
.Ltmp3:
0x401: {  	s23 =	sshll.u32 s3, $0x14;
	s25 =	rddreg [dreg:$0x5];
	(pc) =	sbr.rel @p1 .LBB2_10-.Ltmp3, $4  }
0x402: {  	s0 =	sor.u32 s25, s23  }
0x403: {  	s29 =	simm.s32 $0x400;
	s26 =	rddreg [dreg:$0x1];
	[tilespmem:v0+s19+$0x0] =	vst.idx.msk $0xffff, v1;
	s1 =	sshrl.u32 s0, $0x3  }
0x404: {  	s30 =	simm.s32 $0x8000;
	[tilespmem:v3+s19+$0x0] =	vst.idx.msk $0xffff, v4;
	s15 =	smov.u32 s1;
	s0 =	sadd.s32 s26, s1  }
0x405: {  	[hbm4b:s0+s29] =	stream.strided.scatter [tilespmem:s19], [sflag:$0x5], $0x2000, s30, s29, $0x38;
	[tilespmem:$0x1C800] =	vst v63  }
.Ltmp4:
0x406: {  	(pc) =	sbr.rel .LBB2_11-.Ltmp4, $4  }
0x407: {  	s0 =	simm.s32 $0x2  }
0x408: {  	_ =	swait.ge [sflag:s0], $0x2000  }
0x409: {  	[sflag:s0] =	ssyncset.done $0x0  }
0x40a: {  	s17 =	simm.s32 $0xE800;
	[sflag:s0] =	ssyncadd.s32 $0xFFFFE000  }
.LBB2_10:
0x40b: {  	s0 =	sshll.u32 s3, $0x9  }
0x40c: {  	s1 =	rddreg [dreg:$0x3];
	s2 =	simm.s32 $0x80;
	s0 =	sand.u32 $0x3FFFFE00, s0  }
.Ltmp5:
0x40d: {  	s30 =	simm.s32 $0x2;
	s0 =	sadd.s32 $0x200, s0;
	(pc) =	sbr.rel @p0 .LBB2_12-.Ltmp5, $4  }
0x40e: {  	[tilespmem:s13], [sflag:$0x1] =	stream.indirect.gather [hbm4b:s1+s2], $0x40, s0, s2, $0xb8;
	[tilespmem:$0x1C800] =	vst v63  }
0x40f: {  	_ =	swait.ge [sflag:s30], $0x2000  }
0x410: {  	[sflag:s30] =	ssyncset.done $0x0  }
0x411: {  	s17 =	simm.s32 $0xE800;
	[sflag:s30] =	ssyncadd.s32 $0xFFFFE000  }
.LBB2_11:
0x412: {  	s0 =	simm.s32 $0x6  }
0x413: {  	_ =	swait.ge [sflag:s0], $0x2000  }
0x414: {  	[sflag:s0] =	ssyncset.done $0x0  }
0x415: {  	[sflag:s0] =	ssyncadd.s32 $0xFFFFE000  }
.LBB2_12:
0x416: {  	s0 =	simm.s32 $0x0  }
0x417: {  	s2 =	sand.u32 $0x4, s0  }
0x418: {  	s0 =	sor.u32 $0x2, s2  }
0x419: {  	s1 =	sshll.u32 s0, $0xA  }
0x41a: {  	s7 =	sadd.s32 $0x0, s1  }
0x41b: {  	s3 =	sor.u32 $0x3, s2;
	s13 =	sshll.u32 s2, $0xA;
	v0 =	vor.u32 s7, v56  }
0x41c: {  	s4 =	sshll.u32 s3, $0xA;
	s1 =	sadd.s32 $0x0, s13  }
0x41d: {  	s20 =	sadd.s32 $0x0, s4;
	v1 =	vor.u32 s1, v56  }
0x41e: {  	s14 =	simm.s32 $0x0;
	s0 =	sshll.u32 s0, $0x4;
	v3 =	vor.u32 s20, v56  }
0x41f: {  	s0 =	sor.u32 s14, s0  }
0x420: {  	s5 =	sshll.u32 s2, $0x4;
	v4 =	vor.u32 s0, v2;
	v0 =	vld.idx.msk [tilespmem:v0+s17+$0x0], $0xffff  }
0x421: {  	s3 =	sshll.u32 s3, $0x4;
	s11 =	sor.u32 s5, s14;
	v6 =	vor.u32 s7, v57  }
0x422: {  	s21 =	sor.u32 s14, s3;
	v7 =	vor.u32 s11, v2;
	v1 =	vld.idx.msk [tilespmem:v1+s17+$0x0], $0xffff  }
0x423: {  	s2 =	sor.u32 $0x1, s2;
	v9 =	vor.u32 s1, v57;
	v10 =	vor.u32 s21, v2;
	v3 =	vld.idx.msk [tilespmem:v3+s17+$0x0], $0xffff  }
0x424: {  	s16 =	sshll.u32 s2, $0xA;
	v12 =	vor.u32 s20, v57  }
0x425: {  	s8 =	sadd.s32 $0x0, s16;
	[tilespmem:v4+s24+$0x0] =	vst.idx.msk $0xffff, v0  }
0x426: {  	v0 =	vor.u32 s8, v56;
	v4 =	vld.idx.msk [tilespmem:v6+s17+$0x0], $0xffff;
	v6 =	vor.u32 s0, v5  }
0x427: {  	[tilespmem:v7+s24+$0x0] =	vst.idx.msk $0xffff, v1;
	v1 =	vor.u32 s7, v58  }
0x428: {  	[tilespmem:v10+s24+$0x0] =	vst.idx.msk $0xffff, v3;
	v7 =	vld.idx.msk [tilespmem:v9+s17+$0x0], $0xffff;
	v9 =	vor.u32 s11, v5  }
0x429: {  	s2 =	sshll.u32 s2, $0x4;
	v3 =	vor.u32 s21, v5;
	v10 =	vld.idx.msk [tilespmem:v12+s17+$0x0], $0xffff;
	v12 =	vor.u32 s1, v58  }
0x42a: {  	s2 =	sor.u32 s14, s2;
	v13 =	vor.u32 s20, v58  }
0x42b: {  	v15 =	vor.u32 s2, v2;
	v0 =	vld.idx.msk [tilespmem:v0+s17+$0x0], $0xffff;
	[tilespmem:v6+s24+$0x0] =	vst.idx.msk $0xffff, v4  }
0x42c: {  	v4 =	vor.u32 s8, v57;
	v6 =	vor.u32 s0, v8;
	v1 =	vld.idx.msk [tilespmem:v1+s17+$0x0], $0xffff  }
0x42d: {  	[tilespmem:v9+s24+$0x0] =	vst.idx.msk $0xffff, v7;
	v7 =	vor.u32 s7, v59  }
0x42e: {  	[tilespmem:v3+s24+$0x0] =	vst.idx.msk $0xffff, v10;
	v9 =	vor.u32 s11, v8;
	v3 =	vld.idx.msk [tilespmem:v12+s17+$0x0], $0xffff  }
0x42f: {  	v10 =	vld.idx.msk [tilespmem:v13+s17+$0x0], $0xffff;
	v12 =	vor.u32 s21, v8;
	v13 =	vor.u32 s1, v59  }
0x430: {  	[tilespmem:v15+s24+$0x0] =	vst.idx.msk $0xffff, v0;
	v0 =	vor.u32 s20, v59  }
0x431: {  	v15 =	vor.u32 s2, v5;
	v4 =	vld.idx.msk [tilespmem:v4+s17+$0x0], $0xffff;
	[tilespmem:v6+s24+$0x0] =	vst.idx.msk $0xffff, v1  }
0x432: {  	v1 =	vor.u32 s8, v58;
	v6 =	vld.idx.msk [tilespmem:v7+s17+$0x0], $0xffff;
	v7 =	vor.u32 s0, v11  }
0x433: {  	v16 =	vor.u32 s7, v60;
	[tilespmem:v9+s24+$0x0] =	vst.idx.msk $0xffff, v3  }
0x434: {  	[tilespmem:v12+s24+$0x0] =	vst.idx.msk $0xffff, v10;
	v9 =	vor.u32 s11, v11;
	v3 =	vld.idx.msk [tilespmem:v13+s17+$0x0], $0xffff  }
0x435: {  	v10 =	vor.u32 s21, v11;
	v12 =	vor.u32 s1, v60;
	v0 =	vld.idx.msk [tilespmem:v0+s17+$0x0], $0xffff  }
0x436: {  	[tilespmem:v15+s24+$0x0] =	vst.idx.msk $0xffff, v4;
	v4 =	vor.u32 s20, v60  }
0x437: {  	v13 =	vor.u32 s2, v8;
	v1 =	vld.idx.msk [tilespmem:v1+s17+$0x0], $0xffff;
	[tilespmem:v7+s24+$0x0] =	vst.idx.msk $0xffff, v6  }
0x438: {  	v15 =	vor.u32 s0, v14;
	v6 =	vor.u32 s8, v59;
	v7 =	vld.idx.msk [tilespmem:v16+s17+$0x0], $0xffff  }
0x439: {  	[tilespmem:v9+s24+$0x0] =	vst.idx.msk $0xffff, v3;
	v16 =	vor.u32 s7, v61  }
0x43a: {  	v3 =	vor.u32 s11, v14;
	[tilespmem:v10+s24+$0x0] =	vst.idx.msk $0xffff, v0;
	v0 =	vld.idx.msk [tilespmem:v12+s17+$0x0], $0xffff  }
0x43b: {  	v9 =	vor.u32 s21, v14;
	v10 =	vor.u32 s1, v61;
	v4 =	vld.idx.msk [tilespmem:v4+s17+$0x0], $0xffff  }
0x43c: {  	[tilespmem:v13+s24+$0x0] =	vst.idx.msk $0xffff, v1;
	v1 =	vor.u32 s20, v61  }
0x43d: {  	v12 =	vor.u32 s2, v11;
	v6 =	vld.idx.msk [tilespmem:v6+s17+$0x0], $0xffff;
	[tilespmem:v15+s24+$0x0] =	vst.idx.msk $0xffff, v7  }
0x43e: {  	v7 =	vor.u32 s8, v60;
	v15 =	vor.u32 s0, v17;
	v13 =	vld.idx.msk [tilespmem:v16+s17+$0x0], $0xffff  }
0x43f: {  	v16 =	vor.u32 s7, v62;
	[tilespmem:v3+s24+$0x0] =	vst.idx.msk $0xffff, v0  }
0x440: {  	v3 =	vor.u32 s11, v17;
	[tilespmem:v9+s24+$0x0] =	vst.idx.msk $0xffff, v4;
	v0 =	vld.idx.msk [tilespmem:v10+s17+$0x0], $0xffff  }
0x441: {  	v4 =	vor.u32 s21, v17;
	v9 =	vor.u32 s1, v62;
	v1 =	vld.idx.msk [tilespmem:v1+s17+$0x0], $0xffff  }
0x442: {  	[tilespmem:v12+s24+$0x0] =	vst.idx.msk $0xffff, v6;
	v6 =	vor.u32 s20, v62  }
0x443: {  	v10 =	vor.u32 s2, v14;
	v7 =	vld.idx.msk [tilespmem:v7+s17+$0x0], $0xffff;
	[tilespmem:v15+s24+$0x0] =	vst.idx.msk $0xffff, v13  }
0x444: {  	v12 =	vor.u32 s8, v61;
	v15 =	vor.u32 s0, v20;
	v13 =	vld.idx.msk [tilespmem:v16+s17+$0x0], $0xffff  }
0x445: {  	v16 =	vor.u32 s7, v63;
	[tilespmem:v3+s24+$0x0] =	vst.idx.msk $0xffff, v0  }
0x446: {  	[tilespmem:v4+s24+$0x0] =	vst.idx.msk $0xffff, v1;
	v0 =	vld.idx.msk [tilespmem:v9+s17+$0x0], $0xffff;
	v1 =	vor.u32 s11, v20  }
0x447: {  	s6 =	simm.s32 $0x4;
	v4 =	vor.u32 s21, v20;
	v3 =	vld.idx.msk [tilespmem:v6+s17+$0x0], $0xffff;
	v6 =	vor.u32 s1, v63  }
0x448: {  	s3 =	sand.u32 $0x4, s6;
	[tilespmem:v10+s24+$0x0] =	vst.idx.msk $0xffff, v7;
	v7 =	vor.u32 s20, v63  }
0x449: {  	s18 =	sor.u32 $0x2, s3;
	v10 =	vor.u32 s2, v17;
	v9 =	vld.idx.msk [tilespmem:v12+s17+$0x0], $0xffff;
	[tilespmem:v15+s24+$0x0] =	vst.idx.msk $0xffff, v13  }
0x44a: {  	s19 =	sshll.u32 s18, $0xA;
	v12 =	vor.u32 s8, v62;
	v15 =	vor.u32 s0, v23;
	v13 =	vld.idx.msk [tilespmem:v16+s17+$0x0], $0xffff  }
0x44b: {  	s23 =	sadd.s32 $0x0, s19;
	v16 =	vor.u32 s7, v40;
	[tilespmem:v1+s24+$0x0] =	vst.idx.msk $0xffff, v0  }
0x44c: {  	s22 =	sor.u32 $0x1, s3;
	v1 =	vor.u32 s11, v23;
	[tilespmem:v4+s24+$0x0] =	vst.idx.msk $0xffff, v3;
	v0 =	vld.idx.msk [tilespmem:v6+s17+$0x0], $0xffff;
	v3 =	vor.u32 s23, v56  }
0x44d: {  	s9 =	simm.s32 $0x0;
	s10 =	sshll.u32 s22, $0xA;
	v6 =	vor.u32 s1, v40;
	v4 =	vld.idx.msk [tilespmem:v7+s17+$0x0], $0xffff;
	v7 =	vor.u32 s21, v23  }
0x44e: {  	s13 =	sor.u32 $0x3, s3;
	s14 =	sshll.u32 s3, $0xA;
	s12 =	sadd.s32 $0x0, s10;
	[tilespmem:v10+s24+$0x0] =	vst.idx.msk $0xffff, v9;
	v9 =	vor.u32 s20, v40  }
0x44f: {  	s30 =	sadd.s32 $0x0, s14;
	s16 =	sshll.u32 s13, $0xA;
	s4 =	sshll.u32 s18, $0x4;
	v10 =	vld.idx.msk [tilespmem:v12+s17+$0x0], $0xffff;
	v12 =	vor.u32 s12, v56;
	[tilespmem:v15+s24+$0x0] =	vst.idx.msk $0xffff, v13  }
0x450: {  	s25 =	sadd.s32 $0x0, s16;
	s26 =	sor.u32 s9, s4;
	v15 =	vor.u32 s30, v56;
	v13 =	vld.idx.msk [tilespmem:v16+s17+$0x0], $0xffff  }
0x451: {  	v16 =	vor.u32 s25, v56;
	[tilespmem:v1+s24+$0x0] =	vst.idx.msk $0xffff, v0;
	v0 =	vld.idx.msk [tilespmem:v3+s17+$0x0], $0xffff;
	v1 =	vor.u32 s26, v2  }
0x452: {  	s18 =	sshll.u32 s22, $0x4;
	[tilespmem:v7+s24+$0x0] =	vst.idx.msk $0xffff, v4;
	v3 =	vld.idx.msk [tilespmem:v6+s17+$0x0], $0xffff;
	v4 =	vor.u32 s11, v25;
	v6 =	vor.u32 s23, v57  }
0x453: {  	s3 =	sshll.u32 s3, $0x4;
	v18 =	vor.u32 s1, v41;
	s18 =	sor.u32 s9, s18;
	v7 =	vld.idx.msk [tilespmem:v9+s17+$0x0], $0xffff;
	v9 =	vor.u32 s21, v25  }
0x454: {  	v21 =	vor.u32 s20, v41;
	s22 =	sor.u32 s3, s9;
	s19 =	sshll.u32 s13, $0x4;
	v19 =	vor.u32 s18, v2;
	v12 =	vld.idx.msk [tilespmem:v12+s17+$0x0], $0xffff  }
0x455: {  	v24 =	vor.u32 s22, v2;
	s29 =	sor.u32 s9, s19;
	v22 =	vor.u32 s12, v57;
	v15 =	vld.idx.msk [tilespmem:v15+s17+$0x0], $0xffff  }
0x456: {  	v28 =	vor.u32 s29, v2;
	v16 =	vld.idx.msk [tilespmem:v16+s17+$0x0], $0xffff;
	[tilespmem:v1+s24+$0x0] =	vst.idx.msk $0xffff, v0  }
0x457: {  	v0 =	vor.u32 s25, v57;
	[tilespmem:v4+s24+$0x0] =	vst.idx.msk $0xffff, v3;
	v1 =	vld.idx.msk [tilespmem:v6+s17+$0x0], $0xffff;
	v3 =	vor.u32 s26, v5  }
0x458: {  	v26 =	vor.u32 s30, v57;
	v4 =	vor.u32 s0, v25;
	[tilespmem:v9+s24+$0x0] =	vst.idx.msk $0xffff, v7;
	v6 =	vld.idx.msk [tilespmem:v18+s17+$0x0], $0xffff  }
0x459: {  	v7 =	vor.u32 s23, v58;
	v18 =	vor.u32 s21, v27;
	[tilespmem:v19+s24+$0x0] =	vst.idx.msk $0xffff, v12;
	v9 =	vld.idx.msk [tilespmem:v21+s17+$0x0], $0xffff  }
0x45a: {  	v19 =	vor.u32 s18, v5;
	[tilespmem:v24+s24+$0x0] =	vst.idx.msk $0xffff, v15;
	v15 =	vld.idx.msk [tilespmem:v22+s17+$0x0], $0xffff  }
0x45b: {  	v12 =	vor.u32 s7, v41;
	v22 =	vor.u32 s2, v20;
	[tilespmem:v28+s24+$0x0] =	vst.idx.msk $0xffff, v16  }
0x45c: {  	v21 =	vor.u32 s20, v42;
	v16 =	vor.u32 s29, v5;
	v0 =	vld.idx.msk [tilespmem:v0+s17+$0x0], $0xffff;
	[tilespmem:v3+s24+$0x0] =	vst.idx.msk $0xffff, v1  }
0x45d: {  	v24 =	vor.u32 s12, v58;
	v26 =	vld.idx.msk [tilespmem:v26+s17+$0x0], $0xffff;
	[tilespmem:v4+s24+$0x0] =	vst.idx.msk $0xffff, v13;
	v1 =	vor.u32 s22, v5  }
0x45e: {  	v28 =	vor.u32 s8, v63;
	v4 =	vld.idx.msk [tilespmem:v7+s17+$0x0], $0xffff;
	v7 =	vor.u32 s11, v27;
	[tilespmem:v18+s24+$0x0] =	vst.idx.msk $0xffff, v9  }
0x45f: {  	v13 =	vor.u32 s30, v58;
	v9 =	vor.u32 s26, v8;
	[tilespmem:v19+s24+$0x0] =	vst.idx.msk $0xffff, v15  }
0x460: {  	v3 =	vor.u32 s25, v58;
	v12 =	vld.idx.msk [tilespmem:v12+s17+$0x0], $0xffff;
	v18 =	vor.u32 s0, v27;
	[tilespmem:v22+s24+$0x0] =	vst.idx.msk $0xffff, v10  }
0x461: {  	v15 =	vld.idx.msk [tilespmem:v21+s17+$0x0], $0xffff;
	v10 =	vor.u32 s23, v59;
	v22 =	vor.u32 s21, v29;
	[tilespmem:v16+s24+$0x0] =	vst.idx.msk $0xffff, v0  }
0x462: {  	v21 =	vor.u32 s7, v42;
	v19 =	vld.idx.msk [tilespmem:v24+s17+$0x0], $0xffff;
	v16 =	vor.u32 s18, v8;
	[tilespmem:v1+s24+$0x0] =	vst.idx.msk $0xffff, v26  }
0x463: {  	v0 =	vld.idx.msk [tilespmem:v28+s17+$0x0], $0xffff;
	v1 =	vor.u32 s20, v43;
	[tilespmem:v7+s24+$0x0] =	vst.idx.msk $0xffff, v6;
	v7 =	vor.u32 s2, v23  }
0x464: {  	v24 =	vor.u32 s22, v8;
	v6 =	vor.u32 s12, v59;
	v13 =	vld.idx.msk [tilespmem:v13+s17+$0x0], $0xffff;
	[tilespmem:v9+s24+$0x0] =	vst.idx.msk $0xffff, v4  }
0x465: {  	v3 =	vld.idx.msk [tilespmem:v3+s17+$0x0], $0xffff;
	v4 =	vor.u32 s29, v8;
	v9 =	vor.u32 s8, v40;
	[tilespmem:v18+s24+$0x0] =	vst.idx.msk $0xffff, v12  }
0x466: {  	v18 =	vor.u32 s30, v59;
	v10 =	vld.idx.msk [tilespmem:v10+s17+$0x0], $0xffff;
	[tilespmem:v22+s24+$0x0] =	vst.idx.msk $0xffff, v15  }
0x467: {  	v26 =	vor.u32 s25, v59;
	v28 =	vor.u32 s26, v11;
	v21 =	vld.idx.msk [tilespmem:v21+s17+$0x0], $0xffff;
	[tilespmem:v16+s24+$0x0] =	vst.idx.msk $0xffff, v19  }
0x468: {  	v15 =	vor.u32 s23, v60;
	v16 =	vor.u32 s0, v29;
	v1 =	vld.idx.msk [tilespmem:v1+s17+$0x0], $0xffff;
	[tilespmem:v7+s24+$0x0] =	vst.idx.msk $0xffff, v0  }
0x469: {  	v6 =	vld.idx.msk [tilespmem:v6+s17+$0x0], $0xffff;
	v0 =	vor.u32 s7, v43;
	v7 =	vor.u32 s21, v31;
	[tilespmem:v24+s24+$0x0] =	vst.idx.msk $0xffff, v13  }
0x46a: {  	v12 =	vor.u32 s20, v44;
	v19 =	vor.u32 s18, v11;
	[tilespmem:v4+s24+$0x0] =	vst.idx.msk $0xffff, v3;
	v3 =	vld.idx.msk [tilespmem:v9+s17+$0x0], $0xffff  }
0x46b: {  	v22 =	vor.u32 s2, v25;
	v9 =	vor.u32 s12, v60;
	v18 =	vld.idx.msk [tilespmem:v18+s17+$0x0], $0xffff  }
0x46c: {  	v24 =	vor.u32 s8, v41;
	v13 =	vld.idx.msk [tilespmem:v26+s17+$0x0], $0xffff;
	[tilespmem:v28+s24+$0x0] =	vst.idx.msk $0xffff, v10;
	v10 =	vor.u32 s29, v11  }
0x46d: {  	v26 =	vor.u32 s22, v11;
	v28 =	vor.u32 s25, v60;
	v15 =	vld.idx.msk [tilespmem:v15+s17+$0x0], $0xffff;
	[tilespmem:v16+s24+$0x0] =	vst.idx.msk $0xffff, v21  }
0x46e: {  	v16 =	vor.u32 s30, v60;
	v21 =	vor.u32 s26, v14;
	v0 =	vld.idx.msk [tilespmem:v0+s17+$0x0], $0xffff;
	[tilespmem:v7+s24+$0x0] =	vst.idx.msk $0xffff, v1  }
0x46f: {  	[tilespmem:v19+s24+$0x0] =	vst.idx.msk $0xffff, v6;
	v1 =	vor.u32 s23, v61;
	v6 =	vor.u32 s0, v31;
	v7 =	vld.idx.msk [tilespmem:v12+s17+$0x0], $0xffff  }
0x470: {  	v49 =	vor.u32 s21, v39;
	v9 =	vld.idx.msk [tilespmem:v9+s17+$0x0], $0xffff;
	[tilespmem:v22+s24+$0x0] =	vst.idx.msk $0xffff, v3;
	v3 =	vor.u32 s7, v44;
	v12 =	vor.u32 s21, v33  }
0x471: {  	v19 =	vor.u32 s20, v45;
	v22 =	vor.u32 s18, v14;
	[tilespmem:v10+s24+$0x0] =	vst.idx.msk $0xffff, v13;
	v10 =	vld.idx.msk [tilespmem:v24+s17+$0x0], $0xffff  }
0x472: {  	[tilespmem:v26+s24+$0x0] =	vst.idx.msk $0xffff, v18;
	v13 =	vor.u32 s12, v61;
	v24 =	vor.u32 s2, v27;
	v18 =	vld.idx.msk [tilespmem:v28+s17+$0x0], $0xffff  }
0x473: {  	v16 =	vld.idx.msk [tilespmem:v16+s17+$0x0], $0xffff;
	[tilespmem:v21+s24+$0x0] =	vst.idx.msk $0xffff, v15;
	v15 =	vor.u32 s29, v14;
	v21 =	vor.u32 s8, v42  }
0x474: {  	v26 =	vor.u32 s22, v14;
	v28 =	vor.u32 s25, v61;
	v1 =	vld.idx.msk [tilespmem:v1+s17+$0x0], $0xffff;
	[tilespmem:v6+s24+$0x0] =	vst.idx.msk $0xffff, v0  }
0x475: {  	v0 =	vor.u32 s30, v61;
	v6 =	vor.u32 s26, v17;
	v3 =	vld.idx.msk [tilespmem:v3+s17+$0x0], $0xffff;
	[tilespmem:v12+s24+$0x0] =	vst.idx.msk $0xffff, v7  }
0x476: {  	[tilespmem:v22+s24+$0x0] =	vst.idx.msk $0xffff, v9;
	v7 =	vor.u32 s23, v62;
	v9 =	vor.u32 s0, v33;
	v12 =	vld.idx.msk [tilespmem:v19+s17+$0x0], $0xffff  }
0x477: {  	v38 =	vor.u32 s21, v37;
	v19 =	vor.u32 s1, v42;
	v13 =	vld.idx.msk [tilespmem:v13+s17+$0x0], $0xffff;
	[tilespmem:v24+s24+$0x0] =	vst.idx.msk $0xffff, v10;
	v10 =	vor.u32 s21, v35  }
0x478: {  	v51 =	vor.u32 s20, v47;
	v22 =	vor.u32 s20, v46;
	v24 =	vor.u32 s18, v17;
	[tilespmem:v15+s24+$0x0] =	vst.idx.msk $0xffff, v18;
	v15 =	vld.idx.msk [tilespmem:v21+s17+$0x0], $0xffff  }
0x479: {  	[tilespmem:v26+s24+$0x0] =	vst.idx.msk $0xffff, v16;
	v16 =	vor.u32 s12, v62;
	v21 =	vor.u32 s2, v29;
	v18 =	vld.idx.msk [tilespmem:v28+s17+$0x0], $0xffff  }
0x47a: {  	v26 =	vld.idx.msk [tilespmem:v0+s17+$0x0], $0xffff;
	[tilespmem:v6+s24+$0x0] =	vst.idx.msk $0xffff, v1;
	v0 =	vor.u32 s29, v17;
	v6 =	vor.u32 s8, v43  }
0x47b: {  	v32 =	vor.u32 s25, v62;
	v28 =	vor.u32 s22, v17;
	v30 =	vld.idx.msk [tilespmem:v7+s17+$0x0], $0xffff;
	[tilespmem:v9+s24+$0x0] =	vst.idx.msk $0xffff, v3  }
0x47c: {  	v34 =	vor.u32 s26, v20;
	v9 =	vor.u32 s30, v62;
	v19 =	vld.idx.msk [tilespmem:v19+s17+$0x0], $0xffff;
	[tilespmem:v10+s24+$0x0] =	vst.idx.msk $0xffff, v12  }
0x47d: {  	v4 =	vor.u32 s11, v29;
	[tilespmem:v24+s24+$0x0] =	vst.idx.msk $0xffff, v13;
	v24 =	vor.u32 s23, v63;
	v22 =	vld.idx.msk [tilespmem:v22+s17+$0x0], $0xffff  }
0x47e: {  	v52 =	vor.u32 s18, v20;
	v12 =	vor.u32 s1, v43;
	v36 =	vld.idx.msk [tilespmem:v16+s17+$0x0], $0xffff;
	[tilespmem:v21+s24+$0x0] =	vst.idx.msk $0xffff, v15  }
0x47f: {  	v50 =	vor.u32 s1, v45;
	v1 =	vor.u32 s11, v31;
	v3 =	vor.u32 s1, v44;
	[tilespmem:v0+s24+$0x0] =	vst.idx.msk $0xffff, v18;
	v7 =	vld.idx.msk [tilespmem:v6+s17+$0x0], $0xffff  }
0x480: {  	v13 =	vor.u32 s7, v45;
	v15 =	vor.u32 s2, v31;
	[tilespmem:v28+s24+$0x0] =	vst.idx.msk $0xffff, v26;
	v21 =	vld.idx.msk [tilespmem:v32+s17+$0x0], $0xffff  }
0x481: {  	v48 =	vor.u32 s29, v39;
	v10 =	vor.u32 s8, v44;
	v28 =	vor.u32 s29, v20;
	v18 =	vld.idx.msk [tilespmem:v9+s17+$0x0], $0xffff;
	[tilespmem:v34+s24+$0x0] =	vst.idx.msk $0xffff, v30  }
0x482: {  	v26 =	vor.u32 s22, v20;
	v30 =	vor.u32 s25, v63;
	v16 =	vld.idx.msk [tilespmem:v24+s17+$0x0], $0xffff;
	[tilespmem:v4+s24+$0x0] =	vst.idx.msk $0xffff, v19  }
0x483: {  	v24 =	vor.u32 s30, v63;
	v12 =	vld.idx.msk [tilespmem:v12+s17+$0x0], $0xffff;
	[tilespmem:v38+s24+$0x0] =	vst.idx.msk $0xffff, v22;
	v22 =	vor.u32 s26, v23  }
0x484: {  	s19 =	smov.u32 s15;
	v6 =	vor.u32 s11, v33;
	v0 =	vor.u32 s11, v35;
	v19 =	vor.u32 s23, v40;
	[tilespmem:v52+s24+$0x0] =	vst.idx.msk $0xffff, v36;
	v9 =	vld.idx.msk [tilespmem:v51+s17+$0x0], $0xffff  }
.LBB2_13:
0x485: {  	s6 =	sadd.s32 $0x4, s6;
	v4 =	vor.u32 s1, v47;
	[tilespmem:v15+s24+$0x0] =	vst.idx.msk $0xffff, v7;
	v15 =	vor.u32 s8, v45;
	v13 =	vld.idx.msk [tilespmem:v13+s17+$0x0], $0xffff  }
0x486: {  	v7 =	vor.u32 s11, v37;
	s3 =	sshrl.u32 s6, $0x3;
	s10 =	sand.u32 $0x4, s6;
	p2 =	slt.u32 s6, $0x1C;
	[tilespmem:v28+s24+$0x0] =	vst.idx.msk $0xffff, v21;
	v10 =	vld.idx.msk [tilespmem:v10+s17+$0x0], $0xffff;
	v21 =	vor.u32 s0, v35  }
0x487: {  	v28 =	vor.u32 s7, v46;
	s13 =	sshll.u32 s3, $0xB;
	s4 =	sor.u32 $0x1, s10;
	s14 =	sor.u32 $0x2, s10;
	[tilespmem:v26+s24+$0x0] =	vst.idx.msk $0xffff, v18;
	v18 =	vld.idx.msk [tilespmem:v30+s17+$0x0], $0xffff;
	v26 =	vor.u32 s2, v33  }
0x488: {  	s3 =	sshll.u32 s3, $0x4;
	s15 =	sor.u32 $0x3, s10;
	v30 =	vor.u32 s30, v40;
	s5 =	sshll.u32 s4, $0xA;
	v24 =	vld.idx.msk [tilespmem:v24+s17+$0x0], $0xffff;
	[tilespmem:v22+s24+$0x0] =	vst.idx.msk $0xffff, v16;
	v16 =	vor.u32 s29, v23  }
0x489: {  	v32 =	vor.u32 s25, v40;
	s9 =	sshll.u32 s10, $0xA;
	s16 =	sshll.u32 s14, $0xA;
	v22 =	vor.u32 s22, v23;
	s5 =	sadd.s32 s3, s5;
	v19 =	vld.idx.msk [tilespmem:v19+s17+$0x0], $0xffff;
	[tilespmem:v1+s24+$0x0] =	vst.idx.msk $0xffff, v12  }
0x48a: {  	v34 =	vor.u32 s26, v25;
	s9 =	sadd.s32 s3, s9;
	s4 =	sshll.u32 s4, $0x4;
	s20 =	sshll.u32 s15, $0xA;
	v12 =	vor.u32 s5, v56;
	v3 =	vld.idx.msk [tilespmem:v3+s17+$0x0], $0xffff;
	[tilespmem:v49+s24+$0x0] =	vst.idx.msk $0xffff, v9;
	v49 =	vmov v48  }
0x48b: {  	s4 =	sor.u32 s13, s4;
	s16 =	sadd.s32 s3, s16;
	s20 =	sadd.s32 s3, s20;
	v9 =	vor.u32 s2, v35;
	[tilespmem:v21+s24+$0x0] =	vst.idx.msk $0xffff, v13  }
0x48c: {  	s3 =	sshll.u32 s10, $0x4;
	s10 =	sshll.u32 s14, $0x4;
	s14 =	sshll.u32 s15, $0x4;
	v13 =	vor.u32 s16, v56;
	v21 =	vor.u32 s20, v56;
	[tilespmem:v26+s24+$0x0] =	vst.idx.msk $0xffff, v10;
	v10 =	vld.idx.msk [tilespmem:v28+s17+$0x0], $0xffff  }
0x48d: {  	v1 =	vor.u32 s11, v39;
	s3 =	sor.u32 s3, s13;
	s10 =	sor.u32 s13, s10;
	s21 =	sor.u32 s13, s14;
	[tilespmem:v16+s24+$0x0] =	vst.idx.msk $0xffff, v18;
	v15 =	vld.idx.msk [tilespmem:v15+s17+$0x0], $0xffff;
	v16 =	vor.u32 s0, v37  }
0x48e: {  	s11 =	smov.u32 s22;
	v48 =	vor.u32 s21, v39;
	s22 =	smov.u32 s3;
	v18 =	vor.u32 s9, v56;
	[tilespmem:v22+s24+$0x0] =	vst.idx.msk $0xffff, v24;
	v22 =	vld.idx.msk [tilespmem:v32+s17+$0x0], $0xffff  }
0x48f: {  	v26 =	vor.u32 s8, v46;
	v24 =	vld.idx.msk [tilespmem:v30+s17+$0x0], $0xffff;
	[tilespmem:v34+s24+$0x0] =	vst.idx.msk $0xffff, v19;
	v19 =	vor.u32 s29, v25  }
0x490: {  	v28 =	vor.u32 s11, v25;
	v12 =	vld.idx.msk [tilespmem:v12+s17+$0x0], $0xffff;
	[tilespmem:v6+s24+$0x0] =	vst.idx.msk $0xffff, v3;
	v3 =	vor.u32 s7, v47;
	s7 =	smov.u32 s23;
	s23 =	smov.u32 s16  }
0x491: {  	v30 =	vor.u32 s30, v41;
	v6 =	vor.u32 s4, v2;
	v32 =	vld.idx.msk [tilespmem:v50+s17+$0x0], $0xffff  }
0x492: {  	v36 =	vor.u32 s10, v2;
	v34 =	vor.u32 s5, v57;
	v13 =	vld.idx.msk [tilespmem:v13+s17+$0x0], $0xffff;
	[tilespmem:v16+s24+$0x0] =	vst.idx.msk $0xffff, v10  }
0x493: {  	v16 =	vor.u32 s23, v57;
	v10 =	vld.idx.msk [tilespmem:v18+s17+$0x0], $0xffff;
	v18 =	vor.u32 s1, v46;
	[tilespmem:v9+s24+$0x0] =	vst.idx.msk $0xffff, v15;
	s1 =	smov.u32 s30;
	s30 =	smov.u32 s9  }
0x494: {  	v9 =	vor.u32 s22, v2;
	[tilespmem:v19+s24+$0x0] =	vst.idx.msk $0xffff, v22;
	v15 =	vld.idx.msk [tilespmem:v26+s17+$0x0], $0xffff;
	v19 =	vor.u32 s2, v37  }
0x495: {  	v22 =	vor.u32 s30, v57;
	[tilespmem:v28+s24+$0x0] =	vst.idx.msk $0xffff, v24;
	v3 =	vld.idx.msk [tilespmem:v3+s17+$0x0], $0xffff;
	v24 =	vor.u32 s0, v39;
	s0 =	smov.u32 s26;
	s26 =	smov.u32 s10  }
0x496: {  	v26 =	vor.u32 s25, v41;
	[tilespmem:v6+s24+$0x0] =	vst.idx.msk $0xffff, v12;
	v6 =	vor.u32 s21, v2;
	v12 =	vld.idx.msk [tilespmem:v30+s17+$0x0], $0xffff  }
0x497: {  	v28 =	vor.u32 s20, v57;
	v30 =	vor.u32 s11, v27;
	v21 =	vld.idx.msk [tilespmem:v21+s17+$0x0], $0xffff;
	[tilespmem:v0+s24+$0x0] =	vst.idx.msk $0xffff, v32  }
0x498: {  	v0 =	vor.u32 s4, v5;
	[tilespmem:v36+s24+$0x0] =	vst.idx.msk $0xffff, v13;
	v13 =	vld.idx.msk [tilespmem:v18+s17+$0x0], $0xffff;
	v18 =	vor.u32 s8, v47;
	s8 =	smov.u32 s12;
	s12 =	smov.u32 s5  }
0x499: {  	[tilespmem:v9+s24+$0x0] =	vst.idx.msk $0xffff, v10;
	v9 =	vor.u32 s12, v58;
	v10 =	vld.idx.msk [tilespmem:v16+s17+$0x0], $0xffff;
	v16 =	vor.u32 s26, v5  }
0x49a: {  	v50 =	vor.u32 s1, v45;
	v22 =	vld.idx.msk [tilespmem:v22+s17+$0x0], $0xffff;
	[tilespmem:v19+s24+$0x0] =	vst.idx.msk $0xffff, v15  }
0x49b: {  	v15 =	vor.u32 s22, v5;
	v19 =	vor.u32 s23, v58;
	v26 =	vld.idx.msk [tilespmem:v26+s17+$0x0], $0xffff;
	[tilespmem:v24+s24+$0x0] =	vst.idx.msk $0xffff, v3  }
0x49c: {  	v24 =	vor.u32 s29, v27;
	v3 =	vld.idx.msk [tilespmem:v34+s17+$0x0], $0xffff;
	[tilespmem:v30+s24+$0x0] =	vst.idx.msk $0xffff, v12;
	v12 =	vor.u32 s7, v41  }
0x49d: {  	[tilespmem:v6+s24+$0x0] =	vst.idx.msk $0xffff, v21;
	v6 =	vor.u32 s21, v5;
	v21 =	vor.u32 s25, v42;
	v18 =	vld.idx.msk [tilespmem:v18+s17+$0x0], $0xffff  }
0x49e: {  	v30 =	vor.u32 s8, v63;
	v28 =	vld.idx.msk [tilespmem:v28+s17+$0x0], $0xffff;
	[tilespmem:v7+s24+$0x0] =	vst.idx.msk $0xffff, v13;
	v7 =	vor.u32 s2, v39;
	s2 =	smov.u32 s18;
	s18 =	smov.u32 s4  }
0x49f: {  	v13 =	vor.u32 s18, v8;
	[tilespmem:v16+s24+$0x0] =	vst.idx.msk $0xffff, v10;
	v10 =	vor.u32 s20, v58;
	v4 =	vld.idx.msk [tilespmem:v4+s17+$0x0], $0xffff  }
0x4a0: {  	v32 =	vor.u32 s11, v29;
	v16 =	vor.u32 s30, v58;
	[tilespmem:v15+s24+$0x0] =	vst.idx.msk $0xffff, v22;
	v15 =	vld.idx.msk [tilespmem:v19+s17+$0x0], $0xffff  }
0x4a1: {  	v19 =	vor.u32 s26, v8;
	v22 =	vor.u32 s7, v42;
	v12 =	vld.idx.msk [tilespmem:v12+s17+$0x0], $0xffff;
	[tilespmem:v24+s24+$0x0] =	vst.idx.msk $0xffff, v26  }
0x4a2: {  	[tilespmem:v0+s24+$0x0] =	vst.idx.msk $0xffff, v3;
	v0 =	vor.u32 s23, v59;
	v3 =	vor.u32 s0, v27;
	v21 =	vld.idx.msk [tilespmem:v21+s17+$0x0], $0xffff  }
0x4a3: {  	v24 =	vor.u32 s29, v29;
	v26 =	vor.u32 s2, v23;
	v9 =	vld.idx.msk [tilespmem:v9+s17+$0x0], $0xffff;
	[tilespmem:v7+s24+$0x0] =	vst.idx.msk $0xffff, v18  }
0x4a4: {  	v7 =	vor.u32 s25, v43;
	v18 =	vor.u32 s12, v59;
	[tilespmem:v6+s24+$0x0] =	vst.idx.msk $0xffff, v28;
	v6 =	vld.idx.msk [tilespmem:v30+s17+$0x0], $0xffff  }
0x4a5: {  	v34 =	vor.u32 s26, v14;
	v28 =	vor.u32 s20, v59;
	v30 =	vor.u32 s26, v11;
	v10 =	vld.idx.msk [tilespmem:v10+s17+$0x0], $0xffff;
	[tilespmem:v1+s24+$0x0] =	vst.idx.msk $0xffff, v4  }
0x4a6: {  	v1 =	vld.idx.msk [tilespmem:v16+s17+$0x0], $0xffff;
	[tilespmem:v19+s24+$0x0] =	vst.idx.msk $0xffff, v15;
	v15 =	vor.u32 s21, v8;
	v16 =	vor.u32 s8, v40  }
0x4a7: {  	v19 =	vor.u32 s22, v8;
	v0 =	vld.idx.msk [tilespmem:v0+s17+$0x0], $0xffff;
	[tilespmem:v3+s24+$0x0] =	vst.idx.msk $0xffff, v12;
	v12 =	vor.u32 s25, v44  }
0x4a8: {  	v4 =	vor.u32 s1, v43;
	v3 =	vor.u32 s30, v59;
	v22 =	vld.idx.msk [tilespmem:v22+s17+$0x0], $0xffff;
	[tilespmem:v24+s24+$0x0] =	vst.idx.msk $0xffff, v21  }
0x4a9: {  	[tilespmem:v13+s24+$0x0] =	vst.idx.msk $0xffff, v9;
	v9 =	vor.u32 s23, v60;
	v13 =	vor.u32 s0, v29;
	v7 =	vld.idx.msk [tilespmem:v7+s17+$0x0], $0xffff  }
0x4aa: {  	v21 =	vor.u32 s29, v31;
	v18 =	vld.idx.msk [tilespmem:v18+s17+$0x0], $0xffff;
	[tilespmem:v26+s24+$0x0] =	vst.idx.msk $0xffff, v6;
	v6 =	vor.u32 s7, v43  }
0x4ab: {  	v24 =	vor.u32 s18, v11;
	v26 =	vor.u32 s8, v41;
	[tilespmem:v15+s24+$0x0] =	vst.idx.msk $0xffff, v10;
	v10 =	vld.idx.msk [tilespmem:v16+s17+$0x0], $0xffff  }
0x4ac: {  	v16 =	vor.u32 s2, v25;
	[tilespmem:v19+s24+$0x0] =	vst.idx.msk $0xffff, v1;
	v1 =	vor.u32 s12, v60;
	v15 =	vld.idx.msk [tilespmem:v28+s17+$0x0], $0xffff  }
0x4ad: {  	v28 =	vor.u32 s22, v11;
	v19 =	vld.idx.msk [tilespmem:v3+s17+$0x0], $0xffff;
	[tilespmem:v30+s24+$0x0] =	vst.idx.msk $0xffff, v0;
	v0 =	vor.u32 s21, v11  }
0x4ae: {  	v30 =	vor.u32 s20, v60;
	v9 =	vld.idx.msk [tilespmem:v9+s17+$0x0], $0xffff;
	[tilespmem:v13+s24+$0x0] =	vst.idx.msk $0xffff, v22;
	v13 =	vor.u32 s25, v45  }
0x4af: {  	v38 =	vor.u32 s1, v42;
	v3 =	vor.u32 s1, v44;
	v22 =	vor.u32 s30, v60;
	v6 =	vld.idx.msk [tilespmem:v6+s17+$0x0], $0xffff;
	[tilespmem:v21+s24+$0x0] =	vst.idx.msk $0xffff, v7  }
0x4b0: {  	v7 =	vor.u32 s23, v61;
	[tilespmem:v24+s24+$0x0] =	vst.idx.msk $0xffff, v18;
	v18 =	vor.u32 s0, v31;
	v12 =	vld.idx.msk [tilespmem:v12+s17+$0x0], $0xffff  }
0x4b1: {  	v21 =	vld.idx.msk [tilespmem:v1+s17+$0x0], $0xffff;
	[tilespmem:v16+s24+$0x0] =	vst.idx.msk $0xffff, v10;
	v10 =	vor.u32 s7, v44;
	v16 =	vor.u32 s29, v33  }
0x4b2: {  	v24 =	vor.u32 s18, v14;
	v1 =	vor.u32 s11, v31;
	[tilespmem:v0+s24+$0x0] =	vst.idx.msk $0xffff, v15;
	v0 =	vld.idx.msk [tilespmem:v26+s17+$0x0], $0xffff  }
0x4b3: {  	v15 =	vor.u32 s12, v61;
	v26 =	vor.u32 s2, v27;
	[tilespmem:v28+s24+$0x0] =	vst.idx.msk $0xffff, v19;
	v19 =	vld.idx.msk [tilespmem:v30+s17+$0x0], $0xffff  }
0x4b4: {  	v28 =	vor.u32 s8, v42;
	v22 =	vld.idx.msk [tilespmem:v22+s17+$0x0], $0xffff;
	[tilespmem:v34+s24+$0x0] =	vst.idx.msk $0xffff, v9;
	v9 =	vor.u32 s21, v14  }
0x4b5: {  	v30 =	vor.u32 s22, v14;
	v34 =	vor.u32 s20, v61;
	v7 =	vld.idx.msk [tilespmem:v7+s17+$0x0], $0xffff;
	[tilespmem:v18+s24+$0x0] =	vst.idx.msk $0xffff, v6  }
0x4b6: {  	v36 =	vor.u32 s26, v17;
	v18 =	vor.u32 s30, v61;
	v10 =	vld.idx.msk [tilespmem:v10+s17+$0x0], $0xffff;
	[tilespmem:v16+s24+$0x0] =	vst.idx.msk $0xffff, v12  }
0x4b7: {  	v12 =	vor.u32 s23, v62;
	v16 =	vor.u32 s0, v33;
	[tilespmem:v24+s24+$0x0] =	vst.idx.msk $0xffff, v21;
	v13 =	vld.idx.msk [tilespmem:v13+s17+$0x0], $0xffff  }
0x4b8: {  	v21 =	vor.u32 s25, v46;
	v15 =	vld.idx.msk [tilespmem:v15+s17+$0x0], $0xffff;
	[tilespmem:v26+s24+$0x0] =	vst.idx.msk $0xffff, v0;
	v0 =	vor.u32 s29, v35  }
0x4b9: {  	v6 =	vor.u32 s11, v33;
	v24 =	vor.u32 s18, v17;
	[tilespmem:v9+s24+$0x0] =	vst.idx.msk $0xffff, v19;
	v9 =	vld.idx.msk [tilespmem:v28+s17+$0x0], $0xffff  }
0x4ba: {  	v26 =	vor.u32 s2, v29;
	v19 =	vor.u32 s12, v62;
	[tilespmem:v30+s24+$0x0] =	vst.idx.msk $0xffff, v22;
	v22 =	vld.idx.msk [tilespmem:v34+s17+$0x0], $0xffff  }
0x4bb: {  	v28 =	vor.u32 s8, v43;
	v18 =	vld.idx.msk [tilespmem:v18+s17+$0x0], $0xffff;
	[tilespmem:v36+s24+$0x0] =	vst.idx.msk $0xffff, v7;
	v7 =	vor.u32 s21, v17  }
0x4bc: {  	v30 =	vor.u32 s22, v17;
	v34 =	vor.u32 s20, v62;
	v12 =	vld.idx.msk [tilespmem:v12+s17+$0x0], $0xffff;
	[tilespmem:v16+s24+$0x0] =	vst.idx.msk $0xffff, v10  }
0x4bd: {  	v10 =	vor.u32 s30, v62;
	v16 =	vor.u32 s26, v20;
	v36 =	vld.idx.msk [tilespmem:v38+s17+$0x0], $0xffff;
	[tilespmem:v0+s24+$0x0] =	vst.idx.msk $0xffff, v13  }
0x4be: {  	[tilespmem:v24+s24+$0x0] =	vst.idx.msk $0xffff, v15;
	v24 =	vor.u32 s23, v63;
	v38 =	vld.idx.msk [tilespmem:v21+s17+$0x0], $0xffff  }
0x4bf: {  	v51 =	vor.u32 s25, v47;
	s25 =	smov.u32 s20;
	v19 =	vld.idx.msk [tilespmem:v19+s17+$0x0], $0xffff;
	[tilespmem:v26+s24+$0x0] =	vst.idx.msk $0xffff, v9;
	v9 =	vor.u32 s29, v37;
	s29 =	smov.u32 s21  }
0x4c0: {  	v52 =	vor.u32 s18, v20;
	v0 =	vor.u32 s11, v35;
	[tilespmem:v7+s24+$0x0] =	vst.idx.msk $0xffff, v22;
	v7 =	vld.idx.msk [tilespmem:v28+s17+$0x0], $0xffff  }
.Ltmp6:
0x4c1: {  	v13 =	vor.u32 s7, v45;
	v15 =	vor.u32 s2, v31;
	[tilespmem:v30+s24+$0x0] =	vst.idx.msk $0xffff, v18;
	v21 =	vld.idx.msk [tilespmem:v34+s17+$0x0], $0xffff;
	(pc) =	sbr.rel @p2 .LBB2_13-.Ltmp6, $4  }
0x4c2: {  	v28 =	vor.u32 s29, v20;
	v18 =	vld.idx.msk [tilespmem:v10+s17+$0x0], $0xffff;
	[tilespmem:v16+s24+$0x0] =	vst.idx.msk $0xffff, v12;
	v10 =	vor.u32 s8, v44  }
0x4c3: {  	v26 =	vor.u32 s22, v20;
	v30 =	vor.u32 s25, v63;
	v16 =	vld.idx.msk [tilespmem:v24+s17+$0x0], $0xffff;
	[tilespmem:v32+s24+$0x0] =	vst.idx.msk $0xffff, v36  }
0x4c4: {  	v22 =	vor.u32 s26, v23;
	v24 =	vor.u32 s30, v63;
	v12 =	vld.idx.msk [tilespmem:v4+s17+$0x0], $0xffff;
	[tilespmem:v9+s24+$0x0] =	vst.idx.msk $0xffff, v38  }
0x4c5: {  	[tilespmem:v52+s24+$0x0] =	vst.idx.msk $0xffff, v19;
	v19 =	vor.u32 s23, v40;
	v9 =	vld.idx.msk [tilespmem:v51+s17+$0x0], $0xffff  }
0x4c6: {  	_ =	sdelay $0x1  }
0x4c7: {  	v4 =	vor.u32 s12, v63;
	_ =	sdelay $0x1  }
0x4c8: {  	[tilespmem:v28+s24+$0x0] =	vst.idx.msk $0xffff, v21  }
0x4c9: {  	v28 =	vor.u32 s29, v23;
	v21 =	vld.idx.msk [tilespmem:v30+s17+$0x0], $0xffff  }
0x4ca: {  	v30 =	vor.u32 s25, v40  }
0x4cb: {  	[tilespmem:v26+s24+$0x0] =	vst.idx.msk $0xffff, v18;
	v18 =	vor.u32 s18, v23;
	v4 =	vld.idx.msk [tilespmem:v4+s17+$0x0], $0xffff  }
0x4cc: {  	v32 =	vor.u32 s12, v40;
	v26 =	vor.u32 s22, v23;
	v24 =	vld.idx.msk [tilespmem:v24+s17+$0x0], $0xffff  }
0x4cd: {  	v34 =	vor.u32 s30, v40  }
0x4ce: {  	[tilespmem:v28+s24+$0x0] =	vst.idx.msk $0xffff, v21  }
0x4cf: {  	[tilespmem:v22+s24+$0x0] =	vst.idx.msk $0xffff, v16;
	v21 =	vor.u32 s29, v25;
	v16 =	vld.idx.msk [tilespmem:v30+s17+$0x0], $0xffff  }
0x4d0: {  	v22 =	vor.u32 s26, v25;
	v19 =	vld.idx.msk [tilespmem:v19+s17+$0x0], $0xffff;
	v28 =	vor.u32 s25, v41;
	[tilespmem:v18+s24+$0x0] =	vst.idx.msk $0xffff, v4  }
0x4d1: {  	[tilespmem:v26+s24+$0x0] =	vst.idx.msk $0xffff, v24;
	v24 =	vor.u32 s18, v25;
	v4 =	vor.u32 s23, v41;
	v18 =	vld.idx.msk [tilespmem:v32+s17+$0x0], $0xffff  }
0x4d2: {  	v53 =	vor.u32 s12, v41;
	v30 =	vor.u32 s22, v25;
	v26 =	vld.idx.msk [tilespmem:v34+s17+$0x0], $0xffff  }
0x4d3: {  	v54 =	vor.u32 s30, v41  }
0x4d4: {  	[tilespmem:v21+s24+$0x0] =	vst.idx.msk $0xffff, v16  }
0x4d5: {  	[tilespmem:v22+s24+$0x0] =	vst.idx.msk $0xffff, v19;
	v19 =	vor.u32 s29, v27;
	v16 =	vld.idx.msk [tilespmem:v28+s17+$0x0], $0xffff  }
0x4d6: {  	v22 =	vor.u32 s26, v27;
	v21 =	vor.u32 s25, v42;
	v4 =	vld.idx.msk [tilespmem:v4+s17+$0x0], $0xffff;
	[tilespmem:v24+s24+$0x0] =	vst.idx.msk $0xffff, v18  }
0x4d7: {  	[tilespmem:v30+s24+$0x0] =	vst.idx.msk $0xffff, v26;
	v26 =	vor.u32 s18, v27;
	v18 =	vor.u32 s23, v42;
	v24 =	vld.idx.msk [tilespmem:v53+s17+$0x0], $0xffff  }
0x4d8: {  	[tilespmem:v15+s24+$0x0] =	vst.idx.msk $0xffff, v7;
	v15 =	vor.u32 s22, v27;
	v28 =	vor.u32 s12, v42;
	v7 =	vld.idx.msk [tilespmem:v54+s17+$0x0], $0xffff  }
0x4d9: {  	[tilespmem:v1+s24+$0x0] =	vst.idx.msk $0xffff, v12;
	v1 =	vor.u32 s30, v42  }
0x4da: {  	v12 =	vld.idx.msk [tilespmem:v13+s17+$0x0], $0xffff;
	v13 =	vor.u32 s0, v35;
	[tilespmem:v19+s24+$0x0] =	vst.idx.msk $0xffff, v16  }
0x4db: {  	v19 =	vor.u32 s29, v29;
	v16 =	vld.idx.msk [tilespmem:v21+s17+$0x0], $0xffff;
	[tilespmem:v22+s24+$0x0] =	vst.idx.msk $0xffff, v4  }
0x4dc: {  	v21 =	vor.u32 s26, v29;
	v4 =	vor.u32 s25, v43;
	v18 =	vld.idx.msk [tilespmem:v18+s17+$0x0], $0xffff;
	[tilespmem:v26+s24+$0x0] =	vst.idx.msk $0xffff, v24  }
0x4dd: {  	[tilespmem:v15+s24+$0x0] =	vst.idx.msk $0xffff, v7;
	v7 =	vor.u32 s23, v43;
	v22 =	vor.u32 s18, v29;
	v15 =	vld.idx.msk [tilespmem:v28+s17+$0x0], $0xffff  }
0x4de: {  	[tilespmem:v49+s24+$0x0] =	vst.idx.msk $0xffff, v9;
	v9 =	vor.u32 s22, v29;
	v1 =	vld.idx.msk [tilespmem:v1+s17+$0x0], $0xffff;
	v24 =	vor.u32 s12, v43  }
0x4df: {  	v10 =	vld.idx.msk [tilespmem:v10+s17+$0x0], $0xffff;
	[tilespmem:v13+s24+$0x0] =	vst.idx.msk $0xffff, v12;
	v12 =	vor.u32 s30, v43;
	v26 =	vor.u32 s2, v33  }
0x4e0: {  	v3 =	vld.idx.msk [tilespmem:v3+s17+$0x0], $0xffff;
	v13 =	vor.u32 s7, v46;
	[tilespmem:v19+s24+$0x0] =	vst.idx.msk $0xffff, v16  }
0x4e1: {  	v16 =	vor.u32 s8, v45;
	v19 =	vor.u32 s29, v31;
	v4 =	vld.idx.msk [tilespmem:v4+s17+$0x0], $0xffff;
	[tilespmem:v21+s24+$0x0] =	vst.idx.msk $0xffff, v18  }
0x4e2: {  	v18 =	vor.u32 s25, v44;
	v21 =	vor.u32 s26, v31;
	v7 =	vld.idx.msk [tilespmem:v7+s17+$0x0], $0xffff;
	[tilespmem:v22+s24+$0x0] =	vst.idx.msk $0xffff, v15  }
0x4e3: {  	[tilespmem:v9+s24+$0x0] =	vst.idx.msk $0xffff, v1;
	v15 =	vor.u32 s23, v44;
	v22 =	vld.idx.msk [tilespmem:v24+s17+$0x0], $0xffff;
	v24 =	vor.u32 s18, v31  }
0x4e4: {  	v1 =	vor.u32 s22, v31;
	v9 =	vor.u32 s12, v44;
	[tilespmem:v26+s24+$0x0] =	vst.idx.msk $0xffff, v10;
	v10 =	vld.idx.msk [tilespmem:v12+s17+$0x0], $0xffff  }
0x4e5: {  	[tilespmem:v6+s24+$0x0] =	vst.idx.msk $0xffff, v3;
	v3 =	vor.u32 s30, v44;
	v12 =	vld.idx.msk [tilespmem:v13+s17+$0x0], $0xffff;
	v13 =	vor.u32 s0, v37  }
0x4e6: {  	v6 =	vor.u32 s2, v35;
	v16 =	vld.idx.msk [tilespmem:v16+s17+$0x0], $0xffff;
	[tilespmem:v19+s24+$0x0] =	vst.idx.msk $0xffff, v4  }
0x4e7: {  	v4 =	vor.u32 s8, v46;
	v19 =	vor.u32 s29, v33;
	v18 =	vld.idx.msk [tilespmem:v18+s17+$0x0], $0xffff;
	[tilespmem:v21+s24+$0x0] =	vst.idx.msk $0xffff, v7  }
0x4e8: {  	v7 =	vor.u32 s25, v45;
	v21 =	vor.u32 s26, v33;
	v15 =	vld.idx.msk [tilespmem:v15+s17+$0x0], $0xffff;
	[tilespmem:v24+s24+$0x0] =	vst.idx.msk $0xffff, v22  }
0x4e9: {  	[tilespmem:v1+s24+$0x0] =	vst.idx.msk $0xffff, v10;
	v22 =	vor.u32 s23, v45;
	v24 =	vor.u32 s18, v33;
	v9 =	vld.idx.msk [tilespmem:v9+s17+$0x0], $0xffff  }
0x4ea: {  	[tilespmem:v13+s24+$0x0] =	vst.idx.msk $0xffff, v12;
	v1 =	vor.u32 s22, v33;
	v10 =	vor.u32 s12, v45;
	v3 =	vld.idx.msk [tilespmem:v3+s17+$0x0], $0xffff  }
0x4eb: {  	v12 =	vld.idx.msk [tilespmem:v50+s17+$0x0], $0xffff;
	[tilespmem:v6+s24+$0x0] =	vst.idx.msk $0xffff, v16;
	v6 =	vor.u32 s30, v45  }
0x4ec: {  	v13 =	vor.u32 s7, v47;
	v16 =	vor.u32 s2, v37;
	v4 =	vld.idx.msk [tilespmem:v4+s17+$0x0], $0xffff;
	[tilespmem:v19+s24+$0x0] =	vst.idx.msk $0xffff, v18  }
0x4ed: {  	v18 =	vor.u32 s1, v46;
	v19 =	vor.u32 s29, v35;
	v7 =	vld.idx.msk [tilespmem:v7+s17+$0x0], $0xffff;
	[tilespmem:v21+s24+$0x0] =	vst.idx.msk $0xffff, v15  }
0x4ee: {  	v15 =	vor.u32 s25, v46;
	v21 =	vld.idx.msk [tilespmem:v22+s17+$0x0], $0xffff;
	v22 =	vor.u32 s26, v35;
	[tilespmem:v24+s24+$0x0] =	vst.idx.msk $0xffff, v9  }
0x4ef: {  	[tilespmem:v1+s24+$0x0] =	vst.idx.msk $0xffff, v3;
	v9 =	vor.u32 s23, v46;
	v24 =	vor.u32 s18, v35;
	v10 =	vld.idx.msk [tilespmem:v10+s17+$0x0], $0xffff  }
0x4f0: {  	[tilespmem:v0+s24+$0x0] =	vst.idx.msk $0xffff, v12;
	v0 =	vor.u32 s22, v35;
	v1 =	vor.u32 s12, v46;
	v3 =	vld.idx.msk [tilespmem:v6+s17+$0x0], $0xffff  }
0x4f1: {  	v12 =	vor.u32 s0, v39;
	v6 =	vld.idx.msk [tilespmem:v13+s17+$0x0], $0xffff;
	[tilespmem:v16+s24+$0x0] =	vst.idx.msk $0xffff, v4;
	v4 =	vor.u32 s30, v46  }
0x4f2: {  	v13 =	vor.u32 s11, v37;
	v16 =	vld.idx.msk [tilespmem:v18+s17+$0x0], $0xffff;
	v18 =	vor.u32 s8, v47;
	[tilespmem:v19+s24+$0x0] =	vst.idx.msk $0xffff, v7  }
0x4f3: {  	v7 =	vor.u32 s1, v47;
	v19 =	vor.u32 s29, v37;
	v15 =	vld.idx.msk [tilespmem:v15+s17+$0x0], $0xffff;
	[tilespmem:v22+s24+$0x0] =	vst.idx.msk $0xffff, v21  }
0x4f4: {  	v21 =	vor.u32 s25, v47;
	v22 =	vor.u32 s26, v37;
	v9 =	vld.idx.msk [tilespmem:v9+s17+$0x0], $0xffff;
	[tilespmem:v24+s24+$0x0] =	vst.idx.msk $0xffff, v10  }
0x4f5: {  	[tilespmem:v0+s24+$0x0] =	vst.idx.msk $0xffff, v3;
	v10 =	vor.u32 s23, v47;
	v24 =	vor.u32 s18, v37;
	v1 =	vld.idx.msk [tilespmem:v1+s17+$0x0], $0xffff  }
0x4f6: {  	[tilespmem:v12+s24+$0x0] =	vst.idx.msk $0xffff, v6;
	v0 =	vor.u32 s22, v37;
	v3 =	vld.idx.msk [tilespmem:v4+s17+$0x0], $0xffff;
	v4 =	vor.u32 s12, v47  }
0x4f7: {  	v12 =	vor.u32 s2, v39;
	v6 =	vld.idx.msk [tilespmem:v18+s17+$0x0], $0xffff;
	[tilespmem:v13+s24+$0x0] =	vst.idx.msk $0xffff, v16;
	v13 =	vor.u32 s30, v47  }
0x4f8: {  	v16 =	vor.u32 s11, v39;
	v7 =	vld.idx.msk [tilespmem:v7+s17+$0x0], $0xffff;
	[tilespmem:v19+s24+$0x0] =	vst.idx.msk $0xffff, v15  }
0x4f9: {  	v15 =	vld.idx.msk [tilespmem:v21+s17+$0x0], $0xffff;
	[tilespmem:v22+s24+$0x0] =	vst.idx.msk $0xffff, v9  }
0x4fa: {  	v9 =	vld.idx.msk [tilespmem:v10+s17+$0x0], $0xffff;
	v10 =	vor.u32 s26, v39;
	[tilespmem:v24+s24+$0x0] =	vst.idx.msk $0xffff, v1  }
0x4fb: {  	[tilespmem:v0+s24+$0x0] =	vst.idx.msk $0xffff, v3;
	v0 =	vor.u32 s18, v39;
	v1 =	vld.idx.msk [tilespmem:v4+s17+$0x0], $0xffff  }
0x4fc: {  	v3 =	vor.u32 s22, v39;
	[tilespmem:v12+s24+$0x0] =	vst.idx.msk $0xffff, v6;
	v4 =	vld.idx.msk [tilespmem:v13+s17+$0x0], $0xffff  }
0x4fd: {  	[tilespmem:v16+s24+$0x0] =	vst.idx.msk $0xffff, v7  }
0x4fe: {  	[tilespmem:v48+s24+$0x0] =	vst.idx.msk $0xffff, v15  }
0x4ff: {  	[tilespmem:v10+s24+$0x0] =	vst.idx.msk $0xffff, v9  }
.Ltmp7:
0x500: {  	[tilespmem:v0+s24+$0x0] =	vst.idx.msk $0xffff, v1;
	(pc) =	sbr.rel @p1 .LBB2_16-.Ltmp7, $4  }
0x501: {  	[tilespmem:v3+s24+$0x0] =	vst.idx.msk $0xffff, v4  }
0x502: {  	s26 =	rddreg [dreg:$0x6]  }
0x503: {  	s29 =	simm.s32 $0x400;
	s30 =	simm.s32 $0x8000;
	s0 =	sadd.s32 s19, s26  }
0x504: {  	[hbm4b:s0+s29] =	stream.strided.scatter [tilespmem:s24], [sflag:$0x6], $0x2000, s30, s29, $0x38;
	[tilespmem:$0x1C800] =	vst v63  }
.Ltmp8:
0x505: {  	(pc) =	sbr.rel .LBB2_17-.Ltmp8, $4  }
0x506: {  	s0 =	simm.s32 $0x3  }
0x507: {  	_ =	swait.ge [sflag:s0], $0x2000  }
0x508: {  	[sflag:s0] =	ssyncset.done $0x0  }
0x509: {  	[sflag:s0] =	ssyncadd.s32 $0xFFFFE000  }
.LBB2_16:
0x50a: {  	s0 =	rddreg [dreg:$0xa]  }
0x50b: {  	s0 =	sshll.u32 s0, $0x9  }
0x50c: {  	s1 =	rddreg [dreg:$0x3];
	s2 =	simm.s32 $0x80;
	s0 =	sand.u32 $0x3FFFFE00, s0  }
.Ltmp9:
0x50d: {  	s30 =	simm.s32 $0x3;
	s0 =	sadd.s32 $0x280, s0;
	(pc) =	sbr.rel @p0 .LBB2_18-.Ltmp9, $4  }
0x50e: {  	[tilespmem:s17], [sflag:$0x2] =	stream.indirect.gather [hbm4b:s1+s2], $0x40, s0, s2, $0xb8;
	[tilespmem:$0x1C800] =	vst v63  }
0x50f: {  	_ =	swait.ge [sflag:s30], $0x2000  }
0x510: {  	[sflag:s30] =	ssyncset.done $0x0  }
0x511: {  	[sflag:s30] =	ssyncadd.s32 $0xFFFFE000  }
.LBB2_17:
0x512: {  	s0 =	simm.s32 $0x7  }
0x513: {  	_ =	swait.ge [sflag:s0], $0x2000  }
0x514: {  	[sflag:s0] =	ssyncset.done $0x0  }
0x515: {  	[sflag:s0] =	ssyncadd.s32 $0xFFFFE000  }
.LBB2_18:
0x516: {  	s0 =	simm.s32 $0x0  }
0x517: {  	s2 =	sand.u32 $0x4, s0  }
0x518: {  	s0 =	sor.u32 $0x2, s2  }
0x519: {  	s1 =	sshll.u32 s0, $0xA  }
0x51a: {  	s7 =	sadd.s32 $0x0, s1  }
0x51b: {  	s3 =	sor.u32 $0x3, s2;
	s13 =	sshll.u32 s2, $0xA;
	v0 =	vor.u32 s7, v56  }
0x51c: {  	s4 =	sshll.u32 s3, $0xA;
	s1 =	sadd.s32 $0x0, s13  }
0x51d: {  	s20 =	sadd.s32 $0x0, s4;
	v1 =	vor.u32 s1, v56  }
0x51e: {  	s14 =	simm.s32 $0x0;
	s0 =	sshll.u32 s0, $0x4;
	v3 =	vor.u32 s20, v56  }
0x51f: {  	s17 =	simm.s32 $0x10800;
	s0 =	sor.u32 s14, s0  }
0x520: {  	s5 =	sshll.u32 s2, $0x4;
	v4 =	vor.u32 s0, v2;
	v0 =	vld.idx.msk [tilespmem:v0+s17+$0x0], $0xffff  }
0x521: {  	s3 =	sshll.u32 s3, $0x4;
	s11 =	sor.u32 s5, s14;
	v6 =	vor.u32 s7, v57  }
0x522: {  	s21 =	sor.u32 s14, s3;
	v7 =	vor.u32 s11, v2;
	v1 =	vld.idx.msk [tilespmem:v1+s17+$0x0], $0xffff  }
0x523: {  	s2 =	sor.u32 $0x1, s2;
	v9 =	vor.u32 s1, v57;
	v10 =	vor.u32 s21, v2;
	v3 =	vld.idx.msk [tilespmem:v3+s17+$0x0], $0xffff  }
0x524: {  	s15 =	sshll.u32 s2, $0xA;
	v12 =	vor.u32 s20, v57  }
0x525: {  	s8 =	sadd.s32 $0x0, s15;
	[tilespmem:v4+s28+$0x0] =	vst.idx.msk $0xffff, v0  }
0x526: {  	v0 =	vor.u32 s8, v56;
	v4 =	vld.idx.msk [tilespmem:v6+s17+$0x0], $0xffff;
	v6 =	vor.u32 s0, v5  }
0x527: {  	[tilespmem:v7+s28+$0x0] =	vst.idx.msk $0xffff, v1;
	v1 =	vor.u32 s7, v58  }
0x528: {  	[tilespmem:v10+s28+$0x0] =	vst.idx.msk $0xffff, v3;
	v7 =	vld.idx.msk [tilespmem:v9+s17+$0x0], $0xffff;
	v9 =	vor.u32 s11, v5  }
0x529: {  	s2 =	sshll.u32 s2, $0x4;
	v3 =	vor.u32 s21, v5;
	v10 =	vld.idx.msk [tilespmem:v12+s17+$0x0], $0xffff;
	v12 =	vor.u32 s1, v58  }
0x52a: {  	s2 =	sor.u32 s14, s2;
	v13 =	vor.u32 s20, v58  }
0x52b: {  	v15 =	vor.u32 s2, v2;
	v0 =	vld.idx.msk [tilespmem:v0+s17+$0x0], $0xffff;
	[tilespmem:v6+s28+$0x0] =	vst.idx.msk $0xffff, v4  }
0x52c: {  	v4 =	vor.u32 s8, v57;
	v6 =	vor.u32 s0, v8;
	v1 =	vld.idx.msk [tilespmem:v1+s17+$0x0], $0xffff  }
0x52d: {  	[tilespmem:v9+s28+$0x0] =	vst.idx.msk $0xffff, v7;
	v7 =	vor.u32 s7, v59  }
0x52e: {  	[tilespmem:v3+s28+$0x0] =	vst.idx.msk $0xffff, v10;
	v9 =	vor.u32 s11, v8;
	v3 =	vld.idx.msk [tilespmem:v12+s17+$0x0], $0xffff  }
0x52f: {  	v10 =	vld.idx.msk [tilespmem:v13+s17+$0x0], $0xffff;
	v12 =	vor.u32 s21, v8;
	v13 =	vor.u32 s1, v59  }
0x530: {  	[tilespmem:v15+s28+$0x0] =	vst.idx.msk $0xffff, v0;
	v0 =	vor.u32 s20, v59  }
0x531: {  	v15 =	vor.u32 s2, v5;
	v4 =	vld.idx.msk [tilespmem:v4+s17+$0x0], $0xffff;
	[tilespmem:v6+s28+$0x0] =	vst.idx.msk $0xffff, v1  }
0x532: {  	v1 =	vor.u32 s8, v58;
	v6 =	vld.idx.msk [tilespmem:v7+s17+$0x0], $0xffff;
	v7 =	vor.u32 s0, v11  }
0x533: {  	v16 =	vor.u32 s7, v60;
	[tilespmem:v9+s28+$0x0] =	vst.idx.msk $0xffff, v3  }
0x534: {  	[tilespmem:v12+s28+$0x0] =	vst.idx.msk $0xffff, v10;
	v9 =	vor.u32 s11, v11;
	v3 =	vld.idx.msk [tilespmem:v13+s17+$0x0], $0xffff  }
0x535: {  	v10 =	vor.u32 s21, v11;
	v12 =	vor.u32 s1, v60;
	v0 =	vld.idx.msk [tilespmem:v0+s17+$0x0], $0xffff  }
0x536: {  	[tilespmem:v15+s28+$0x0] =	vst.idx.msk $0xffff, v4;
	v4 =	vor.u32 s20, v60  }
0x537: {  	v13 =	vor.u32 s2, v8;
	v1 =	vld.idx.msk [tilespmem:v1+s17+$0x0], $0xffff;
	[tilespmem:v7+s28+$0x0] =	vst.idx.msk $0xffff, v6  }
0x538: {  	v15 =	vor.u32 s0, v14;
	v6 =	vor.u32 s8, v59;
	v7 =	vld.idx.msk [tilespmem:v16+s17+$0x0], $0xffff  }
0x539: {  	[tilespmem:v9+s28+$0x0] =	vst.idx.msk $0xffff, v3;
	v16 =	vor.u32 s7, v61  }
0x53a: {  	v3 =	vor.u32 s11, v14;
	[tilespmem:v10+s28+$0x0] =	vst.idx.msk $0xffff, v0;
	v0 =	vld.idx.msk [tilespmem:v12+s17+$0x0], $0xffff  }
0x53b: {  	v9 =	vor.u32 s21, v14;
	v10 =	vor.u32 s1, v61;
	v4 =	vld.idx.msk [tilespmem:v4+s17+$0x0], $0xffff  }
0x53c: {  	[tilespmem:v13+s28+$0x0] =	vst.idx.msk $0xffff, v1;
	v1 =	vor.u32 s20, v61  }
0x53d: {  	v12 =	vor.u32 s2, v11;
	v6 =	vld.idx.msk [tilespmem:v6+s17+$0x0], $0xffff;
	[tilespmem:v15+s28+$0x0] =	vst.idx.msk $0xffff, v7  }
0x53e: {  	v7 =	vor.u32 s8, v60;
	v15 =	vor.u32 s0, v17;
	v13 =	vld.idx.msk [tilespmem:v16+s17+$0x0], $0xffff  }
0x53f: {  	v16 =	vor.u32 s7, v62;
	[tilespmem:v3+s28+$0x0] =	vst.idx.msk $0xffff, v0  }
0x540: {  	v3 =	vor.u32 s11, v17;
	[tilespmem:v9+s28+$0x0] =	vst.idx.msk $0xffff, v4;
	v0 =	vld.idx.msk [tilespmem:v10+s17+$0x0], $0xffff  }
0x541: {  	v4 =	vor.u32 s21, v17;
	v9 =	vor.u32 s1, v62;
	v1 =	vld.idx.msk [tilespmem:v1+s17+$0x0], $0xffff  }
0x542: {  	[tilespmem:v12+s28+$0x0] =	vst.idx.msk $0xffff, v6;
	v6 =	vor.u32 s20, v62  }
0x543: {  	v10 =	vor.u32 s2, v14;
	v7 =	vld.idx.msk [tilespmem:v7+s17+$0x0], $0xffff;
	[tilespmem:v15+s28+$0x0] =	vst.idx.msk $0xffff, v13  }
0x544: {  	v12 =	vor.u32 s8, v61;
	v15 =	vor.u32 s0, v20;
	v13 =	vld.idx.msk [tilespmem:v16+s17+$0x0], $0xffff  }
0x545: {  	v16 =	vor.u32 s7, v63;
	[tilespmem:v3+s28+$0x0] =	vst.idx.msk $0xffff, v0  }
0x546: {  	[tilespmem:v4+s28+$0x0] =	vst.idx.msk $0xffff, v1;
	v0 =	vld.idx.msk [tilespmem:v9+s17+$0x0], $0xffff;
	v1 =	vor.u32 s11, v20  }
0x547: {  	s6 =	simm.s32 $0x4;
	v4 =	vor.u32 s21, v20;
	v3 =	vld.idx.msk [tilespmem:v6+s17+$0x0], $0xffff;
	v6 =	vor.u32 s1, v63  }
0x548: {  	s3 =	sand.u32 $0x4, s6;
	[tilespmem:v10+s28+$0x0] =	vst.idx.msk $0xffff, v7;
	v7 =	vor.u32 s20, v63  }
0x549: {  	s16 =	sor.u32 $0x2, s3;
	v10 =	vor.u32 s2, v17;
	v9 =	vld.idx.msk [tilespmem:v12+s17+$0x0], $0xffff;
	[tilespmem:v15+s28+$0x0] =	vst.idx.msk $0xffff, v13  }
0x54a: {  	s18 =	sshll.u32 s16, $0xA;
	v12 =	vor.u32 s8, v62;
	v15 =	vor.u32 s0, v23;
	v13 =	vld.idx.msk [tilespmem:v16+s17+$0x0], $0xffff  }
0x54b: {  	s23 =	sadd.s32 $0x0, s18;
	v16 =	vor.u32 s7, v40;
	[tilespmem:v1+s28+$0x0] =	vst.idx.msk $0xffff, v0  }
0x54c: {  	s22 =	sor.u32 $0x1, s3;
	v1 =	vor.u32 s11, v23;
	[tilespmem:v4+s28+$0x0] =	vst.idx.msk $0xffff, v3;
	v0 =	vld.idx.msk [tilespmem:v6+s17+$0x0], $0xffff;
	v3 =	vor.u32 s23, v56  }
0x54d: {  	s9 =	simm.s32 $0x0;
	s10 =	sshll.u32 s22, $0xA;
	v6 =	vor.u32 s1, v40;
	v4 =	vld.idx.msk [tilespmem:v7+s17+$0x0], $0xffff;
	v7 =	vor.u32 s21, v23  }
0x54e: {  	s13 =	sor.u32 $0x3, s3;
	s12 =	sshll.u32 s3, $0xA;
	s30 =	sadd.s32 $0x0, s10;
	[tilespmem:v10+s28+$0x0] =	vst.idx.msk $0xffff, v9;
	v9 =	vor.u32 s20, v40  }
0x54f: {  	s12 =	sadd.s32 $0x0, s12;
	s14 =	sshll.u32 s13, $0xA;
	s4 =	sshll.u32 s16, $0x4;
	v10 =	vld.idx.msk [tilespmem:v12+s17+$0x0], $0xffff;
	v12 =	vor.u32 s30, v56;
	[tilespmem:v15+s28+$0x0] =	vst.idx.msk $0xffff, v13  }
0x550: {  	s25 =	sadd.s32 $0x0, s14;
	s26 =	sor.u32 s9, s4;
	v15 =	vor.u32 s12, v56;
	v13 =	vld.idx.msk [tilespmem:v16+s17+$0x0], $0xffff  }
0x551: {  	v16 =	vor.u32 s25, v56;
	[tilespmem:v1+s28+$0x0] =	vst.idx.msk $0xffff, v0;
	v0 =	vld.idx.msk [tilespmem:v3+s17+$0x0], $0xffff;
	v1 =	vor.u32 s26, v2  }
0x552: {  	s15 =	sshll.u32 s22, $0x4;
	[tilespmem:v7+s28+$0x0] =	vst.idx.msk $0xffff, v4;
	v3 =	vld.idx.msk [tilespmem:v6+s17+$0x0], $0xffff;
	v4 =	vor.u32 s11, v25;
	v6 =	vor.u32 s23, v57  }
0x553: {  	s3 =	sshll.u32 s3, $0x4;
	v18 =	vor.u32 s1, v41;
	s18 =	sor.u32 s9, s15;
	v7 =	vld.idx.msk [tilespmem:v9+s17+$0x0], $0xffff;
	v9 =	vor.u32 s21, v25  }
0x554: {  	v21 =	vor.u32 s20, v41;
	s16 =	sshll.u32 s13, $0x4;
	s22 =	sor.u32 s3, s9;
	v19 =	vor.u32 s18, v2;
	v12 =	vld.idx.msk [tilespmem:v12+s17+$0x0], $0xffff  }
0x555: {  	s29 =	sor.u32 s9, s16;
	v24 =	vor.u32 s22, v2;
	v22 =	vor.u32 s30, v57;
	v15 =	vld.idx.msk [tilespmem:v15+s17+$0x0], $0xffff  }
0x556: {  	v28 =	vor.u32 s29, v2;
	v16 =	vld.idx.msk [tilespmem:v16+s17+$0x0], $0xffff;
	[tilespmem:v1+s28+$0x0] =	vst.idx.msk $0xffff, v0  }
0x557: {  	v0 =	vor.u32 s25, v57;
	[tilespmem:v4+s28+$0x0] =	vst.idx.msk $0xffff, v3;
	v1 =	vld.idx.msk [tilespmem:v6+s17+$0x0], $0xffff;
	v3 =	vor.u32 s26, v5  }
0x558: {  	v26 =	vor.u32 s12, v57;
	v4 =	vor.u32 s0, v25;
	[tilespmem:v9+s28+$0x0] =	vst.idx.msk $0xffff, v7;
	v6 =	vld.idx.msk [tilespmem:v18+s17+$0x0], $0xffff  }
0x559: {  	v7 =	vor.u32 s23, v58;
	v18 =	vor.u32 s21, v27;
	[tilespmem:v19+s28+$0x0] =	vst.idx.msk $0xffff, v12;
	v9 =	vld.idx.msk [tilespmem:v21+s17+$0x0], $0xffff  }
0x55a: {  	v19 =	vor.u32 s18, v5;
	[tilespmem:v24+s28+$0x0] =	vst.idx.msk $0xffff, v15;
	v15 =	vld.idx.msk [tilespmem:v22+s17+$0x0], $0xffff  }
0x55b: {  	v12 =	vor.u32 s7, v41;
	v22 =	vor.u32 s2, v20;
	[tilespmem:v28+s28+$0x0] =	vst.idx.msk $0xffff, v16  }
0x55c: {  	v21 =	vor.u32 s20, v42;
	v16 =	vor.u32 s29, v5;
	v0 =	vld.idx.msk [tilespmem:v0+s17+$0x0], $0xffff;
	[tilespmem:v3+s28+$0x0] =	vst.idx.msk $0xffff, v1  }
0x55d: {  	v24 =	vor.u32 s30, v58;
	v26 =	vld.idx.msk [tilespmem:v26+s17+$0x0], $0xffff;
	[tilespmem:v4+s28+$0x0] =	vst.idx.msk $0xffff, v13;
	v1 =	vor.u32 s22, v5  }
0x55e: {  	v28 =	vor.u32 s8, v63;
	v4 =	vld.idx.msk [tilespmem:v7+s17+$0x0], $0xffff;
	v7 =	vor.u32 s11, v27;
	[tilespmem:v18+s28+$0x0] =	vst.idx.msk $0xffff, v9  }
0x55f: {  	v13 =	vor.u32 s12, v58;
	v9 =	vor.u32 s26, v8;
	[tilespmem:v19+s28+$0x0] =	vst.idx.msk $0xffff, v15  }
0x560: {  	v3 =	vor.u32 s25, v58;
	v12 =	vld.idx.msk [tilespmem:v12+s17+$0x0], $0xffff;
	v18 =	vor.u32 s0, v27;
	[tilespmem:v22+s28+$0x0] =	vst.idx.msk $0xffff, v10  }
0x561: {  	v15 =	vld.idx.msk [tilespmem:v21+s17+$0x0], $0xffff;
	v10 =	vor.u32 s23, v59;
	v22 =	vor.u32 s21, v29;
	[tilespmem:v16+s28+$0x0] =	vst.idx.msk $0xffff, v0  }
0x562: {  	v21 =	vor.u32 s7, v42;
	v19 =	vld.idx.msk [tilespmem:v24+s17+$0x0], $0xffff;
	v16 =	vor.u32 s18, v8;
	[tilespmem:v1+s28+$0x0] =	vst.idx.msk $0xffff, v26  }
0x563: {  	v0 =	vld.idx.msk [tilespmem:v28+s17+$0x0], $0xffff;
	v1 =	vor.u32 s20, v43;
	[tilespmem:v7+s28+$0x0] =	vst.idx.msk $0xffff, v6;
	v7 =	vor.u32 s2, v23  }
0x564: {  	v24 =	vor.u32 s22, v8;
	v6 =	vor.u32 s30, v59;
	v13 =	vld.idx.msk [tilespmem:v13+s17+$0x0], $0xffff;
	[tilespmem:v9+s28+$0x0] =	vst.idx.msk $0xffff, v4  }
0x565: {  	v3 =	vld.idx.msk [tilespmem:v3+s17+$0x0], $0xffff;
	v4 =	vor.u32 s29, v8;
	v9 =	vor.u32 s8, v40;
	[tilespmem:v18+s28+$0x0] =	vst.idx.msk $0xffff, v12  }
0x566: {  	v18 =	vor.u32 s12, v59;
	v10 =	vld.idx.msk [tilespmem:v10+s17+$0x0], $0xffff;
	[tilespmem:v22+s28+$0x0] =	vst.idx.msk $0xffff, v15  }
0x567: {  	v26 =	vor.u32 s25, v59;
	v28 =	vor.u32 s26, v11;
	v21 =	vld.idx.msk [tilespmem:v21+s17+$0x0], $0xffff;
	[tilespmem:v16+s28+$0x0] =	vst.idx.msk $0xffff, v19  }
0x568: {  	v15 =	vor.u32 s23, v60;
	v16 =	vor.u32 s0, v29;
	v1 =	vld.idx.msk [tilespmem:v1+s17+$0x0], $0xffff;
	[tilespmem:v7+s28+$0x0] =	vst.idx.msk $0xffff, v0  }
0x569: {  	v6 =	vld.idx.msk [tilespmem:v6+s17+$0x0], $0xffff;
	v0 =	vor.u32 s7, v43;
	v7 =	vor.u32 s21, v31;
	[tilespmem:v24+s28+$0x0] =	vst.idx.msk $0xffff, v13  }
0x56a: {  	v12 =	vor.u32 s20, v44;
	v19 =	vor.u32 s18, v11;
	[tilespmem:v4+s28+$0x0] =	vst.idx.msk $0xffff, v3;
	v3 =	vld.idx.msk [tilespmem:v9+s17+$0x0], $0xffff  }
0x56b: {  	v22 =	vor.u32 s2, v25;
	v9 =	vor.u32 s30, v60;
	v18 =	vld.idx.msk [tilespmem:v18+s17+$0x0], $0xffff  }
0x56c: {  	v24 =	vor.u32 s8, v41;
	v13 =	vld.idx.msk [tilespmem:v26+s17+$0x0], $0xffff;
	[tilespmem:v28+s28+$0x0] =	vst.idx.msk $0xffff, v10;
	v10 =	vor.u32 s29, v11  }
0x56d: {  	v26 =	vor.u32 s22, v11;
	v28 =	vor.u32 s25, v60;
	v15 =	vld.idx.msk [tilespmem:v15+s17+$0x0], $0xffff;
	[tilespmem:v16+s28+$0x0] =	vst.idx.msk $0xffff, v21  }
0x56e: {  	v16 =	vor.u32 s12, v60;
	v21 =	vor.u32 s26, v14;
	v0 =	vld.idx.msk [tilespmem:v0+s17+$0x0], $0xffff;
	[tilespmem:v7+s28+$0x0] =	vst.idx.msk $0xffff, v1  }
0x56f: {  	[tilespmem:v19+s28+$0x0] =	vst.idx.msk $0xffff, v6;
	v1 =	vor.u32 s23, v61;
	v6 =	vor.u32 s0, v31;
	v7 =	vld.idx.msk [tilespmem:v12+s17+$0x0], $0xffff  }
0x570: {  	v49 =	vor.u32 s21, v39;
	v9 =	vld.idx.msk [tilespmem:v9+s17+$0x0], $0xffff;
	[tilespmem:v22+s28+$0x0] =	vst.idx.msk $0xffff, v3;
	v3 =	vor.u32 s7, v44;
	v12 =	vor.u32 s21, v33  }
0x571: {  	v19 =	vor.u32 s20, v45;
	v22 =	vor.u32 s18, v14;
	[tilespmem:v10+s28+$0x0] =	vst.idx.msk $0xffff, v13;
	v10 =	vld.idx.msk [tilespmem:v24+s17+$0x0], $0xffff  }
0x572: {  	[tilespmem:v26+s28+$0x0] =	vst.idx.msk $0xffff, v18;
	v13 =	vor.u32 s30, v61;
	v24 =	vor.u32 s2, v27;
	v18 =	vld.idx.msk [tilespmem:v28+s17+$0x0], $0xffff  }
0x573: {  	v16 =	vld.idx.msk [tilespmem:v16+s17+$0x0], $0xffff;
	[tilespmem:v21+s28+$0x0] =	vst.idx.msk $0xffff, v15;
	v15 =	vor.u32 s29, v14;
	v21 =	vor.u32 s8, v42  }
0x574: {  	v26 =	vor.u32 s22, v14;
	v28 =	vor.u32 s25, v61;
	v1 =	vld.idx.msk [tilespmem:v1+s17+$0x0], $0xffff;
	[tilespmem:v6+s28+$0x0] =	vst.idx.msk $0xffff, v0  }
0x575: {  	v0 =	vor.u32 s12, v61;
	v6 =	vor.u32 s26, v17;
	v3 =	vld.idx.msk [tilespmem:v3+s17+$0x0], $0xffff;
	[tilespmem:v12+s28+$0x0] =	vst.idx.msk $0xffff, v7  }
0x576: {  	[tilespmem:v22+s28+$0x0] =	vst.idx.msk $0xffff, v9;
	v7 =	vor.u32 s23, v62;
	v9 =	vor.u32 s0, v33;
	v12 =	vld.idx.msk [tilespmem:v19+s17+$0x0], $0xffff  }
0x577: {  	v38 =	vor.u32 s21, v37;
	v19 =	vor.u32 s1, v42;
	v13 =	vld.idx.msk [tilespmem:v13+s17+$0x0], $0xffff;
	[tilespmem:v24+s28+$0x0] =	vst.idx.msk $0xffff, v10;
	v10 =	vor.u32 s21, v35  }
0x578: {  	v51 =	vor.u32 s20, v47;
	v22 =	vor.u32 s20, v46;
	v24 =	vor.u32 s18, v17;
	[tilespmem:v15+s28+$0x0] =	vst.idx.msk $0xffff, v18;
	v15 =	vld.idx.msk [tilespmem:v21+s17+$0x0], $0xffff  }
0x579: {  	[tilespmem:v26+s28+$0x0] =	vst.idx.msk $0xffff, v16;
	v16 =	vor.u32 s30, v62;
	v21 =	vor.u32 s2, v29;
	v18 =	vld.idx.msk [tilespmem:v28+s17+$0x0], $0xffff  }
0x57a: {  	v26 =	vld.idx.msk [tilespmem:v0+s17+$0x0], $0xffff;
	[tilespmem:v6+s28+$0x0] =	vst.idx.msk $0xffff, v1;
	v0 =	vor.u32 s29, v17;
	v6 =	vor.u32 s8, v43  }
0x57b: {  	v32 =	vor.u32 s25, v62;
	v28 =	vor.u32 s22, v17;
	v30 =	vld.idx.msk [tilespmem:v7+s17+$0x0], $0xffff;
	[tilespmem:v9+s28+$0x0] =	vst.idx.msk $0xffff, v3  }
0x57c: {  	v34 =	vor.u32 s26, v20;
	v9 =	vor.u32 s12, v62;
	v19 =	vld.idx.msk [tilespmem:v19+s17+$0x0], $0xffff;
	[tilespmem:v10+s28+$0x0] =	vst.idx.msk $0xffff, v12  }
0x57d: {  	v4 =	vor.u32 s11, v29;
	[tilespmem:v24+s28+$0x0] =	vst.idx.msk $0xffff, v13;
	v24 =	vor.u32 s23, v63;
	v22 =	vld.idx.msk [tilespmem:v22+s17+$0x0], $0xffff  }
0x57e: {  	v52 =	vor.u32 s18, v20;
	v12 =	vor.u32 s1, v43;
	v36 =	vld.idx.msk [tilespmem:v16+s17+$0x0], $0xffff;
	[tilespmem:v21+s28+$0x0] =	vst.idx.msk $0xffff, v15  }
0x57f: {  	v50 =	vor.u32 s1, v45;
	v1 =	vor.u32 s11, v31;
	v3 =	vor.u32 s1, v44;
	[tilespmem:v0+s28+$0x0] =	vst.idx.msk $0xffff, v18;
	v7 =	vld.idx.msk [tilespmem:v6+s17+$0x0], $0xffff  }
0x580: {  	v13 =	vor.u32 s7, v45;
	v15 =	vor.u32 s2, v31;
	[tilespmem:v28+s28+$0x0] =	vst.idx.msk $0xffff, v26;
	v21 =	vld.idx.msk [tilespmem:v32+s17+$0x0], $0xffff  }
0x581: {  	v48 =	vor.u32 s29, v39;
	v10 =	vor.u32 s8, v44;
	v28 =	vor.u32 s29, v20;
	v18 =	vld.idx.msk [tilespmem:v9+s17+$0x0], $0xffff;
	[tilespmem:v34+s28+$0x0] =	vst.idx.msk $0xffff, v30  }
0x582: {  	v26 =	vor.u32 s22, v20;
	v30 =	vor.u32 s25, v63;
	v16 =	vld.idx.msk [tilespmem:v24+s17+$0x0], $0xffff;
	[tilespmem:v4+s28+$0x0] =	vst.idx.msk $0xffff, v19  }
0x583: {  	v24 =	vor.u32 s12, v63;
	v12 =	vld.idx.msk [tilespmem:v12+s17+$0x0], $0xffff;
	[tilespmem:v38+s28+$0x0] =	vst.idx.msk $0xffff, v22;
	v22 =	vor.u32 s26, v23  }
0x584: {  	v6 =	vor.u32 s11, v33;
	v0 =	vor.u32 s11, v35;
	v19 =	vor.u32 s23, v40;
	[tilespmem:v52+s28+$0x0] =	vst.idx.msk $0xffff, v36;
	v9 =	vld.idx.msk [tilespmem:v51+s17+$0x0], $0xffff  }
.LBB2_19:
0x585: {  	s6 =	sadd.s32 $0x4, s6;
	v4 =	vor.u32 s1, v47;
	[tilespmem:v15+s28+$0x0] =	vst.idx.msk $0xffff, v7;
	v15 =	vor.u32 s8, v45;
	v13 =	vld.idx.msk [tilespmem:v13+s17+$0x0], $0xffff  }
0x586: {  	v7 =	vor.u32 s11, v37;
	s3 =	sshrl.u32 s6, $0x3;
	s10 =	sand.u32 $0x4, s6;
	p2 =	slt.u32 s6, $0x1C;
	[tilespmem:v28+s28+$0x0] =	vst.idx.msk $0xffff, v21;
	v10 =	vld.idx.msk [tilespmem:v10+s17+$0x0], $0xffff;
	v21 =	vor.u32 s0, v35  }
0x587: {  	v28 =	vor.u32 s7, v46;
	s13 =	sshll.u32 s3, $0xB;
	s4 =	sor.u32 $0x1, s10;
	s14 =	sor.u32 $0x2, s10;
	[tilespmem:v26+s28+$0x0] =	vst.idx.msk $0xffff, v18;
	v18 =	vld.idx.msk [tilespmem:v30+s17+$0x0], $0xffff;
	v26 =	vor.u32 s2, v33  }
0x588: {  	s3 =	sshll.u32 s3, $0x4;
	s15 =	sor.u32 $0x3, s10;
	v30 =	vor.u32 s12, v40;
	s5 =	sshll.u32 s4, $0xA;
	v24 =	vld.idx.msk [tilespmem:v24+s17+$0x0], $0xffff;
	[tilespmem:v22+s28+$0x0] =	vst.idx.msk $0xffff, v16;
	v16 =	vor.u32 s29, v23  }
0x589: {  	v32 =	vor.u32 s25, v40;
	s9 =	sshll.u32 s10, $0xA;
	s16 =	sshll.u32 s14, $0xA;
	v22 =	vor.u32 s22, v23;
	s5 =	sadd.s32 s3, s5;
	v19 =	vld.idx.msk [tilespmem:v19+s17+$0x0], $0xffff;
	[tilespmem:v1+s28+$0x0] =	vst.idx.msk $0xffff, v12  }
0x58a: {  	v34 =	vor.u32 s26, v25;
	s9 =	sadd.s32 s3, s9;
	s4 =	sshll.u32 s4, $0x4;
	s20 =	sshll.u32 s15, $0xA;
	v12 =	vor.u32 s5, v56;
	v3 =	vld.idx.msk [tilespmem:v3+s17+$0x0], $0xffff;
	[tilespmem:v49+s28+$0x0] =	vst.idx.msk $0xffff, v9;
	v49 =	vmov v48  }
0x58b: {  	s4 =	sor.u32 s13, s4;
	s16 =	sadd.s32 s3, s16;
	s20 =	sadd.s32 s3, s20;
	v9 =	vor.u32 s2, v35;
	[tilespmem:v21+s28+$0x0] =	vst.idx.msk $0xffff, v13  }
0x58c: {  	s3 =	sshll.u32 s10, $0x4;
	s10 =	sshll.u32 s14, $0x4;
	s14 =	sshll.u32 s15, $0x4;
	v13 =	vor.u32 s16, v56;
	v21 =	vor.u32 s20, v56;
	[tilespmem:v26+s28+$0x0] =	vst.idx.msk $0xffff, v10;
	v10 =	vld.idx.msk [tilespmem:v28+s17+$0x0], $0xffff  }
0x58d: {  	v1 =	vor.u32 s11, v39;
	s3 =	sor.u32 s3, s13;
	s10 =	sor.u32 s13, s10;
	s21 =	sor.u32 s13, s14;
	[tilespmem:v16+s28+$0x0] =	vst.idx.msk $0xffff, v18;
	v15 =	vld.idx.msk [tilespmem:v15+s17+$0x0], $0xffff;
	v16 =	vor.u32 s0, v37  }
0x58e: {  	s11 =	smov.u32 s22;
	v48 =	vor.u32 s21, v39;
	s22 =	smov.u32 s3;
	v18 =	vor.u32 s9, v56;
	[tilespmem:v22+s28+$0x0] =	vst.idx.msk $0xffff, v24;
	v22 =	vld.idx.msk [tilespmem:v32+s17+$0x0], $0xffff  }
0x58f: {  	v26 =	vor.u32 s8, v46;
	v24 =	vld.idx.msk [tilespmem:v30+s17+$0x0], $0xffff;
	[tilespmem:v34+s28+$0x0] =	vst.idx.msk $0xffff, v19;
	v19 =	vor.u32 s29, v25  }
0x590: {  	v28 =	vor.u32 s11, v25;
	v12 =	vld.idx.msk [tilespmem:v12+s17+$0x0], $0xffff;
	[tilespmem:v6+s28+$0x0] =	vst.idx.msk $0xffff, v3;
	v3 =	vor.u32 s7, v47;
	s7 =	smov.u32 s23;
	s23 =	smov.u32 s16  }
0x591: {  	v30 =	vor.u32 s12, v41;
	v6 =	vor.u32 s4, v2;
	v32 =	vld.idx.msk [tilespmem:v50+s17+$0x0], $0xffff  }
0x592: {  	v36 =	vor.u32 s10, v2;
	v34 =	vor.u32 s5, v57;
	v13 =	vld.idx.msk [tilespmem:v13+s17+$0x0], $0xffff;
	[tilespmem:v16+s28+$0x0] =	vst.idx.msk $0xffff, v10  }
0x593: {  	v16 =	vor.u32 s23, v57;
	v10 =	vld.idx.msk [tilespmem:v18+s17+$0x0], $0xffff;
	v18 =	vor.u32 s1, v46;
	[tilespmem:v9+s28+$0x0] =	vst.idx.msk $0xffff, v15;
	s1 =	smov.u32 s12;
	s12 =	smov.u32 s9  }
0x594: {  	v9 =	vor.u32 s22, v2;
	[tilespmem:v19+s28+$0x0] =	vst.idx.msk $0xffff, v22;
	v15 =	vld.idx.msk [tilespmem:v26+s17+$0x0], $0xffff;
	v19 =	vor.u32 s2, v37  }
0x595: {  	v22 =	vor.u32 s12, v57;
	[tilespmem:v28+s28+$0x0] =	vst.idx.msk $0xffff, v24;
	v3 =	vld.idx.msk [tilespmem:v3+s17+$0x0], $0xffff;
	v24 =	vor.u32 s0, v39;
	s0 =	smov.u32 s26;
	s26 =	smov.u32 s10  }
0x596: {  	v26 =	vor.u32 s25, v41;
	[tilespmem:v6+s28+$0x0] =	vst.idx.msk $0xffff, v12;
	v6 =	vor.u32 s21, v2;
	v12 =	vld.idx.msk [tilespmem:v30+s17+$0x0], $0xffff  }
0x597: {  	v28 =	vor.u32 s20, v57;
	v30 =	vor.u32 s11, v27;
	v21 =	vld.idx.msk [tilespmem:v21+s17+$0x0], $0xffff;
	[tilespmem:v0+s28+$0x0] =	vst.idx.msk $0xffff, v32  }
0x598: {  	v0 =	vor.u32 s4, v5;
	[tilespmem:v36+s28+$0x0] =	vst.idx.msk $0xffff, v13;
	v13 =	vld.idx.msk [tilespmem:v18+s17+$0x0], $0xffff;
	v18 =	vor.u32 s8, v47;
	s8 =	smov.u32 s30;
	s30 =	smov.u32 s5  }
0x599: {  	[tilespmem:v9+s28+$0x0] =	vst.idx.msk $0xffff, v10;
	v9 =	vor.u32 s30, v58;
	v10 =	vld.idx.msk [tilespmem:v16+s17+$0x0], $0xffff;
	v16 =	vor.u32 s26, v5  }
0x59a: {  	v50 =	vor.u32 s1, v45;
	v22 =	vld.idx.msk [tilespmem:v22+s17+$0x0], $0xffff;
	[tilespmem:v19+s28+$0x0] =	vst.idx.msk $0xffff, v15  }
0x59b: {  	v15 =	vor.u32 s22, v5;
	v19 =	vor.u32 s23, v58;
	v26 =	vld.idx.msk [tilespmem:v26+s17+$0x0], $0xffff;
	[tilespmem:v24+s28+$0x0] =	vst.idx.msk $0xffff, v3  }
0x59c: {  	v24 =	vor.u32 s29, v27;
	v3 =	vld.idx.msk [tilespmem:v34+s17+$0x0], $0xffff;
	[tilespmem:v30+s28+$0x0] =	vst.idx.msk $0xffff, v12;
	v12 =	vor.u32 s7, v41  }
0x59d: {  	[tilespmem:v6+s28+$0x0] =	vst.idx.msk $0xffff, v21;
	v6 =	vor.u32 s21, v5;
	v21 =	vor.u32 s25, v42;
	v18 =	vld.idx.msk [tilespmem:v18+s17+$0x0], $0xffff  }
0x59e: {  	v30 =	vor.u32 s8, v63;
	v28 =	vld.idx.msk [tilespmem:v28+s17+$0x0], $0xffff;
	[tilespmem:v7+s28+$0x0] =	vst.idx.msk $0xffff, v13;
	v7 =	vor.u32 s2, v39;
	s2 =	smov.u32 s18;
	s18 =	smov.u32 s4  }
0x59f: {  	v13 =	vor.u32 s18, v8;
	[tilespmem:v16+s28+$0x0] =	vst.idx.msk $0xffff, v10;
	v10 =	vor.u32 s20, v58;
	v4 =	vld.idx.msk [tilespmem:v4+s17+$0x0], $0xffff  }
0x5a0: {  	v32 =	vor.u32 s11, v29;
	v16 =	vor.u32 s12, v58;
	[tilespmem:v15+s28+$0x0] =	vst.idx.msk $0xffff, v22;
	v15 =	vld.idx.msk [tilespmem:v19+s17+$0x0], $0xffff  }
0x5a1: {  	v19 =	vor.u32 s26, v8;
	v22 =	vor.u32 s7, v42;
	v12 =	vld.idx.msk [tilespmem:v12+s17+$0x0], $0xffff;
	[tilespmem:v24+s28+$0x0] =	vst.idx.msk $0xffff, v26  }
0x5a2: {  	[tilespmem:v0+s28+$0x0] =	vst.idx.msk $0xffff, v3;
	v0 =	vor.u32 s23, v59;
	v3 =	vor.u32 s0, v27;
	v21 =	vld.idx.msk [tilespmem:v21+s17+$0x0], $0xffff  }
0x5a3: {  	v24 =	vor.u32 s29, v29;
	v26 =	vor.u32 s2, v23;
	v9 =	vld.idx.msk [tilespmem:v9+s17+$0x0], $0xffff;
	[tilespmem:v7+s28+$0x0] =	vst.idx.msk $0xffff, v18  }
0x5a4: {  	v7 =	vor.u32 s25, v43;
	v18 =	vor.u32 s30, v59;
	[tilespmem:v6+s28+$0x0] =	vst.idx.msk $0xffff, v28;
	v6 =	vld.idx.msk [tilespmem:v30+s17+$0x0], $0xffff  }
0x5a5: {  	v34 =	vor.u32 s26, v14;
	v28 =	vor.u32 s20, v59;
	v30 =	vor.u32 s26, v11;
	v10 =	vld.idx.msk [tilespmem:v10+s17+$0x0], $0xffff;
	[tilespmem:v1+s28+$0x0] =	vst.idx.msk $0xffff, v4  }
0x5a6: {  	v1 =	vld.idx.msk [tilespmem:v16+s17+$0x0], $0xffff;
	[tilespmem:v19+s28+$0x0] =	vst.idx.msk $0xffff, v15;
	v15 =	vor.u32 s21, v8;
	v16 =	vor.u32 s8, v40  }
0x5a7: {  	v19 =	vor.u32 s22, v8;
	v0 =	vld.idx.msk [tilespmem:v0+s17+$0x0], $0xffff;
	[tilespmem:v3+s28+$0x0] =	vst.idx.msk $0xffff, v12;
	v12 =	vor.u32 s25, v44  }
0x5a8: {  	v4 =	vor.u32 s1, v43;
	v3 =	vor.u32 s12, v59;
	v22 =	vld.idx.msk [tilespmem:v22+s17+$0x0], $0xffff;
	[tilespmem:v24+s28+$0x0] =	vst.idx.msk $0xffff, v21  }
0x5a9: {  	[tilespmem:v13+s28+$0x0] =	vst.idx.msk $0xffff, v9;
	v9 =	vor.u32 s23, v60;
	v13 =	vor.u32 s0, v29;
	v7 =	vld.idx.msk [tilespmem:v7+s17+$0x0], $0xffff  }
0x5aa: {  	v21 =	vor.u32 s29, v31;
	v18 =	vld.idx.msk [tilespmem:v18+s17+$0x0], $0xffff;
	[tilespmem:v26+s28+$0x0] =	vst.idx.msk $0xffff, v6;
	v6 =	vor.u32 s7, v43  }
0x5ab: {  	v24 =	vor.u32 s18, v11;
	v26 =	vor.u32 s8, v41;
	[tilespmem:v15+s28+$0x0] =	vst.idx.msk $0xffff, v10;
	v10 =	vld.idx.msk [tilespmem:v16+s17+$0x0], $0xffff  }
0x5ac: {  	v16 =	vor.u32 s2, v25;
	[tilespmem:v19+s28+$0x0] =	vst.idx.msk $0xffff, v1;
	v1 =	vor.u32 s30, v60;
	v15 =	vld.idx.msk [tilespmem:v28+s17+$0x0], $0xffff  }
0x5ad: {  	v28 =	vor.u32 s22, v11;
	v19 =	vld.idx.msk [tilespmem:v3+s17+$0x0], $0xffff;
	[tilespmem:v30+s28+$0x0] =	vst.idx.msk $0xffff, v0;
	v0 =	vor.u32 s21, v11  }
0x5ae: {  	v30 =	vor.u32 s20, v60;
	v9 =	vld.idx.msk [tilespmem:v9+s17+$0x0], $0xffff;
	[tilespmem:v13+s28+$0x0] =	vst.idx.msk $0xffff, v22;
	v13 =	vor.u32 s25, v45  }
0x5af: {  	v38 =	vor.u32 s1, v42;
	v3 =	vor.u32 s1, v44;
	v22 =	vor.u32 s12, v60;
	v6 =	vld.idx.msk [tilespmem:v6+s17+$0x0], $0xffff;
	[tilespmem:v21+s28+$0x0] =	vst.idx.msk $0xffff, v7  }
0x5b0: {  	v7 =	vor.u32 s23, v61;
	[tilespmem:v24+s28+$0x0] =	vst.idx.msk $0xffff, v18;
	v18 =	vor.u32 s0, v31;
	v12 =	vld.idx.msk [tilespmem:v12+s17+$0x0], $0xffff  }
0x5b1: {  	v21 =	vld.idx.msk [tilespmem:v1+s17+$0x0], $0xffff;
	[tilespmem:v16+s28+$0x0] =	vst.idx.msk $0xffff, v10;
	v10 =	vor.u32 s7, v44;
	v16 =	vor.u32 s29, v33  }
0x5b2: {  	v24 =	vor.u32 s18, v14;
	v1 =	vor.u32 s11, v31;
	[tilespmem:v0+s28+$0x0] =	vst.idx.msk $0xffff, v15;
	v0 =	vld.idx.msk [tilespmem:v26+s17+$0x0], $0xffff  }
0x5b3: {  	v15 =	vor.u32 s30, v61;
	v26 =	vor.u32 s2, v27;
	[tilespmem:v28+s28+$0x0] =	vst.idx.msk $0xffff, v19;
	v19 =	vld.idx.msk [tilespmem:v30+s17+$0x0], $0xffff  }
0x5b4: {  	v28 =	vor.u32 s8, v42;
	v22 =	vld.idx.msk [tilespmem:v22+s17+$0x0], $0xffff;
	[tilespmem:v34+s28+$0x0] =	vst.idx.msk $0xffff, v9;
	v9 =	vor.u32 s21, v14  }
0x5b5: {  	v30 =	vor.u32 s22, v14;
	v34 =	vor.u32 s20, v61;
	v7 =	vld.idx.msk [tilespmem:v7+s17+$0x0], $0xffff;
	[tilespmem:v18+s28+$0x0] =	vst.idx.msk $0xffff, v6  }
0x5b6: {  	v36 =	vor.u32 s26, v17;
	v18 =	vor.u32 s12, v61;
	v10 =	vld.idx.msk [tilespmem:v10+s17+$0x0], $0xffff;
	[tilespmem:v16+s28+$0x0] =	vst.idx.msk $0xffff, v12  }
0x5b7: {  	v12 =	vor.u32 s23, v62;
	v16 =	vor.u32 s0, v33;
	[tilespmem:v24+s28+$0x0] =	vst.idx.msk $0xffff, v21;
	v13 =	vld.idx.msk [tilespmem:v13+s17+$0x0], $0xffff  }
0x5b8: {  	v21 =	vor.u32 s25, v46;
	v15 =	vld.idx.msk [tilespmem:v15+s17+$0x0], $0xffff;
	[tilespmem:v26+s28+$0x0] =	vst.idx.msk $0xffff, v0;
	v0 =	vor.u32 s29, v35  }
0x5b9: {  	v6 =	vor.u32 s11, v33;
	v24 =	vor.u32 s18, v17;
	[tilespmem:v9+s28+$0x0] =	vst.idx.msk $0xffff, v19;
	v9 =	vld.idx.msk [tilespmem:v28+s17+$0x0], $0xffff  }
0x5ba: {  	v26 =	vor.u32 s2, v29;
	v19 =	vor.u32 s30, v62;
	[tilespmem:v30+s28+$0x0] =	vst.idx.msk $0xffff, v22;
	v22 =	vld.idx.msk [tilespmem:v34+s17+$0x0], $0xffff  }
0x5bb: {  	v28 =	vor.u32 s8, v43;
	v18 =	vld.idx.msk [tilespmem:v18+s17+$0x0], $0xffff;
	[tilespmem:v36+s28+$0x0] =	vst.idx.msk $0xffff, v7;
	v7 =	vor.u32 s21, v17  }
0x5bc: {  	v30 =	vor.u32 s22, v17;
	v34 =	vor.u32 s20, v62;
	v12 =	vld.idx.msk [tilespmem:v12+s17+$0x0], $0xffff;
	[tilespmem:v16+s28+$0x0] =	vst.idx.msk $0xffff, v10  }
0x5bd: {  	v10 =	vor.u32 s12, v62;
	v16 =	vor.u32 s26, v20;
	v36 =	vld.idx.msk [tilespmem:v38+s17+$0x0], $0xffff;
	[tilespmem:v0+s28+$0x0] =	vst.idx.msk $0xffff, v13  }
0x5be: {  	[tilespmem:v24+s28+$0x0] =	vst.idx.msk $0xffff, v15;
	v24 =	vor.u32 s23, v63;
	v38 =	vld.idx.msk [tilespmem:v21+s17+$0x0], $0xffff  }
0x5bf: {  	v51 =	vor.u32 s25, v47;
	s25 =	smov.u32 s20;
	v19 =	vld.idx.msk [tilespmem:v19+s17+$0x0], $0xffff;
	[tilespmem:v26+s28+$0x0] =	vst.idx.msk $0xffff, v9;
	v9 =	vor.u32 s29, v37;
	s29 =	smov.u32 s21  }
0x5c0: {  	v52 =	vor.u32 s18, v20;
	v0 =	vor.u32 s11, v35;
	[tilespmem:v7+s28+$0x0] =	vst.idx.msk $0xffff, v22;
	v7 =	vld.idx.msk [tilespmem:v28+s17+$0x0], $0xffff  }
.Ltmp10:
0x5c1: {  	v13 =	vor.u32 s7, v45;
	v15 =	vor.u32 s2, v31;
	[tilespmem:v30+s28+$0x0] =	vst.idx.msk $0xffff, v18;
	v21 =	vld.idx.msk [tilespmem:v34+s17+$0x0], $0xffff;
	(pc) =	sbr.rel @p2 .LBB2_19-.Ltmp10, $4  }
0x5c2: {  	v28 =	vor.u32 s29, v20;
	v18 =	vld.idx.msk [tilespmem:v10+s17+$0x0], $0xffff;
	[tilespmem:v16+s28+$0x0] =	vst.idx.msk $0xffff, v12;
	v10 =	vor.u32 s8, v44  }
0x5c3: {  	v26 =	vor.u32 s22, v20;
	v30 =	vor.u32 s25, v63;
	v16 =	vld.idx.msk [tilespmem:v24+s17+$0x0], $0xffff;
	[tilespmem:v32+s28+$0x0] =	vst.idx.msk $0xffff, v36  }
0x5c4: {  	v22 =	vor.u32 s26, v23;
	v24 =	vor.u32 s12, v63;
	v12 =	vld.idx.msk [tilespmem:v4+s17+$0x0], $0xffff;
	[tilespmem:v9+s28+$0x0] =	vst.idx.msk $0xffff, v38  }
0x5c5: {  	[tilespmem:v52+s28+$0x0] =	vst.idx.msk $0xffff, v19;
	v19 =	vor.u32 s23, v40;
	v9 =	vld.idx.msk [tilespmem:v51+s17+$0x0], $0xffff  }
0x5c6: {  	_ =	sdelay $0x1  }
0x5c7: {  	v4 =	vor.u32 s30, v63;
	_ =	sdelay $0x1  }
0x5c8: {  	[tilespmem:v28+s28+$0x0] =	vst.idx.msk $0xffff, v21  }
0x5c9: {  	v28 =	vor.u32 s29, v23;
	v21 =	vld.idx.msk [tilespmem:v30+s17+$0x0], $0xffff  }
0x5ca: {  	v30 =	vor.u32 s25, v40  }
0x5cb: {  	[tilespmem:v26+s28+$0x0] =	vst.idx.msk $0xffff, v18;
	v18 =	vor.u32 s18, v23;
	v4 =	vld.idx.msk [tilespmem:v4+s17+$0x0], $0xffff  }
0x5cc: {  	v32 =	vor.u32 s30, v40;
	v26 =	vor.u32 s22, v23;
	v24 =	vld.idx.msk [tilespmem:v24+s17+$0x0], $0xffff  }
0x5cd: {  	v34 =	vor.u32 s12, v40  }
0x5ce: {  	[tilespmem:v28+s28+$0x0] =	vst.idx.msk $0xffff, v21  }
0x5cf: {  	[tilespmem:v22+s28+$0x0] =	vst.idx.msk $0xffff, v16;
	v21 =	vor.u32 s29, v25;
	v16 =	vld.idx.msk [tilespmem:v30+s17+$0x0], $0xffff  }
0x5d0: {  	v22 =	vor.u32 s26, v25;
	v19 =	vld.idx.msk [tilespmem:v19+s17+$0x0], $0xffff;
	v28 =	vor.u32 s25, v41;
	[tilespmem:v18+s28+$0x0] =	vst.idx.msk $0xffff, v4  }
0x5d1: {  	[tilespmem:v26+s28+$0x0] =	vst.idx.msk $0xffff, v24;
	v24 =	vor.u32 s18, v25;
	v4 =	vor.u32 s23, v41;
	v18 =	vld.idx.msk [tilespmem:v32+s17+$0x0], $0xffff  }
0x5d2: {  	v53 =	vor.u32 s30, v41;
	v30 =	vor.u32 s22, v25;
	v26 =	vld.idx.msk [tilespmem:v34+s17+$0x0], $0xffff  }
0x5d3: {  	v54 =	vor.u32 s12, v41  }
0x5d4: {  	[tilespmem:v21+s28+$0x0] =	vst.idx.msk $0xffff, v16  }
0x5d5: {  	[tilespmem:v22+s28+$0x0] =	vst.idx.msk $0xffff, v19;
	v19 =	vor.u32 s29, v27;
	v16 =	vld.idx.msk [tilespmem:v28+s17+$0x0], $0xffff  }
0x5d6: {  	v22 =	vor.u32 s26, v27;
	v21 =	vor.u32 s25, v42;
	v4 =	vld.idx.msk [tilespmem:v4+s17+$0x0], $0xffff;
	[tilespmem:v24+s28+$0x0] =	vst.idx.msk $0xffff, v18  }
0x5d7: {  	[tilespmem:v30+s28+$0x0] =	vst.idx.msk $0xffff, v26;
	v26 =	vor.u32 s18, v27;
	v18 =	vor.u32 s23, v42;
	v24 =	vld.idx.msk [tilespmem:v53+s17+$0x0], $0xffff  }
0x5d8: {  	[tilespmem:v15+s28+$0x0] =	vst.idx.msk $0xffff, v7;
	v15 =	vor.u32 s22, v27;
	v28 =	vor.u32 s30, v42;
	v7 =	vld.idx.msk [tilespmem:v54+s17+$0x0], $0xffff  }
0x5d9: {  	[tilespmem:v1+s28+$0x0] =	vst.idx.msk $0xffff, v12;
	v1 =	vor.u32 s12, v42  }
0x5da: {  	v12 =	vld.idx.msk [tilespmem:v13+s17+$0x0], $0xffff;
	v13 =	vor.u32 s0, v35;
	[tilespmem:v19+s28+$0x0] =	vst.idx.msk $0xffff, v16  }
0x5db: {  	v19 =	vor.u32 s29, v29;
	v16 =	vld.idx.msk [tilespmem:v21+s17+$0x0], $0xffff;
	[tilespmem:v22+s28+$0x0] =	vst.idx.msk $0xffff, v4  }
0x5dc: {  	v21 =	vor.u32 s26, v29;
	v4 =	vor.u32 s25, v43;
	v18 =	vld.idx.msk [tilespmem:v18+s17+$0x0], $0xffff;
	[tilespmem:v26+s28+$0x0] =	vst.idx.msk $0xffff, v24  }
0x5dd: {  	[tilespmem:v15+s28+$0x0] =	vst.idx.msk $0xffff, v7;
	v7 =	vor.u32 s23, v43;
	v22 =	vor.u32 s18, v29;
	v15 =	vld.idx.msk [tilespmem:v28+s17+$0x0], $0xffff  }
0x5de: {  	[tilespmem:v49+s28+$0x0] =	vst.idx.msk $0xffff, v9;
	v9 =	vor.u32 s22, v29;
	v1 =	vld.idx.msk [tilespmem:v1+s17+$0x0], $0xffff;
	v24 =	vor.u32 s30, v43  }
0x5df: {  	v10 =	vld.idx.msk [tilespmem:v10+s17+$0x0], $0xffff;
	[tilespmem:v13+s28+$0x0] =	vst.idx.msk $0xffff, v12;
	v12 =	vor.u32 s12, v43;
	v26 =	vor.u32 s2, v33  }
0x5e0: {  	v3 =	vld.idx.msk [tilespmem:v3+s17+$0x0], $0xffff;
	v13 =	vor.u32 s7, v46;
	[tilespmem:v19+s28+$0x0] =	vst.idx.msk $0xffff, v16  }
0x5e1: {  	v16 =	vor.u32 s8, v45;
	v19 =	vor.u32 s29, v31;
	v4 =	vld.idx.msk [tilespmem:v4+s17+$0x0], $0xffff;
	[tilespmem:v21+s28+$0x0] =	vst.idx.msk $0xffff, v18  }
0x5e2: {  	v18 =	vor.u32 s25, v44;
	v21 =	vor.u32 s26, v31;
	v7 =	vld.idx.msk [tilespmem:v7+s17+$0x0], $0xffff;
	[tilespmem:v22+s28+$0x0] =	vst.idx.msk $0xffff, v15  }
0x5e3: {  	[tilespmem:v9+s28+$0x0] =	vst.idx.msk $0xffff, v1;
	v15 =	vor.u32 s23, v44;
	v22 =	vld.idx.msk [tilespmem:v24+s17+$0x0], $0xffff;
	v24 =	vor.u32 s18, v31  }
0x5e4: {  	v1 =	vor.u32 s22, v31;
	v9 =	vor.u32 s30, v44;
	[tilespmem:v26+s28+$0x0] =	vst.idx.msk $0xffff, v10;
	v10 =	vld.idx.msk [tilespmem:v12+s17+$0x0], $0xffff  }
0x5e5: {  	[tilespmem:v6+s28+$0x0] =	vst.idx.msk $0xffff, v3;
	v3 =	vor.u32 s12, v44;
	v12 =	vld.idx.msk [tilespmem:v13+s17+$0x0], $0xffff;
	v13 =	vor.u32 s0, v37  }
0x5e6: {  	v6 =	vor.u32 s2, v35;
	v16 =	vld.idx.msk [tilespmem:v16+s17+$0x0], $0xffff;
	[tilespmem:v19+s28+$0x0] =	vst.idx.msk $0xffff, v4  }
0x5e7: {  	v4 =	vor.u32 s8, v46;
	v19 =	vor.u32 s29, v33;
	v18 =	vld.idx.msk [tilespmem:v18+s17+$0x0], $0xffff;
	[tilespmem:v21+s28+$0x0] =	vst.idx.msk $0xffff, v7  }
0x5e8: {  	v7 =	vor.u32 s25, v45;
	v21 =	vor.u32 s26, v33;
	v15 =	vld.idx.msk [tilespmem:v15+s17+$0x0], $0xffff;
	[tilespmem:v24+s28+$0x0] =	vst.idx.msk $0xffff, v22  }
0x5e9: {  	[tilespmem:v1+s28+$0x0] =	vst.idx.msk $0xffff, v10;
	v22 =	vor.u32 s23, v45;
	v24 =	vor.u32 s18, v33;
	v9 =	vld.idx.msk [tilespmem:v9+s17+$0x0], $0xffff  }
0x5ea: {  	[tilespmem:v13+s28+$0x0] =	vst.idx.msk $0xffff, v12;
	v1 =	vor.u32 s22, v33;
	v10 =	vor.u32 s30, v45;
	v3 =	vld.idx.msk [tilespmem:v3+s17+$0x0], $0xffff  }
0x5eb: {  	v12 =	vld.idx.msk [tilespmem:v50+s17+$0x0], $0xffff;
	[tilespmem:v6+s28+$0x0] =	vst.idx.msk $0xffff, v16;
	v6 =	vor.u32 s12, v45  }
0x5ec: {  	v13 =	vor.u32 s7, v47;
	v16 =	vor.u32 s2, v37;
	v4 =	vld.idx.msk [tilespmem:v4+s17+$0x0], $0xffff;
	[tilespmem:v19+s28+$0x0] =	vst.idx.msk $0xffff, v18  }
0x5ed: {  	v18 =	vor.u32 s1, v46;
	v19 =	vor.u32 s29, v35;
	v7 =	vld.idx.msk [tilespmem:v7+s17+$0x0], $0xffff;
	[tilespmem:v21+s28+$0x0] =	vst.idx.msk $0xffff, v15  }
0x5ee: {  	v15 =	vor.u32 s25, v46;
	v21 =	vld.idx.msk [tilespmem:v22+s17+$0x0], $0xffff;
	v22 =	vor.u32 s26, v35;
	[tilespmem:v24+s28+$0x0] =	vst.idx.msk $0xffff, v9  }
0x5ef: {  	[tilespmem:v1+s28+$0x0] =	vst.idx.msk $0xffff, v3;
	v9 =	vor.u32 s23, v46;
	v24 =	vor.u32 s18, v35;
	v10 =	vld.idx.msk [tilespmem:v10+s17+$0x0], $0xffff  }
0x5f0: {  	[tilespmem:v0+s28+$0x0] =	vst.idx.msk $0xffff, v12;
	v0 =	vor.u32 s22, v35;
	v1 =	vor.u32 s30, v46;
	v3 =	vld.idx.msk [tilespmem:v6+s17+$0x0], $0xffff  }
0x5f1: {  	v12 =	vor.u32 s0, v39;
	v6 =	vld.idx.msk [tilespmem:v13+s17+$0x0], $0xffff;
	[tilespmem:v16+s28+$0x0] =	vst.idx.msk $0xffff, v4;
	v4 =	vor.u32 s12, v46  }
0x5f2: {  	v13 =	vor.u32 s11, v37;
	v16 =	vld.idx.msk [tilespmem:v18+s17+$0x0], $0xffff;
	v18 =	vor.u32 s8, v47;
	[tilespmem:v19+s28+$0x0] =	vst.idx.msk $0xffff, v7  }
0x5f3: {  	v7 =	vor.u32 s1, v47;
	v19 =	vor.u32 s29, v37;
	v15 =	vld.idx.msk [tilespmem:v15+s17+$0x0], $0xffff;
	[tilespmem:v22+s28+$0x0] =	vst.idx.msk $0xffff, v21  }
0x5f4: {  	v21 =	vor.u32 s25, v47;
	v22 =	vor.u32 s26, v37;
	v9 =	vld.idx.msk [tilespmem:v9+s17+$0x0], $0xffff;
	[tilespmem:v24+s28+$0x0] =	vst.idx.msk $0xffff, v10  }
0x5f5: {  	[tilespmem:v0+s28+$0x0] =	vst.idx.msk $0xffff, v3;
	v10 =	vor.u32 s23, v47;
	v24 =	vor.u32 s18, v37;
	v1 =	vld.idx.msk [tilespmem:v1+s17+$0x0], $0xffff  }
0x5f6: {  	[tilespmem:v12+s28+$0x0] =	vst.idx.msk $0xffff, v6;
	v0 =	vor.u32 s22, v37;
	v3 =	vld.idx.msk [tilespmem:v4+s17+$0x0], $0xffff;
	v4 =	vor.u32 s30, v47  }
0x5f7: {  	v12 =	vor.u32 s2, v39;
	v6 =	vld.idx.msk [tilespmem:v18+s17+$0x0], $0xffff;
	[tilespmem:v13+s28+$0x0] =	vst.idx.msk $0xffff, v16;
	v13 =	vor.u32 s12, v47  }
0x5f8: {  	v16 =	vor.u32 s11, v39;
	v7 =	vld.idx.msk [tilespmem:v7+s17+$0x0], $0xffff;
	[tilespmem:v19+s28+$0x0] =	vst.idx.msk $0xffff, v15  }
0x5f9: {  	v15 =	vld.idx.msk [tilespmem:v21+s17+$0x0], $0xffff;
	[tilespmem:v22+s28+$0x0] =	vst.idx.msk $0xffff, v9  }
0x5fa: {  	v9 =	vld.idx.msk [tilespmem:v10+s17+$0x0], $0xffff;
	v10 =	vor.u32 s26, v39;
	[tilespmem:v24+s28+$0x0] =	vst.idx.msk $0xffff, v1  }
0x5fb: {  	[tilespmem:v0+s28+$0x0] =	vst.idx.msk $0xffff, v3;
	v0 =	vor.u32 s18, v39;
	v1 =	vld.idx.msk [tilespmem:v4+s17+$0x0], $0xffff  }
0x5fc: {  	v3 =	vor.u32 s22, v39;
	[tilespmem:v12+s28+$0x0] =	vst.idx.msk $0xffff, v6;
	v4 =	vld.idx.msk [tilespmem:v13+s17+$0x0], $0xffff  }
0x5fd: {  	[tilespmem:v16+s28+$0x0] =	vst.idx.msk $0xffff, v7  }
0x5fe: {  	[tilespmem:v48+s28+$0x0] =	vst.idx.msk $0xffff, v15  }
0x5ff: {  	[tilespmem:v10+s28+$0x0] =	vst.idx.msk $0xffff, v9  }
.Ltmp11:
0x600: {  	[tilespmem:v0+s28+$0x0] =	vst.idx.msk $0xffff, v1;
	(pc) =	sbr.rel @p1 .LBB2_22-.Ltmp11, $4  }
0x601: {  	[tilespmem:v3+s28+$0x0] =	vst.idx.msk $0xffff, v4  }
0x602: {  	s26 =	rddreg [dreg:$0x7]  }
0x603: {  	s29 =	simm.s32 $0x400;
	s30 =	simm.s32 $0x8000;
	s0 =	sadd.s32 s19, s26  }
0x604: {  	[hbm4b:s0+s29] =	stream.strided.scatter [tilespmem:s28], [sflag:$0x7], $0x2000, s30, s29, $0x38;
	[tilespmem:$0x1C800] =	vst v63  }
.Ltmp12:
0x605: {  	(pc) =	sbr.rel .LBB2_23-.Ltmp12, $4  }
0x606: {  	s0 =	simm.s32 $0x4  }
0x607: {  	_ =	swait.ge [sflag:s0], $0x2000  }
0x608: {  	[sflag:s0] =	ssyncset.done $0x0  }
0x609: {  	s30 =	simm.s32 $0x12800;
	[sflag:s0] =	ssyncadd.s32 $0xFFFFE000  }
.LBB2_22:
0x60a: {  	s0 =	rddreg [dreg:$0xa]  }
0x60b: {  	s0 =	sshll.u32 s0, $0x9  }
0x60c: {  	s1 =	rddreg [dreg:$0x3];
	s2 =	simm.s32 $0x80;
	s0 =	sand.u32 $0x3FFFFE00, s0  }
.Ltmp13:
0x60d: {  	s29 =	simm.s32 $0x4;
	s0 =	sadd.s32 $0x300, s0;
	(pc) =	sbr.rel @p0 .LBB2_24-.Ltmp13, $4  }
0x60e: {  	[tilespmem:s17], [sflag:$0x3] =	stream.indirect.gather [hbm4b:s1+s2], $0x40, s0, s2, $0xb8;
	[tilespmem:$0x1C800] =	vst v63  }
0x60f: {  	_ =	swait.ge [sflag:s29], $0x2000  }
0x610: {  	[sflag:s29] =	ssyncset.done $0x0  }
0x611: {  	s30 =	simm.s32 $0x12800;
	[sflag:s29] =	ssyncadd.s32 $0xFFFFE000  }
.LBB2_23:
0x612: {  	s0 =	simm.s32 $0x8  }
0x613: {  	_ =	swait.ge [sflag:s0], $0x2000  }
0x614: {  	[sflag:s0] =	ssyncset.done $0x0  }
0x615: {  	[sflag:s0] =	ssyncadd.s32 $0xFFFFE000  }
.LBB2_24:
0x616: {  	s0 =	simm.s32 $0x0  }
0x617: {  	s2 =	sand.u32 $0x4, s0  }
0x618: {  	s0 =	sor.u32 $0x2, s2  }
0x619: {  	s1 =	sshll.u32 s0, $0xA  }
0x61a: {  	s7 =	sadd.s32 $0x0, s1  }
0x61b: {  	s3 =	sor.u32 $0x3, s2;
	s17 =	sshll.u32 s2, $0xA;
	v0 =	vor.u32 s7, v56  }
0x61c: {  	s4 =	sshll.u32 s3, $0xA;
	s1 =	sadd.s32 $0x0, s17  }
0x61d: {  	s20 =	sadd.s32 $0x0, s4;
	v1 =	vor.u32 s1, v56  }
0x61e: {  	s18 =	simm.s32 $0x0;
	s0 =	sshll.u32 s0, $0x4;
	v3 =	vor.u32 s20, v56  }
0x61f: {  	s0 =	sor.u32 s18, s0  }
0x620: {  	s5 =	sshll.u32 s2, $0x4;
	v4 =	vor.u32 s0, v2;
	v0 =	vld.idx.msk [tilespmem:v0+s30+$0x0], $0xffff  }
0x621: {  	s3 =	sshll.u32 s3, $0x4;
	s9 =	sor.u32 s5, s18;
	v6 =	vor.u32 s7, v57  }
0x622: {  	s21 =	sor.u32 s18, s3;
	v7 =	vor.u32 s9, v2;
	v1 =	vld.idx.msk [tilespmem:v1+s30+$0x0], $0xffff  }
0x623: {  	s2 =	sor.u32 $0x1, s2;
	v9 =	vor.u32 s1, v57;
	v10 =	vor.u32 s21, v2;
	v3 =	vld.idx.msk [tilespmem:v3+s30+$0x0], $0xffff  }
0x624: {  	s19 =	sshll.u32 s2, $0xA;
	v12 =	vor.u32 s20, v57  }
0x625: {  	s8 =	sadd.s32 $0x0, s19;
	[tilespmem:v4+s31+$0x0] =	vst.idx.msk $0xffff, v0  }
0x626: {  	v0 =	vor.u32 s8, v56;
	v4 =	vld.idx.msk [tilespmem:v6+s30+$0x0], $0xffff;
	v6 =	vor.u32 s0, v5  }
0x627: {  	[tilespmem:v7+s31+$0x0] =	vst.idx.msk $0xffff, v1;
	v1 =	vor.u32 s7, v58  }
0x628: {  	[tilespmem:v10+s31+$0x0] =	vst.idx.msk $0xffff, v3;
	v7 =	vld.idx.msk [tilespmem:v9+s30+$0x0], $0xffff;
	v9 =	vor.u32 s9, v5  }
0x629: {  	s2 =	sshll.u32 s2, $0x4;
	v3 =	vor.u32 s21, v5;
	v10 =	vld.idx.msk [tilespmem:v12+s30+$0x0], $0xffff;
	v12 =	vor.u32 s1, v58  }
0x62a: {  	s2 =	sor.u32 s18, s2;
	v13 =	vor.u32 s20, v58  }
0x62b: {  	v15 =	vor.u32 s2, v2;
	v0 =	vld.idx.msk [tilespmem:v0+s30+$0x0], $0xffff;
	[tilespmem:v6+s31+$0x0] =	vst.idx.msk $0xffff, v4  }
0x62c: {  	v4 =	vor.u32 s8, v57;
	v6 =	vor.u32 s0, v8;
	v1 =	vld.idx.msk [tilespmem:v1+s30+$0x0], $0xffff  }
0x62d: {  	[tilespmem:v9+s31+$0x0] =	vst.idx.msk $0xffff, v7;
	v7 =	vor.u32 s7, v59  }
0x62e: {  	[tilespmem:v3+s31+$0x0] =	vst.idx.msk $0xffff, v10;
	v9 =	vor.u32 s9, v8;
	v3 =	vld.idx.msk [tilespmem:v12+s30+$0x0], $0xffff  }
0x62f: {  	v10 =	vld.idx.msk [tilespmem:v13+s30+$0x0], $0xffff;
	v12 =	vor.u32 s21, v8;
	v13 =	vor.u32 s1, v59  }
0x630: {  	[tilespmem:v15+s31+$0x0] =	vst.idx.msk $0xffff, v0;
	v0 =	vor.u32 s20, v59  }
0x631: {  	v15 =	vor.u32 s2, v5;
	v4 =	vld.idx.msk [tilespmem:v4+s30+$0x0], $0xffff;
	[tilespmem:v6+s31+$0x0] =	vst.idx.msk $0xffff, v1  }
0x632: {  	v1 =	vor.u32 s8, v58;
	v6 =	vld.idx.msk [tilespmem:v7+s30+$0x0], $0xffff;
	v7 =	vor.u32 s0, v11  }
0x633: {  	v16 =	vor.u32 s7, v60;
	[tilespmem:v9+s31+$0x0] =	vst.idx.msk $0xffff, v3  }
0x634: {  	[tilespmem:v12+s31+$0x0] =	vst.idx.msk $0xffff, v10;
	v9 =	vor.u32 s9, v11;
	v3 =	vld.idx.msk [tilespmem:v13+s30+$0x0], $0xffff  }
0x635: {  	v10 =	vor.u32 s21, v11;
	v12 =	vor.u32 s1, v60;
	v0 =	vld.idx.msk [tilespmem:v0+s30+$0x0], $0xffff  }
0x636: {  	[tilespmem:v15+s31+$0x0] =	vst.idx.msk $0xffff, v4;
	v4 =	vor.u32 s20, v60  }
0x637: {  	v13 =	vor.u32 s2, v8;
	v1 =	vld.idx.msk [tilespmem:v1+s30+$0x0], $0xffff;
	[tilespmem:v7+s31+$0x0] =	vst.idx.msk $0xffff, v6  }
0x638: {  	v15 =	vor.u32 s0, v14;
	v6 =	vor.u32 s8, v59;
	v7 =	vld.idx.msk [tilespmem:v16+s30+$0x0], $0xffff  }
0x639: {  	[tilespmem:v9+s31+$0x0] =	vst.idx.msk $0xffff, v3;
	v16 =	vor.u32 s7, v61  }
0x63a: {  	v3 =	vor.u32 s9, v14;
	[tilespmem:v10+s31+$0x0] =	vst.idx.msk $0xffff, v0;
	v0 =	vld.idx.msk [tilespmem:v12+s30+$0x0], $0xffff  }
0x63b: {  	v9 =	vor.u32 s21, v14;
	v10 =	vor.u32 s1, v61;
	v4 =	vld.idx.msk [tilespmem:v4+s30+$0x0], $0xffff  }
0x63c: {  	[tilespmem:v13+s31+$0x0] =	vst.idx.msk $0xffff, v1;
	v1 =	vor.u32 s20, v61  }
0x63d: {  	v12 =	vor.u32 s2, v11;
	v6 =	vld.idx.msk [tilespmem:v6+s30+$0x0], $0xffff;
	[tilespmem:v15+s31+$0x0] =	vst.idx.msk $0xffff, v7  }
0x63e: {  	v7 =	vor.u32 s8, v60;
	v15 =	vor.u32 s0, v17;
	v13 =	vld.idx.msk [tilespmem:v16+s30+$0x0], $0xffff  }
0x63f: {  	v16 =	vor.u32 s7, v62;
	[tilespmem:v3+s31+$0x0] =	vst.idx.msk $0xffff, v0  }
0x640: {  	v3 =	vor.u32 s9, v17;
	[tilespmem:v9+s31+$0x0] =	vst.idx.msk $0xffff, v4;
	v0 =	vld.idx.msk [tilespmem:v10+s30+$0x0], $0xffff  }
0x641: {  	v4 =	vor.u32 s21, v17;
	v9 =	vor.u32 s1, v62;
	v1 =	vld.idx.msk [tilespmem:v1+s30+$0x0], $0xffff  }
0x642: {  	[tilespmem:v12+s31+$0x0] =	vst.idx.msk $0xffff, v6;
	v6 =	vor.u32 s20, v62  }
0x643: {  	v10 =	vor.u32 s2, v14;
	v7 =	vld.idx.msk [tilespmem:v7+s30+$0x0], $0xffff;
	[tilespmem:v15+s31+$0x0] =	vst.idx.msk $0xffff, v13  }
0x644: {  	v12 =	vor.u32 s8, v61;
	v15 =	vor.u32 s0, v20;
	v13 =	vld.idx.msk [tilespmem:v16+s30+$0x0], $0xffff  }
0x645: {  	v16 =	vor.u32 s7, v63;
	[tilespmem:v3+s31+$0x0] =	vst.idx.msk $0xffff, v0  }
0x646: {  	[tilespmem:v4+s31+$0x0] =	vst.idx.msk $0xffff, v1;
	v0 =	vld.idx.msk [tilespmem:v9+s30+$0x0], $0xffff;
	v1 =	vor.u32 s9, v20  }
0x647: {  	s6 =	simm.s32 $0x4;
	v4 =	vor.u32 s21, v20;
	v3 =	vld.idx.msk [tilespmem:v6+s30+$0x0], $0xffff;
	v6 =	vor.u32 s1, v63  }
0x648: {  	s22 =	sand.u32 $0x4, s6;
	[tilespmem:v10+s31+$0x0] =	vst.idx.msk $0xffff, v7;
	v7 =	vor.u32 s20, v63  }
0x649: {  	s25 =	sor.u32 $0x2, s22;
	v10 =	vor.u32 s2, v17;
	v9 =	vld.idx.msk [tilespmem:v12+s30+$0x0], $0xffff;
	[tilespmem:v15+s31+$0x0] =	vst.idx.msk $0xffff, v13  }
0x64a: {  	s15 =	sshll.u32 s25, $0xA;
	v12 =	vor.u32 s8, v62;
	v15 =	vor.u32 s0, v23;
	v13 =	vld.idx.msk [tilespmem:v16+s30+$0x0], $0xffff  }
0x64b: {  	s11 =	sadd.s32 $0x0, s15;
	v16 =	vor.u32 s7, v40;
	[tilespmem:v1+s31+$0x0] =	vst.idx.msk $0xffff, v0  }
0x64c: {  	s16 =	sor.u32 $0x1, s22;
	v1 =	vor.u32 s9, v23;
	[tilespmem:v4+s31+$0x0] =	vst.idx.msk $0xffff, v3;
	v0 =	vld.idx.msk [tilespmem:v6+s30+$0x0], $0xffff;
	v3 =	vor.u32 s11, v56  }
0x64d: {  	s10 =	simm.s32 $0x0;
	s12 =	sshll.u32 s16, $0xA;
	v6 =	vor.u32 s1, v40;
	v4 =	vld.idx.msk [tilespmem:v7+s30+$0x0], $0xffff;
	v7 =	vor.u32 s21, v23  }
0x64e: {  	s13 =	sor.u32 $0x3, s22;
	s14 =	sshll.u32 s22, $0xA;
	s26 =	sadd.s32 $0x0, s12;
	[tilespmem:v10+s31+$0x0] =	vst.idx.msk $0xffff, v9;
	v9 =	vor.u32 s20, v40  }
0x64f: {  	s12 =	sadd.s32 $0x0, s14;
	s17 =	sshll.u32 s13, $0xA;
	s4 =	sshll.u32 s25, $0x4;
	v10 =	vld.idx.msk [tilespmem:v12+s30+$0x0], $0xffff;
	v12 =	vor.u32 s26, v56;
	[tilespmem:v15+s31+$0x0] =	vst.idx.msk $0xffff, v13  }
0x650: {  	s25 =	sadd.s32 $0x0, s17;
	s23 =	sor.u32 s10, s4;
	v15 =	vor.u32 s12, v56;
	v13 =	vld.idx.msk [tilespmem:v16+s30+$0x0], $0xffff  }
0x651: {  	v16 =	vor.u32 s25, v56;
	[tilespmem:v1+s31+$0x0] =	vst.idx.msk $0xffff, v0;
	v0 =	vld.idx.msk [tilespmem:v3+s30+$0x0], $0xffff;
	v1 =	vor.u32 s23, v2  }
0x652: {  	s18 =	sshll.u32 s16, $0x4;
	[tilespmem:v7+s31+$0x0] =	vst.idx.msk $0xffff, v4;
	v3 =	vld.idx.msk [tilespmem:v6+s30+$0x0], $0xffff;
	v4 =	vor.u32 s9, v25;
	v6 =	vor.u32 s11, v57  }
0x653: {  	s3 =	sshll.u32 s22, $0x4;
	s18 =	sor.u32 s10, s18;
	v18 =	vor.u32 s1, v41;
	v7 =	vld.idx.msk [tilespmem:v9+s30+$0x0], $0xffff;
	v9 =	vor.u32 s21, v25  }
0x654: {  	s19 =	sshll.u32 s13, $0x4;
	s22 =	sor.u32 s3, s10;
	v21 =	vor.u32 s20, v41;
	v19 =	vor.u32 s18, v2;
	v12 =	vld.idx.msk [tilespmem:v12+s30+$0x0], $0xffff  }
0x655: {  	s29 =	sor.u32 s10, s19;
	v22 =	vor.u32 s26, v57;
	v24 =	vor.u32 s22, v2;
	v15 =	vld.idx.msk [tilespmem:v15+s30+$0x0], $0xffff  }
0x656: {  	v28 =	vor.u32 s29, v2;
	v16 =	vld.idx.msk [tilespmem:v16+s30+$0x0], $0xffff;
	[tilespmem:v1+s31+$0x0] =	vst.idx.msk $0xffff, v0  }
0x657: {  	v0 =	vor.u32 s25, v57;
	[tilespmem:v4+s31+$0x0] =	vst.idx.msk $0xffff, v3;
	v1 =	vld.idx.msk [tilespmem:v6+s30+$0x0], $0xffff;
	v3 =	vor.u32 s23, v5  }
0x658: {  	v26 =	vor.u32 s12, v57;
	v4 =	vor.u32 s0, v25;
	[tilespmem:v9+s31+$0x0] =	vst.idx.msk $0xffff, v7;
	v6 =	vld.idx.msk [tilespmem:v18+s30+$0x0], $0xffff  }
0x659: {  	v7 =	vor.u32 s11, v58;
	v18 =	vor.u32 s21, v27;
	[tilespmem:v19+s31+$0x0] =	vst.idx.msk $0xffff, v12;
	v9 =	vld.idx.msk [tilespmem:v21+s30+$0x0], $0xffff  }
0x65a: {  	v19 =	vor.u32 s18, v5;
	[tilespmem:v24+s31+$0x0] =	vst.idx.msk $0xffff, v15;
	v15 =	vld.idx.msk [tilespmem:v22+s30+$0x0], $0xffff  }
0x65b: {  	v12 =	vor.u32 s7, v41;
	v22 =	vor.u32 s2, v20;
	[tilespmem:v28+s31+$0x0] =	vst.idx.msk $0xffff, v16  }
0x65c: {  	v21 =	vor.u32 s20, v42;
	v16 =	vor.u32 s29, v5;
	v0 =	vld.idx.msk [tilespmem:v0+s30+$0x0], $0xffff;
	[tilespmem:v3+s31+$0x0] =	vst.idx.msk $0xffff, v1  }
0x65d: {  	v24 =	vor.u32 s26, v58;
	v26 =	vld.idx.msk [tilespmem:v26+s30+$0x0], $0xffff;
	[tilespmem:v4+s31+$0x0] =	vst.idx.msk $0xffff, v13;
	v1 =	vor.u32 s22, v5  }
0x65e: {  	v28 =	vor.u32 s8, v63;
	v4 =	vld.idx.msk [tilespmem:v7+s30+$0x0], $0xffff;
	v7 =	vor.u32 s9, v27;
	[tilespmem:v18+s31+$0x0] =	vst.idx.msk $0xffff, v9  }
0x65f: {  	v13 =	vor.u32 s12, v58;
	v9 =	vor.u32 s23, v8;
	[tilespmem:v19+s31+$0x0] =	vst.idx.msk $0xffff, v15  }
0x660: {  	v3 =	vor.u32 s25, v58;
	v12 =	vld.idx.msk [tilespmem:v12+s30+$0x0], $0xffff;
	v18 =	vor.u32 s0, v27;
	[tilespmem:v22+s31+$0x0] =	vst.idx.msk $0xffff, v10  }
0x661: {  	v15 =	vld.idx.msk [tilespmem:v21+s30+$0x0], $0xffff;
	v10 =	vor.u32 s11, v59;
	v22 =	vor.u32 s21, v29;
	[tilespmem:v16+s31+$0x0] =	vst.idx.msk $0xffff, v0  }
0x662: {  	v21 =	vor.u32 s7, v42;
	v19 =	vld.idx.msk [tilespmem:v24+s30+$0x0], $0xffff;
	v16 =	vor.u32 s18, v8;
	[tilespmem:v1+s31+$0x0] =	vst.idx.msk $0xffff, v26  }
0x663: {  	v0 =	vld.idx.msk [tilespmem:v28+s30+$0x0], $0xffff;
	v1 =	vor.u32 s20, v43;
	[tilespmem:v7+s31+$0x0] =	vst.idx.msk $0xffff, v6;
	v7 =	vor.u32 s2, v23  }
0x664: {  	v24 =	vor.u32 s22, v8;
	v6 =	vor.u32 s26, v59;
	v13 =	vld.idx.msk [tilespmem:v13+s30+$0x0], $0xffff;
	[tilespmem:v9+s31+$0x0] =	vst.idx.msk $0xffff, v4  }
0x665: {  	v3 =	vld.idx.msk [tilespmem:v3+s30+$0x0], $0xffff;
	v4 =	vor.u32 s29, v8;
	v9 =	vor.u32 s8, v40;
	[tilespmem:v18+s31+$0x0] =	vst.idx.msk $0xffff, v12  }
0x666: {  	v18 =	vor.u32 s12, v59;
	v10 =	vld.idx.msk [tilespmem:v10+s30+$0x0], $0xffff;
	[tilespmem:v22+s31+$0x0] =	vst.idx.msk $0xffff, v15  }
0x667: {  	v26 =	vor.u32 s25, v59;
	v28 =	vor.u32 s23, v11;
	v21 =	vld.idx.msk [tilespmem:v21+s30+$0x0], $0xffff;
	[tilespmem:v16+s31+$0x0] =	vst.idx.msk $0xffff, v19  }
0x668: {  	v15 =	vor.u32 s11, v60;
	v16 =	vor.u32 s0, v29;
	v1 =	vld.idx.msk [tilespmem:v1+s30+$0x0], $0xffff;
	[tilespmem:v7+s31+$0x0] =	vst.idx.msk $0xffff, v0  }
0x669: {  	v6 =	vld.idx.msk [tilespmem:v6+s30+$0x0], $0xffff;
	v0 =	vor.u32 s7, v43;
	v7 =	vor.u32 s21, v31;
	[tilespmem:v24+s31+$0x0] =	vst.idx.msk $0xffff, v13  }
0x66a: {  	v12 =	vor.u32 s20, v44;
	v19 =	vor.u32 s18, v11;
	[tilespmem:v4+s31+$0x0] =	vst.idx.msk $0xffff, v3;
	v3 =	vld.idx.msk [tilespmem:v9+s30+$0x0], $0xffff  }
0x66b: {  	v22 =	vor.u32 s2, v25;
	v9 =	vor.u32 s26, v60;
	v18 =	vld.idx.msk [tilespmem:v18+s30+$0x0], $0xffff  }
0x66c: {  	v24 =	vor.u32 s8, v41;
	v13 =	vld.idx.msk [tilespmem:v26+s30+$0x0], $0xffff;
	[tilespmem:v28+s31+$0x0] =	vst.idx.msk $0xffff, v10;
	v10 =	vor.u32 s29, v11  }
0x66d: {  	v26 =	vor.u32 s22, v11;
	v28 =	vor.u32 s25, v60;
	v15 =	vld.idx.msk [tilespmem:v15+s30+$0x0], $0xffff;
	[tilespmem:v16+s31+$0x0] =	vst.idx.msk $0xffff, v21  }
0x66e: {  	v16 =	vor.u32 s12, v60;
	v21 =	vor.u32 s23, v14;
	v0 =	vld.idx.msk [tilespmem:v0+s30+$0x0], $0xffff;
	[tilespmem:v7+s31+$0x0] =	vst.idx.msk $0xffff, v1  }
0x66f: {  	[tilespmem:v19+s31+$0x0] =	vst.idx.msk $0xffff, v6;
	v1 =	vor.u32 s11, v61;
	v6 =	vor.u32 s0, v31;
	v7 =	vld.idx.msk [tilespmem:v12+s30+$0x0], $0xffff  }
0x670: {  	v49 =	vor.u32 s21, v39;
	v9 =	vld.idx.msk [tilespmem:v9+s30+$0x0], $0xffff;
	[tilespmem:v22+s31+$0x0] =	vst.idx.msk $0xffff, v3;
	v3 =	vor.u32 s7, v44;
	v12 =	vor.u32 s21, v33  }
0x671: {  	v19 =	vor.u32 s20, v45;
	v22 =	vor.u32 s18, v14;
	[tilespmem:v10+s31+$0x0] =	vst.idx.msk $0xffff, v13;
	v10 =	vld.idx.msk [tilespmem:v24+s30+$0x0], $0xffff  }
0x672: {  	[tilespmem:v26+s31+$0x0] =	vst.idx.msk $0xffff, v18;
	v13 =	vor.u32 s26, v61;
	v24 =	vor.u32 s2, v27;
	v18 =	vld.idx.msk [tilespmem:v28+s30+$0x0], $0xffff  }
0x673: {  	v16 =	vld.idx.msk [tilespmem:v16+s30+$0x0], $0xffff;
	[tilespmem:v21+s31+$0x0] =	vst.idx.msk $0xffff, v15;
	v15 =	vor.u32 s29, v14;
	v21 =	vor.u32 s8, v42  }
0x674: {  	v26 =	vor.u32 s22, v14;
	v28 =	vor.u32 s25, v61;
	v1 =	vld.idx.msk [tilespmem:v1+s30+$0x0], $0xffff;
	[tilespmem:v6+s31+$0x0] =	vst.idx.msk $0xffff, v0  }
0x675: {  	v0 =	vor.u32 s12, v61;
	v6 =	vor.u32 s23, v17;
	v3 =	vld.idx.msk [tilespmem:v3+s30+$0x0], $0xffff;
	[tilespmem:v12+s31+$0x0] =	vst.idx.msk $0xffff, v7  }
0x676: {  	[tilespmem:v22+s31+$0x0] =	vst.idx.msk $0xffff, v9;
	v7 =	vor.u32 s11, v62;
	v9 =	vor.u32 s0, v33;
	v12 =	vld.idx.msk [tilespmem:v19+s30+$0x0], $0xffff  }
0x677: {  	v38 =	vor.u32 s21, v37;
	v19 =	vor.u32 s1, v42;
	v13 =	vld.idx.msk [tilespmem:v13+s30+$0x0], $0xffff;
	[tilespmem:v24+s31+$0x0] =	vst.idx.msk $0xffff, v10;
	v10 =	vor.u32 s21, v35  }
0x678: {  	v51 =	vor.u32 s20, v47;
	v22 =	vor.u32 s20, v46;
	v24 =	vor.u32 s18, v17;
	[tilespmem:v15+s31+$0x0] =	vst.idx.msk $0xffff, v18;
	v15 =	vld.idx.msk [tilespmem:v21+s30+$0x0], $0xffff  }
0x679: {  	[tilespmem:v26+s31+$0x0] =	vst.idx.msk $0xffff, v16;
	v16 =	vor.u32 s26, v62;
	v21 =	vor.u32 s2, v29;
	v18 =	vld.idx.msk [tilespmem:v28+s30+$0x0], $0xffff  }
0x67a: {  	v26 =	vld.idx.msk [tilespmem:v0+s30+$0x0], $0xffff;
	[tilespmem:v6+s31+$0x0] =	vst.idx.msk $0xffff, v1;
	v0 =	vor.u32 s29, v17;
	v6 =	vor.u32 s8, v43  }
0x67b: {  	v32 =	vor.u32 s25, v62;
	v28 =	vor.u32 s22, v17;
	v30 =	vld.idx.msk [tilespmem:v7+s30+$0x0], $0xffff;
	[tilespmem:v9+s31+$0x0] =	vst.idx.msk $0xffff, v3  }
0x67c: {  	v34 =	vor.u32 s23, v20;
	v9 =	vor.u32 s12, v62;
	v19 =	vld.idx.msk [tilespmem:v19+s30+$0x0], $0xffff;
	[tilespmem:v10+s31+$0x0] =	vst.idx.msk $0xffff, v12  }
0x67d: {  	v4 =	vor.u32 s9, v29;
	[tilespmem:v24+s31+$0x0] =	vst.idx.msk $0xffff, v13;
	v24 =	vor.u32 s11, v63;
	v22 =	vld.idx.msk [tilespmem:v22+s30+$0x0], $0xffff  }
0x67e: {  	v52 =	vor.u32 s18, v20;
	v12 =	vor.u32 s1, v43;
	v36 =	vld.idx.msk [tilespmem:v16+s30+$0x0], $0xffff;
	[tilespmem:v21+s31+$0x0] =	vst.idx.msk $0xffff, v15  }
0x67f: {  	v50 =	vor.u32 s1, v45;
	v1 =	vor.u32 s9, v31;
	v3 =	vor.u32 s1, v44;
	[tilespmem:v0+s31+$0x0] =	vst.idx.msk $0xffff, v18;
	v7 =	vld.idx.msk [tilespmem:v6+s30+$0x0], $0xffff  }
0x680: {  	v13 =	vor.u32 s7, v45;
	v15 =	vor.u32 s2, v31;
	[tilespmem:v28+s31+$0x0] =	vst.idx.msk $0xffff, v26;
	v21 =	vld.idx.msk [tilespmem:v32+s30+$0x0], $0xffff  }
0x681: {  	v48 =	vor.u32 s29, v39;
	v10 =	vor.u32 s8, v44;
	v28 =	vor.u32 s29, v20;
	v18 =	vld.idx.msk [tilespmem:v9+s30+$0x0], $0xffff;
	[tilespmem:v34+s31+$0x0] =	vst.idx.msk $0xffff, v30  }
0x682: {  	v26 =	vor.u32 s22, v20;
	v30 =	vor.u32 s25, v63;
	v16 =	vld.idx.msk [tilespmem:v24+s30+$0x0], $0xffff;
	[tilespmem:v4+s31+$0x0] =	vst.idx.msk $0xffff, v19  }
0x683: {  	v24 =	vor.u32 s12, v63;
	v12 =	vld.idx.msk [tilespmem:v12+s30+$0x0], $0xffff;
	[tilespmem:v38+s31+$0x0] =	vst.idx.msk $0xffff, v22;
	v22 =	vor.u32 s23, v23  }
0x684: {  	v6 =	vor.u32 s9, v33;
	v0 =	vor.u32 s9, v35;
	v19 =	vor.u32 s11, v40;
	[tilespmem:v52+s31+$0x0] =	vst.idx.msk $0xffff, v36;
	v9 =	vld.idx.msk [tilespmem:v51+s30+$0x0], $0xffff  }
.LBB2_25:
0x685: {  	s6 =	sadd.s32 $0x4, s6;
	v4 =	vor.u32 s1, v47;
	[tilespmem:v15+s31+$0x0] =	vst.idx.msk $0xffff, v7;
	v15 =	vor.u32 s8, v45;
	v13 =	vld.idx.msk [tilespmem:v13+s30+$0x0], $0xffff;
	s19 =	simm.s32 $0x12800  }
0x686: {  	v7 =	vor.u32 s9, v37;
	s3 =	sshrl.u32 s6, $0x3;
	s10 =	sand.u32 $0x4, s6;
	p0 =	slt.u32 s6, $0x1C;
	[tilespmem:v28+s31+$0x0] =	vst.idx.msk $0xffff, v21;
	v10 =	vld.idx.msk [tilespmem:v10+s30+$0x0], $0xffff;
	v21 =	vor.u32 s0, v35  }
0x687: {  	v28 =	vor.u32 s7, v46;
	s13 =	sshll.u32 s3, $0xB;
	s4 =	sor.u32 $0x1, s10;
	s14 =	sor.u32 $0x2, s10;
	[tilespmem:v26+s31+$0x0] =	vst.idx.msk $0xffff, v18;
	v18 =	vld.idx.msk [tilespmem:v30+s30+$0x0], $0xffff;
	v26 =	vor.u32 s2, v33  }
0x688: {  	s3 =	sshll.u32 s3, $0x4;
	s15 =	sor.u32 $0x3, s10;
	v30 =	vor.u32 s12, v40;
	s5 =	sshll.u32 s4, $0xA;
	v24 =	vld.idx.msk [tilespmem:v24+s30+$0x0], $0xffff;
	[tilespmem:v22+s31+$0x0] =	vst.idx.msk $0xffff, v16;
	v16 =	vor.u32 s29, v23  }
0x689: {  	v32 =	vor.u32 s25, v40;
	s16 =	sshll.u32 s10, $0xA;
	s20 =	sshll.u32 s14, $0xA;
	v22 =	vor.u32 s22, v23;
	s5 =	sadd.s32 s3, s5;
	v19 =	vld.idx.msk [tilespmem:v19+s30+$0x0], $0xffff;
	[tilespmem:v1+s31+$0x0] =	vst.idx.msk $0xffff, v12  }
0x68a: {  	v34 =	vor.u32 s23, v25;
	s4 =	sshll.u32 s4, $0x4;
	s30 =	sadd.s32 s3, s16;
	s16 =	sshll.u32 s15, $0xA;
	v12 =	vor.u32 s5, v56;
	v3 =	vld.idx.msk [tilespmem:v3+s19+$0x0], $0xffff;
	[tilespmem:v49+s31+$0x0] =	vst.idx.msk $0xffff, v9;
	v49 =	vmov v48  }
0x68b: {  	s4 =	sor.u32 s13, s4;
	s17 =	sadd.s32 s3, s20;
	s20 =	sadd.s32 s3, s16;
	v9 =	vor.u32 s2, v35;
	[tilespmem:v21+s31+$0x0] =	vst.idx.msk $0xffff, v13  }
0x68c: {  	s3 =	sshll.u32 s10, $0x4;
	s10 =	sshll.u32 s14, $0x4;
	s14 =	sshll.u32 s15, $0x4;
	v13 =	vor.u32 s17, v56;
	v21 =	vor.u32 s20, v56;
	[tilespmem:v26+s31+$0x0] =	vst.idx.msk $0xffff, v10;
	v10 =	vld.idx.msk [tilespmem:v28+s19+$0x0], $0xffff  }
0x68d: {  	v1 =	vor.u32 s9, v39;
	s3 =	sor.u32 s3, s13;
	s10 =	sor.u32 s13, s10;
	s21 =	sor.u32 s13, s14;
	[tilespmem:v16+s31+$0x0] =	vst.idx.msk $0xffff, v18;
	v15 =	vld.idx.msk [tilespmem:v15+s19+$0x0], $0xffff;
	v16 =	vor.u32 s0, v37  }
0x68e: {  	s9 =	smov.u32 s22;
	v48 =	vor.u32 s21, v39;
	s22 =	smov.u32 s3;
	v18 =	vor.u32 s30, v56;
	[tilespmem:v22+s31+$0x0] =	vst.idx.msk $0xffff, v24;
	v22 =	vld.idx.msk [tilespmem:v32+s19+$0x0], $0xffff  }
0x68f: {  	v26 =	vor.u32 s8, v46;
	v24 =	vld.idx.msk [tilespmem:v30+s19+$0x0], $0xffff;
	[tilespmem:v34+s31+$0x0] =	vst.idx.msk $0xffff, v19;
	v19 =	vor.u32 s29, v25  }
0x690: {  	v28 =	vor.u32 s9, v25;
	v12 =	vld.idx.msk [tilespmem:v12+s19+$0x0], $0xffff;
	[tilespmem:v6+s31+$0x0] =	vst.idx.msk $0xffff, v3;
	v3 =	vor.u32 s7, v47;
	s7 =	smov.u32 s11;
	s11 =	smov.u32 s17  }
0x691: {  	v30 =	vor.u32 s12, v41;
	v6 =	vor.u32 s4, v2;
	v32 =	vld.idx.msk [tilespmem:v50+s19+$0x0], $0xffff  }
0x692: {  	v36 =	vor.u32 s10, v2;
	v34 =	vor.u32 s5, v57;
	v13 =	vld.idx.msk [tilespmem:v13+s19+$0x0], $0xffff;
	[tilespmem:v16+s31+$0x0] =	vst.idx.msk $0xffff, v10  }
0x693: {  	v16 =	vor.u32 s11, v57;
	v10 =	vld.idx.msk [tilespmem:v18+s19+$0x0], $0xffff;
	v18 =	vor.u32 s1, v46;
	[tilespmem:v9+s31+$0x0] =	vst.idx.msk $0xffff, v15;
	s1 =	smov.u32 s12;
	s12 =	smov.u32 s30;
	s30 =	simm.s32 $0x12800  }
0x694: {  	v9 =	vor.u32 s22, v2;
	[tilespmem:v19+s31+$0x0] =	vst.idx.msk $0xffff, v22;
	v15 =	vld.idx.msk [tilespmem:v26+s30+$0x0], $0xffff;
	v19 =	vor.u32 s2, v37  }
0x695: {  	v22 =	vor.u32 s12, v57;
	[tilespmem:v28+s31+$0x0] =	vst.idx.msk $0xffff, v24;
	v3 =	vld.idx.msk [tilespmem:v3+s30+$0x0], $0xffff;
	v24 =	vor.u32 s0, v39;
	s0 =	smov.u32 s23;
	s23 =	smov.u32 s10  }
0x696: {  	v26 =	vor.u32 s25, v41;
	[tilespmem:v6+s31+$0x0] =	vst.idx.msk $0xffff, v12;
	v6 =	vor.u32 s21, v2;
	v12 =	vld.idx.msk [tilespmem:v30+s30+$0x0], $0xffff  }
0x697: {  	v28 =	vor.u32 s20, v57;
	v30 =	vor.u32 s9, v27;
	v21 =	vld.idx.msk [tilespmem:v21+s30+$0x0], $0xffff;
	[tilespmem:v0+s31+$0x0] =	vst.idx.msk $0xffff, v32  }
0x698: {  	v0 =	vor.u32 s4, v5;
	[tilespmem:v36+s31+$0x0] =	vst.idx.msk $0xffff, v13;
	v13 =	vld.idx.msk [tilespmem:v18+s30+$0x0], $0xffff;
	v18 =	vor.u32 s8, v47;
	s8 =	smov.u32 s26;
	s26 =	smov.u32 s5  }
0x699: {  	[tilespmem:v9+s31+$0x0] =	vst.idx.msk $0xffff, v10;
	v9 =	vor.u32 s26, v58;
	v10 =	vld.idx.msk [tilespmem:v16+s30+$0x0], $0xffff;
	v16 =	vor.u32 s23, v5  }
0x69a: {  	v50 =	vor.u32 s1, v45;
	v22 =	vld.idx.msk [tilespmem:v22+s30+$0x0], $0xffff;
	[tilespmem:v19+s31+$0x0] =	vst.idx.msk $0xffff, v15  }
0x69b: {  	v15 =	vor.u32 s22, v5;
	v19 =	vor.u32 s11, v58;
	v26 =	vld.idx.msk [tilespmem:v26+s30+$0x0], $0xffff;
	[tilespmem:v24+s31+$0x0] =	vst.idx.msk $0xffff, v3  }
0x69c: {  	v24 =	vor.u32 s29, v27;
	v3 =	vld.idx.msk [tilespmem:v34+s30+$0x0], $0xffff;
	[tilespmem:v30+s31+$0x0] =	vst.idx.msk $0xffff, v12;
	v12 =	vor.u32 s7, v41  }
0x69d: {  	[tilespmem:v6+s31+$0x0] =	vst.idx.msk $0xffff, v21;
	v6 =	vor.u32 s21, v5;
	v21 =	vor.u32 s25, v42;
	v18 =	vld.idx.msk [tilespmem:v18+s30+$0x0], $0xffff  }
0x69e: {  	v30 =	vor.u32 s8, v63;
	v28 =	vld.idx.msk [tilespmem:v28+s30+$0x0], $0xffff;
	[tilespmem:v7+s31+$0x0] =	vst.idx.msk $0xffff, v13;
	v7 =	vor.u32 s2, v39;
	s2 =	smov.u32 s18;
	s18 =	smov.u32 s4  }
0x69f: {  	v13 =	vor.u32 s18, v8;
	[tilespmem:v16+s31+$0x0] =	vst.idx.msk $0xffff, v10;
	v10 =	vor.u32 s20, v58;
	v4 =	vld.idx.msk [tilespmem:v4+s30+$0x0], $0xffff  }
0x6a0: {  	v32 =	vor.u32 s9, v29;
	v16 =	vor.u32 s12, v58;
	[tilespmem:v15+s31+$0x0] =	vst.idx.msk $0xffff, v22;
	v15 =	vld.idx.msk [tilespmem:v19+s30+$0x0], $0xffff  }
0x6a1: {  	v19 =	vor.u32 s23, v8;
	v22 =	vor.u32 s7, v42;
	v12 =	vld.idx.msk [tilespmem:v12+s30+$0x0], $0xffff;
	[tilespmem:v24+s31+$0x0] =	vst.idx.msk $0xffff, v26  }
0x6a2: {  	[tilespmem:v0+s31+$0x0] =	vst.idx.msk $0xffff, v3;
	v0 =	vor.u32 s11, v59;
	v3 =	vor.u32 s0, v27;
	v21 =	vld.idx.msk [tilespmem:v21+s30+$0x0], $0xffff  }
0x6a3: {  	v24 =	vor.u32 s29, v29;
	v26 =	vor.u32 s2, v23;
	v9 =	vld.idx.msk [tilespmem:v9+s30+$0x0], $0xffff;
	[tilespmem:v7+s31+$0x0] =	vst.idx.msk $0xffff, v18  }
0x6a4: {  	v7 =	vor.u32 s25, v43;
	v18 =	vor.u32 s26, v59;
	[tilespmem:v6+s31+$0x0] =	vst.idx.msk $0xffff, v28;
	v6 =	vld.idx.msk [tilespmem:v30+s30+$0x0], $0xffff  }
0x6a5: {  	v34 =	vor.u32 s23, v14;
	v28 =	vor.u32 s20, v59;
	v30 =	vor.u32 s23, v11;
	v10 =	vld.idx.msk [tilespmem:v10+s30+$0x0], $0xffff;
	[tilespmem:v1+s31+$0x0] =	vst.idx.msk $0xffff, v4  }
0x6a6: {  	v1 =	vld.idx.msk [tilespmem:v16+s30+$0x0], $0xffff;
	[tilespmem:v19+s31+$0x0] =	vst.idx.msk $0xffff, v15;
	v15 =	vor.u32 s21, v8;
	v16 =	vor.u32 s8, v40  }
0x6a7: {  	v19 =	vor.u32 s22, v8;
	v0 =	vld.idx.msk [tilespmem:v0+s30+$0x0], $0xffff;
	[tilespmem:v3+s31+$0x0] =	vst.idx.msk $0xffff, v12;
	v12 =	vor.u32 s25, v44  }
0x6a8: {  	v4 =	vor.u32 s1, v43;
	v3 =	vor.u32 s12, v59;
	v22 =	vld.idx.msk [tilespmem:v22+s30+$0x0], $0xffff;
	[tilespmem:v24+s31+$0x0] =	vst.idx.msk $0xffff, v21  }
0x6a9: {  	[tilespmem:v13+s31+$0x0] =	vst.idx.msk $0xffff, v9;
	v9 =	vor.u32 s11, v60;
	v13 =	vor.u32 s0, v29;
	v7 =	vld.idx.msk [tilespmem:v7+s30+$0x0], $0xffff  }
0x6aa: {  	v21 =	vor.u32 s29, v31;
	v18 =	vld.idx.msk [tilespmem:v18+s30+$0x0], $0xffff;
	[tilespmem:v26+s31+$0x0] =	vst.idx.msk $0xffff, v6;
	v6 =	vor.u32 s7, v43  }
0x6ab: {  	v24 =	vor.u32 s18, v11;
	v26 =	vor.u32 s8, v41;
	[tilespmem:v15+s31+$0x0] =	vst.idx.msk $0xffff, v10;
	v10 =	vld.idx.msk [tilespmem:v16+s30+$0x0], $0xffff  }
0x6ac: {  	v16 =	vor.u32 s2, v25;
	[tilespmem:v19+s31+$0x0] =	vst.idx.msk $0xffff, v1;
	v1 =	vor.u32 s26, v60;
	v15 =	vld.idx.msk [tilespmem:v28+s30+$0x0], $0xffff  }
0x6ad: {  	v28 =	vor.u32 s22, v11;
	v19 =	vld.idx.msk [tilespmem:v3+s30+$0x0], $0xffff;
	[tilespmem:v30+s31+$0x0] =	vst.idx.msk $0xffff, v0;
	v0 =	vor.u32 s21, v11  }
0x6ae: {  	v30 =	vor.u32 s20, v60;
	v9 =	vld.idx.msk [tilespmem:v9+s30+$0x0], $0xffff;
	[tilespmem:v13+s31+$0x0] =	vst.idx.msk $0xffff, v22;
	v13 =	vor.u32 s25, v45  }
0x6af: {  	v38 =	vor.u32 s1, v42;
	v3 =	vor.u32 s1, v44;
	v22 =	vor.u32 s12, v60;
	v6 =	vld.idx.msk [tilespmem:v6+s30+$0x0], $0xffff;
	[tilespmem:v21+s31+$0x0] =	vst.idx.msk $0xffff, v7  }
0x6b0: {  	v7 =	vor.u32 s11, v61;
	[tilespmem:v24+s31+$0x0] =	vst.idx.msk $0xffff, v18;
	v18 =	vor.u32 s0, v31;
	v12 =	vld.idx.msk [tilespmem:v12+s30+$0x0], $0xffff  }
0x6b1: {  	v21 =	vld.idx.msk [tilespmem:v1+s30+$0x0], $0xffff;
	[tilespmem:v16+s31+$0x0] =	vst.idx.msk $0xffff, v10;
	v10 =	vor.u32 s7, v44;
	v16 =	vor.u32 s29, v33  }
0x6b2: {  	v24 =	vor.u32 s18, v14;
	v1 =	vor.u32 s9, v31;
	[tilespmem:v0+s31+$0x0] =	vst.idx.msk $0xffff, v15;
	v0 =	vld.idx.msk [tilespmem:v26+s30+$0x0], $0xffff  }
0x6b3: {  	v15 =	vor.u32 s26, v61;
	v26 =	vor.u32 s2, v27;
	[tilespmem:v28+s31+$0x0] =	vst.idx.msk $0xffff, v19;
	v19 =	vld.idx.msk [tilespmem:v30+s30+$0x0], $0xffff  }
0x6b4: {  	v28 =	vor.u32 s8, v42;
	v22 =	vld.idx.msk [tilespmem:v22+s30+$0x0], $0xffff;
	[tilespmem:v34+s31+$0x0] =	vst.idx.msk $0xffff, v9;
	v9 =	vor.u32 s21, v14  }
0x6b5: {  	v30 =	vor.u32 s22, v14;
	v34 =	vor.u32 s20, v61;
	v7 =	vld.idx.msk [tilespmem:v7+s30+$0x0], $0xffff;
	[tilespmem:v18+s31+$0x0] =	vst.idx.msk $0xffff, v6  }
0x6b6: {  	v36 =	vor.u32 s23, v17;
	v18 =	vor.u32 s12, v61;
	v10 =	vld.idx.msk [tilespmem:v10+s30+$0x0], $0xffff;
	[tilespmem:v16+s31+$0x0] =	vst.idx.msk $0xffff, v12  }
0x6b7: {  	v12 =	vor.u32 s11, v62;
	v16 =	vor.u32 s0, v33;
	[tilespmem:v24+s31+$0x0] =	vst.idx.msk $0xffff, v21;
	v13 =	vld.idx.msk [tilespmem:v13+s30+$0x0], $0xffff  }
0x6b8: {  	v21 =	vor.u32 s25, v46;
	v15 =	vld.idx.msk [tilespmem:v15+s30+$0x0], $0xffff;
	[tilespmem:v26+s31+$0x0] =	vst.idx.msk $0xffff, v0;
	v0 =	vor.u32 s29, v35  }
0x6b9: {  	v6 =	vor.u32 s9, v33;
	v24 =	vor.u32 s18, v17;
	[tilespmem:v9+s31+$0x0] =	vst.idx.msk $0xffff, v19;
	v9 =	vld.idx.msk [tilespmem:v28+s30+$0x0], $0xffff  }
0x6ba: {  	v26 =	vor.u32 s2, v29;
	v19 =	vor.u32 s26, v62;
	[tilespmem:v30+s31+$0x0] =	vst.idx.msk $0xffff, v22;
	v22 =	vld.idx.msk [tilespmem:v34+s30+$0x0], $0xffff  }
0x6bb: {  	v28 =	vor.u32 s8, v43;
	v18 =	vld.idx.msk [tilespmem:v18+s30+$0x0], $0xffff;
	[tilespmem:v36+s31+$0x0] =	vst.idx.msk $0xffff, v7;
	v7 =	vor.u32 s21, v17  }
0x6bc: {  	v30 =	vor.u32 s22, v17;
	v34 =	vor.u32 s20, v62;
	v12 =	vld.idx.msk [tilespmem:v12+s30+$0x0], $0xffff;
	[tilespmem:v16+s31+$0x0] =	vst.idx.msk $0xffff, v10  }
0x6bd: {  	v10 =	vor.u32 s12, v62;
	v16 =	vor.u32 s23, v20;
	v36 =	vld.idx.msk [tilespmem:v38+s30+$0x0], $0xffff;
	[tilespmem:v0+s31+$0x0] =	vst.idx.msk $0xffff, v13  }
0x6be: {  	[tilespmem:v24+s31+$0x0] =	vst.idx.msk $0xffff, v15;
	v24 =	vor.u32 s11, v63;
	v38 =	vld.idx.msk [tilespmem:v21+s30+$0x0], $0xffff  }
0x6bf: {  	v51 =	vor.u32 s25, v47;
	s25 =	smov.u32 s20;
	v19 =	vld.idx.msk [tilespmem:v19+s30+$0x0], $0xffff;
	[tilespmem:v26+s31+$0x0] =	vst.idx.msk $0xffff, v9;
	v9 =	vor.u32 s29, v37;
	s29 =	smov.u32 s21  }
0x6c0: {  	v52 =	vor.u32 s18, v20;
	v0 =	vor.u32 s9, v35;
	[tilespmem:v7+s31+$0x0] =	vst.idx.msk $0xffff, v22;
	v7 =	vld.idx.msk [tilespmem:v28+s30+$0x0], $0xffff  }
.Ltmp14:
0x6c1: {  	v13 =	vor.u32 s7, v45;
	v15 =	vor.u32 s2, v31;
	[tilespmem:v30+s31+$0x0] =	vst.idx.msk $0xffff, v18;
	v21 =	vld.idx.msk [tilespmem:v34+s30+$0x0], $0xffff;
	(pc) =	sbr.rel @p0 .LBB2_25-.Ltmp14, $4  }
0x6c2: {  	v28 =	vor.u32 s29, v20;
	v18 =	vld.idx.msk [tilespmem:v10+s30+$0x0], $0xffff;
	[tilespmem:v16+s31+$0x0] =	vst.idx.msk $0xffff, v12;
	v10 =	vor.u32 s8, v44  }
0x6c3: {  	v26 =	vor.u32 s22, v20;
	v30 =	vor.u32 s25, v63;
	v16 =	vld.idx.msk [tilespmem:v24+s30+$0x0], $0xffff;
	[tilespmem:v32+s31+$0x0] =	vst.idx.msk $0xffff, v36  }
0x6c4: {  	v22 =	vor.u32 s23, v23;
	v24 =	vor.u32 s12, v63;
	v12 =	vld.idx.msk [tilespmem:v4+s30+$0x0], $0xffff;
	[tilespmem:v9+s31+$0x0] =	vst.idx.msk $0xffff, v38  }
0x6c5: {  	[tilespmem:v52+s31+$0x0] =	vst.idx.msk $0xffff, v19;
	v19 =	vor.u32 s11, v40;
	v9 =	vld.idx.msk [tilespmem:v51+s30+$0x0], $0xffff  }
0x6c6: {  	_ =	sdelay $0x1  }
0x6c7: {  	v4 =	vor.u32 s26, v63;
	_ =	sdelay $0x1  }
0x6c8: {  	[tilespmem:v28+s31+$0x0] =	vst.idx.msk $0xffff, v21  }
0x6c9: {  	v28 =	vor.u32 s29, v23;
	v21 =	vld.idx.msk [tilespmem:v30+s30+$0x0], $0xffff  }
0x6ca: {  	v30 =	vor.u32 s25, v40  }
0x6cb: {  	[tilespmem:v26+s31+$0x0] =	vst.idx.msk $0xffff, v18;
	v18 =	vor.u32 s18, v23;
	v4 =	vld.idx.msk [tilespmem:v4+s30+$0x0], $0xffff  }
0x6cc: {  	v32 =	vor.u32 s26, v40;
	v26 =	vor.u32 s22, v23;
	v24 =	vld.idx.msk [tilespmem:v24+s30+$0x0], $0xffff  }
0x6cd: {  	v34 =	vor.u32 s12, v40  }
0x6ce: {  	[tilespmem:v28+s31+$0x0] =	vst.idx.msk $0xffff, v21  }
0x6cf: {  	[tilespmem:v22+s31+$0x0] =	vst.idx.msk $0xffff, v16;
	v21 =	vor.u32 s29, v25;
	v16 =	vld.idx.msk [tilespmem:v30+s30+$0x0], $0xffff  }
0x6d0: {  	v22 =	vor.u32 s23, v25;
	v19 =	vld.idx.msk [tilespmem:v19+s30+$0x0], $0xffff;
	v28 =	vor.u32 s25, v41;
	[tilespmem:v18+s31+$0x0] =	vst.idx.msk $0xffff, v4  }
0x6d1: {  	[tilespmem:v26+s31+$0x0] =	vst.idx.msk $0xffff, v24;
	v24 =	vor.u32 s18, v25;
	v4 =	vor.u32 s11, v41;
	v18 =	vld.idx.msk [tilespmem:v32+s30+$0x0], $0xffff  }
0x6d2: {  	v53 =	vor.u32 s26, v41;
	v30 =	vor.u32 s22, v25;
	v26 =	vld.idx.msk [tilespmem:v34+s30+$0x0], $0xffff  }
0x6d3: {  	v54 =	vor.u32 s12, v41  }
0x6d4: {  	[tilespmem:v21+s31+$0x0] =	vst.idx.msk $0xffff, v16  }
0x6d5: {  	[tilespmem:v22+s31+$0x0] =	vst.idx.msk $0xffff, v19;
	v19 =	vor.u32 s29, v27;
	v16 =	vld.idx.msk [tilespmem:v28+s30+$0x0], $0xffff  }
0x6d6: {  	v22 =	vor.u32 s23, v27;
	v21 =	vor.u32 s25, v42;
	v4 =	vld.idx.msk [tilespmem:v4+s30+$0x0], $0xffff;
	[tilespmem:v24+s31+$0x0] =	vst.idx.msk $0xffff, v18  }
0x6d7: {  	[tilespmem:v30+s31+$0x0] =	vst.idx.msk $0xffff, v26;
	v26 =	vor.u32 s18, v27;
	v18 =	vor.u32 s11, v42;
	v24 =	vld.idx.msk [tilespmem:v53+s30+$0x0], $0xffff  }
0x6d8: {  	[tilespmem:v15+s31+$0x0] =	vst.idx.msk $0xffff, v7;
	v15 =	vor.u32 s22, v27;
	v28 =	vor.u32 s26, v42;
	v7 =	vld.idx.msk [tilespmem:v54+s30+$0x0], $0xffff  }
0x6d9: {  	[tilespmem:v1+s31+$0x0] =	vst.idx.msk $0xffff, v12;
	v1 =	vor.u32 s12, v42  }
0x6da: {  	v12 =	vld.idx.msk [tilespmem:v13+s30+$0x0], $0xffff;
	v13 =	vor.u32 s0, v35;
	[tilespmem:v19+s31+$0x0] =	vst.idx.msk $0xffff, v16  }
0x6db: {  	v19 =	vor.u32 s29, v29;
	v16 =	vld.idx.msk [tilespmem:v21+s30+$0x0], $0xffff;
	[tilespmem:v22+s31+$0x0] =	vst.idx.msk $0xffff, v4  }
0x6dc: {  	v21 =	vor.u32 s23, v29;
	v4 =	vor.u32 s25, v43;
	v18 =	vld.idx.msk [tilespmem:v18+s30+$0x0], $0xffff;
	[tilespmem:v26+s31+$0x0] =	vst.idx.msk $0xffff, v24  }
0x6dd: {  	[tilespmem:v15+s31+$0x0] =	vst.idx.msk $0xffff, v7;
	v7 =	vor.u32 s11, v43;
	v22 =	vor.u32 s18, v29;
	v15 =	vld.idx.msk [tilespmem:v28+s30+$0x0], $0xffff  }
0x6de: {  	[tilespmem:v49+s31+$0x0] =	vst.idx.msk $0xffff, v9;
	v9 =	vor.u32 s22, v29;
	v1 =	vld.idx.msk [tilespmem:v1+s30+$0x0], $0xffff;
	v24 =	vor.u32 s26, v43  }
0x6df: {  	v10 =	vld.idx.msk [tilespmem:v10+s30+$0x0], $0xffff;
	[tilespmem:v13+s31+$0x0] =	vst.idx.msk $0xffff, v12;
	v12 =	vor.u32 s12, v43;
	v26 =	vor.u32 s2, v33  }
0x6e0: {  	v3 =	vld.idx.msk [tilespmem:v3+s30+$0x0], $0xffff;
	v13 =	vor.u32 s7, v46;
	[tilespmem:v19+s31+$0x0] =	vst.idx.msk $0xffff, v16  }
0x6e1: {  	v16 =	vor.u32 s8, v45;
	v19 =	vor.u32 s29, v31;
	v4 =	vld.idx.msk [tilespmem:v4+s30+$0x0], $0xffff;
	[tilespmem:v21+s31+$0x0] =	vst.idx.msk $0xffff, v18  }
0x6e2: {  	v18 =	vor.u32 s25, v44;
	v21 =	vor.u32 s23, v31;
	v7 =	vld.idx.msk [tilespmem:v7+s30+$0x0], $0xffff;
	[tilespmem:v22+s31+$0x0] =	vst.idx.msk $0xffff, v15  }
0x6e3: {  	[tilespmem:v9+s31+$0x0] =	vst.idx.msk $0xffff, v1;
	v15 =	vor.u32 s11, v44;
	v22 =	vld.idx.msk [tilespmem:v24+s30+$0x0], $0xffff;
	v24 =	vor.u32 s18, v31  }
0x6e4: {  	v1 =	vor.u32 s22, v31;
	v9 =	vor.u32 s26, v44;
	[tilespmem:v26+s31+$0x0] =	vst.idx.msk $0xffff, v10;
	v10 =	vld.idx.msk [tilespmem:v12+s30+$0x0], $0xffff  }
0x6e5: {  	[tilespmem:v6+s31+$0x0] =	vst.idx.msk $0xffff, v3;
	v3 =	vor.u32 s12, v44;
	v12 =	vld.idx.msk [tilespmem:v13+s30+$0x0], $0xffff;
	v13 =	vor.u32 s0, v37  }
0x6e6: {  	v6 =	vor.u32 s2, v35;
	v16 =	vld.idx.msk [tilespmem:v16+s30+$0x0], $0xffff;
	[tilespmem:v19+s31+$0x0] =	vst.idx.msk $0xffff, v4  }
0x6e7: {  	v4 =	vor.u32 s8, v46;
	v19 =	vor.u32 s29, v33;
	v18 =	vld.idx.msk [tilespmem:v18+s30+$0x0], $0xffff;
	[tilespmem:v21+s31+$0x0] =	vst.idx.msk $0xffff, v7  }
0x6e8: {  	v7 =	vor.u32 s25, v45;
	v21 =	vor.u32 s23, v33;
	v15 =	vld.idx.msk [tilespmem:v15+s30+$0x0], $0xffff;
	[tilespmem:v24+s31+$0x0] =	vst.idx.msk $0xffff, v22  }
0x6e9: {  	[tilespmem:v1+s31+$0x0] =	vst.idx.msk $0xffff, v10;
	v22 =	vor.u32 s11, v45;
	v24 =	vor.u32 s18, v33;
	v9 =	vld.idx.msk [tilespmem:v9+s30+$0x0], $0xffff  }
0x6ea: {  	[tilespmem:v13+s31+$0x0] =	vst.idx.msk $0xffff, v12;
	v1 =	vor.u32 s22, v33;
	v10 =	vor.u32 s26, v45;
	v3 =	vld.idx.msk [tilespmem:v3+s30+$0x0], $0xffff  }
0x6eb: {  	v12 =	vld.idx.msk [tilespmem:v50+s30+$0x0], $0xffff;
	[tilespmem:v6+s31+$0x0] =	vst.idx.msk $0xffff, v16;
	v6 =	vor.u32 s12, v45  }
0x6ec: {  	v13 =	vor.u32 s7, v47;
	v16 =	vor.u32 s2, v37;
	v4 =	vld.idx.msk [tilespmem:v4+s30+$0x0], $0xffff;
	[tilespmem:v19+s31+$0x0] =	vst.idx.msk $0xffff, v18  }
0x6ed: {  	v18 =	vor.u32 s1, v46;
	v19 =	vor.u32 s29, v35;
	v7 =	vld.idx.msk [tilespmem:v7+s30+$0x0], $0xffff;
	[tilespmem:v21+s31+$0x0] =	vst.idx.msk $0xffff, v15  }
0x6ee: {  	v15 =	vor.u32 s25, v46;
	v21 =	vld.idx.msk [tilespmem:v22+s30+$0x0], $0xffff;
	v22 =	vor.u32 s23, v35;
	[tilespmem:v24+s31+$0x0] =	vst.idx.msk $0xffff, v9  }
0x6ef: {  	[tilespmem:v1+s31+$0x0] =	vst.idx.msk $0xffff, v3;
	v9 =	vor.u32 s11, v46;
	v24 =	vor.u32 s18, v35;
	v10 =	vld.idx.msk [tilespmem:v10+s30+$0x0], $0xffff  }
0x6f0: {  	[tilespmem:v0+s31+$0x0] =	vst.idx.msk $0xffff, v12;
	v0 =	vor.u32 s22, v35;
	v1 =	vor.u32 s26, v46;
	v3 =	vld.idx.msk [tilespmem:v6+s30+$0x0], $0xffff  }
0x6f1: {  	v12 =	vor.u32 s0, v39;
	v6 =	vld.idx.msk [tilespmem:v13+s30+$0x0], $0xffff;
	[tilespmem:v16+s31+$0x0] =	vst.idx.msk $0xffff, v4;
	v4 =	vor.u32 s12, v46  }
0x6f2: {  	v13 =	vor.u32 s9, v37;
	v16 =	vld.idx.msk [tilespmem:v18+s30+$0x0], $0xffff;
	v18 =	vor.u32 s8, v47;
	[tilespmem:v19+s31+$0x0] =	vst.idx.msk $0xffff, v7  }
0x6f3: {  	v7 =	vor.u32 s1, v47;
	v19 =	vor.u32 s29, v37;
	v15 =	vld.idx.msk [tilespmem:v15+s30+$0x0], $0xffff;
	[tilespmem:v22+s31+$0x0] =	vst.idx.msk $0xffff, v21  }
0x6f4: {  	v21 =	vor.u32 s25, v47;
	v22 =	vor.u32 s23, v37;
	v9 =	vld.idx.msk [tilespmem:v9+s30+$0x0], $0xffff;
	[tilespmem:v24+s31+$0x0] =	vst.idx.msk $0xffff, v10  }
0x6f5: {  	[tilespmem:v0+s31+$0x0] =	vst.idx.msk $0xffff, v3;
	v10 =	vor.u32 s11, v47;
	v24 =	vor.u32 s18, v37;
	v1 =	vld.idx.msk [tilespmem:v1+s30+$0x0], $0xffff  }
0x6f6: {  	[tilespmem:v12+s31+$0x0] =	vst.idx.msk $0xffff, v6;
	v0 =	vor.u32 s22, v37;
	v3 =	vld.idx.msk [tilespmem:v4+s30+$0x0], $0xffff;
	v4 =	vor.u32 s26, v47  }
0x6f7: {  	v12 =	vor.u32 s2, v39;
	v6 =	vld.idx.msk [tilespmem:v18+s30+$0x0], $0xffff;
	[tilespmem:v13+s31+$0x0] =	vst.idx.msk $0xffff, v16;
	v13 =	vor.u32 s12, v47  }
0x6f8: {  	v16 =	vor.u32 s9, v39;
	v7 =	vld.idx.msk [tilespmem:v7+s30+$0x0], $0xffff;
	[tilespmem:v19+s31+$0x0] =	vst.idx.msk $0xffff, v15  }
0x6f9: {  	v15 =	vld.idx.msk [tilespmem:v21+s30+$0x0], $0xffff;
	[tilespmem:v22+s31+$0x0] =	vst.idx.msk $0xffff, v9  }
0x6fa: {  	v9 =	vld.idx.msk [tilespmem:v10+s30+$0x0], $0xffff;
	v10 =	vor.u32 s23, v39;
	[tilespmem:v24+s31+$0x0] =	vst.idx.msk $0xffff, v1  }
0x6fb: {  	[tilespmem:v0+s31+$0x0] =	vst.idx.msk $0xffff, v3;
	v0 =	vor.u32 s18, v39;
	v1 =	vld.idx.msk [tilespmem:v4+s30+$0x0], $0xffff  }
0x6fc: {  	v3 =	vor.u32 s22, v39;
	[tilespmem:v12+s31+$0x0] =	vst.idx.msk $0xffff, v6;
	v4 =	vld.idx.msk [tilespmem:v13+s30+$0x0], $0xffff  }
0x6fd: {  	[tilespmem:v16+s31+$0x0] =	vst.idx.msk $0xffff, v7  }
0x6fe: {  	[tilespmem:v48+s31+$0x0] =	vst.idx.msk $0xffff, v15  }
0x6ff: {  	s23 =	rddreg [dreg:$0xb];
	[tilespmem:v10+s31+$0x0] =	vst.idx.msk $0xffff, v9  }
0x700: {  	s25 =	rddreg [dreg:$0x5];
	[tilespmem:v0+s31+$0x0] =	vst.idx.msk $0xffff, v1  }
0x701: {  	[tilespmem:v3+s31+$0x0] =	vst.idx.msk $0xffff, v4  }
0x702: {  	s4 =	rddreg [dreg:$0xa]  }
0x703: {  	s4 =	sadd.s32 $0x1, s4  }
0x704: {  	p0 =	sne.s32 s4, $0x32  }
.Ltmp15:
0x705: {  	s0 =	sshll.u32 s23, $0x12;
	(pc) =	sbr.rel @p0 .LBB2_6-.Ltmp15, $4  }
0x706: {  	s17 =	rddreg [dreg:$0x1];
	s0 =	sor.u32 s25, s0  }
0x707: {  	s13 =	simm.s32 $0xC800;
	s19 =	simm.s32 $0x14800;
	s0 =	sshrl.u32 s0, $0x3  }
0x708: {  	s29 =	simm.s32 $0x8000;
	s26 =	simm.s32 $0x400;
	s0 =	sadd.s32 s17, s0  }
0x709: {  	[hbm4b:s0+s26] =	stream.strided.scatter [tilespmem:s31], [sflag:$0x8], $0x2000, s29, s26, $0x38;
	[tilespmem:$0x1C800] =	vst v63  }
0x70a: {  	s0 =	simm.s32 $0x5  }
0x70b: {  	_ =	swait.ge [sflag:s0], $0x2000  }
0x70c: {  	[sflag:s0] =	ssyncset.done $0x0  }
0x70d: {  	s25 =	simm.s32 $0x6;
	[sflag:s0] =	ssyncadd.s32 $0xFFFFE000  }
0x70e: {  	_ =	swait.ge [sflag:s25], $0x2000  }
0x70f: {  	[sflag:s25] =	ssyncset.done $0x0  }
0x710: {  	s26 =	simm.s32 $0x7;
	[sflag:s25] =	ssyncadd.s32 $0xFFFFE000  }
0x711: {  	_ =	swait.ge [sflag:s26], $0x2000  }
0x712: {  	[sflag:s26] =	ssyncset.done $0x0  }
0x713: {  	s1 =	simm.s32 $0x8;
	[sflag:s26] =	ssyncadd.s32 $0xFFFFE000  }
0x714: {  	_ =	swait.ge [sflag:s1], $0x2000  }
0x715: {  	v10 =	vld [tilespmem:$0x1FFA0]  }
0x716: {  	v13 =	vld [tilespmem:$0x1FF10]  }
0x717: {  	v21 =	vld [tilespmem:$0x1FF20]  }
0x718: {  	s2 =	rddreg [dreg:$0x9];
	v22 =	vld [tilespmem:$0x1FF30]  }
0x719: {  	s29 =	rddreg [dreg:$0x8];
	v24 =	vld [tilespmem:$0x1FF40];
	s2 =	sadd.s32 $0x1, s2  }
0x71a: {  	v26 =	vld [tilespmem:$0x1FF50];
	p0 =	sne.s32 s2, s29  }
.Ltmp16:
0x71b: {  	v30 =	vld [tilespmem:$0x1FF60];
	(pc) =	sbr.rel @p0 .LBB2_1-.Ltmp16, $4  }
0x71c: {  	v50 =	vld [tilespmem:$0x1FF70]  }
0x71d: {  	v49 =	vld [tilespmem:$0x1FF80]  }
0x71e: {  	s3 =	simm.s32 $0x0;
	s10 =	simm.s32 $0x6400;
	[sflag:s1] =	ssyncset.done $0x0;
	v36 =	vld [tilespmem:$0x1FF90]  }
0x71f: {  	s14 =	simm.s32 $0xE800;
	s16 =	simm.s32 $0x10800;
	v34 =	vld [tilespmem:$0x1FFE0];
	[sflag:s1] =	ssyncadd.s32 $0xFFFFE000  }
0x720: {  	_ =	sfence.sel $0x180000  }
0x721: {  	[bflag:$0x0] =	sbarrier.arrive $0xFFFF  }
0x722: {  	_ =	strace $0x90000047  }
0x723: {  	s0 =	stileid.u32;
	[bflag:$0x2] =	sbarrier.arrive $0xFFFF  }
0x724: {  	p0 =	sne.s32 s0, $0x0;
	s0 =	rddreg [dreg:$0x2]  }
0x725: {  	s0 =	sadd.s32 @!p0 $0x100000, s0  }
0x726: {  	[sflag:s0] =	ssyncadd.tile.s32 @!p0 $0x1;
	_ =	shalt  }
.Lfunc_end2:
_tile_overlayer_lowered:
.L_overlay_start_2:
0x727: {  	(tag) =	ssettag $0x2  }
0x728: {  	s0 =	rddreg [dreg:$0x0];
	s2 =	stileid.u32  }
0x729: {  	s1 =	rddreg [dreg:$0x1];
	p0 =	sne.s32 s2, $0x0  }
0x72a: {  	s3 =	rddreg [dreg:$0x2];
	[bflag:$0x3] =	sbarrier.arrive $0xFFFF;
	s2 =	simm.s32 @!p0 $0x1C09  }
0x72b: {  	[timem:s3], [sflag:s2] =	dma.local @!p0 [hbm:s0], s1  }
0x72c: {  	s0 =	simm.s32 @!p0 $0x9  }
0x72d: {  	_ =	swait.ge @!p0 [sflag:s0], s1  }
0x72e: {  	s1 =	ssub.s32 @!p0 $0x0, s1;
	[sflag:s0] =	ssyncset.done @!p0 $0x0  }
0x72f: {  	[sflag:s0] =	ssyncadd.s32 @!p0 s1  }
0x730: {  	[bflag:$0x3] =	sbarrier.arrive $0xFFFF  }
0x731: {  	_ =	shalt  }

</sc_bundles>
